<compile_context>
chip_gen: v7x
topology: tpu7x:2x2x1
jax: 0.10.2.dev20260603
libtpu: 0.0.44.dev20260713+nightly
codegen_flags: <defaults>
</compile_context>

<pallas_src>
import functools

import jax
import jax.numpy as jnp
from jax import lax
from jax.experimental import pallas as pl
from jax.experimental.pallas import tpu as pltpu
from jax.experimental.pallas import tpu_sc as plsc

B = 2
N = 10000
E = 160000
D = 128

NS = 16
EP = E // NS
CH = 80
NCH = EP // CH
NCHP = 128
GD = 3
NBUF = 4
NIDX = 8
PRE = 5
ZCH = 80
NZ = N // ZCH
NZIT = -(-NZ // NS)

TR = 2000



def _sc_aggregate(table, pk, zrows):
    mesh = plsc.VectorSubcoreMesh(core_axis_name="c", subcore_axis_name="s")

    @functools.partial(
        pl.kernel,
        out_type=jax.ShapeDtypeStruct((B * N, D), jnp.float32),
        mesh=mesh,
        scratch_types=[
            pltpu.VMEM((NIDX, 2, CH), jnp.int32),
            pltpu.VMEM((NBUF, CH, D), jnp.float32),
            pltpu.VMEM_SHARED((N, D), jnp.float32),
            pltpu.SemaphoreType.DMA((NBUF,)),
            pltpu.SemaphoreType.DMA((NBUF,)),
            pltpu.SemaphoreType.DMA((NIDX,)),
            pltpu.SemaphoreType.DMA((2,)),
            pltpu.SemaphoreType.DMA,
        ],
    )
    def k(table_hbm, pk_hbm, z_hbm, out_hbm, idx, rows, accum,
          gsem, ssem, isem, osem, zsem):
        c = lax.axis_index("c")
        s = lax.axis_index("s")
        w = c * NS + s

        pltpu.sync_copy(z_hbm, rows.at[NBUF - 1])

        def zchunk(t, carry):
            kk = jnp.minimum(s * NZIT + t, NZ - 1)
            pltpu.async_copy(rows.at[NBUF - 1],
                             accum.at[pl.ds(kk * ZCH, ZCH)], zsem)
            return carry

        lax.fori_loop(0, NZIT, zchunk, 0)

        for j in range(PRE):
            pltpu.async_copy(pk_hbm.at[w, j], idx.at[j], isem.at[j])
        for j in range(GD):
            pltpu.make_async_copy(pk_hbm.at[0, 0], idx.at[j],
                                  isem.at[j]).wait()
            pltpu.async_copy(table_hbm.at[idx.at[j, 0]], rows.at[j],
                             gsem.at[j])

        def zwait(t, carry):
            pltpu.make_async_copy(rows.at[0], accum.at[pl.ds(0, ZCH)],
                                  zsem).wait()
            return carry

        lax.fori_loop(0, NZIT, zwait, 0)
        plsc.subcore_barrier()

        def body(g, carry):
            b = lax.rem(g, NBUF)
            pltpu.make_async_copy(table_hbm.at[pl.ds(0, CH)],
                                  rows.at[b], gsem.at[b]).wait()

            h = g + GD

            @pl.when(h < NCH)
            def _():
                hb = lax.rem(h, NBUF)

                @pl.when(h >= NBUF)
                def _():
                    pltpu.make_async_copy(rows.at[0],
                                          accum.at[pl.ds(0, CH)],
                                          ssem.at[hb]).wait()

                hi = lax.rem(h, NIDX)
                pltpu.make_async_copy(pk_hbm.at[0, 0], idx.at[hi],
                                      isem.at[hi]).wait()
                pltpu.async_copy(table_hbm.at[idx.at[hi, 0]], rows.at[hb],
                                 gsem.at[hb])

            pltpu.async_copy(rows.at[b], accum.at[idx.at[lax.rem(g, NIDX), 1]],
                             ssem.at[b], add=True)

            @pl.when(g + PRE < NCH)
            def _():
                pi = lax.rem(g + PRE, NIDX)
                pltpu.async_copy(pk_hbm.at[w, g + PRE], idx.at[pi],
                                 isem.at[pi])

            return carry

        lax.fori_loop(0, NCH, body, 0)
        for j in range(NBUF):
            pltpu.make_async_copy(rows.at[0], accum.at[pl.ds(0, CH)],
                                  ssem.at[j]).wait()
        plsc.subcore_barrier()

        def ochunk(t, carry):
            kk = jnp.minimum(s * NZIT + t, NZ - 1)
            ob = lax.rem(t, 2)

            @pl.when(t >= 2)
            def _():
                pltpu.make_async_copy(rows.at[0],
                                      out_hbm.at[pl.ds(0, ZCH)],
                                      osem.at[ob]).wait()

            pltpu.sync_copy(accum.at[pl.ds(kk * ZCH, ZCH)], rows.at[ob])
            pltpu.async_copy(rows.at[ob],
                             out_hbm.at[pl.ds(c * N + kk * ZCH, ZCH)],
                             osem.at[ob])
            return carry

        lax.fori_loop(0, NZIT, ochunk, 0)
        for j in range(2):
            pltpu.make_async_copy(rows.at[0], out_hbm.at[pl.ds(0, ZCH)],
                                  osem.at[j]).wait()

    return k(table, pk, zrows)



def _mm(x, w):
    return lax.dot_general(x, w, (((1,), (0,)), ((), ())),
                           preferred_element_type=jnp.float32)


def _embed_body(sb, ib, w, b, se_o, ie_o, sum_o):
    w_ = w[...]
    b_ = b[...]
    se = jnp.maximum(_mm(sb[...], w_) + b_, 0.0)
    ie = jnp.maximum(_mm(ib[...], w_) + b_, 0.0)
    se_o[...] = se
    ie_o[...] = ie
    sum_o[...] = se + ie


def _embed(x, y, w, b):
    M = x.shape[0]
    row = pl.BlockSpec((TR, D), lambda i: (i, 0))
    full = pl.BlockSpec((D, D), lambda i: (0, 0))
    vec = pl.BlockSpec((1, D), lambda i: (0, 0))
    out = jax.ShapeDtypeStruct((M, D), jnp.float32)
    return pl.pallas_call(
        _embed_body,
        grid=(M // TR,),
        in_specs=[row, row, full, vec],
        out_specs=[row, row, row],
        out_shape=[out, out, out],
    )(x, y, w, b.reshape(1, D))


def _upem_body(ag, ie, se, wua, wub, bu, wn, bn, se_o, ie_o, sum_o):
    h = jnp.maximum(_mm(ag[...], wua[...]) + _mm(ie[...], wub[...]) + bu[...], 0.0)
    wn_ = wn[...]
    bn_ = bn[...]
    se_n = jnp.maximum(_mm(se[...], wn_) + bn_, 0.0)
    ie_n = jnp.maximum(_mm(h, wn_) + bn_, 0.0)
    se_o[...] = se_n
    ie_o[...] = ie_n
    sum_o[...] = se_n + ie_n


def _update_embed(aggr, ie, se, wua, wub, bu, wn, bn):
    M = aggr.shape[0]
    row = pl.BlockSpec((TR, D), lambda i: (i, 0))
    full = pl.BlockSpec((D, D), lambda i: (0, 0))
    vec = pl.BlockSpec((1, D), lambda i: (0, 0))
    out = jax.ShapeDtypeStruct((M, D), jnp.float32)
    return pl.pallas_call(
        _upem_body,
        grid=(M // TR,),
        in_specs=[row, row, row, full, full, vec, full, vec],
        out_specs=[row, row, row],
        out_shape=[out, out, out],
    )(aggr, ie, se, wua, wub, bu.reshape(1, D), wn, bn.reshape(1, D))


def _final_body(ag, ie, wua, wub, bu, h_o):
    h_o[...] = jnp.maximum(
        _mm(ag[...], wua[...]) + _mm(ie[...], wub[...]) + bu[...], 0.0)


def _final_update(aggr, ie, wua, wub, bu):
    M = aggr.shape[0]
    row = pl.BlockSpec((TR, D), lambda i: (i, 0))
    full = pl.BlockSpec((D, D), lambda i: (0, 0))
    vec = pl.BlockSpec((1, D), lambda i: (0, 0))
    return pl.pallas_call(
        _final_body,
        grid=(M // TR,),
        in_specs=[row, row, full, full, vec],
        out_specs=row,
        out_shape=jax.ShapeDtypeStruct((M, D), jnp.float32),
    )(aggr, ie, wua, wub, bu.reshape(1, D))



def kernel(state, internal, edge_index, W1, b1, W2, b2, W3, b3,
           Wu1, bu1, Wu2, bu2, Wu3, bu3):
    x = state.reshape(B * N, D)
    y = internal.reshape(B * N, D)
    src = edge_index[0].astype(jnp.int32)
    dst = edge_index[1].astype(jnp.int32)
    srcr = jnp.stack([src, src + N]).reshape(B, NS, NCH, CH)
    dstr = jnp.broadcast_to(dst.reshape(1, NS, NCH, CH), (B, NS, NCH, CH))
    pk = jnp.stack([srcr, dstr], axis=-2)
    pk = jnp.pad(pk, ((0, 0), (0, 0), (0, NCHP - NCH), (0, 0), (0, 0)))
    pk = pk.reshape(B * NS, NCHP, 2, CH)
    zrows = jnp.zeros((ZCH, D), jnp.float32)

    se1, ie1, sum1 = _embed(x, y, W1, b1)
    aggr1 = _sc_aggregate(sum1, pk, zrows)
    se2, ie2, sum2 = _update_embed(aggr1, ie1, se1,
                                   Wu1[:D], Wu1[D:], bu1, W2, b2)
    aggr2 = _sc_aggregate(sum2, pk, zrows)
    se3, ie3, sum3 = _update_embed(aggr2, ie2, se2,
                                   Wu2[:D], Wu2[D:], bu2, W3, b3)
    aggr3 = _sc_aggregate(sum3, pk, zrows)
    h3 = _final_update(aggr3, ie3, Wu3[:D], Wu3[D:], bu3)
    return h3.reshape(B, N, D)

# --- scband reference (transcript-rebuilt; emitter-appended) ---
"""Pipeline reference for scband-gnn-42236708388990 (READ-ONLY COPY).

The authoritative reference and input builder live on the scoring server;
editing this copy changes nothing except your own understanding.
"""

import jax, jax.numpy as jnp
import numpy as np

B = 2
N = 10000
E = 160000
INPT = 128
HID = 128


def setup_inputs(seed: int = 0) -> dict:
    key = jax.random.key(seed)
    ks = jax.random.split(key, 16)
    state = jax.random.normal(ks[0], (B, N, INPT), dtype=jnp.float32)
    internal = jax.random.normal(ks[1], (B, N, INPT), dtype=jnp.float32)
    edge_index = jax.random.randint(ks[2], (2, E), 0, N, dtype=jnp.int64)
    s = 0.05
    W1 = jax.random.normal(ks[3], (INPT, HID), dtype=jnp.float32) * s
    b1 = jnp.zeros((HID,), dtype=jnp.float32)
    W2 = jax.random.normal(ks[4], (HID, HID), dtype=jnp.float32) * s
    b2 = jnp.zeros((HID,), dtype=jnp.float32)
    W3 = jax.random.normal(ks[5], (HID, HID), dtype=jnp.float32) * s
    b3 = jnp.zeros((HID,), dtype=jnp.float32)
    Wu1 = jax.random.normal(ks[6], (2 * HID, HID), dtype=jnp.float32) * s
    bu1 = jnp.zeros((HID,), dtype=jnp.float32)
    Wu2 = jax.random.normal(ks[7], (2 * HID, HID), dtype=jnp.float32) * s
    bu2 = jnp.zeros((HID,), dtype=jnp.float32)
    Wu3 = jax.random.normal(ks[8], (2 * HID, HID), dtype=jnp.float32) * s
    bu3 = jnp.zeros((HID,), dtype=jnp.float32)
    return {"state": state, "internal": internal, "edge_index": edge_index,
            "W1": W1, "b1": b1, "W2": W2, "b2": b2, "W3": W3, "b3": b3,
            "Wu1": Wu1, "bu1": bu1, "Wu2": Wu2, "bu2": bu2, "Wu3": Wu3, "bu3": bu3}


def _aggregate(se, ie, src, dst):
    # aggregation[:, key] = sum_{j in neigh(key)} se[:, j] + sum_{j in neigh(key)} ie[:, j]
    # vectorized as gather along src then scatter-add into dst (SparseCore-friendly)
    z = jnp.zeros_like(se)
    aggr = z.at[:, dst, :].add(se[:, src, :]) + z.at[:, dst, :].add(ie[:, src, :])
    return aggr


def _update(aggr, hut_1, Wu, bu):
    x = jnp.concatenate((aggr, hut_1), axis=-1)
    return jax.nn.relu(x @ Wu + bu)


def reference(state, internal, edge_index, W1, b1, W2, b2, W3, b3, Wu1, bu1, Wu2, bu2, Wu3, bu3):
    src = edge_index[0]
    dst = edge_index[1]
    # layer 1
    state_embed = jax.nn.relu(state @ W1 + b1)
    internal_embed = jax.nn.relu(internal @ W1 + b1)
    aggr = _aggregate(state_embed, internal_embed, src, dst)
    hu1 = _update(aggr, internal_embed, Wu1, bu1)
    # layer 2
    state_embed2 = jax.nn.relu(state_embed @ W2 + b2)
    internal_embed2 = jax.nn.relu(hu1 @ W2 + b2)
    aggr2 = _aggregate(state_embed2, internal_embed2, src, dst)
    hu2 = _update(aggr2, internal_embed2, Wu2, bu2)
    # layer 3
    state_embed3 = jax.nn.relu(state_embed2 @ W3 + b3)
    internal_embed3 = jax.nn.relu(hu2 @ W3 + b3)
    aggr3 = _aggregate(state_embed3, internal_embed3, src, dst)
    hu3 = _update(aggr3, internal_embed3, Wu3, bu3)
    return hu3

if __name__ == "__main__":
    import jax
    _d = setup_inputs()
    print(jax.jit(kernel)(*tuple(_d.values())))

</pallas_src>

<mosaic_0001>
#map = affine_map<(d0, d1) -> (0, 0)>
#map1 = affine_map<(d0, d1) -> (0, 0, 0, 0)>
module attributes {stable_mosaic.version = 14 : i64} {
  func.func @k(%arg0: i32, %arg1: i32, %arg2: memref<20000x128xf32, #tpu.memory_space<hbm>>, %arg3: memref<32x128x2x80xi32, #tpu.memory_space<hbm>>, %arg4: memref<80x128xf32, #tpu.memory_space<hbm>>, %arg5: memref<20000x128xf32, #tpu.memory_space<hbm>>, %arg6: memref<8x2x80xi32, #tpu.memory_space<vmem>>, %arg7: memref<4x80x128xf32, #tpu.memory_space<vmem>>, %arg8: memref<10000x128xf32, #tpu.memory_space<vmem_shared>>, %arg9: memref<4x!tpu.dma_semaphore, #tpu.memory_space<semaphore_mem>>, %arg10: memref<4x!tpu.dma_semaphore, #tpu.memory_space<semaphore_mem>>, %arg11: memref<8x!tpu.dma_semaphore, #tpu.memory_space<semaphore_mem>>, %arg12: memref<2x!tpu.dma_semaphore, #tpu.memory_space<semaphore_mem>>, %arg13: memref<!tpu.dma_semaphore, #tpu.memory_space<semaphore_mem>>) attributes {dimension_semantics = [#tpu.dimension_semantics<core_parallel>, #tpu.dimension_semantics<subcore_parallel>], iteration_bounds = array<i64: 2, 16>, scalar_prefetch = 0 : i64, scratch_operands = 8 : i64, tpu.core_type = #tpu.core_type<sc_vector_subcore>, window_params = [{transform_indices = #map}, {transform_indices = #map1}, {transform_indices = #map}, {transform_indices = #map}]} {
    %mul3A = arith.constant 16 : i32
    %mul3A_0 = arith.muli %arg0, %mul3A : i32
    %add3A = arith.addi %mul3A_0, %arg1 : i32
    %run_scoped3A = arith.constant 3 : i32
    "tpu.region"() ({
      %run_scoped3A_350 = tpu.sem_alloc : memref<!tpu.dma_semaphore, #tpu.memory_space<semaphore_mem>>
      %dma_start3A_351 = arith.constant 0 : i32
      %dma_start3A_352 = arith.constant 0 : i32
      %dma_start3A_353 = tpu.memref_slice %arg7[%run_scoped3A, %dma_start3A_351, %dma_start3A_352] : memref<4x80x128xf32, #tpu.memory_space<vmem>> -> memref<1x80x128xf32, #tpu.memory_space<vmem>>
      %dma_start3A_354 = tpu.memref_squeeze %dma_start3A_353 : memref<1x80x128xf32, #tpu.memory_space<vmem>> -> memref<80x128xf32, #tpu.memory_space<vmem>>
      %dma_start3A_355 = arith.constant 0 : i32
      %dma_start3A_356 = arith.constant 0 : i32
      %dma_start3A_357 = tpu.memref_slice %arg7[%run_scoped3A, %dma_start3A_355, %dma_start3A_356] : memref<4x80x128xf32, #tpu.memory_space<vmem>> -> memref<1x80x128xf32, #tpu.memory_space<vmem>>
      %dma_start3A_358 = tpu.memref_squeeze %dma_start3A_357 : memref<1x80x128xf32, #tpu.memory_space<vmem>> -> memref<80x128xf32, #tpu.memory_space<vmem>>
      tpu.enqueue_dma source(%arg4 : memref<80x128xf32, #tpu.memory_space<hbm>>) target(%dma_start3A_358 : memref<80x128xf32, #tpu.memory_space<vmem>>) target_semaphore(%run_scoped3A_350 : memref<!tpu.dma_semaphore, #tpu.memory_space<semaphore_mem>>)
      %dma_wait3A_359 = arith.constant 0 : i32
      %dma_wait3A_360 = arith.constant 0 : i32
      %dma_wait3A_361 = tpu.memref_slice %arg7[%run_scoped3A, %dma_wait3A_359, %dma_wait3A_360] : memref<4x80x128xf32, #tpu.memory_space<vmem>> -> memref<1x80x128xf32, #tpu.memory_space<vmem>>
      %dma_wait3A_362 = tpu.memref_squeeze %dma_wait3A_361 : memref<1x80x128xf32, #tpu.memory_space<vmem>> -> memref<80x128xf32, #tpu.memory_space<vmem>>
      %dma_wait3A_363 = arith.constant 0 : i32
      %dma_wait3A_364 = arith.constant 0 : i32
      %dma_wait3A_365 = tpu.memref_slice %arg7[%run_scoped3A, %dma_wait3A_363, %dma_wait3A_364] : memref<4x80x128xf32, #tpu.memory_space<vmem>> -> memref<1x80x128xf32, #tpu.memory_space<vmem>>
      %dma_wait3A_366 = tpu.memref_squeeze %dma_wait3A_365 : memref<1x80x128xf32, #tpu.memory_space<vmem>> -> memref<80x128xf32, #tpu.memory_space<vmem>>
      tpu.wait_dma2 semaphore(%run_scoped3A_350 : memref<!tpu.dma_semaphore, #tpu.memory_space<semaphore_mem>>) src(%arg4 : memref<80x128xf32, #tpu.memory_space<hbm>>) dst(%dma_wait3A_366 : memref<80x128xf32, #tpu.memory_space<vmem>>)
      tpu.yield
    }) : () -> ()
    %scan3A = arith.constant 0 : i32
    %scan3A_1 = arith.constant 0 : i32
    %scan3A_2 = arith.constant 8 : i32
    %scan3A_3 = arith.addi %scan3A_1, %scan3A_2 : i32
    %scan3A_4 = arith.constant 1 : i32
    scf.for %scan3A_350 = %scan3A_1 to %scan3A_3 step %scan3A_4  : i32 {
      %mul3A_351 = arith.constant 8 : i32
      %mul3A_352 = arith.muli %arg1, %mul3A_351 : i32
      %add3A_353 = arith.addi %mul3A_352, %scan3A_350 : i32
      %min3A = arith.constant 124 : i32
      %min3A_354 = arith.minsi %add3A_353, %min3A : i32
      %mul3A_355 = arith.constant 80 : i32
      %mul3A_356 = arith.muli %min3A_354, %mul3A_355 : i32
      %dma_start3A_357 = arith.constant 3 : i32
      %dma_start3A_358 = arith.constant 0 : i32
      %dma_start3A_359 = arith.constant 0 : i32
      %dma_start3A_360 = tpu.memref_slice %arg7[%dma_start3A_357, %dma_start3A_358, %dma_start3A_359] : memref<4x80x128xf32, #tpu.memory_space<vmem>> -> memref<1x80x128xf32, #tpu.memory_space<vmem>>
      %dma_start3A_361 = tpu.memref_squeeze %dma_start3A_360 : memref<1x80x128xf32, #tpu.memory_space<vmem>> -> memref<80x128xf32, #tpu.memory_space<vmem>>
      %dma_start3A_362 = arith.constant 0 : i32
      %dma_start3A_363 = tpu.memref_slice %arg8[%mul3A_356, %dma_start3A_362] : memref<10000x128xf32, #tpu.memory_space<vmem_shared>> -> memref<80x128xf32, #tpu.memory_space<vmem_shared>>
      %dma_start3A_364 = arith.constant 0 : i32
      %dma_start3A_365 = tpu.memref_slice %arg8[%mul3A_356, %dma_start3A_364] : memref<10000x128xf32, #tpu.memory_space<vmem_shared>> -> memref<80x128xf32, #tpu.memory_space<vmem_shared>>
      %dma_start3A_366 = arith.constant 0 : i32
      %dma_start3A_367 = arith.constant 0 : i32
      %dma_start3A_368 = tpu.memref_slice %arg7[%dma_start3A_357, %dma_start3A_366, %dma_start3A_367] : memref<4x80x128xf32, #tpu.memory_space<vmem>> -> memref<1x80x128xf32, #tpu.memory_space<vmem>>
      %dma_start3A_369 = tpu.memref_squeeze %dma_start3A_368 : memref<1x80x128xf32, #tpu.memory_space<vmem>> -> memref<80x128xf32, #tpu.memory_space<vmem>>
      tpu.enqueue_dma source(%dma_start3A_369 : memref<80x128xf32, #tpu.memory_space<vmem>>) target(%dma_start3A_365 : memref<80x128xf32, #tpu.memory_space<vmem_shared>>) target_semaphore(%arg13 : memref<!tpu.dma_semaphore, #tpu.memory_space<semaphore_mem>>)
    }
    %scan3A_5 = arith.constant 8 : i32
    %dma_start3A = arith.constant 0 : i32
    %dma_start3A_6 = arith.constant 0 : i32
    %dma_start3A_7 = arith.constant 0 : i32
    %dma_start3A_8 = arith.constant 0 : i32
    %dma_start3A_9 = arith.constant 0 : i32
    %dma_start3A_10 = tpu.memref_slice %arg6[%dma_start3A_6, %dma_start3A_8, %dma_start3A_9] : memref<8x2x80xi32, #tpu.memory_space<vmem>> -> memref<1x2x80xi32, #tpu.memory_space<vmem>>
    %dma_start3A_11 = tpu.memref_squeeze %dma_start3A_10 : memref<1x2x80xi32, #tpu.memory_space<vmem>> -> memref<2x80xi32, #tpu.memory_space<vmem>>
    %dma_start3A_12 = arith.constant 0 : i32
    %dma_start3A_13 = arith.constant 0 : i32
    %dma_start3A_14 = tpu.memref_slice %arg3[%add3A, %dma_start3A, %dma_start3A_12, %dma_start3A_13] : memref<32x128x2x80xi32, #tpu.memory_space<hbm>> -> memref<1x1x2x80xi32, #tpu.memory_space<hbm>>
    %dma_start3A_15 = tpu.memref_squeeze %dma_start3A_14 : memref<1x1x2x80xi32, #tpu.memory_space<hbm>> -> memref<2x80xi32, #tpu.memory_space<hbm>>
    %dma_start3A_16 = tpu.memref_slice %arg11[%dma_start3A_7] : memref<8x!tpu.dma_semaphore, #tpu.memory_space<semaphore_mem>> -> memref<1x!tpu.dma_semaphore, #tpu.memory_space<semaphore_mem>>
    %dma_start3A_17 = tpu.memref_squeeze %dma_start3A_16 : memref<1x!tpu.dma_semaphore, #tpu.memory_space<semaphore_mem>> -> memref<!tpu.dma_semaphore, #tpu.memory_space<semaphore_mem>>
    %dma_start3A_18 = arith.constant 0 : i32
    %dma_start3A_19 = arith.constant 0 : i32
    %dma_start3A_20 = tpu.memref_slice %arg6[%dma_start3A_6, %dma_start3A_18, %dma_start3A_19] : memref<8x2x80xi32, #tpu.memory_space<vmem>> -> memref<1x2x80xi32, #tpu.memory_space<vmem>>
    %dma_start3A_21 = tpu.memref_squeeze %dma_start3A_20 : memref<1x2x80xi32, #tpu.memory_space<vmem>> -> memref<2x80xi32, #tpu.memory_space<vmem>>
    %dma_start3A_22 = arith.constant 0 : i32
    %dma_start3A_23 = arith.constant 0 : i32
    %dma_start3A_24 = tpu.memref_slice %arg3[%add3A, %dma_start3A, %dma_start3A_22, %dma_start3A_23] : memref<32x128x2x80xi32, #tpu.memory_space<hbm>> -> memref<1x1x2x80xi32, #tpu.memory_space<hbm>>
    %dma_start3A_25 = tpu.memref_squeeze %dma_start3A_24 : memref<1x1x2x80xi32, #tpu.memory_space<hbm>> -> memref<2x80xi32, #tpu.memory_space<hbm>>
    tpu.enqueue_dma source(%dma_start3A_25 : memref<2x80xi32, #tpu.memory_space<hbm>>) target(%dma_start3A_21 : memref<2x80xi32, #tpu.memory_space<vmem>>) target_semaphore(%dma_start3A_17 : memref<!tpu.dma_semaphore, #tpu.memory_space<semaphore_mem>>)
    %dma_start3A_26 = arith.constant 1 : i32
    %dma_start3A_27 = arith.constant 1 : i32
    %dma_start3A_28 = arith.constant 1 : i32
    %dma_start3A_29 = arith.constant 0 : i32
    %dma_start3A_30 = arith.constant 0 : i32
    %dma_start3A_31 = tpu.memref_slice %arg6[%dma_start3A_27, %dma_start3A_29, %dma_start3A_30] : memref<8x2x80xi32, #tpu.memory_space<vmem>> -> memref<1x2x80xi32, #tpu.memory_space<vmem>>
    %dma_start3A_32 = tpu.memref_squeeze %dma_start3A_31 : memref<1x2x80xi32, #tpu.memory_space<vmem>> -> memref<2x80xi32, #tpu.memory_space<vmem>>
    %dma_start3A_33 = arith.constant 0 : i32
    %dma_start3A_34 = arith.constant 0 : i32
    %dma_start3A_35 = tpu.memref_slice %arg3[%add3A, %dma_start3A_26, %dma_start3A_33, %dma_start3A_34] : memref<32x128x2x80xi32, #tpu.memory_space<hbm>> -> memref<1x1x2x80xi32, #tpu.memory_space<hbm>>
    %dma_start3A_36 = tpu.memref_squeeze %dma_start3A_35 : memref<1x1x2x80xi32, #tpu.memory_space<hbm>> -> memref<2x80xi32, #tpu.memory_space<hbm>>
    %dma_start3A_37 = tpu.memref_slice %arg11[%dma_start3A_28] : memref<8x!tpu.dma_semaphore, #tpu.memory_space<semaphore_mem>> -> memref<1x!tpu.dma_semaphore, #tpu.memory_space<semaphore_mem>>
    %dma_start3A_38 = tpu.memref_squeeze %dma_start3A_37 : memref<1x!tpu.dma_semaphore, #tpu.memory_space<semaphore_mem>> -> memref<!tpu.dma_semaphore, #tpu.memory_space<semaphore_mem>>
    %dma_start3A_39 = arith.constant 0 : i32
    %dma_start3A_40 = arith.constant 0 : i32
    %dma_start3A_41 = tpu.memref_slice %arg6[%dma_start3A_27, %dma_start3A_39, %dma_start3A_40] : memref<8x2x80xi32, #tpu.memory_space<vmem>> -> memref<1x2x80xi32, #tpu.memory_space<vmem>>
    %dma_start3A_42 = tpu.memref_squeeze %dma_start3A_41 : memref<1x2x80xi32, #tpu.memory_space<vmem>> -> memref<2x80xi32, #tpu.memory_space<vmem>>
    %dma_start3A_43 = arith.constant 0 : i32
    %dma_start3A_44 = arith.constant 0 : i32
    %dma_start3A_45 = tpu.memref_slice %arg3[%add3A, %dma_start3A_26, %dma_start3A_43, %dma_start3A_44] : memref<32x128x2x80xi32, #tpu.memory_space<hbm>> -> memref<1x1x2x80xi32, #tpu.memory_space<hbm>>
    %dma_start3A_46 = tpu.memref_squeeze %dma_start3A_45 : memref<1x1x2x80xi32, #tpu.memory_space<hbm>> -> memref<2x80xi32, #tpu.memory_space<hbm>>
    tpu.enqueue_dma source(%dma_start3A_46 : memref<2x80xi32, #tpu.memory_space<hbm>>) target(%dma_start3A_42 : memref<2x80xi32, #tpu.memory_space<vmem>>) target_semaphore(%dma_start3A_38 : memref<!tpu.dma_semaphore, #tpu.memory_space<semaphore_mem>>)
    %dma_start3A_47 = arith.constant 2 : i32
    %dma_start3A_48 = arith.constant 2 : i32
    %dma_start3A_49 = arith.constant 2 : i32
    %dma_start3A_50 = arith.constant 0 : i32
    %dma_start3A_51 = arith.constant 0 : i32
    %dma_start3A_52 = tpu.memref_slice %arg6[%dma_start3A_48, %dma_start3A_50, %dma_start3A_51] : memref<8x2x80xi32, #tpu.memory_space<vmem>> -> memref<1x2x80xi32, #tpu.memory_space<vmem>>
    %dma_start3A_53 = tpu.memref_squeeze %dma_start3A_52 : memref<1x2x80xi32, #tpu.memory_space<vmem>> -> memref<2x80xi32, #tpu.memory_space<vmem>>
    %dma_start3A_54 = arith.constant 0 : i32
    %dma_start3A_55 = arith.constant 0 : i32
    %dma_start3A_56 = tpu.memref_slice %arg3[%add3A, %dma_start3A_47, %dma_start3A_54, %dma_start3A_55] : memref<32x128x2x80xi32, #tpu.memory_space<hbm>> -> memref<1x1x2x80xi32, #tpu.memory_space<hbm>>
    %dma_start3A_57 = tpu.memref_squeeze %dma_start3A_56 : memref<1x1x2x80xi32, #tpu.memory_space<hbm>> -> memref<2x80xi32, #tpu.memory_space<hbm>>
    %dma_start3A_58 = tpu.memref_slice %arg11[%dma_start3A_49] : memref<8x!tpu.dma_semaphore, #tpu.memory_space<semaphore_mem>> -> memref<1x!tpu.dma_semaphore, #tpu.memory_space<semaphore_mem>>
    %dma_start3A_59 = tpu.memref_squeeze %dma_start3A_58 : memref<1x!tpu.dma_semaphore, #tpu.memory_space<semaphore_mem>> -> memref<!tpu.dma_semaphore, #tpu.memory_space<semaphore_mem>>
    %dma_start3A_60 = arith.constant 0 : i32
    %dma_start3A_61 = arith.constant 0 : i32
    %dma_start3A_62 = tpu.memref_slice %arg6[%dma_start3A_48, %dma_start3A_60, %dma_start3A_61] : memref<8x2x80xi32, #tpu.memory_space<vmem>> -> memref<1x2x80xi32, #tpu.memory_space<vmem>>
    %dma_start3A_63 = tpu.memref_squeeze %dma_start3A_62 : memref<1x2x80xi32, #tpu.memory_space<vmem>> -> memref<2x80xi32, #tpu.memory_space<vmem>>
    %dma_start3A_64 = arith.constant 0 : i32
    %dma_start3A_65 = arith.constant 0 : i32
    %dma_start3A_66 = tpu.memref_slice %arg3[%add3A, %dma_start3A_47, %dma_start3A_64, %dma_start3A_65] : memref<32x128x2x80xi32, #tpu.memory_space<hbm>> -> memref<1x1x2x80xi32, #tpu.memory_space<hbm>>
    %dma_start3A_67 = tpu.memref_squeeze %dma_start3A_66 : memref<1x1x2x80xi32, #tpu.memory_space<hbm>> -> memref<2x80xi32, #tpu.memory_space<hbm>>
    tpu.enqueue_dma source(%dma_start3A_67 : memref<2x80xi32, #tpu.memory_space<hbm>>) target(%dma_start3A_63 : memref<2x80xi32, #tpu.memory_space<vmem>>) target_semaphore(%dma_start3A_59 : memref<!tpu.dma_semaphore, #tpu.memory_space<semaphore_mem>>)
    %dma_start3A_68 = arith.constant 3 : i32
    %dma_start3A_69 = arith.constant 3 : i32
    %dma_start3A_70 = arith.constant 3 : i32
    %dma_start3A_71 = arith.constant 0 : i32
    %dma_start3A_72 = arith.constant 0 : i32
    %dma_start3A_73 = tpu.memref_slice %arg6[%dma_start3A_69, %dma_start3A_71, %dma_start3A_72] : memref<8x2x80xi32, #tpu.memory_space<vmem>> -> memref<1x2x80xi32, #tpu.memory_space<vmem>>
    %dma_start3A_74 = tpu.memref_squeeze %dma_start3A_73 : memref<1x2x80xi32, #tpu.memory_space<vmem>> -> memref<2x80xi32, #tpu.memory_space<vmem>>
    %dma_start3A_75 = arith.constant 0 : i32
    %dma_start3A_76 = arith.constant 0 : i32
    %dma_start3A_77 = tpu.memref_slice %arg3[%add3A, %dma_start3A_68, %dma_start3A_75, %dma_start3A_76] : memref<32x128x2x80xi32, #tpu.memory_space<hbm>> -> memref<1x1x2x80xi32, #tpu.memory_space<hbm>>
    %dma_start3A_78 = tpu.memref_squeeze %dma_start3A_77 : memref<1x1x2x80xi32, #tpu.memory_space<hbm>> -> memref<2x80xi32, #tpu.memory_space<hbm>>
    %dma_start3A_79 = tpu.memref_slice %arg11[%dma_start3A_70] : memref<8x!tpu.dma_semaphore, #tpu.memory_space<semaphore_mem>> -> memref<1x!tpu.dma_semaphore, #tpu.memory_space<semaphore_mem>>
    %dma_start3A_80 = tpu.memref_squeeze %dma_start3A_79 : memref<1x!tpu.dma_semaphore, #tpu.memory_space<semaphore_mem>> -> memref<!tpu.dma_semaphore, #tpu.memory_space<semaphore_mem>>
    %dma_start3A_81 = arith.constant 0 : i32
    %dma_start3A_82 = arith.constant 0 : i32
    %dma_start3A_83 = tpu.memref_slice %arg6[%dma_start3A_69, %dma_start3A_81, %dma_start3A_82] : memref<8x2x80xi32, #tpu.memory_space<vmem>> -> memref<1x2x80xi32, #tpu.memory_space<vmem>>
    %dma_start3A_84 = tpu.memref_squeeze %dma_start3A_83 : memref<1x2x80xi32, #tpu.memory_space<vmem>> -> memref<2x80xi32, #tpu.memory_space<vmem>>
    %dma_start3A_85 = arith.constant 0 : i32
    %dma_start3A_86 = arith.constant 0 : i32
    %dma_start3A_87 = tpu.memref_slice %arg3[%add3A, %dma_start3A_68, %dma_start3A_85, %dma_start3A_86] : memref<32x128x2x80xi32, #tpu.memory_space<hbm>> -> memref<1x1x2x80xi32, #tpu.memory_space<hbm>>
    %dma_start3A_88 = tpu.memref_squeeze %dma_start3A_87 : memref<1x1x2x80xi32, #tpu.memory_space<hbm>> -> memref<2x80xi32, #tpu.memory_space<hbm>>
    tpu.enqueue_dma source(%dma_start3A_88 : memref<2x80xi32, #tpu.memory_space<hbm>>) target(%dma_start3A_84 : memref<2x80xi32, #tpu.memory_space<vmem>>) target_semaphore(%dma_start3A_80 : memref<!tpu.dma_semaphore, #tpu.memory_space<semaphore_mem>>)
    %dma_start3A_89 = arith.constant 4 : i32
    %dma_start3A_90 = arith.constant 4 : i32
    %dma_start3A_91 = arith.constant 4 : i32
    %dma_start3A_92 = arith.constant 0 : i32
    %dma_start3A_93 = arith.constant 0 : i32
    %dma_start3A_94 = tpu.memref_slice %arg6[%dma_start3A_90, %dma_start3A_92, %dma_start3A_93] : memref<8x2x80xi32, #tpu.memory_space<vmem>> -> memref<1x2x80xi32, #tpu.memory_space<vmem>>
    %dma_start3A_95 = tpu.memref_squeeze %dma_start3A_94 : memref<1x2x80xi32, #tpu.memory_space<vmem>> -> memref<2x80xi32, #tpu.memory_space<vmem>>
    %dma_start3A_96 = arith.constant 0 : i32
    %dma_start3A_97 = arith.constant 0 : i32
    %dma_start3A_98 = tpu.memref_slice %arg3[%add3A, %dma_start3A_89, %dma_start3A_96, %dma_start3A_97] : memref<32x128x2x80xi32, #tpu.memory_space<hbm>> -> memref<1x1x2x80xi32, #tpu.memory_space<hbm>>
    %dma_start3A_99 = tpu.memref_squeeze %dma_start3A_98 : memref<1x1x2x80xi32, #tpu.memory_space<hbm>> -> memref<2x80xi32, #tpu.memory_space<hbm>>
    %dma_start3A_100 = tpu.memref_slice %arg11[%dma_start3A_91] : memref<8x!tpu.dma_semaphore, #tpu.memory_space<semaphore_mem>> -> memref<1x!tpu.dma_semaphore, #tpu.memory_space<semaphore_mem>>
    %dma_start3A_101 = tpu.memref_squeeze %dma_start3A_100 : memref<1x!tpu.dma_semaphore, #tpu.memory_space<semaphore_mem>> -> memref<!tpu.dma_semaphore, #tpu.memory_space<semaphore_mem>>
    %dma_start3A_102 = arith.constant 0 : i32
    %dma_start3A_103 = arith.constant 0 : i32
    %dma_start3A_104 = tpu.memref_slice %arg6[%dma_start3A_90, %dma_start3A_102, %dma_start3A_103] : memref<8x2x80xi32, #tpu.memory_space<vmem>> -> memref<1x2x80xi32, #tpu.memory_space<vmem>>
    %dma_start3A_105 = tpu.memref_squeeze %dma_start3A_104 : memref<1x2x80xi32, #tpu.memory_space<vmem>> -> memref<2x80xi32, #tpu.memory_space<vmem>>
    %dma_start3A_106 = arith.constant 0 : i32
    %dma_start3A_107 = arith.constant 0 : i32
    %dma_start3A_108 = tpu.memref_slice %arg3[%add3A, %dma_start3A_89, %dma_start3A_106, %dma_start3A_107] : memref<32x128x2x80xi32, #tpu.memory_space<hbm>> -> memref<1x1x2x80xi32, #tpu.memory_space<hbm>>
    %dma_start3A_109 = tpu.memref_squeeze %dma_start3A_108 : memref<1x1x2x80xi32, #tpu.memory_space<hbm>> -> memref<2x80xi32, #tpu.memory_space<hbm>>
    tpu.enqueue_dma source(%dma_start3A_109 : memref<2x80xi32, #tpu.memory_space<hbm>>) target(%dma_start3A_105 : memref<2x80xi32, #tpu.memory_space<vmem>>) target_semaphore(%dma_start3A_101 : memref<!tpu.dma_semaphore, #tpu.memory_space<semaphore_mem>>)
    %dma_wait3A = arith.constant 0 : i32
    %dma_wait3A_110 = arith.constant 0 : i32
    %dma_wait3A_111 = arith.constant 0 : i32
    %dma_wait3A_112 = arith.constant 0 : i32
    %dma_wait3A_113 = arith.constant 0 : i32
    %dma_wait3A_114 = arith.constant 0 : i32
    %dma_wait3A_115 = tpu.memref_slice %arg6[%dma_wait3A_111, %dma_wait3A_113, %dma_wait3A_114] : memref<8x2x80xi32, #tpu.memory_space<vmem>> -> memref<1x2x80xi32, #tpu.memory_space<vmem>>
    %dma_wait3A_116 = tpu.memref_squeeze %dma_wait3A_115 : memref<1x2x80xi32, #tpu.memory_space<vmem>> -> memref<2x80xi32, #tpu.memory_space<vmem>>
    %dma_wait3A_117 = arith.constant 0 : i32
    %dma_wait3A_118 = arith.constant 0 : i32
    %dma_wait3A_119 = tpu.memref_slice %arg3[%dma_wait3A, %dma_wait3A_110, %dma_wait3A_117, %dma_wait3A_118] : memref<32x128x2x80xi32, #tpu.memory_space<hbm>> -> memref<1x1x2x80xi32, #tpu.memory_space<hbm>>
    %dma_wait3A_120 = tpu.memref_squeeze %dma_wait3A_119 : memref<1x1x2x80xi32, #tpu.memory_space<hbm>> -> memref<2x80xi32, #tpu.memory_space<hbm>>
    %dma_wait3A_121 = tpu.memref_slice %arg11[%dma_wait3A_112] : memref<8x!tpu.dma_semaphore, #tpu.memory_space<semaphore_mem>> -> memref<1x!tpu.dma_semaphore, #tpu.memory_space<semaphore_mem>>
    %dma_wait3A_122 = tpu.memref_squeeze %dma_wait3A_121 : memref<1x!tpu.dma_semaphore, #tpu.memory_space<semaphore_mem>> -> memref<!tpu.dma_semaphore, #tpu.memory_space<semaphore_mem>>
    %dma_wait3A_123 = arith.constant 0 : i32
    %dma_wait3A_124 = arith.constant 0 : i32
    %dma_wait3A_125 = tpu.memref_slice %arg6[%dma_wait3A_111, %dma_wait3A_123, %dma_wait3A_124] : memref<8x2x80xi32, #tpu.memory_space<vmem>> -> memref<1x2x80xi32, #tpu.memory_space<vmem>>
    %dma_wait3A_126 = tpu.memref_squeeze %dma_wait3A_125 : memref<1x2x80xi32, #tpu.memory_space<vmem>> -> memref<2x80xi32, #tpu.memory_space<vmem>>
    %dma_wait3A_127 = arith.constant 0 : i32
    %dma_wait3A_128 = arith.constant 0 : i32
    %dma_wait3A_129 = tpu.memref_slice %arg3[%dma_wait3A, %dma_wait3A_110, %dma_wait3A_127, %dma_wait3A_128] : memref<32x128x2x80xi32, #tpu.memory_space<hbm>> -> memref<1x1x2x80xi32, #tpu.memory_space<hbm>>
    %dma_wait3A_130 = tpu.memref_squeeze %dma_wait3A_129 : memref<1x1x2x80xi32, #tpu.memory_space<hbm>> -> memref<2x80xi32, #tpu.memory_space<hbm>>
    tpu.wait_dma2 semaphore(%dma_wait3A_122 : memref<!tpu.dma_semaphore, #tpu.memory_space<semaphore_mem>>) src(%dma_wait3A_130 : memref<2x80xi32, #tpu.memory_space<hbm>>) dst(%dma_wait3A_126 : memref<2x80xi32, #tpu.memory_space<vmem>>)
    %dma_start3A_131 = arith.constant 0 : i32
    %dma_start3A_132 = arith.constant 0 : i32
    %dma_start3A_133 = arith.constant 0 : i32
    %dma_start3A_134 = arith.constant 0 : i32
    %dma_start3A_135 = arith.constant 0 : i32
    %dma_start3A_136 = arith.constant 0 : i32
    %dma_start3A_137 = tpu.memref_slice %arg7[%dma_start3A_133, %dma_start3A_135, %dma_start3A_136] : memref<4x80x128xf32, #tpu.memory_space<vmem>> -> memref<1x80x128xf32, #tpu.memory_space<vmem>>
    %dma_start3A_138 = tpu.memref_squeeze %dma_start3A_137 : memref<1x80x128xf32, #tpu.memory_space<vmem>> -> memref<80x128xf32, #tpu.memory_space<vmem>>
    %dma_start3A_139 = arith.constant 0 : i32
    %dma_start3A_140 = tpu.memref_slice %arg6[%dma_start3A_131, %dma_start3A_132, %dma_start3A_139] : memref<8x2x80xi32, #tpu.memory_space<vmem>> -> memref<1x1x80xi32, #tpu.memory_space<vmem>>
    %dma_start3A_141 = tpu.memref_squeeze %dma_start3A_140 : memref<1x1x80xi32, #tpu.memory_space<vmem>> -> memref<80xi32, #tpu.memory_space<vmem>>
    %dma_start3A_142 = arith.constant 0 : i32
    %dma_start3A_143 = arith.constant 0 : i32
    %dma_start3A_144 = tpu.memref_slice %arg2[%dma_start3A_142, %dma_start3A_143] : memref<20000x128xf32, #tpu.memory_space<hbm>> -> memref<20000x128xf32, #tpu.memory_space<hbm>>
    %dma_start3A_145 = tpu.memref_slice %arg9[%dma_start3A_134] : memref<4x!tpu.dma_semaphore, #tpu.memory_space<semaphore_mem>> -> memref<1x!tpu.dma_semaphore, #tpu.memory_space<semaphore_mem>>
    %dma_start3A_146 = tpu.memref_squeeze %dma_start3A_145 : memref<1x!tpu.dma_semaphore, #tpu.memory_space<semaphore_mem>> -> memref<!tpu.dma_semaphore, #tpu.memory_space<semaphore_mem>>
    tpu.enqueue_indirect_dma source(%dma_start3A_144 : memref<20000x128xf32, #tpu.memory_space<hbm>>) target(%dma_start3A_138 : memref<80x128xf32, #tpu.memory_space<vmem>>) offsets(%dma_start3A_141 : memref<80xi32, #tpu.memory_space<vmem>>) semaphore(%dma_start3A_146 : memref<!tpu.dma_semaphore, #tpu.memory_space<semaphore_mem>>)
    %dma_wait3A_147 = arith.constant 0 : i32
    %dma_wait3A_148 = arith.constant 0 : i32
    %dma_wait3A_149 = arith.constant 1 : i32
    %dma_wait3A_150 = arith.constant 1 : i32
    %dma_wait3A_151 = arith.constant 0 : i32
    %dma_wait3A_152 = arith.constant 0 : i32
    %dma_wait3A_153 = tpu.memref_slice %arg6[%dma_wait3A_149, %dma_wait3A_151, %dma_wait3A_152] : memref<8x2x80xi32, #tpu.memory_space<vmem>> -> memref<1x2x80xi32, #tpu.memory_space<vmem>>
    %dma_wait3A_154 = tpu.memref_squeeze %dma_wait3A_153 : memref<1x2x80xi32, #tpu.memory_space<vmem>> -> memref<2x80xi32, #tpu.memory_space<vmem>>
    %dma_wait3A_155 = arith.constant 0 : i32
    %dma_wait3A_156 = arith.constant 0 : i32
    %dma_wait3A_157 = tpu.memref_slice %arg3[%dma_wait3A_147, %dma_wait3A_148, %dma_wait3A_155, %dma_wait3A_156] : memref<32x128x2x80xi32, #tpu.memory_space<hbm>> -> memref<1x1x2x80xi32, #tpu.memory_space<hbm>>
    %dma_wait3A_158 = tpu.memref_squeeze %dma_wait3A_157 : memref<1x1x2x80xi32, #tpu.memory_space<hbm>> -> memref<2x80xi32, #tpu.memory_space<hbm>>
    %dma_wait3A_159 = tpu.memref_slice %arg11[%dma_wait3A_150] : memref<8x!tpu.dma_semaphore, #tpu.memory_space<semaphore_mem>> -> memref<1x!tpu.dma_semaphore, #tpu.memory_space<semaphore_mem>>
    %dma_wait3A_160 = tpu.memref_squeeze %dma_wait3A_159 : memref<1x!tpu.dma_semaphore, #tpu.memory_space<semaphore_mem>> -> memref<!tpu.dma_semaphore, #tpu.memory_space<semaphore_mem>>
    %dma_wait3A_161 = arith.constant 0 : i32
    %dma_wait3A_162 = arith.constant 0 : i32
    %dma_wait3A_163 = tpu.memref_slice %arg6[%dma_wait3A_149, %dma_wait3A_161, %dma_wait3A_162] : memref<8x2x80xi32, #tpu.memory_space<vmem>> -> memref<1x2x80xi32, #tpu.memory_space<vmem>>
    %dma_wait3A_164 = tpu.memref_squeeze %dma_wait3A_163 : memref<1x2x80xi32, #tpu.memory_space<vmem>> -> memref<2x80xi32, #tpu.memory_space<vmem>>
    %dma_wait3A_165 = arith.constant 0 : i32
    %dma_wait3A_166 = arith.constant 0 : i32
    %dma_wait3A_167 = tpu.memref_slice %arg3[%dma_wait3A_147, %dma_wait3A_148, %dma_wait3A_165, %dma_wait3A_166] : memref<32x128x2x80xi32, #tpu.memory_space<hbm>> -> memref<1x1x2x80xi32, #tpu.memory_space<hbm>>
    %dma_wait3A_168 = tpu.memref_squeeze %dma_wait3A_167 : memref<1x1x2x80xi32, #tpu.memory_space<hbm>> -> memref<2x80xi32, #tpu.memory_space<hbm>>
    tpu.wait_dma2 semaphore(%dma_wait3A_160 : memref<!tpu.dma_semaphore, #tpu.memory_space<semaphore_mem>>) src(%dma_wait3A_168 : memref<2x80xi32, #tpu.memory_space<hbm>>) dst(%dma_wait3A_164 : memref<2x80xi32, #tpu.memory_space<vmem>>)
    %dma_start3A_169 = arith.constant 1 : i32
    %dma_start3A_170 = arith.constant 0 : i32
    %dma_start3A_171 = arith.constant 1 : i32
    %dma_start3A_172 = arith.constant 1 : i32
    %dma_start3A_173 = arith.constant 0 : i32
    %dma_start3A_174 = arith.constant 0 : i32
    %dma_start3A_175 = tpu.memref_slice %arg7[%dma_start3A_171, %dma_start3A_173, %dma_start3A_174] : memref<4x80x128xf32, #tpu.memory_space<vmem>> -> memref<1x80x128xf32, #tpu.memory_space<vmem>>
    %dma_start3A_176 = tpu.memref_squeeze %dma_start3A_175 : memref<1x80x128xf32, #tpu.memory_space<vmem>> -> memref<80x128xf32, #tpu.memory_space<vmem>>
    %dma_start3A_177 = arith.constant 0 : i32
    %dma_start3A_178 = tpu.memref_slice %arg6[%dma_start3A_169, %dma_start3A_170, %dma_start3A_177] : memref<8x2x80xi32, #tpu.memory_space<vmem>> -> memref<1x1x80xi32, #tpu.memory_space<vmem>>
    %dma_start3A_179 = tpu.memref_squeeze %dma_start3A_178 : memref<1x1x80xi32, #tpu.memory_space<vmem>> -> memref<80xi32, #tpu.memory_space<vmem>>
    %dma_start3A_180 = arith.constant 0 : i32
    %dma_start3A_181 = arith.constant 0 : i32
    %dma_start3A_182 = tpu.memref_slice %arg2[%dma_start3A_180, %dma_start3A_181] : memref<20000x128xf32, #tpu.memory_space<hbm>> -> memref<20000x128xf32, #tpu.memory_space<hbm>>
    %dma_start3A_183 = tpu.memref_slice %arg9[%dma_start3A_172] : memref<4x!tpu.dma_semaphore, #tpu.memory_space<semaphore_mem>> -> memref<1x!tpu.dma_semaphore, #tpu.memory_space<semaphore_mem>>
    %dma_start3A_184 = tpu.memref_squeeze %dma_start3A_183 : memref<1x!tpu.dma_semaphore, #tpu.memory_space<semaphore_mem>> -> memref<!tpu.dma_semaphore, #tpu.memory_space<semaphore_mem>>
    tpu.enqueue_indirect_dma source(%dma_start3A_182 : memref<20000x128xf32, #tpu.memory_space<hbm>>) target(%dma_start3A_176 : memref<80x128xf32, #tpu.memory_space<vmem>>) offsets(%dma_start3A_179 : memref<80xi32, #tpu.memory_space<vmem>>) semaphore(%dma_start3A_184 : memref<!tpu.dma_semaphore, #tpu.memory_space<semaphore_mem>>)
    %dma_wait3A_185 = arith.constant 0 : i32
    %dma_wait3A_186 = arith.constant 0 : i32
    %dma_wait3A_187 = arith.constant 2 : i32
    %dma_wait3A_188 = arith.constant 2 : i32
    %dma_wait3A_189 = arith.constant 0 : i32
    %dma_wait3A_190 = arith.constant 0 : i32
    %dma_wait3A_191 = tpu.memref_slice %arg6[%dma_wait3A_187, %dma_wait3A_189, %dma_wait3A_190] : memref<8x2x80xi32, #tpu.memory_space<vmem>> -> memref<1x2x80xi32, #tpu.memory_space<vmem>>
    %dma_wait3A_192 = tpu.memref_squeeze %dma_wait3A_191 : memref<1x2x80xi32, #tpu.memory_space<vmem>> -> memref<2x80xi32, #tpu.memory_space<vmem>>
    %dma_wait3A_193 = arith.constant 0 : i32
    %dma_wait3A_194 = arith.constant 0 : i32
    %dma_wait3A_195 = tpu.memref_slice %arg3[%dma_wait3A_185, %dma_wait3A_186, %dma_wait3A_193, %dma_wait3A_194] : memref<32x128x2x80xi32, #tpu.memory_space<hbm>> -> memref<1x1x2x80xi32, #tpu.memory_space<hbm>>
    %dma_wait3A_196 = tpu.memref_squeeze %dma_wait3A_195 : memref<1x1x2x80xi32, #tpu.memory_space<hbm>> -> memref<2x80xi32, #tpu.memory_space<hbm>>
    %dma_wait3A_197 = tpu.memref_slice %arg11[%dma_wait3A_188] : memref<8x!tpu.dma_semaphore, #tpu.memory_space<semaphore_mem>> -> memref<1x!tpu.dma_semaphore, #tpu.memory_space<semaphore_mem>>
    %dma_wait3A_198 = tpu.memref_squeeze %dma_wait3A_197 : memref<1x!tpu.dma_semaphore, #tpu.memory_space<semaphore_mem>> -> memref<!tpu.dma_semaphore, #tpu.memory_space<semaphore_mem>>
    %dma_wait3A_199 = arith.constant 0 : i32
    %dma_wait3A_200 = arith.constant 0 : i32
    %dma_wait3A_201 = tpu.memref_slice %arg6[%dma_wait3A_187, %dma_wait3A_199, %dma_wait3A_200] : memref<8x2x80xi32, #tpu.memory_space<vmem>> -> memref<1x2x80xi32, #tpu.memory_space<vmem>>
    %dma_wait3A_202 = tpu.memref_squeeze %dma_wait3A_201 : memref<1x2x80xi32, #tpu.memory_space<vmem>> -> memref<2x80xi32, #tpu.memory_space<vmem>>
    %dma_wait3A_203 = arith.constant 0 : i32
    %dma_wait3A_204 = arith.constant 0 : i32
    %dma_wait3A_205 = tpu.memref_slice %arg3[%dma_wait3A_185, %dma_wait3A_186, %dma_wait3A_203, %dma_wait3A_204] : memref<32x128x2x80xi32, #tpu.memory_space<hbm>> -> memref<1x1x2x80xi32, #tpu.memory_space<hbm>>
    %dma_wait3A_206 = tpu.memref_squeeze %dma_wait3A_205 : memref<1x1x2x80xi32, #tpu.memory_space<hbm>> -> memref<2x80xi32, #tpu.memory_space<hbm>>
    tpu.wait_dma2 semaphore(%dma_wait3A_198 : memref<!tpu.dma_semaphore, #tpu.memory_space<semaphore_mem>>) src(%dma_wait3A_206 : memref<2x80xi32, #tpu.memory_space<hbm>>) dst(%dma_wait3A_202 : memref<2x80xi32, #tpu.memory_space<vmem>>)
    %dma_start3A_207 = arith.constant 2 : i32
    %dma_start3A_208 = arith.constant 0 : i32
    %dma_start3A_209 = arith.constant 2 : i32
    %dma_start3A_210 = arith.constant 2 : i32
    %dma_start3A_211 = arith.constant 0 : i32
    %dma_start3A_212 = arith.constant 0 : i32
    %dma_start3A_213 = tpu.memref_slice %arg7[%dma_start3A_209, %dma_start3A_211, %dma_start3A_212] : memref<4x80x128xf32, #tpu.memory_space<vmem>> -> memref<1x80x128xf32, #tpu.memory_space<vmem>>
    %dma_start3A_214 = tpu.memref_squeeze %dma_start3A_213 : memref<1x80x128xf32, #tpu.memory_space<vmem>> -> memref<80x128xf32, #tpu.memory_space<vmem>>
    %dma_start3A_215 = arith.constant 0 : i32
    %dma_start3A_216 = tpu.memref_slice %arg6[%dma_start3A_207, %dma_start3A_208, %dma_start3A_215] : memref<8x2x80xi32, #tpu.memory_space<vmem>> -> memref<1x1x80xi32, #tpu.memory_space<vmem>>
    %dma_start3A_217 = tpu.memref_squeeze %dma_start3A_216 : memref<1x1x80xi32, #tpu.memory_space<vmem>> -> memref<80xi32, #tpu.memory_space<vmem>>
    %dma_start3A_218 = arith.constant 0 : i32
    %dma_start3A_219 = arith.constant 0 : i32
    %dma_start3A_220 = tpu.memref_slice %arg2[%dma_start3A_218, %dma_start3A_219] : memref<20000x128xf32, #tpu.memory_space<hbm>> -> memref<20000x128xf32, #tpu.memory_space<hbm>>
    %dma_start3A_221 = tpu.memref_slice %arg9[%dma_start3A_210] : memref<4x!tpu.dma_semaphore, #tpu.memory_space<semaphore_mem>> -> memref<1x!tpu.dma_semaphore, #tpu.memory_space<semaphore_mem>>
    %dma_start3A_222 = tpu.memref_squeeze %dma_start3A_221 : memref<1x!tpu.dma_semaphore, #tpu.memory_space<semaphore_mem>> -> memref<!tpu.dma_semaphore, #tpu.memory_space<semaphore_mem>>
    tpu.enqueue_indirect_dma source(%dma_start3A_220 : memref<20000x128xf32, #tpu.memory_space<hbm>>) target(%dma_start3A_214 : memref<80x128xf32, #tpu.memory_space<vmem>>) offsets(%dma_start3A_217 : memref<80xi32, #tpu.memory_space<vmem>>) semaphore(%dma_start3A_222 : memref<!tpu.dma_semaphore, #tpu.memory_space<semaphore_mem>>)
    %scan3A_223 = arith.constant 0 : i32
    %scan3A_224 = arith.constant 0 : i32
    %scan3A_225 = arith.constant 8 : i32
    %scan3A_226 = arith.addi %scan3A_224, %scan3A_225 : i32
    %scan3A_227 = arith.constant 1 : i32
    scf.for %scan3A_350 = %scan3A_224 to %scan3A_226 step %scan3A_227  : i32 {
      %dma_wait3A_351 = arith.constant 0 : i32
      %dma_wait3A_352 = arith.constant 0 : i32
      %dma_wait3A_353 = arith.constant 0 : i32
      %dma_wait3A_354 = tpu.memref_slice %arg7[%dma_wait3A_351, %dma_wait3A_352, %dma_wait3A_353] : memref<4x80x128xf32, #tpu.memory_space<vmem>> -> memref<1x80x128xf32, #tpu.memory_space<vmem>>
      %dma_wait3A_355 = tpu.memref_squeeze %dma_wait3A_354 : memref<1x80x128xf32, #tpu.memory_space<vmem>> -> memref<80x128xf32, #tpu.memory_space<vmem>>
      %dma_wait3A_356 = arith.constant 0 : i32
      %dma_wait3A_357 = arith.constant 0 : i32
      %dma_wait3A_358 = tpu.memref_slice %arg8[%dma_wait3A_356, %dma_wait3A_357] : memref<10000x128xf32, #tpu.memory_space<vmem_shared>> -> memref<80x128xf32, #tpu.memory_space<vmem_shared>>
      %dma_wait3A_359 = arith.constant 0 : i32
      %dma_wait3A_360 = arith.constant 0 : i32
      %dma_wait3A_361 = tpu.memref_slice %arg8[%dma_wait3A_359, %dma_wait3A_360] : memref<10000x128xf32, #tpu.memory_space<vmem_shared>> -> memref<80x128xf32, #tpu.memory_space<vmem_shared>>
      %dma_wait3A_362 = arith.constant 0 : i32
      %dma_wait3A_363 = arith.constant 0 : i32
      %dma_wait3A_364 = tpu.memref_slice %arg7[%dma_wait3A_351, %dma_wait3A_362, %dma_wait3A_363] : memref<4x80x128xf32, #tpu.memory_space<vmem>> -> memref<1x80x128xf32, #tpu.memory_space<vmem>>
      %dma_wait3A_365 = tpu.memref_squeeze %dma_wait3A_364 : memref<1x80x128xf32, #tpu.memory_space<vmem>> -> memref<80x128xf32, #tpu.memory_space<vmem>>
      tpu.wait_dma2 semaphore(%arg13 : memref<!tpu.dma_semaphore, #tpu.memory_space<semaphore_mem>>) src(%dma_wait3A_365 : memref<80x128xf32, #tpu.memory_space<vmem>>) dst(%dma_wait3A_361 : memref<80x128xf32, #tpu.memory_space<vmem_shared>>)
    }
    %scan3A_228 = arith.constant 8 : i32
    %barrier3A = arith.constant 0 : index
    tpu.barrier barrier_id(%barrier3A)
    %scan3A_229 = arith.constant 0 : i32
    %scan3A_230 = arith.constant 0 : i32
    %scan3A_231 = arith.constant 125 : i32
    %scan3A_232 = arith.addi %scan3A_230, %scan3A_231 : i32
    %scan3A_233 = arith.constant 1 : i32
    scf.for %scan3A_350 = %scan3A_230 to %scan3A_232 step %scan3A_233  : i32 {
      %rem3A = arith.constant 4 : i32
      %rem3A_351 = arith.remsi %scan3A_350, %rem3A : i32
      %dma_wait3A_352 = arith.constant 0 : i32
      %dma_wait3A_353 = arith.constant 0 : i32
      %dma_wait3A_354 = tpu.memref_slice %arg7[%rem3A_351, %dma_wait3A_352, %dma_wait3A_353] : memref<4x80x128xf32, #tpu.memory_space<vmem>> -> memref<1x80x128xf32, #tpu.memory_space<vmem>>
      %dma_wait3A_355 = tpu.memref_squeeze %dma_wait3A_354 : memref<1x80x128xf32, #tpu.memory_space<vmem>> -> memref<80x128xf32, #tpu.memory_space<vmem>>
      %dma_wait3A_356 = arith.constant 0 : i32
      %dma_wait3A_357 = arith.constant 0 : i32
      %dma_wait3A_358 = tpu.memref_slice %arg2[%dma_wait3A_356, %dma_wait3A_357] : memref<20000x128xf32, #tpu.memory_space<hbm>> -> memref<80x128xf32, #tpu.memory_space<hbm>>
      %dma_wait3A_359 = tpu.memref_slice %arg9[%rem3A_351] : memref<4x!tpu.dma_semaphore, #tpu.memory_space<semaphore_mem>> -> memref<1x!tpu.dma_semaphore, #tpu.memory_space<semaphore_mem>>
      %dma_wait3A_360 = tpu.memref_squeeze %dma_wait3A_359 : memref<1x!tpu.dma_semaphore, #tpu.memory_space<semaphore_mem>> -> memref<!tpu.dma_semaphore, #tpu.memory_space<semaphore_mem>>
      %dma_wait3A_361 = arith.constant 0 : i32
      %dma_wait3A_362 = arith.constant 0 : i32
      %dma_wait3A_363 = tpu.memref_slice %arg7[%rem3A_351, %dma_wait3A_361, %dma_wait3A_362] : memref<4x80x128xf32, #tpu.memory_space<vmem>> -> memref<1x80x128xf32, #tpu.memory_space<vmem>>
      %dma_wait3A_364 = tpu.memref_squeeze %dma_wait3A_363 : memref<1x80x128xf32, #tpu.memory_space<vmem>> -> memref<80x128xf32, #tpu.memory_space<vmem>>
      %dma_wait3A_365 = arith.constant 0 : i32
      %dma_wait3A_366 = arith.constant 0 : i32
      %dma_wait3A_367 = tpu.memref_slice %arg2[%dma_wait3A_365, %dma_wait3A_366] : memref<20000x128xf32, #tpu.memory_space<hbm>> -> memref<80x128xf32, #tpu.memory_space<hbm>>
      tpu.wait_dma2 semaphore(%dma_wait3A_360 : memref<!tpu.dma_semaphore, #tpu.memory_space<semaphore_mem>>) src(%dma_wait3A_367 : memref<80x128xf32, #tpu.memory_space<hbm>>) dst(%dma_wait3A_364 : memref<80x128xf32, #tpu.memory_space<vmem>>)
      %add3A_368 = arith.constant 3 : i32
      %add3A_369 = arith.addi %scan3A_350, %add3A_368 : i32
      %lt3A = arith.constant 125 : i32
      %lt3A_370 = arith.cmpi slt, %add3A_369, %lt3A : i32
      %convert_element_type3A = arith.extui %lt3A_370 : i1 to i32
      %cond3A = arith.constant 0 : i32
      %cond3A_371 = arith.cmpi ne, %convert_element_type3A, %cond3A : i32
      scf.if %cond3A_371 {
        %rem3A_394 = arith.constant 4 : i32
        %rem3A_395 = arith.remsi %add3A_369, %rem3A_394 : i32
        %ge3A = arith.constant 4 : i32
        %ge3A_396 = arith.cmpi sge, %add3A_369, %ge3A : i32
        %convert_element_type3A_397 = arith.extui %ge3A_396 : i1 to i32
        %cond3A_398 = arith.constant 0 : i32
        %cond3A_399 = arith.cmpi ne, %convert_element_type3A_397, %cond3A_398 : i32
        scf.if %cond3A_399 {
          %dma_wait3A_435 = arith.constant 0 : i32
          %dma_wait3A_436 = arith.constant 0 : i32
          %dma_wait3A_437 = arith.constant 0 : i32
          %dma_wait3A_438 = tpu.memref_slice %arg7[%dma_wait3A_435, %dma_wait3A_436, %dma_wait3A_437] : memref<4x80x128xf32, #tpu.memory_space<vmem>> -> memref<1x80x128xf32, #tpu.memory_space<vmem>>
          %dma_wait3A_439 = tpu.memref_squeeze %dma_wait3A_438 : memref<1x80x128xf32, #tpu.memory_space<vmem>> -> memref<80x128xf32, #tpu.memory_space<vmem>>
          %dma_wait3A_440 = arith.constant 0 : i32
          %dma_wait3A_441 = arith.constant 0 : i32
          %dma_wait3A_442 = tpu.memref_slice %arg8[%dma_wait3A_440, %dma_wait3A_441] : memref<10000x128xf32, #tpu.memory_space<vmem_shared>> -> memref<80x128xf32, #tpu.memory_space<vmem_shared>>
          %dma_wait3A_443 = tpu.memref_slice %arg10[%rem3A_395] : memref<4x!tpu.dma_semaphore, #tpu.memory_space<semaphore_mem>> -> memref<1x!tpu.dma_semaphore, #tpu.memory_space<semaphore_mem>>
          %dma_wait3A_444 = tpu.memref_squeeze %dma_wait3A_443 : memref<1x!tpu.dma_semaphore, #tpu.memory_space<semaphore_mem>> -> memref<!tpu.dma_semaphore, #tpu.memory_space<semaphore_mem>>
          %dma_wait3A_445 = arith.constant 0 : i32
          %dma_wait3A_446 = arith.constant 0 : i32
          %dma_wait3A_447 = tpu.memref_slice %arg8[%dma_wait3A_445, %dma_wait3A_446] : memref<10000x128xf32, #tpu.memory_space<vmem_shared>> -> memref<80x128xf32, #tpu.memory_space<vmem_shared>>
          %dma_wait3A_448 = arith.constant 0 : i32
          %dma_wait3A_449 = arith.constant 0 : i32
          %dma_wait3A_450 = tpu.memref_slice %arg7[%dma_wait3A_435, %dma_wait3A_448, %dma_wait3A_449] : memref<4x80x128xf32, #tpu.memory_space<vmem>> -> memref<1x80x128xf32, #tpu.memory_space<vmem>>
          %dma_wait3A_451 = tpu.memref_squeeze %dma_wait3A_450 : memref<1x80x128xf32, #tpu.memory_space<vmem>> -> memref<80x128xf32, #tpu.memory_space<vmem>>
          tpu.wait_dma2 semaphore(%dma_wait3A_444 : memref<!tpu.dma_semaphore, #tpu.memory_space<semaphore_mem>>) src(%dma_wait3A_451 : memref<80x128xf32, #tpu.memory_space<vmem>>) dst(%dma_wait3A_447 : memref<80x128xf32, #tpu.memory_space<vmem_shared>>)
        } else {
        }
        %rem3A_400 = arith.constant 8 : i32
        %rem3A_401 = arith.remsi %add3A_369, %rem3A_400 : i32
        %dma_wait3A_402 = arith.constant 0 : i32
        %dma_wait3A_403 = arith.constant 0 : i32
        %dma_wait3A_404 = arith.constant 0 : i32
        %dma_wait3A_405 = arith.constant 0 : i32
        %dma_wait3A_406 = tpu.memref_slice %arg6[%rem3A_401, %dma_wait3A_404, %dma_wait3A_405] : memref<8x2x80xi32, #tpu.memory_space<vmem>> -> memref<1x2x80xi32, #tpu.memory_space<vmem>>
        %dma_wait3A_407 = tpu.memref_squeeze %dma_wait3A_406 : memref<1x2x80xi32, #tpu.memory_space<vmem>> -> memref<2x80xi32, #tpu.memory_space<vmem>>
        %dma_wait3A_408 = arith.constant 0 : i32
        %dma_wait3A_409 = arith.constant 0 : i32
        %dma_wait3A_410 = tpu.memref_slice %arg3[%dma_wait3A_402, %dma_wait3A_403, %dma_wait3A_408, %dma_wait3A_409] : memref<32x128x2x80xi32, #tpu.memory_space<hbm>> -> memref<1x1x2x80xi32, #tpu.memory_space<hbm>>
        %dma_wait3A_411 = tpu.memref_squeeze %dma_wait3A_410 : memref<1x1x2x80xi32, #tpu.memory_space<hbm>> -> memref<2x80xi32, #tpu.memory_space<hbm>>
        %dma_wait3A_412 = tpu.memref_slice %arg11[%rem3A_401] : memref<8x!tpu.dma_semaphore, #tpu.memory_space<semaphore_mem>> -> memref<1x!tpu.dma_semaphore, #tpu.memory_space<semaphore_mem>>
        %dma_wait3A_413 = tpu.memref_squeeze %dma_wait3A_412 : memref<1x!tpu.dma_semaphore, #tpu.memory_space<semaphore_mem>> -> memref<!tpu.dma_semaphore, #tpu.memory_space<semaphore_mem>>
        %dma_wait3A_414 = arith.constant 0 : i32
        %dma_wait3A_415 = arith.constant 0 : i32
        %dma_wait3A_416 = tpu.memref_slice %arg6[%rem3A_401, %dma_wait3A_414, %dma_wait3A_415] : memref<8x2x80xi32, #tpu.memory_space<vmem>> -> memref<1x2x80xi32, #tpu.memory_space<vmem>>
        %dma_wait3A_417 = tpu.memref_squeeze %dma_wait3A_416 : memref<1x2x80xi32, #tpu.memory_space<vmem>> -> memref<2x80xi32, #tpu.memory_space<vmem>>
        %dma_wait3A_418 = arith.constant 0 : i32
        %dma_wait3A_419 = arith.constant 0 : i32
        %dma_wait3A_420 = tpu.memref_slice %arg3[%dma_wait3A_402, %dma_wait3A_403, %dma_wait3A_418, %dma_wait3A_419] : memref<32x128x2x80xi32, #tpu.memory_space<hbm>> -> memref<1x1x2x80xi32, #tpu.memory_space<hbm>>
        %dma_wait3A_421 = tpu.memref_squeeze %dma_wait3A_420 : memref<1x1x2x80xi32, #tpu.memory_space<hbm>> -> memref<2x80xi32, #tpu.memory_space<hbm>>
        tpu.wait_dma2 semaphore(%dma_wait3A_413 : memref<!tpu.dma_semaphore, #tpu.memory_space<semaphore_mem>>) src(%dma_wait3A_421 : memref<2x80xi32, #tpu.memory_space<hbm>>) dst(%dma_wait3A_417 : memref<2x80xi32, #tpu.memory_space<vmem>>)
        %dma_start3A_422 = arith.constant 0 : i32
        %dma_start3A_423 = arith.constant 0 : i32
        %dma_start3A_424 = arith.constant 0 : i32
        %dma_start3A_425 = tpu.memref_slice %arg7[%rem3A_395, %dma_start3A_423, %dma_start3A_424] : memref<4x80x128xf32, #tpu.memory_space<vmem>> -> memref<1x80x128xf32, #tpu.memory_space<vmem>>
        %dma_start3A_426 = tpu.memref_squeeze %dma_start3A_425 : memref<1x80x128xf32, #tpu.memory_space<vmem>> -> memref<80x128xf32, #tpu.memory_space<vmem>>
        %dma_start3A_427 = arith.constant 0 : i32
        %dma_start3A_428 = tpu.memref_slice %arg6[%rem3A_401, %dma_start3A_422, %dma_start3A_427] : memref<8x2x80xi32, #tpu.memory_space<vmem>> -> memref<1x1x80xi32, #tpu.memory_space<vmem>>
        %dma_start3A_429 = tpu.memref_squeeze %dma_start3A_428 : memref<1x1x80xi32, #tpu.memory_space<vmem>> -> memref<80xi32, #tpu.memory_space<vmem>>
        %dma_start3A_430 = arith.constant 0 : i32
        %dma_start3A_431 = arith.constant 0 : i32
        %dma_start3A_432 = tpu.memref_slice %arg2[%dma_start3A_430, %dma_start3A_431] : memref<20000x128xf32, #tpu.memory_space<hbm>> -> memref<20000x128xf32, #tpu.memory_space<hbm>>
        %dma_start3A_433 = tpu.memref_slice %arg9[%rem3A_395] : memref<4x!tpu.dma_semaphore, #tpu.memory_space<semaphore_mem>> -> memref<1x!tpu.dma_semaphore, #tpu.memory_space<semaphore_mem>>
        %dma_start3A_434 = tpu.memref_squeeze %dma_start3A_433 : memref<1x!tpu.dma_semaphore, #tpu.memory_space<semaphore_mem>> -> memref<!tpu.dma_semaphore, #tpu.memory_space<semaphore_mem>>
        tpu.enqueue_indirect_dma source(%dma_start3A_432 : memref<20000x128xf32, #tpu.memory_space<hbm>>) target(%dma_start3A_426 : memref<80x128xf32, #tpu.memory_space<vmem>>) offsets(%dma_start3A_429 : memref<80xi32, #tpu.memory_space<vmem>>) semaphore(%dma_start3A_434 : memref<!tpu.dma_semaphore, #tpu.memory_space<semaphore_mem>>)
      } else {
      }
      %rem3A_372 = arith.constant 8 : i32
      %rem3A_373 = arith.remsi %scan3A_350, %rem3A_372 : i32
      %dma_start3A_374 = arith.constant 1 : i32
      %dma_start3A_375 = arith.constant 0 : i32
      %dma_start3A_376 = arith.constant 0 : i32
      %dma_start3A_377 = tpu.memref_slice %arg7[%rem3A_351, %dma_start3A_375, %dma_start3A_376] : memref<4x80x128xf32, #tpu.memory_space<vmem>> -> memref<1x80x128xf32, #tpu.memory_space<vmem>>
      %dma_start3A_378 = tpu.memref_squeeze %dma_start3A_377 : memref<1x80x128xf32, #tpu.memory_space<vmem>> -> memref<80x128xf32, #tpu.memory_space<vmem>>
      %dma_start3A_379 = arith.constant 0 : i32
      %dma_start3A_380 = tpu.memref_slice %arg6[%rem3A_373, %dma_start3A_374, %dma_start3A_379] : memref<8x2x80xi32, #tpu.memory_space<vmem>> -> memref<1x1x80xi32, #tpu.memory_space<vmem>>
      %dma_start3A_381 = tpu.memref_squeeze %dma_start3A_380 : memref<1x1x80xi32, #tpu.memory_space<vmem>> -> memref<80xi32, #tpu.memory_space<vmem>>
      %dma_start3A_382 = arith.constant 0 : i32
      %dma_start3A_383 = arith.constant 0 : i32
      %dma_start3A_384 = tpu.memref_slice %arg8[%dma_start3A_382, %dma_start3A_383] : memref<10000x128xf32, #tpu.memory_space<vmem_shared>> -> memref<10000x128xf32, #tpu.memory_space<vmem_shared>>
      %dma_start3A_385 = tpu.memref_slice %arg10[%rem3A_351] : memref<4x!tpu.dma_semaphore, #tpu.memory_space<semaphore_mem>> -> memref<1x!tpu.dma_semaphore, #tpu.memory_space<semaphore_mem>>
      %dma_start3A_386 = tpu.memref_squeeze %dma_start3A_385 : memref<1x!tpu.dma_semaphore, #tpu.memory_space<semaphore_mem>> -> memref<!tpu.dma_semaphore, #tpu.memory_space<semaphore_mem>>
      tpu.enqueue_indirect_dma source(%dma_start3A_378 : memref<80x128xf32, #tpu.memory_space<vmem>>) target(%dma_start3A_384 : memref<10000x128xf32, #tpu.memory_space<vmem_shared>>) offsets(%dma_start3A_381 : memref<80xi32, #tpu.memory_space<vmem>>) semaphore(%dma_start3A_386 : memref<!tpu.dma_semaphore, #tpu.memory_space<semaphore_mem>>) {add = true}
      %add3A_387 = arith.constant 5 : i32
      %add3A_388 = arith.addi %scan3A_350, %add3A_387 : i32
      %lt3A_389 = arith.constant 125 : i32
      %lt3A_390 = arith.cmpi slt, %add3A_388, %lt3A_389 : i32
      %convert_element_type3A_391 = arith.extui %lt3A_390 : i1 to i32
      %cond3A_392 = arith.constant 0 : i32
      %cond3A_393 = arith.cmpi ne, %convert_element_type3A_391, %cond3A_392 : i32
      scf.if %cond3A_393 {
        %add3A_394 = arith.constant 5 : i32
        %add3A_395 = arith.addi %scan3A_350, %add3A_394 : i32
        %rem3A_396 = arith.constant 8 : i32
        %rem3A_397 = arith.remsi %add3A_395, %rem3A_396 : i32
        %add3A_398 = arith.constant 5 : i32
        %add3A_399 = arith.addi %scan3A_350, %add3A_398 : i32
        %dma_start3A_400 = arith.constant 0 : i32
        %dma_start3A_401 = arith.constant 0 : i32
        %dma_start3A_402 = tpu.memref_slice %arg6[%rem3A_397, %dma_start3A_400, %dma_start3A_401] : memref<8x2x80xi32, #tpu.memory_space<vmem>> -> memref<1x2x80xi32, #tpu.memory_space<vmem>>
        %dma_start3A_403 = tpu.memref_squeeze %dma_start3A_402 : memref<1x2x80xi32, #tpu.memory_space<vmem>> -> memref<2x80xi32, #tpu.memory_space<vmem>>
        %dma_start3A_404 = arith.constant 0 : i32
        %dma_start3A_405 = arith.constant 0 : i32
        %dma_start3A_406 = tpu.memref_slice %arg3[%add3A, %add3A_399, %dma_start3A_404, %dma_start3A_405] : memref<32x128x2x80xi32, #tpu.memory_space<hbm>> -> memref<1x1x2x80xi32, #tpu.memory_space<hbm>>
        %dma_start3A_407 = tpu.memref_squeeze %dma_start3A_406 : memref<1x1x2x80xi32, #tpu.memory_space<hbm>> -> memref<2x80xi32, #tpu.memory_space<hbm>>
        %dma_start3A_408 = tpu.memref_slice %arg11[%rem3A_397] : memref<8x!tpu.dma_semaphore, #tpu.memory_space<semaphore_mem>> -> memref<1x!tpu.dma_semaphore, #tpu.memory_space<semaphore_mem>>
        %dma_start3A_409 = tpu.memref_squeeze %dma_start3A_408 : memref<1x!tpu.dma_semaphore, #tpu.memory_space<semaphore_mem>> -> memref<!tpu.dma_semaphore, #tpu.memory_space<semaphore_mem>>
        %dma_start3A_410 = arith.constant 0 : i32
        %dma_start3A_411 = arith.constant 0 : i32
        %dma_start3A_412 = tpu.memref_slice %arg6[%rem3A_397, %dma_start3A_410, %dma_start3A_411] : memref<8x2x80xi32, #tpu.memory_space<vmem>> -> memref<1x2x80xi32, #tpu.memory_space<vmem>>
        %dma_start3A_413 = tpu.memref_squeeze %dma_start3A_412 : memref<1x2x80xi32, #tpu.memory_space<vmem>> -> memref<2x80xi32, #tpu.memory_space<vmem>>
        %dma_start3A_414 = arith.constant 0 : i32
        %dma_start3A_415 = arith.constant 0 : i32
        %dma_start3A_416 = tpu.memref_slice %arg3[%add3A, %add3A_399, %dma_start3A_414, %dma_start3A_415] : memref<32x128x2x80xi32, #tpu.memory_space<hbm>> -> memref<1x1x2x80xi32, #tpu.memory_space<hbm>>
        %dma_start3A_417 = tpu.memref_squeeze %dma_start3A_416 : memref<1x1x2x80xi32, #tpu.memory_space<hbm>> -> memref<2x80xi32, #tpu.memory_space<hbm>>
        tpu.enqueue_dma source(%dma_start3A_417 : memref<2x80xi32, #tpu.memory_space<hbm>>) target(%dma_start3A_413 : memref<2x80xi32, #tpu.memory_space<vmem>>) target_semaphore(%dma_start3A_409 : memref<!tpu.dma_semaphore, #tpu.memory_space<semaphore_mem>>)
      } else {
      }
    }
    %scan3A_234 = arith.constant 125 : i32
    %dma_wait3A_235 = arith.constant 0 : i32
    %dma_wait3A_236 = arith.constant 0 : i32
    %dma_wait3A_237 = arith.constant 0 : i32
    %dma_wait3A_238 = arith.constant 0 : i32
    %dma_wait3A_239 = tpu.memref_slice %arg7[%dma_wait3A_235, %dma_wait3A_237, %dma_wait3A_238] : memref<4x80x128xf32, #tpu.memory_space<vmem>> -> memref<1x80x128xf32, #tpu.memory_space<vmem>>
    %dma_wait3A_240 = tpu.memref_squeeze %dma_wait3A_239 : memref<1x80x128xf32, #tpu.memory_space<vmem>> -> memref<80x128xf32, #tpu.memory_space<vmem>>
    %dma_wait3A_241 = arith.constant 0 : i32
    %dma_wait3A_242 = arith.constant 0 : i32
    %dma_wait3A_243 = tpu.memref_slice %arg8[%dma_wait3A_241, %dma_wait3A_242] : memref<10000x128xf32, #tpu.memory_space<vmem_shared>> -> memref<80x128xf32, #tpu.memory_space<vmem_shared>>
    %dma_wait3A_244 = tpu.memref_slice %arg10[%dma_wait3A_236] : memref<4x!tpu.dma_semaphore, #tpu.memory_space<semaphore_mem>> -> memref<1x!tpu.dma_semaphore, #tpu.memory_space<semaphore_mem>>
    %dma_wait3A_245 = tpu.memref_squeeze %dma_wait3A_244 : memref<1x!tpu.dma_semaphore, #tpu.memory_space<semaphore_mem>> -> memref<!tpu.dma_semaphore, #tpu.memory_space<semaphore_mem>>
    %dma_wait3A_246 = arith.constant 0 : i32
    %dma_wait3A_247 = arith.constant 0 : i32
    %dma_wait3A_248 = tpu.memref_slice %arg8[%dma_wait3A_246, %dma_wait3A_247] : memref<10000x128xf32, #tpu.memory_space<vmem_shared>> -> memref<80x128xf32, #tpu.memory_space<vmem_shared>>
    %dma_wait3A_249 = arith.constant 0 : i32
    %dma_wait3A_250 = arith.constant 0 : i32
    %dma_wait3A_251 = tpu.memref_slice %arg7[%dma_wait3A_235, %dma_wait3A_249, %dma_wait3A_250] : memref<4x80x128xf32, #tpu.memory_space<vmem>> -> memref<1x80x128xf32, #tpu.memory_space<vmem>>
    %dma_wait3A_252 = tpu.memref_squeeze %dma_wait3A_251 : memref<1x80x128xf32, #tpu.memory_space<vmem>> -> memref<80x128xf32, #tpu.memory_space<vmem>>
    tpu.wait_dma2 semaphore(%dma_wait3A_245 : memref<!tpu.dma_semaphore, #tpu.memory_space<semaphore_mem>>) src(%dma_wait3A_252 : memref<80x128xf32, #tpu.memory_space<vmem>>) dst(%dma_wait3A_248 : memref<80x128xf32, #tpu.memory_space<vmem_shared>>)
    %dma_wait3A_253 = arith.constant 0 : i32
    %dma_wait3A_254 = arith.constant 1 : i32
    %dma_wait3A_255 = arith.constant 0 : i32
    %dma_wait3A_256 = arith.constant 0 : i32
    %dma_wait3A_257 = tpu.memref_slice %arg7[%dma_wait3A_253, %dma_wait3A_255, %dma_wait3A_256] : memref<4x80x128xf32, #tpu.memory_space<vmem>> -> memref<1x80x128xf32, #tpu.memory_space<vmem>>
    %dma_wait3A_258 = tpu.memref_squeeze %dma_wait3A_257 : memref<1x80x128xf32, #tpu.memory_space<vmem>> -> memref<80x128xf32, #tpu.memory_space<vmem>>
    %dma_wait3A_259 = arith.constant 0 : i32
    %dma_wait3A_260 = arith.constant 0 : i32
    %dma_wait3A_261 = tpu.memref_slice %arg8[%dma_wait3A_259, %dma_wait3A_260] : memref<10000x128xf32, #tpu.memory_space<vmem_shared>> -> memref<80x128xf32, #tpu.memory_space<vmem_shared>>
    %dma_wait3A_262 = tpu.memref_slice %arg10[%dma_wait3A_254] : memref<4x!tpu.dma_semaphore, #tpu.memory_space<semaphore_mem>> -> memref<1x!tpu.dma_semaphore, #tpu.memory_space<semaphore_mem>>
    %dma_wait3A_263 = tpu.memref_squeeze %dma_wait3A_262 : memref<1x!tpu.dma_semaphore, #tpu.memory_space<semaphore_mem>> -> memref<!tpu.dma_semaphore, #tpu.memory_space<semaphore_mem>>
    %dma_wait3A_264 = arith.constant 0 : i32
    %dma_wait3A_265 = arith.constant 0 : i32
    %dma_wait3A_266 = tpu.memref_slice %arg8[%dma_wait3A_264, %dma_wait3A_265] : memref<10000x128xf32, #tpu.memory_space<vmem_shared>> -> memref<80x128xf32, #tpu.memory_space<vmem_shared>>
    %dma_wait3A_267 = arith.constant 0 : i32
    %dma_wait3A_268 = arith.constant 0 : i32
    %dma_wait3A_269 = tpu.memref_slice %arg7[%dma_wait3A_253, %dma_wait3A_267, %dma_wait3A_268] : memref<4x80x128xf32, #tpu.memory_space<vmem>> -> memref<1x80x128xf32, #tpu.memory_space<vmem>>
    %dma_wait3A_270 = tpu.memref_squeeze %dma_wait3A_269 : memref<1x80x128xf32, #tpu.memory_space<vmem>> -> memref<80x128xf32, #tpu.memory_space<vmem>>
    tpu.wait_dma2 semaphore(%dma_wait3A_263 : memref<!tpu.dma_semaphore, #tpu.memory_space<semaphore_mem>>) src(%dma_wait3A_270 : memref<80x128xf32, #tpu.memory_space<vmem>>) dst(%dma_wait3A_266 : memref<80x128xf32, #tpu.memory_space<vmem_shared>>)
    %dma_wait3A_271 = arith.constant 0 : i32
    %dma_wait3A_272 = arith.constant 2 : i32
    %dma_wait3A_273 = arith.constant 0 : i32
    %dma_wait3A_274 = arith.constant 0 : i32
    %dma_wait3A_275 = tpu.memref_slice %arg7[%dma_wait3A_271, %dma_wait3A_273, %dma_wait3A_274] : memref<4x80x128xf32, #tpu.memory_space<vmem>> -> memref<1x80x128xf32, #tpu.memory_space<vmem>>
    %dma_wait3A_276 = tpu.memref_squeeze %dma_wait3A_275 : memref<1x80x128xf32, #tpu.memory_space<vmem>> -> memref<80x128xf32, #tpu.memory_space<vmem>>
    %dma_wait3A_277 = arith.constant 0 : i32
    %dma_wait3A_278 = arith.constant 0 : i32
    %dma_wait3A_279 = tpu.memref_slice %arg8[%dma_wait3A_277, %dma_wait3A_278] : memref<10000x128xf32, #tpu.memory_space<vmem_shared>> -> memref<80x128xf32, #tpu.memory_space<vmem_shared>>
    %dma_wait3A_280 = tpu.memref_slice %arg10[%dma_wait3A_272] : memref<4x!tpu.dma_semaphore, #tpu.memory_space<semaphore_mem>> -> memref<1x!tpu.dma_semaphore, #tpu.memory_space<semaphore_mem>>
    %dma_wait3A_281 = tpu.memref_squeeze %dma_wait3A_280 : memref<1x!tpu.dma_semaphore, #tpu.memory_space<semaphore_mem>> -> memref<!tpu.dma_semaphore, #tpu.memory_space<semaphore_mem>>
    %dma_wait3A_282 = arith.constant 0 : i32
    %dma_wait3A_283 = arith.constant 0 : i32
    %dma_wait3A_284 = tpu.memref_slice %arg8[%dma_wait3A_282, %dma_wait3A_283] : memref<10000x128xf32, #tpu.memory_space<vmem_shared>> -> memref<80x128xf32, #tpu.memory_space<vmem_shared>>
    %dma_wait3A_285 = arith.constant 0 : i32
    %dma_wait3A_286 = arith.constant 0 : i32
    %dma_wait3A_287 = tpu.memref_slice %arg7[%dma_wait3A_271, %dma_wait3A_285, %dma_wait3A_286] : memref<4x80x128xf32, #tpu.memory_space<vmem>> -> memref<1x80x128xf32, #tpu.memory_space<vmem>>
    %dma_wait3A_288 = tpu.memref_squeeze %dma_wait3A_287 : memref<1x80x128xf32, #tpu.memory_space<vmem>> -> memref<80x128xf32, #tpu.memory_space<vmem>>
    tpu.wait_dma2 semaphore(%dma_wait3A_281 : memref<!tpu.dma_semaphore, #tpu.memory_space<semaphore_mem>>) src(%dma_wait3A_288 : memref<80x128xf32, #tpu.memory_space<vmem>>) dst(%dma_wait3A_284 : memref<80x128xf32, #tpu.memory_space<vmem_shared>>)
    %dma_wait3A_289 = arith.constant 0 : i32
    %dma_wait3A_290 = arith.constant 3 : i32
    %dma_wait3A_291 = arith.constant 0 : i32
    %dma_wait3A_292 = arith.constant 0 : i32
    %dma_wait3A_293 = tpu.memref_slice %arg7[%dma_wait3A_289, %dma_wait3A_291, %dma_wait3A_292] : memref<4x80x128xf32, #tpu.memory_space<vmem>> -> memref<1x80x128xf32, #tpu.memory_space<vmem>>
    %dma_wait3A_294 = tpu.memref_squeeze %dma_wait3A_293 : memref<1x80x128xf32, #tpu.memory_space<vmem>> -> memref<80x128xf32, #tpu.memory_space<vmem>>
    %dma_wait3A_295 = arith.constant 0 : i32
    %dma_wait3A_296 = arith.constant 0 : i32
    %dma_wait3A_297 = tpu.memref_slice %arg8[%dma_wait3A_295, %dma_wait3A_296] : memref<10000x128xf32, #tpu.memory_space<vmem_shared>> -> memref<80x128xf32, #tpu.memory_space<vmem_shared>>
    %dma_wait3A_298 = tpu.memref_slice %arg10[%dma_wait3A_290] : memref<4x!tpu.dma_semaphore, #tpu.memory_space<semaphore_mem>> -> memref<1x!tpu.dma_semaphore, #tpu.memory_space<semaphore_mem>>
    %dma_wait3A_299 = tpu.memref_squeeze %dma_wait3A_298 : memref<1x!tpu.dma_semaphore, #tpu.memory_space<semaphore_mem>> -> memref<!tpu.dma_semaphore, #tpu.memory_space<semaphore_mem>>
    %dma_wait3A_300 = arith.constant 0 : i32
    %dma_wait3A_301 = arith.constant 0 : i32
    %dma_wait3A_302 = tpu.memref_slice %arg8[%dma_wait3A_300, %dma_wait3A_301] : memref<10000x128xf32, #tpu.memory_space<vmem_shared>> -> memref<80x128xf32, #tpu.memory_space<vmem_shared>>
    %dma_wait3A_303 = arith.constant 0 : i32
    %dma_wait3A_304 = arith.constant 0 : i32
    %dma_wait3A_305 = tpu.memref_slice %arg7[%dma_wait3A_289, %dma_wait3A_303, %dma_wait3A_304] : memref<4x80x128xf32, #tpu.memory_space<vmem>> -> memref<1x80x128xf32, #tpu.memory_space<vmem>>
    %dma_wait3A_306 = tpu.memref_squeeze %dma_wait3A_305 : memref<1x80x128xf32, #tpu.memory_space<vmem>> -> memref<80x128xf32, #tpu.memory_space<vmem>>
    tpu.wait_dma2 semaphore(%dma_wait3A_299 : memref<!tpu.dma_semaphore, #tpu.memory_space<semaphore_mem>>) src(%dma_wait3A_306 : memref<80x128xf32, #tpu.memory_space<vmem>>) dst(%dma_wait3A_302 : memref<80x128xf32, #tpu.memory_space<vmem_shared>>)
    %barrier3A_307 = arith.constant 0 : index
    tpu.barrier barrier_id(%barrier3A_307)
    %scan3A_308 = arith.constant 0 : i32
    %scan3A_309 = arith.constant 0 : i32
    %scan3A_310 = arith.constant 8 : i32
    %scan3A_311 = arith.addi %scan3A_309, %scan3A_310 : i32
    %scan3A_312 = arith.constant 1 : i32
    scf.for %scan3A_350 = %scan3A_309 to %scan3A_311 step %scan3A_312  : i32 {
      %mul3A_351 = arith.constant 8 : i32
      %mul3A_352 = arith.muli %arg1, %mul3A_351 : i32
      %add3A_353 = arith.addi %mul3A_352, %scan3A_350 : i32
      %min3A = arith.constant 124 : i32
      %min3A_354 = arith.minsi %add3A_353, %min3A : i32
      %rem3A = arith.constant 2 : i32
      %rem3A_355 = arith.remsi %scan3A_350, %rem3A : i32
      %ge3A = arith.constant 2 : i32
      %ge3A_356 = arith.cmpi sge, %scan3A_350, %ge3A : i32
      %convert_element_type3A = arith.extui %ge3A_356 : i1 to i32
      %cond3A = arith.constant 0 : i32
      %cond3A_357 = arith.cmpi ne, %convert_element_type3A, %cond3A : i32
      scf.if %cond3A_357 {
        %dma_wait3A_379 = arith.constant 0 : i32
        %dma_wait3A_380 = arith.constant 0 : i32
        %dma_wait3A_381 = arith.constant 0 : i32
        %dma_wait3A_382 = tpu.memref_slice %arg7[%dma_wait3A_379, %dma_wait3A_380, %dma_wait3A_381] : memref<4x80x128xf32, #tpu.memory_space<vmem>> -> memref<1x80x128xf32, #tpu.memory_space<vmem>>
        %dma_wait3A_383 = tpu.memref_squeeze %dma_wait3A_382 : memref<1x80x128xf32, #tpu.memory_space<vmem>> -> memref<80x128xf32, #tpu.memory_space<vmem>>
        %dma_wait3A_384 = arith.constant 0 : i32
        %dma_wait3A_385 = arith.constant 0 : i32
        %dma_wait3A_386 = tpu.memref_slice %arg5[%dma_wait3A_384, %dma_wait3A_385] : memref<20000x128xf32, #tpu.memory_space<hbm>> -> memref<80x128xf32, #tpu.memory_space<hbm>>
        %dma_wait3A_387 = tpu.memref_slice %arg12[%rem3A_355] : memref<2x!tpu.dma_semaphore, #tpu.memory_space<semaphore_mem>> -> memref<1x!tpu.dma_semaphore, #tpu.memory_space<semaphore_mem>>
        %dma_wait3A_388 = tpu.memref_squeeze %dma_wait3A_387 : memref<1x!tpu.dma_semaphore, #tpu.memory_space<semaphore_mem>> -> memref<!tpu.dma_semaphore, #tpu.memory_space<semaphore_mem>>
        %dma_wait3A_389 = arith.constant 0 : i32
        %dma_wait3A_390 = arith.constant 0 : i32
        %dma_wait3A_391 = tpu.memref_slice %arg5[%dma_wait3A_389, %dma_wait3A_390] : memref<20000x128xf32, #tpu.memory_space<hbm>> -> memref<80x128xf32, #tpu.memory_space<hbm>>
        %dma_wait3A_392 = arith.constant 0 : i32
        %dma_wait3A_393 = arith.constant 0 : i32
        %dma_wait3A_394 = tpu.memref_slice %arg7[%dma_wait3A_379, %dma_wait3A_392, %dma_wait3A_393] : memref<4x80x128xf32, #tpu.memory_space<vmem>> -> memref<1x80x128xf32, #tpu.memory_space<vmem>>
        %dma_wait3A_395 = tpu.memref_squeeze %dma_wait3A_394 : memref<1x80x128xf32, #tpu.memory_space<vmem>> -> memref<80x128xf32, #tpu.memory_space<vmem>>
        tpu.wait_dma2 semaphore(%dma_wait3A_388 : memref<!tpu.dma_semaphore, #tpu.memory_space<semaphore_mem>>) src(%dma_wait3A_395 : memref<80x128xf32, #tpu.memory_space<vmem>>) dst(%dma_wait3A_391 : memref<80x128xf32, #tpu.memory_space<hbm>>)
      } else {
      }
      %mul3A_358 = arith.constant 80 : i32
      %mul3A_359 = arith.muli %min3A_354, %mul3A_358 : i32
      "tpu.region"() ({
        %run_scoped3A_379 = tpu.sem_alloc : memref<!tpu.dma_semaphore, #tpu.memory_space<semaphore_mem>>
        %dma_start3A_380 = arith.constant 0 : i32
        %dma_start3A_381 = arith.constant 0 : i32
        %dma_start3A_382 = tpu.memref_slice %arg7[%rem3A_355, %dma_start3A_380, %dma_start3A_381] : memref<4x80x128xf32, #tpu.memory_space<vmem>> -> memref<1x80x128xf32, #tpu.memory_space<vmem>>
        %dma_start3A_383 = tpu.memref_squeeze %dma_start3A_382 : memref<1x80x128xf32, #tpu.memory_space<vmem>> -> memref<80x128xf32, #tpu.memory_space<vmem>>
        %dma_start3A_384 = arith.constant 0 : i32
        %dma_start3A_385 = tpu.memref_slice %arg8[%mul3A_359, %dma_start3A_384] : memref<10000x128xf32, #tpu.memory_space<vmem_shared>> -> memref<80x128xf32, #tpu.memory_space<vmem_shared>>
        %dma_start3A_386 = arith.constant 0 : i32
        %dma_start3A_387 = arith.constant 0 : i32
        %dma_start3A_388 = tpu.memref_slice %arg7[%rem3A_355, %dma_start3A_386, %dma_start3A_387] : memref<4x80x128xf32, #tpu.memory_space<vmem>> -> memref<1x80x128xf32, #tpu.memory_space<vmem>>
        %dma_start3A_389 = tpu.memref_squeeze %dma_start3A_388 : memref<1x80x128xf32, #tpu.memory_space<vmem>> -> memref<80x128xf32, #tpu.memory_space<vmem>>
        %dma_start3A_390 = arith.constant 0 : i32
        %dma_start3A_391 = tpu.memref_slice %arg8[%mul3A_359, %dma_start3A_390] : memref<10000x128xf32, #tpu.memory_space<vmem_shared>> -> memref<80x128xf32, #tpu.memory_space<vmem_shared>>
        tpu.enqueue_dma source(%dma_start3A_391 : memref<80x128xf32, #tpu.memory_space<vmem_shared>>) target(%dma_start3A_389 : memref<80x128xf32, #tpu.memory_space<vmem>>) target_semaphore(%run_scoped3A_379 : memref<!tpu.dma_semaphore, #tpu.memory_space<semaphore_mem>>)
        %dma_wait3A_392 = arith.constant 0 : i32
        %dma_wait3A_393 = arith.constant 0 : i32
        %dma_wait3A_394 = tpu.memref_slice %arg7[%rem3A_355, %dma_wait3A_392, %dma_wait3A_393] : memref<4x80x128xf32, #tpu.memory_space<vmem>> -> memref<1x80x128xf32, #tpu.memory_space<vmem>>
        %dma_wait3A_395 = tpu.memref_squeeze %dma_wait3A_394 : memref<1x80x128xf32, #tpu.memory_space<vmem>> -> memref<80x128xf32, #tpu.memory_space<vmem>>
        %dma_wait3A_396 = arith.constant 0 : i32
        %dma_wait3A_397 = tpu.memref_slice %arg8[%mul3A_359, %dma_wait3A_396] : memref<10000x128xf32, #tpu.memory_space<vmem_shared>> -> memref<80x128xf32, #tpu.memory_space<vmem_shared>>
        %dma_wait3A_398 = arith.constant 0 : i32
        %dma_wait3A_399 = arith.constant 0 : i32
        %dma_wait3A_400 = tpu.memref_slice %arg7[%rem3A_355, %dma_wait3A_398, %dma_wait3A_399] : memref<4x80x128xf32, #tpu.memory_space<vmem>> -> memref<1x80x128xf32, #tpu.memory_space<vmem>>
        %dma_wait3A_401 = tpu.memref_squeeze %dma_wait3A_400 : memref<1x80x128xf32, #tpu.memory_space<vmem>> -> memref<80x128xf32, #tpu.memory_space<vmem>>
        %dma_wait3A_402 = arith.constant 0 : i32
        %dma_wait3A_403 = tpu.memref_slice %arg8[%mul3A_359, %dma_wait3A_402] : memref<10000x128xf32, #tpu.memory_space<vmem_shared>> -> memref<80x128xf32, #tpu.memory_space<vmem_shared>>
        tpu.wait_dma2 semaphore(%run_scoped3A_379 : memref<!tpu.dma_semaphore, #tpu.memory_space<semaphore_mem>>) src(%dma_wait3A_403 : memref<80x128xf32, #tpu.memory_space<vmem_shared>>) dst(%dma_wait3A_401 : memref<80x128xf32, #tpu.memory_space<vmem>>)
        tpu.yield
      }) : () -> ()
      %mul3A_360 = arith.constant 10000 : i32
      %mul3A_361 = arith.muli %arg0, %mul3A_360 : i32
      %mul3A_362 = arith.constant 80 : i32
      %mul3A_363 = arith.muli %min3A_354, %mul3A_362 : i32
      %add3A_364 = arith.addi %mul3A_361, %mul3A_363 : i32
      %dma_start3A_365 = arith.constant 0 : i32
      %dma_start3A_366 = arith.constant 0 : i32
      %dma_start3A_367 = tpu.memref_slice %arg7[%rem3A_355, %dma_start3A_365, %dma_start3A_366] : memref<4x80x128xf32, #tpu.memory_space<vmem>> -> memref<1x80x128xf32, #tpu.memory_space<vmem>>
      %dma_start3A_368 = tpu.memref_squeeze %dma_start3A_367 : memref<1x80x128xf32, #tpu.memory_space<vmem>> -> memref<80x128xf32, #tpu.memory_space<vmem>>
      %dma_start3A_369 = arith.constant 0 : i32
      %dma_start3A_370 = tpu.memref_slice %arg5[%add3A_364, %dma_start3A_369] : memref<20000x128xf32, #tpu.memory_space<hbm>> -> memref<80x128xf32, #tpu.memory_space<hbm>>
      %dma_start3A_371 = tpu.memref_slice %arg12[%rem3A_355] : memref<2x!tpu.dma_semaphore, #tpu.memory_space<semaphore_mem>> -> memref<1x!tpu.dma_semaphore, #tpu.memory_space<semaphore_mem>>
      %dma_start3A_372 = tpu.memref_squeeze %dma_start3A_371 : memref<1x!tpu.dma_semaphore, #tpu.memory_space<semaphore_mem>> -> memref<!tpu.dma_semaphore, #tpu.memory_space<semaphore_mem>>
      %dma_start3A_373 = arith.constant 0 : i32
      %dma_start3A_374 = tpu.memref_slice %arg5[%add3A_364, %dma_start3A_373] : memref<20000x128xf32, #tpu.memory_space<hbm>> -> memref<80x128xf32, #tpu.memory_space<hbm>>
      %dma_start3A_375 = arith.constant 0 : i32
      %dma_start3A_376 = arith.constant 0 : i32
      %dma_start3A_377 = tpu.memref_slice %arg7[%rem3A_355, %dma_start3A_375, %dma_start3A_376] : memref<4x80x128xf32, #tpu.memory_space<vmem>> -> memref<1x80x128xf32, #tpu.memory_space<vmem>>
      %dma_start3A_378 = tpu.memref_squeeze %dma_start3A_377 : memref<1x80x128xf32, #tpu.memory_space<vmem>> -> memref<80x128xf32, #tpu.memory_space<vmem>>
      tpu.enqueue_dma source(%dma_start3A_378 : memref<80x128xf32, #tpu.memory_space<vmem>>) target(%dma_start3A_374 : memref<80x128xf32, #tpu.memory_space<hbm>>) target_semaphore(%dma_start3A_372 : memref<!tpu.dma_semaphore, #tpu.memory_space<semaphore_mem>>)
    }
    %scan3A_313 = arith.constant 8 : i32
    %dma_wait3A_314 = arith.constant 0 : i32
    %dma_wait3A_315 = arith.constant 0 : i32
    %dma_wait3A_316 = arith.constant 0 : i32
    %dma_wait3A_317 = arith.constant 0 : i32
    %dma_wait3A_318 = tpu.memref_slice %arg7[%dma_wait3A_314, %dma_wait3A_316, %dma_wait3A_317] : memref<4x80x128xf32, #tpu.memory_space<vmem>> -> memref<1x80x128xf32, #tpu.memory_space<vmem>>
    %dma_wait3A_319 = tpu.memref_squeeze %dma_wait3A_318 : memref<1x80x128xf32, #tpu.memory_space<vmem>> -> memref<80x128xf32, #tpu.memory_space<vmem>>
    %dma_wait3A_320 = arith.constant 0 : i32
    %dma_wait3A_321 = arith.constant 0 : i32
    %dma_wait3A_322 = tpu.memref_slice %arg5[%dma_wait3A_320, %dma_wait3A_321] : memref<20000x128xf32, #tpu.memory_space<hbm>> -> memref<80x128xf32, #tpu.memory_space<hbm>>
    %dma_wait3A_323 = tpu.memref_slice %arg12[%dma_wait3A_315] : memref<2x!tpu.dma_semaphore, #tpu.memory_space<semaphore_mem>> -> memref<1x!tpu.dma_semaphore, #tpu.memory_space<semaphore_mem>>
    %dma_wait3A_324 = tpu.memref_squeeze %dma_wait3A_323 : memref<1x!tpu.dma_semaphore, #tpu.memory_space<semaphore_mem>> -> memref<!tpu.dma_semaphore, #tpu.memory_space<semaphore_mem>>
    %dma_wait3A_325 = arith.constant 0 : i32
    %dma_wait3A_326 = arith.constant 0 : i32
    %dma_wait3A_327 = tpu.memref_slice %arg5[%dma_wait3A_325, %dma_wait3A_326] : memref<20000x128xf32, #tpu.memory_space<hbm>> -> memref<80x128xf32, #tpu.memory_space<hbm>>
    %dma_wait3A_328 = arith.constant 0 : i32
    %dma_wait3A_329 = arith.constant 0 : i32
    %dma_wait3A_330 = tpu.memref_slice %arg7[%dma_wait3A_314, %dma_wait3A_328, %dma_wait3A_329] : memref<4x80x128xf32, #tpu.memory_space<vmem>> -> memref<1x80x128xf32, #tpu.memory_space<vmem>>
    %dma_wait3A_331 = tpu.memref_squeeze %dma_wait3A_330 : memref<1x80x128xf32, #tpu.memory_space<vmem>> -> memref<80x128xf32, #tpu.memory_space<vmem>>
    tpu.wait_dma2 semaphore(%dma_wait3A_324 : memref<!tpu.dma_semaphore, #tpu.memory_space<semaphore_mem>>) src(%dma_wait3A_331 : memref<80x128xf32, #tpu.memory_space<vmem>>) dst(%dma_wait3A_327 : memref<80x128xf32, #tpu.memory_space<hbm>>)
    %dma_wait3A_332 = arith.constant 0 : i32
    %dma_wait3A_333 = arith.constant 1 : i32
    %dma_wait3A_334 = arith.constant 0 : i32
    %dma_wait3A_335 = arith.constant 0 : i32
    %dma_wait3A_336 = tpu.memref_slice %arg7[%dma_wait3A_332, %dma_wait3A_334, %dma_wait3A_335] : memref<4x80x128xf32, #tpu.memory_space<vmem>> -> memref<1x80x128xf32, #tpu.memory_space<vmem>>
    %dma_wait3A_337 = tpu.memref_squeeze %dma_wait3A_336 : memref<1x80x128xf32, #tpu.memory_space<vmem>> -> memref<80x128xf32, #tpu.memory_space<vmem>>
    %dma_wait3A_338 = arith.constant 0 : i32
    %dma_wait3A_339 = arith.constant 0 : i32
    %dma_wait3A_340 = tpu.memref_slice %arg5[%dma_wait3A_338, %dma_wait3A_339] : memref<20000x128xf32, #tpu.memory_space<hbm>> -> memref<80x128xf32, #tpu.memory_space<hbm>>
    %dma_wait3A_341 = tpu.memref_slice %arg12[%dma_wait3A_333] : memref<2x!tpu.dma_semaphore, #tpu.memory_space<semaphore_mem>> -> memref<1x!tpu.dma_semaphore, #tpu.memory_space<semaphore_mem>>
    %dma_wait3A_342 = tpu.memref_squeeze %dma_wait3A_341 : memref<1x!tpu.dma_semaphore, #tpu.memory_space<semaphore_mem>> -> memref<!tpu.dma_semaphore, #tpu.memory_space<semaphore_mem>>
    %dma_wait3A_343 = arith.constant 0 : i32
    %dma_wait3A_344 = arith.constant 0 : i32
    %dma_wait3A_345 = tpu.memref_slice %arg5[%dma_wait3A_343, %dma_wait3A_344] : memref<20000x128xf32, #tpu.memory_space<hbm>> -> memref<80x128xf32, #tpu.memory_space<hbm>>
    %dma_wait3A_346 = arith.constant 0 : i32
    %dma_wait3A_347 = arith.constant 0 : i32
    %dma_wait3A_348 = tpu.memref_slice %arg7[%dma_wait3A_332, %dma_wait3A_346, %dma_wait3A_347] : memref<4x80x128xf32, #tpu.memory_space<vmem>> -> memref<1x80x128xf32, #tpu.memory_space<vmem>>
    %dma_wait3A_349 = tpu.memref_squeeze %dma_wait3A_348 : memref<1x80x128xf32, #tpu.memory_space<vmem>> -> memref<80x128xf32, #tpu.memory_space<vmem>>
    tpu.wait_dma2 semaphore(%dma_wait3A_342 : memref<!tpu.dma_semaphore, #tpu.memory_space<semaphore_mem>>) src(%dma_wait3A_349 : memref<80x128xf32, #tpu.memory_space<vmem>>) dst(%dma_wait3A_345 : memref<80x128xf32, #tpu.memory_space<hbm>>)
    return
  }
}

#map = affine_map<(d0, d1) -> (0, 0)>
#map1 = affine_map<(d0, d1) -> (0, 0, 0, 0)>
module attributes {stable_mosaic.version = 14 : i64} {
  func.func @k(%arg0: i32, %arg1: i32, %arg2: memref<20000x128xf32, #tpu.memory_space<hbm>>, %arg3: memref<32x128x2x80xi32, #tpu.memory_space<hbm>>, %arg4: memref<80x128xf32, #tpu.memory_space<hbm>>, %arg5: memref<20000x128xf32, #tpu.memory_space<hbm>>, %arg6: memref<8x2x80xi32, #tpu.memory_space<vmem>>, %arg7: memref<4x80x128xf32, #tpu.memory_space<vmem>>, %arg8: memref<10000x128xf32, #tpu.memory_space<vmem_shared>>, %arg9: memref<4x!tpu.dma_semaphore, #tpu.memory_space<semaphore_mem>>, %arg10: memref<4x!tpu.dma_semaphore, #tpu.memory_space<semaphore_mem>>, %arg11: memref<8x!tpu.dma_semaphore, #tpu.memory_space<semaphore_mem>>, %arg12: memref<2x!tpu.dma_semaphore, #tpu.memory_space<semaphore_mem>>, %arg13: memref<!tpu.dma_semaphore, #tpu.memory_space<semaphore_mem>>) attributes {dimension_semantics = [#tpu.dimension_semantics<core_parallel>, #tpu.dimension_semantics<subcore_parallel>], iteration_bounds = array<i64: 2, 16>, scalar_prefetch = 0 : i64, scratch_operands = 8 : i64, tpu.core_type = #tpu.core_type<sc_vector_subcore>, window_params = [{transform_indices = #map}, {transform_indices = #map1}, {transform_indices = #map}, {transform_indices = #map}]} {
    %mul3A = arith.constant 16 : i32
    %mul3A_0 = arith.muli %arg0, %mul3A : i32
    %add3A = arith.addi %mul3A_0, %arg1 : i32
    %run_scoped3A = arith.constant 3 : i32
    "tpu.region"() ({
      %run_scoped3A_350 = tpu.sem_alloc : memref<!tpu.dma_semaphore, #tpu.memory_space<semaphore_mem>>
      %dma_start3A_351 = arith.constant 0 : i32
      %dma_start3A_352 = arith.constant 0 : i32
      %dma_start3A_353 = tpu.memref_slice %arg7[%run_scoped3A, %dma_start3A_351, %dma_start3A_352] : memref<4x80x128xf32, #tpu.memory_space<vmem>> -> memref<1x80x128xf32, #tpu.memory_space<vmem>>
      %dma_start3A_354 = tpu.memref_squeeze %dma_start3A_353 : memref<1x80x128xf32, #tpu.memory_space<vmem>> -> memref<80x128xf32, #tpu.memory_space<vmem>>
      %dma_start3A_355 = arith.constant 0 : i32
      %dma_start3A_356 = arith.constant 0 : i32
      %dma_start3A_357 = tpu.memref_slice %arg7[%run_scoped3A, %dma_start3A_355, %dma_start3A_356] : memref<4x80x128xf32, #tpu.memory_space<vmem>> -> memref<1x80x128xf32, #tpu.memory_space<vmem>>
      %dma_start3A_358 = tpu.memref_squeeze %dma_start3A_357 : memref<1x80x128xf32, #tpu.memory_space<vmem>> -> memref<80x128xf32, #tpu.memory_space<vmem>>
      tpu.enqueue_dma source(%arg4 : memref<80x128xf32, #tpu.memory_space<hbm>>) target(%dma_start3A_358 : memref<80x128xf32, #tpu.memory_space<vmem>>) target_semaphore(%run_scoped3A_350 : memref<!tpu.dma_semaphore, #tpu.memory_space<semaphore_mem>>)
      %dma_wait3A_359 = arith.constant 0 : i32
      %dma_wait3A_360 = arith.constant 0 : i32
      %dma_wait3A_361 = tpu.memref_slice %arg7[%run_scoped3A, %dma_wait3A_359, %dma_wait3A_360] : memref<4x80x128xf32, #tpu.memory_space<vmem>> -> memref<1x80x128xf32, #tpu.memory_space<vmem>>
      %dma_wait3A_362 = tpu.memref_squeeze %dma_wait3A_361 : memref<1x80x128xf32, #tpu.memory_space<vmem>> -> memref<80x128xf32, #tpu.memory_space<vmem>>
      %dma_wait3A_363 = arith.constant 0 : i32
      %dma_wait3A_364 = arith.constant 0 : i32
      %dma_wait3A_365 = tpu.memref_slice %arg7[%run_scoped3A, %dma_wait3A_363, %dma_wait3A_364] : memref<4x80x128xf32, #tpu.memory_space<vmem>> -> memref<1x80x128xf32, #tpu.memory_space<vmem>>
      %dma_wait3A_366 = tpu.memref_squeeze %dma_wait3A_365 : memref<1x80x128xf32, #tpu.memory_space<vmem>> -> memref<80x128xf32, #tpu.memory_space<vmem>>
      tpu.wait_dma2 semaphore(%run_scoped3A_350 : memref<!tpu.dma_semaphore, #tpu.memory_space<semaphore_mem>>) src(%arg4 : memref<80x128xf32, #tpu.memory_space<hbm>>) dst(%dma_wait3A_366 : memref<80x128xf32, #tpu.memory_space<vmem>>)
      tpu.yield
    }) : () -> ()
    %scan3A = arith.constant 0 : i32
    %scan3A_1 = arith.constant 0 : i32
    %scan3A_2 = arith.constant 8 : i32
    %scan3A_3 = arith.addi %scan3A_1, %scan3A_2 : i32
    %scan3A_4 = arith.constant 1 : i32
    scf.for %scan3A_350 = %scan3A_1 to %scan3A_3 step %scan3A_4  : i32 {
      %mul3A_351 = arith.constant 8 : i32
      %mul3A_352 = arith.muli %arg1, %mul3A_351 : i32
      %add3A_353 = arith.addi %mul3A_352, %scan3A_350 : i32
      %min3A = arith.constant 124 : i32
      %min3A_354 = arith.minsi %add3A_353, %min3A : i32
      %mul3A_355 = arith.constant 80 : i32
      %mul3A_356 = arith.muli %min3A_354, %mul3A_355 : i32
      %dma_start3A_357 = arith.constant 3 : i32
      %dma_start3A_358 = arith.constant 0 : i32
      %dma_start3A_359 = arith.constant 0 : i32
      %dma_start3A_360 = tpu.memref_slice %arg7[%dma_start3A_357, %dma_start3A_358, %dma_start3A_359] : memref<4x80x128xf32, #tpu.memory_space<vmem>> -> memref<1x80x128xf32, #tpu.memory_space<vmem>>
      %dma_start3A_361 = tpu.memref_squeeze %dma_start3A_360 : memref<1x80x128xf32, #tpu.memory_space<vmem>> -> memref<80x128xf32, #tpu.memory_space<vmem>>
      %dma_start3A_362 = arith.constant 0 : i32
      %dma_start3A_363 = tpu.memref_slice %arg8[%mul3A_356, %dma_start3A_362] : memref<10000x128xf32, #tpu.memory_space<vmem_shared>> -> memref<80x128xf32, #tpu.memory_space<vmem_shared>>
      %dma_start3A_364 = arith.constant 0 : i32
      %dma_start3A_365 = tpu.memref_slice %arg8[%mul3A_356, %dma_start3A_364] : memref<10000x128xf32, #tpu.memory_space<vmem_shared>> -> memref<80x128xf32, #tpu.memory_space<vmem_shared>>
      %dma_start3A_366 = arith.constant 0 : i32
      %dma_start3A_367 = arith.constant 0 : i32
      %dma_start3A_368 = tpu.memref_slice %arg7[%dma_start3A_357, %dma_start3A_366, %dma_start3A_367] : memref<4x80x128xf32, #tpu.memory_space<vmem>> -> memref<1x80x128xf32, #tpu.memory_space<vmem>>
      %dma_start3A_369 = tpu.memref_squeeze %dma_start3A_368 : memref<1x80x128xf32, #tpu.memory_space<vmem>> -> memref<80x128xf32, #tpu.memory_space<vmem>>
      tpu.enqueue_dma source(%dma_start3A_369 : memref<80x128xf32, #tpu.memory_space<vmem>>) target(%dma_start3A_365 : memref<80x128xf32, #tpu.memory_space<vmem_shared>>) target_semaphore(%arg13 : memref<!tpu.dma_semaphore, #tpu.memory_space<semaphore_mem>>)
    }
    %scan3A_5 = arith.constant 8 : i32
    %dma_start3A = arith.constant 0 : i32
    %dma_start3A_6 = arith.constant 0 : i32
    %dma_start3A_7 = arith.constant 0 : i32
    %dma_start3A_8 = arith.constant 0 : i32
    %dma_start3A_9 = arith.constant 0 : i32
    %dma_start3A_10 = tpu.memref_slice %arg6[%dma_start3A_6, %dma_start3A_8, %dma_start3A_9] : memref<8x2x80xi32, #tpu.memory_space<vmem>> -> memref<1x2x80xi32, #tpu.memory_space<vmem>>
    %dma_start3A_11 = tpu.memref_squeeze %dma_start3A_10 : memref<1x2x80xi32, #tpu.memory_space<vmem>> -> memref<2x80xi32, #tpu.memory_space<vmem>>
    %dma_start3A_12 = arith.constant 0 : i32
    %dma_start3A_13 = arith.constant 0 : i32
    %dma_start3A_14 = tpu.memref_slice %arg3[%add3A, %dma_start3A, %dma_start3A_12, %dma_start3A_13] : memref<32x128x2x80xi32, #tpu.memory_space<hbm>> -> memref<1x1x2x80xi32, #tpu.memory_space<hbm>>
    %dma_start3A_15 = tpu.memref_squeeze %dma_start3A_14 : memref<1x1x2x80xi32, #tpu.memory_space<hbm>> -> memref<2x80xi32, #tpu.memory_space<hbm>>
    %dma_start3A_16 = tpu.memref_slice %arg11[%dma_start3A_7] : memref<8x!tpu.dma_semaphore, #tpu.memory_space<semaphore_mem>> -> memref<1x!tpu.dma_semaphore, #tpu.memory_space<semaphore_mem>>
    %dma_start3A_17 = tpu.memref_squeeze %dma_start3A_16 : memref<1x!tpu.dma_semaphore, #tpu.memory_space<semaphore_mem>> -> memref<!tpu.dma_semaphore, #tpu.memory_space<semaphore_mem>>
    %dma_start3A_18 = arith.constant 0 : i32
    %dma_start3A_19 = arith.constant 0 : i32
    %dma_start3A_20 = tpu.memref_slice %arg6[%dma_start3A_6, %dma_start3A_18, %dma_start3A_19] : memref<8x2x80xi32, #tpu.memory_space<vmem>> -> memref<1x2x80xi32, #tpu.memory_space<vmem>>
    %dma_start3A_21 = tpu.memref_squeeze %dma_start3A_20 : memref<1x2x80xi32, #tpu.memory_space<vmem>> -> memref<2x80xi32, #tpu.memory_space<vmem>>
    %dma_start3A_22 = arith.constant 0 : i32
    %dma_start3A_23 = arith.constant 0 : i32
    %dma_start3A_24 = tpu.memref_slice %arg3[%add3A, %dma_start3A, %dma_start3A_22, %dma_start3A_23] : memref<32x128x2x80xi32, #tpu.memory_space<hbm>> -> memref<1x1x2x80xi32, #tpu.memory_space<hbm>>
    %dma_start3A_25 = tpu.memref_squeeze %dma_start3A_24 : memref<1x1x2x80xi32, #tpu.memory_space<hbm>> -> memref<2x80xi32, #tpu.memory_space<hbm>>
    tpu.enqueue_dma source(%dma_start3A_25 : memref<2x80xi32, #tpu.memory_space<hbm>>) target(%dma_start3A_21 : memref<2x80xi32, #tpu.memory_space<vmem>>) target_semaphore(%dma_start3A_17 : memref<!tpu.dma_semaphore, #tpu.memory_space<semaphore_mem>>)
    %dma_start3A_26 = arith.constant 1 : i32
    %dma_start3A_27 = arith.constant 1 : i32
    %dma_start3A_28 = arith.constant 1 : i32
    %dma_start3A_29 = arith.constant 0 : i32
    %dma_start3A_30 = arith.constant 0 : i32
    %dma_start3A_31 = tpu.memref_slice %arg6[%dma_start3A_27, %dma_start3A_29, %dma_start3A_30] : memref<8x2x80xi32, #tpu.memory_space<vmem>> -> memref<1x2x80xi32, #tpu.memory_space<vmem>>
    %dma_start3A_32 = tpu.memref_squeeze %dma_start3A_31 : memref<1x2x80xi32, #tpu.memory_space<vmem>> -> memref<2x80xi32, #tpu.memory_space<vmem>>
    %dma_start3A_33 = arith.constant 0 : i32
    %dma_start3A_34 = arith.constant 0 : i32
    %dma_start3A_35 = tpu.memref_slice %arg3[%add3A, %dma_start3A_26, %dma_start3A_33, %dma_start3A_34] : memref<32x128x2x80xi32, #tpu.memory_space<hbm>> -> memref<1x1x2x80xi32, #tpu.memory_space<hbm>>
    %dma_start3A_36 = tpu.memref_squeeze %dma_start3A_35 : memref<1x1x2x80xi32, #tpu.memory_space<hbm>> -> memref<2x80xi32, #tpu.memory_space<hbm>>
    %dma_start3A_37 = tpu.memref_slice %arg11[%dma_start3A_28] : memref<8x!tpu.dma_semaphore, #tpu.memory_space<semaphore_mem>> -> memref<1x!tpu.dma_semaphore, #tpu.memory_space<semaphore_mem>>
    %dma_start3A_38 = tpu.memref_squeeze %dma_start3A_37 : memref<1x!tpu.dma_semaphore, #tpu.memory_space<semaphore_mem>> -> memref<!tpu.dma_semaphore, #tpu.memory_space<semaphore_mem>>
    %dma_start3A_39 = arith.constant 0 : i32
    %dma_start3A_40 = arith.constant 0 : i32
    %dma_start3A_41 = tpu.memref_slice %arg6[%dma_start3A_27, %dma_start3A_39, %dma_start3A_40] : memref<8x2x80xi32, #tpu.memory_space<vmem>> -> memref<1x2x80xi32, #tpu.memory_space<vmem>>
    %dma_start3A_42 = tpu.memref_squeeze %dma_start3A_41 : memref<1x2x80xi32, #tpu.memory_space<vmem>> -> memref<2x80xi32, #tpu.memory_space<vmem>>
    %dma_start3A_43 = arith.constant 0 : i32
    %dma_start3A_44 = arith.constant 0 : i32
    %dma_start3A_45 = tpu.memref_slice %arg3[%add3A, %dma_start3A_26, %dma_start3A_43, %dma_start3A_44] : memref<32x128x2x80xi32, #tpu.memory_space<hbm>> -> memref<1x1x2x80xi32, #tpu.memory_space<hbm>>
    %dma_start3A_46 = tpu.memref_squeeze %dma_start3A_45 : memref<1x1x2x80xi32, #tpu.memory_space<hbm>> -> memref<2x80xi32, #tpu.memory_space<hbm>>
    tpu.enqueue_dma source(%dma_start3A_46 : memref<2x80xi32, #tpu.memory_space<hbm>>) target(%dma_start3A_42 : memref<2x80xi32, #tpu.memory_space<vmem>>) target_semaphore(%dma_start3A_38 : memref<!tpu.dma_semaphore, #tpu.memory_space<semaphore_mem>>)
    %dma_start3A_47 = arith.constant 2 : i32
    %dma_start3A_48 = arith.constant 2 : i32
    %dma_start3A_49 = arith.constant 2 : i32
    %dma_start3A_50 = arith.constant 0 : i32
    %dma_start3A_51 = arith.constant 0 : i32
    %dma_start3A_52 = tpu.memref_slice %arg6[%dma_start3A_48, %dma_start3A_50, %dma_start3A_51] : memref<8x2x80xi32, #tpu.memory_space<vmem>> -> memref<1x2x80xi32, #tpu.memory_space<vmem>>
    %dma_start3A_53 = tpu.memref_squeeze %dma_start3A_52 : memref<1x2x80xi32, #tpu.memory_space<vmem>> -> memref<2x80xi32, #tpu.memory_space<vmem>>
    %dma_start3A_54 = arith.constant 0 : i32
    %dma_start3A_55 = arith.constant 0 : i32
    %dma_start3A_56 = tpu.memref_slice %arg3[%add3A, %dma_start3A_47, %dma_start3A_54, %dma_start3A_55] : memref<32x128x2x80xi32, #tpu.memory_space<hbm>> -> memref<1x1x2x80xi32, #tpu.memory_space<hbm>>
    %dma_start3A_57 = tpu.memref_squeeze %dma_start3A_56 : memref<1x1x2x80xi32, #tpu.memory_space<hbm>> -> memref<2x80xi32, #tpu.memory_space<hbm>>
    %dma_start3A_58 = tpu.memref_slice %arg11[%dma_start3A_49] : memref<8x!tpu.dma_semaphore, #tpu.memory_space<semaphore_mem>> -> memref<1x!tpu.dma_semaphore, #tpu.memory_space<semaphore_mem>>
    %dma_start3A_59 = tpu.memref_squeeze %dma_start3A_58 : memref<1x!tpu.dma_semaphore, #tpu.memory_space<semaphore_mem>> -> memref<!tpu.dma_semaphore, #tpu.memory_space<semaphore_mem>>
    %dma_start3A_60 = arith.constant 0 : i32
    %dma_start3A_61 = arith.constant 0 : i32
    %dma_start3A_62 = tpu.memref_slice %arg6[%dma_start3A_48, %dma_start3A_60, %dma_start3A_61] : memref<8x2x80xi32, #tpu.memory_space<vmem>> -> memref<1x2x80xi32, #tpu.memory_space<vmem>>
    %dma_start3A_63 = tpu.memref_squeeze %dma_start3A_62 : memref<1x2x80xi32, #tpu.memory_space<vmem>> -> memref<2x80xi32, #tpu.memory_space<vmem>>
    %dma_start3A_64 = arith.constant 0 : i32
    %dma_start3A_65 = arith.constant 0 : i32
    %dma_start3A_66 = tpu.memref_slice %arg3[%add3A, %dma_start3A_47, %dma_start3A_64, %dma_start3A_65] : memref<32x128x2x80xi32, #tpu.memory_space<hbm>> -> memref<1x1x2x80xi32, #tpu.memory_space<hbm>>
    %dma_start3A_67 = tpu.memref_squeeze %dma_start3A_66 : memref<1x1x2x80xi32, #tpu.memory_space<hbm>> -> memref<2x80xi32, #tpu.memory_space<hbm>>
    tpu.enqueue_dma source(%dma_start3A_67 : memref<2x80xi32, #tpu.memory_space<hbm>>) target(%dma_start3A_63 : memref<2x80xi32, #tpu.memory_space<vmem>>) target_semaphore(%dma_start3A_59 : memref<!tpu.dma_semaphore, #tpu.memory_space<semaphore_mem>>)
    %dma_start3A_68 = arith.constant 3 : i32
    %dma_start3A_69 = arith.constant 3 : i32
    %dma_start3A_70 = arith.constant 3 : i32
    %dma_start3A_71 = arith.constant 0 : i32
    %dma_start3A_72 = arith.constant 0 : i32
    %dma_start3A_73 = tpu.memref_slice %arg6[%dma_start3A_69, %dma_start3A_71, %dma_start3A_72] : memref<8x2x80xi32, #tpu.memory_space<vmem>> -> memref<1x2x80xi32, #tpu.memory_space<vmem>>
    %dma_start3A_74 = tpu.memref_squeeze %dma_start3A_73 : memref<1x2x80xi32, #tpu.memory_space<vmem>> -> memref<2x80xi32, #tpu.memory_space<vmem>>
    %dma_start3A_75 = arith.constant 0 : i32
    %dma_start3A_76 = arith.constant 0 : i32
    %dma_start3A_77 = tpu.memref_slice %arg3[%add3A, %dma_start3A_68, %dma_start3A_75, %dma_start3A_76] : memref<32x128x2x80xi32, #tpu.memory_space<hbm>> -> memref<1x1x2x80xi32, #tpu.memory_space<hbm>>
    %dma_start3A_78 = tpu.memref_squeeze %dma_start3A_77 : memref<1x1x2x80xi32, #tpu.memory_space<hbm>> -> memref<2x80xi32, #tpu.memory_space<hbm>>
    %dma_start3A_79 = tpu.memref_slice %arg11[%dma_start3A_70] : memref<8x!tpu.dma_semaphore, #tpu.memory_space<semaphore_mem>> -> memref<1x!tpu.dma_semaphore, #tpu.memory_space<semaphore_mem>>
    %dma_start3A_80 = tpu.memref_squeeze %dma_start3A_79 : memref<1x!tpu.dma_semaphore, #tpu.memory_space<semaphore_mem>> -> memref<!tpu.dma_semaphore, #tpu.memory_space<semaphore_mem>>
    %dma_start3A_81 = arith.constant 0 : i32
    %dma_start3A_82 = arith.constant 0 : i32
    %dma_start3A_83 = tpu.memref_slice %arg6[%dma_start3A_69, %dma_start3A_81, %dma_start3A_82] : memref<8x2x80xi32, #tpu.memory_space<vmem>> -> memref<1x2x80xi32, #tpu.memory_space<vmem>>
    %dma_start3A_84 = tpu.memref_squeeze %dma_start3A_83 : memref<1x2x80xi32, #tpu.memory_space<vmem>> -> memref<2x80xi32, #tpu.memory_space<vmem>>
    %dma_start3A_85 = arith.constant 0 : i32
    %dma_start3A_86 = arith.constant 0 : i32
    %dma_start3A_87 = tpu.memref_slice %arg3[%add3A, %dma_start3A_68, %dma_start3A_85, %dma_start3A_86] : memref<32x128x2x80xi32, #tpu.memory_space<hbm>> -> memref<1x1x2x80xi32, #tpu.memory_space<hbm>>
    %dma_start3A_88 = tpu.memref_squeeze %dma_start3A_87 : memref<1x1x2x80xi32, #tpu.memory_space<hbm>> -> memref<2x80xi32, #tpu.memory_space<hbm>>
    tpu.enqueue_dma source(%dma_start3A_88 : memref<2x80xi32, #tpu.memory_space<hbm>>) target(%dma_start3A_84 : memref<2x80xi32, #tpu.memory_space<vmem>>) target_semaphore(%dma_start3A_80 : memref<!tpu.dma_semaphore, #tpu.memory_space<semaphore_mem>>)
    %dma_start3A_89 = arith.constant 4 : i32
    %dma_start3A_90 = arith.constant 4 : i32
    %dma_start3A_91 = arith.constant 4 : i32
    %dma_start3A_92 = arith.constant 0 : i32
    %dma_start3A_93 = arith.constant 0 : i32
    %dma_start3A_94 = tpu.memref_slice %arg6[%dma_start3A_90, %dma_start3A_92, %dma_start3A_93] : memref<8x2x80xi32, #tpu.memory_space<vmem>> -> memref<1x2x80xi32, #tpu.memory_space<vmem>>
    %dma_start3A_95 = tpu.memref_squeeze %dma_start3A_94 : memref<1x2x80xi32, #tpu.memory_space<vmem>> -> memref<2x80xi32, #tpu.memory_space<vmem>>
    %dma_start3A_96 = arith.constant 0 : i32
    %dma_start3A_97 = arith.constant 0 : i32
    %dma_start3A_98 = tpu.memref_slice %arg3[%add3A, %dma_start3A_89, %dma_start3A_96, %dma_start3A_97] : memref<32x128x2x80xi32, #tpu.memory_space<hbm>> -> memref<1x1x2x80xi32, #tpu.memory_space<hbm>>
    %dma_start3A_99 = tpu.memref_squeeze %dma_start3A_98 : memref<1x1x2x80xi32, #tpu.memory_space<hbm>> -> memref<2x80xi32, #tpu.memory_space<hbm>>
    %dma_start3A_100 = tpu.memref_slice %arg11[%dma_start3A_91] : memref<8x!tpu.dma_semaphore, #tpu.memory_space<semaphore_mem>> -> memref<1x!tpu.dma_semaphore, #tpu.memory_space<semaphore_mem>>
    %dma_start3A_101 = tpu.memref_squeeze %dma_start3A_100 : memref<1x!tpu.dma_semaphore, #tpu.memory_space<semaphore_mem>> -> memref<!tpu.dma_semaphore, #tpu.memory_space<semaphore_mem>>
    %dma_start3A_102 = arith.constant 0 : i32
    %dma_start3A_103 = arith.constant 0 : i32
    %dma_start3A_104 = tpu.memref_slice %arg6[%dma_start3A_90, %dma_start3A_102, %dma_start3A_103] : memref<8x2x80xi32, #tpu.memory_space<vmem>> -> memref<1x2x80xi32, #tpu.memory_space<vmem>>
    %dma_start3A_105 = tpu.memref_squeeze %dma_start3A_104 : memref<1x2x80xi32, #tpu.memory_space<vmem>> -> memref<2x80xi32, #tpu.memory_space<vmem>>
    %dma_start3A_106 = arith.constant 0 : i32
    %dma_start3A_107 = arith.constant 0 : i32
    %dma_start3A_108 = tpu.memref_slice %arg3[%add3A, %dma_start3A_89, %dma_start3A_106, %dma_start3A_107] : memref<32x128x2x80xi32, #tpu.memory_space<hbm>> -> memref<1x1x2x80xi32, #tpu.memory_space<hbm>>
    %dma_start3A_109 = tpu.memref_squeeze %dma_start3A_108 : memref<1x1x2x80xi32, #tpu.memory_space<hbm>> -> memref<2x80xi32, #tpu.memory_space<hbm>>
    tpu.enqueue_dma source(%dma_start3A_109 : memref<2x80xi32, #tpu.memory_space<hbm>>) target(%dma_start3A_105 : memref<2x80xi32, #tpu.memory_space<vmem>>) target_semaphore(%dma_start3A_101 : memref<!tpu.dma_semaphore, #tpu.memory_space<semaphore_mem>>)
    %dma_wait3A = arith.constant 0 : i32
    %dma_wait3A_110 = arith.constant 0 : i32
    %dma_wait3A_111 = arith.constant 0 : i32
    %dma_wait3A_112 = arith.constant 0 : i32
    %dma_wait3A_113 = arith.constant 0 : i32
    %dma_wait3A_114 = arith.constant 0 : i32
    %dma_wait3A_115 = tpu.memref_slice %arg6[%dma_wait3A_111, %dma_wait3A_113, %dma_wait3A_114] : memref<8x2x80xi32, #tpu.memory_space<vmem>> -> memref<1x2x80xi32, #tpu.memory_space<vmem>>
    %dma_wait3A_116 = tpu.memref_squeeze %dma_wait3A_115 : memref<1x2x80xi32, #tpu.memory_space<vmem>> -> memref<2x80xi32, #tpu.memory_space<vmem>>
    %dma_wait3A_117 = arith.constant 0 : i32
    %dma_wait3A_118 = arith.constant 0 : i32
    %dma_wait3A_119 = tpu.memref_slice %arg3[%dma_wait3A, %dma_wait3A_110, %dma_wait3A_117, %dma_wait3A_118] : memref<32x128x2x80xi32, #tpu.memory_space<hbm>> -> memref<1x1x2x80xi32, #tpu.memory_space<hbm>>
    %dma_wait3A_120 = tpu.memref_squeeze %dma_wait3A_119 : memref<1x1x2x80xi32, #tpu.memory_space<hbm>> -> memref<2x80xi32, #tpu.memory_space<hbm>>
    %dma_wait3A_121 = tpu.memref_slice %arg11[%dma_wait3A_112] : memref<8x!tpu.dma_semaphore, #tpu.memory_space<semaphore_mem>> -> memref<1x!tpu.dma_semaphore, #tpu.memory_space<semaphore_mem>>
    %dma_wait3A_122 = tpu.memref_squeeze %dma_wait3A_121 : memref<1x!tpu.dma_semaphore, #tpu.memory_space<semaphore_mem>> -> memref<!tpu.dma_semaphore, #tpu.memory_space<semaphore_mem>>
    %dma_wait3A_123 = arith.constant 0 : i32
    %dma_wait3A_124 = arith.constant 0 : i32
    %dma_wait3A_125 = tpu.memref_slice %arg6[%dma_wait3A_111, %dma_wait3A_123, %dma_wait3A_124] : memref<8x2x80xi32, #tpu.memory_space<vmem>> -> memref<1x2x80xi32, #tpu.memory_space<vmem>>
    %dma_wait3A_126 = tpu.memref_squeeze %dma_wait3A_125 : memref<1x2x80xi32, #tpu.memory_space<vmem>> -> memref<2x80xi32, #tpu.memory_space<vmem>>
    %dma_wait3A_127 = arith.constant 0 : i32
    %dma_wait3A_128 = arith.constant 0 : i32
    %dma_wait3A_129 = tpu.memref_slice %arg3[%dma_wait3A, %dma_wait3A_110, %dma_wait3A_127, %dma_wait3A_128] : memref<32x128x2x80xi32, #tpu.memory_space<hbm>> -> memref<1x1x2x80xi32, #tpu.memory_space<hbm>>
    %dma_wait3A_130 = tpu.memref_squeeze %dma_wait3A_129 : memref<1x1x2x80xi32, #tpu.memory_space<hbm>> -> memref<2x80xi32, #tpu.memory_space<hbm>>
    tpu.wait_dma2 semaphore(%dma_wait3A_122 : memref<!tpu.dma_semaphore, #tpu.memory_space<semaphore_mem>>) src(%dma_wait3A_130 : memref<2x80xi32, #tpu.memory_space<hbm>>) dst(%dma_wait3A_126 : memref<2x80xi32, #tpu.memory_space<vmem>>)
    %dma_start3A_131 = arith.constant 0 : i32
    %dma_start3A_132 = arith.constant 0 : i32
    %dma_start3A_133 = arith.constant 0 : i32
    %dma_start3A_134 = arith.constant 0 : i32
    %dma_start3A_135 = arith.constant 0 : i32
    %dma_start3A_136 = arith.constant 0 : i32
    %dma_start3A_137 = tpu.memref_slice %arg7[%dma_start3A_133, %dma_start3A_135, %dma_start3A_136] : memref<4x80x128xf32, #tpu.memory_space<vmem>> -> memref<1x80x128xf32, #tpu.memory_space<vmem>>
    %dma_start3A_138 = tpu.memref_squeeze %dma_start3A_137 : memref<1x80x128xf32, #tpu.memory_space<vmem>> -> memref<80x128xf32, #tpu.memory_space<vmem>>
    %dma_start3A_139 = arith.constant 0 : i32
    %dma_start3A_140 = tpu.memref_slice %arg6[%dma_start3A_131, %dma_start3A_132, %dma_start3A_139] : memref<8x2x80xi32, #tpu.memory_space<vmem>> -> memref<1x1x80xi32, #tpu.memory_space<vmem>>
    %dma_start3A_141 = tpu.memref_squeeze %dma_start3A_140 : memref<1x1x80xi32, #tpu.memory_space<vmem>> -> memref<80xi32, #tpu.memory_space<vmem>>
    %dma_start3A_142 = arith.constant 0 : i32
    %dma_start3A_143 = arith.constant 0 : i32
    %dma_start3A_144 = tpu.memref_slice %arg2[%dma_start3A_142, %dma_start3A_143] : memref<20000x128xf32, #tpu.memory_space<hbm>> -> memref<20000x128xf32, #tpu.memory_space<hbm>>
    %dma_start3A_145 = tpu.memref_slice %arg9[%dma_start3A_134] : memref<4x!tpu.dma_semaphore, #tpu.memory_space<semaphore_mem>> -> memref<1x!tpu.dma_semaphore, #tpu.memory_space<semaphore_mem>>
    %dma_start3A_146 = tpu.memref_squeeze %dma_start3A_145 : memref<1x!tpu.dma_semaphore, #tpu.memory_space<semaphore_mem>> -> memref<!tpu.dma_semaphore, #tpu.memory_space<semaphore_mem>>
    tpu.enqueue_indirect_dma source(%dma_start3A_144 : memref<20000x128xf32, #tpu.memory_space<hbm>>) target(%dma_start3A_138 : memref<80x128xf32, #tpu.memory_space<vmem>>) offsets(%dma_start3A_141 : memref<80xi32, #tpu.memory_space<vmem>>) semaphore(%dma_start3A_146 : memref<!tpu.dma_semaphore, #tpu.memory_space<semaphore_mem>>)
    %dma_wait3A_147 = arith.constant 0 : i32
    %dma_wait3A_148 = arith.constant 0 : i32
    %dma_wait3A_149 = arith.constant 1 : i32
    %dma_wait3A_150 = arith.constant 1 : i32
    %dma_wait3A_151 = arith.constant 0 : i32
    %dma_wait3A_152 = arith.constant 0 : i32
    %dma_wait3A_153 = tpu.memref_slice %arg6[%dma_wait3A_149, %dma_wait3A_151, %dma_wait3A_152] : memref<8x2x80xi32, #tpu.memory_space<vmem>> -> memref<1x2x80xi32, #tpu.memory_space<vmem>>
    %dma_wait3A_154 = tpu.memref_squeeze %dma_wait3A_153 : memref<1x2x80xi32, #tpu.memory_space<vmem>> -> memref<2x80xi32, #tpu.memory_space<vmem>>
    %dma_wait3A_155 = arith.constant 0 : i32
    %dma_wait3A_156 = arith.constant 0 : i32
    %dma_wait3A_157 = tpu.memref_slice %arg3[%dma_wait3A_147, %dma_wait3A_148, %dma_wait3A_155, %dma_wait3A_156] : memref<32x128x2x80xi32, #tpu.memory_space<hbm>> -> memref<1x1x2x80xi32, #tpu.memory_space<hbm>>
    %dma_wait3A_158 = tpu.memref_squeeze %dma_wait3A_157 : memref<1x1x2x80xi32, #tpu.memory_space<hbm>> -> memref<2x80xi32, #tpu.memory_space<hbm>>
    %dma_wait3A_159 = tpu.memref_slice %arg11[%dma_wait3A_150] : memref<8x!tpu.dma_semaphore, #tpu.memory_space<semaphore_mem>> -> memref<1x!tpu.dma_semaphore, #tpu.memory_space<semaphore_mem>>
    %dma_wait3A_160 = tpu.memref_squeeze %dma_wait3A_159 : memref<1x!tpu.dma_semaphore, #tpu.memory_space<semaphore_mem>> -> memref<!tpu.dma_semaphore, #tpu.memory_space<semaphore_mem>>
    %dma_wait3A_161 = arith.constant 0 : i32
    %dma_wait3A_162 = arith.constant 0 : i32
    %dma_wait3A_163 = tpu.memref_slice %arg6[%dma_wait3A_149, %dma_wait3A_161, %dma_wait3A_162] : memref<8x2x80xi32, #tpu.memory_space<vmem>> -> memref<1x2x80xi32, #tpu.memory_space<vmem>>
    %dma_wait3A_164 = tpu.memref_squeeze %dma_wait3A_163 : memref<1x2x80xi32, #tpu.memory_space<vmem>> -> memref<2x80xi32, #tpu.memory_space<vmem>>
    %dma_wait3A_165 = arith.constant 0 : i32
    %dma_wait3A_166 = arith.constant 0 : i32
    %dma_wait3A_167 = tpu.memref_slice %arg3[%dma_wait3A_147, %dma_wait3A_148, %dma_wait3A_165, %dma_wait3A_166] : memref<32x128x2x80xi32, #tpu.memory_space<hbm>> -> memref<1x1x2x80xi32, #tpu.memory_space<hbm>>
    %dma_wait3A_168 = tpu.memref_squeeze %dma_wait3A_167 : memref<1x1x2x80xi32, #tpu.memory_space<hbm>> -> memref<2x80xi32, #tpu.memory_space<hbm>>
    tpu.wait_dma2 semaphore(%dma_wait3A_160 : memref<!tpu.dma_semaphore, #tpu.memory_space<semaphore_mem>>) src(%dma_wait3A_168 : memref<2x80xi32, #tpu.memory_space<hbm>>) dst(%dma_wait3A_164 : memref<2x80xi32, #tpu.memory_space<vmem>>)
    %dma_start3A_169 = arith.constant 1 : i32
    %dma_start3A_170 = arith.constant 0 : i32
    %dma_start3A_171 = arith.constant 1 : i32
    %dma_start3A_172 = arith.constant 1 : i32
    %dma_start3A_173 = arith.constant 0 : i32
    %dma_start3A_174 = arith.constant 0 : i32
    %dma_start3A_175 = tpu.memref_slice %arg7[%dma_start3A_171, %dma_start3A_173, %dma_start3A_174] : memref<4x80x128xf32, #tpu.memory_space<vmem>> -> memref<1x80x128xf32, #tpu.memory_space<vmem>>
    %dma_start3A_176 = tpu.memref_squeeze %dma_start3A_175 : memref<1x80x128xf32, #tpu.memory_space<vmem>> -> memref<80x128xf32, #tpu.memory_space<vmem>>
    %dma_start3A_177 = arith.constant 0 : i32
    %dma_start3A_178 = tpu.memref_slice %arg6[%dma_start3A_169, %dma_start3A_170, %dma_start3A_177] : memref<8x2x80xi32, #tpu.memory_space<vmem>> -> memref<1x1x80xi32, #tpu.memory_space<vmem>>
    %dma_start3A_179 = tpu.memref_squeeze %dma_start3A_178 : memref<1x1x80xi32, #tpu.memory_space<vmem>> -> memref<80xi32, #tpu.memory_space<vmem>>
    %dma_start3A_180 = arith.constant 0 : i32
    %dma_start3A_181 = arith.constant 0 : i32
    %dma_start3A_182 = tpu.memref_slice %arg2[%dma_start3A_180, %dma_start3A_181] : memref<20000x128xf32, #tpu.memory_space<hbm>> -> memref<20000x128xf32, #tpu.memory_space<hbm>>
    %dma_start3A_183 = tpu.memref_slice %arg9[%dma_start3A_172] : memref<4x!tpu.dma_semaphore, #tpu.memory_space<semaphore_mem>> -> memref<1x!tpu.dma_semaphore, #tpu.memory_space<semaphore_mem>>
    %dma_start3A_184 = tpu.memref_squeeze %dma_start3A_183 : memref<1x!tpu.dma_semaphore, #tpu.memory_space<semaphore_mem>> -> memref<!tpu.dma_semaphore, #tpu.memory_space<semaphore_mem>>
    tpu.enqueue_indirect_dma source(%dma_start3A_182 : memref<20000x128xf32, #tpu.memory_space<hbm>>) target(%dma_start3A_176 : memref<80x128xf32, #tpu.memory_space<vmem>>) offsets(%dma_start3A_179 : memref<80xi32, #tpu.memory_space<vmem>>) semaphore(%dma_start3A_184 : memref<!tpu.dma_semaphore, #tpu.memory_space<semaphore_mem>>)
    %dma_wait3A_185 = arith.constant 0 : i32
    %dma_wait3A_186 = arith.constant 0 : i32
    %dma_wait3A_187 = arith.constant 2 : i32
    %dma_wait3A_188 = arith.constant 2 : i32
    %dma_wait3A_189 = arith.constant 0 : i32
    %dma_wait3A_190 = arith.constant 0 : i32
    %dma_wait3A_191 = tpu.memref_slice %arg6[%dma_wait3A_187, %dma_wait3A_189, %dma_wait3A_190] : memref<8x2x80xi32, #tpu.memory_space<vmem>> -> memref<1x2x80xi32, #tpu.memory_space<vmem>>
    %dma_wait3A_192 = tpu.memref_squeeze %dma_wait3A_191 : memref<1x2x80xi32, #tpu.memory_space<vmem>> -> memref<2x80xi32, #tpu.memory_space<vmem>>
    %dma_wait3A_193 = arith.constant 0 : i32
    %dma_wait3A_194 = arith.constant 0 : i32
    %dma_wait3A_195 = tpu.memref_slice %arg3[%dma_wait3A_185, %dma_wait3A_186, %dma_wait3A_193, %dma_wait3A_194] : memref<32x128x2x80xi32, #tpu.memory_space<hbm>> -> memref<1x1x2x80xi32, #tpu.memory_space<hbm>>
    %dma_wait3A_196 = tpu.memref_squeeze %dma_wait3A_195 : memref<1x1x2x80xi32, #tpu.memory_space<hbm>> -> memref<2x80xi32, #tpu.memory_space<hbm>>
    %dma_wait3A_197 = tpu.memref_slice %arg11[%dma_wait3A_188] : memref<8x!tpu.dma_semaphore, #tpu.memory_space<semaphore_mem>> -> memref<1x!tpu.dma_semaphore, #tpu.memory_space<semaphore_mem>>
    %dma_wait3A_198 = tpu.memref_squeeze %dma_wait3A_197 : memref<1x!tpu.dma_semaphore, #tpu.memory_space<semaphore_mem>> -> memref<!tpu.dma_semaphore, #tpu.memory_space<semaphore_mem>>
    %dma_wait3A_199 = arith.constant 0 : i32
    %dma_wait3A_200 = arith.constant 0 : i32
    %dma_wait3A_201 = tpu.memref_slice %arg6[%dma_wait3A_187, %dma_wait3A_199, %dma_wait3A_200] : memref<8x2x80xi32, #tpu.memory_space<vmem>> -> memref<1x2x80xi32, #tpu.memory_space<vmem>>
    %dma_wait3A_202 = tpu.memref_squeeze %dma_wait3A_201 : memref<1x2x80xi32, #tpu.memory_space<vmem>> -> memref<2x80xi32, #tpu.memory_space<vmem>>
    %dma_wait3A_203 = arith.constant 0 : i32
    %dma_wait3A_204 = arith.constant 0 : i32
    %dma_wait3A_205 = tpu.memref_slice %arg3[%dma_wait3A_185, %dma_wait3A_186, %dma_wait3A_203, %dma_wait3A_204] : memref<32x128x2x80xi32, #tpu.memory_space<hbm>> -> memref<1x1x2x80xi32, #tpu.memory_space<hbm>>
    %dma_wait3A_206 = tpu.memref_squeeze %dma_wait3A_205 : memref<1x1x2x80xi32, #tpu.memory_space<hbm>> -> memref<2x80xi32, #tpu.memory_space<hbm>>
    tpu.wait_dma2 semaphore(%dma_wait3A_198 : memref<!tpu.dma_semaphore, #tpu.memory_space<semaphore_mem>>) src(%dma_wait3A_206 : memref<2x80xi32, #tpu.memory_space<hbm>>) dst(%dma_wait3A_202 : memref<2x80xi32, #tpu.memory_space<vmem>>)
    %dma_start3A_207 = arith.constant 2 : i32
    %dma_start3A_208 = arith.constant 0 : i32
    %dma_start3A_209 = arith.constant 2 : i32
    %dma_start3A_210 = arith.constant 2 : i32
    %dma_start3A_211 = arith.constant 0 : i32
    %dma_start3A_212 = arith.constant 0 : i32
    %dma_start3A_213 = tpu.memref_slice %arg7[%dma_start3A_209, %dma_start3A_211, %dma_start3A_212] : memref<4x80x128xf32, #tpu.memory_space<vmem>> -> memref<1x80x128xf32, #tpu.memory_space<vmem>>
    %dma_start3A_214 = tpu.memref_squeeze %dma_start3A_213 : memref<1x80x128xf32, #tpu.memory_space<vmem>> -> memref<80x128xf32, #tpu.memory_space<vmem>>
    %dma_start3A_215 = arith.constant 0 : i32
    %dma_start3A_216 = tpu.memref_slice %arg6[%dma_start3A_207, %dma_start3A_208, %dma_start3A_215] : memref<8x2x80xi32, #tpu.memory_space<vmem>> -> memref<1x1x80xi32, #tpu.memory_space<vmem>>
    %dma_start3A_217 = tpu.memref_squeeze %dma_start3A_216 : memref<1x1x80xi32, #tpu.memory_space<vmem>> -> memref<80xi32, #tpu.memory_space<vmem>>
    %dma_start3A_218 = arith.constant 0 : i32
    %dma_start3A_219 = arith.constant 0 : i32
    %dma_start3A_220 = tpu.memref_slice %arg2[%dma_start3A_218, %dma_start3A_219] : memref<20000x128xf32, #tpu.memory_space<hbm>> -> memref<20000x128xf32, #tpu.memory_space<hbm>>
    %dma_start3A_221 = tpu.memref_slice %arg9[%dma_start3A_210] : memref<4x!tpu.dma_semaphore, #tpu.memory_space<semaphore_mem>> -> memref<1x!tpu.dma_semaphore, #tpu.memory_space<semaphore_mem>>
    %dma_start3A_222 = tpu.memref_squeeze %dma_start3A_221 : memref<1x!tpu.dma_semaphore, #tpu.memory_space<semaphore_mem>> -> memref<!tpu.dma_semaphore, #tpu.memory_space<semaphore_mem>>
    tpu.enqueue_indirect_dma source(%dma_start3A_220 : memref<20000x128xf32, #tpu.memory_space<hbm>>) target(%dma_start3A_214 : memref<80x128xf32, #tpu.memory_space<vmem>>) offsets(%dma_start3A_217 : memref<80xi32, #tpu.memory_space<vmem>>) semaphore(%dma_start3A_222 : memref<!tpu.dma_semaphore, #tpu.memory_space<semaphore_mem>>)
    %scan3A_223 = arith.constant 0 : i32
    %scan3A_224 = arith.constant 0 : i32
    %scan3A_225 = arith.constant 8 : i32
    %scan3A_226 = arith.addi %scan3A_224, %scan3A_225 : i32
    %scan3A_227 = arith.constant 1 : i32
    scf.for %scan3A_350 = %scan3A_224 to %scan3A_226 step %scan3A_227  : i32 {
      %dma_wait3A_351 = arith.constant 0 : i32
      %dma_wait3A_352 = arith.constant 0 : i32
      %dma_wait3A_353 = arith.constant 0 : i32
      %dma_wait3A_354 = tpu.memref_slice %arg7[%dma_wait3A_351, %dma_wait3A_352, %dma_wait3A_353] : memref<4x80x128xf32, #tpu.memory_space<vmem>> -> memref<1x80x128xf32, #tpu.memory_space<vmem>>
      %dma_wait3A_355 = tpu.memref_squeeze %dma_wait3A_354 : memref<1x80x128xf32, #tpu.memory_space<vmem>> -> memref<80x128xf32, #tpu.memory_space<vmem>>
      %dma_wait3A_356 = arith.constant 0 : i32
      %dma_wait3A_357 = arith.constant 0 : i32
      %dma_wait3A_358 = tpu.memref_slice %arg8[%dma_wait3A_356, %dma_wait3A_357] : memref<10000x128xf32, #tpu.memory_space<vmem_shared>> -> memref<80x128xf32, #tpu.memory_space<vmem_shared>>
      %dma_wait3A_359 = arith.constant 0 : i32
      %dma_wait3A_360 = arith.constant 0 : i32
      %dma_wait3A_361 = tpu.memref_slice %arg8[%dma_wait3A_359, %dma_wait3A_360] : memref<10000x128xf32, #tpu.memory_space<vmem_shared>> -> memref<80x128xf32, #tpu.memory_space<vmem_shared>>
      %dma_wait3A_362 = arith.constant 0 : i32
      %dma_wait3A_363 = arith.constant 0 : i32
      %dma_wait3A_364 = tpu.memref_slice %arg7[%dma_wait3A_351, %dma_wait3A_362, %dma_wait3A_363] : memref<4x80x128xf32, #tpu.memory_space<vmem>> -> memref<1x80x128xf32, #tpu.memory_space<vmem>>
      %dma_wait3A_365 = tpu.memref_squeeze %dma_wait3A_364 : memref<1x80x128xf32, #tpu.memory_space<vmem>> -> memref<80x128xf32, #tpu.memory_space<vmem>>
      tpu.wait_dma2 semaphore(%arg13 : memref<!tpu.dma_semaphore, #tpu.memory_space<semaphore_mem>>) src(%dma_wait3A_365 : memref<80x128xf32, #tpu.memory_space<vmem>>) dst(%dma_wait3A_361 : memref<80x128xf32, #tpu.memory_space<vmem_shared>>)
    }
    %scan3A_228 = arith.constant 8 : i32
    %barrier3A = arith.constant 0 : index
    tpu.barrier barrier_id(%barrier3A)
    %scan3A_229 = arith.constant 0 : i32
    %scan3A_230 = arith.constant 0 : i32
    %scan3A_231 = arith.constant 125 : i32
    %scan3A_232 = arith.addi %scan3A_230, %scan3A_231 : i32
    %scan3A_233 = arith.constant 1 : i32
    scf.for %scan3A_350 = %scan3A_230 to %scan3A_232 step %scan3A_233  : i32 {
      %rem3A = arith.constant 4 : i32
      %rem3A_351 = arith.remsi %scan3A_350, %rem3A : i32
      %dma_wait3A_352 = arith.constant 0 : i32
      %dma_wait3A_353 = arith.constant 0 : i32
      %dma_wait3A_354 = tpu.memref_slice %arg7[%rem3A_351, %dma_wait3A_352, %dma_wait3A_353] : memref<4x80x128xf32, #tpu.memory_space<vmem>> -> memref<1x80x128xf32, #tpu.memory_space<vmem>>
      %dma_wait3A_355 = tpu.memref_squeeze %dma_wait3A_354 : memref<1x80x128xf32, #tpu.memory_space<vmem>> -> memref<80x128xf32, #tpu.memory_space<vmem>>
      %dma_wait3A_356 = arith.constant 0 : i32
      %dma_wait3A_357 = arith.constant 0 : i32
      %dma_wait3A_358 = tpu.memref_slice %arg2[%dma_wait3A_356, %dma_wait3A_357] : memref<20000x128xf32, #tpu.memory_space<hbm>> -> memref<80x128xf32, #tpu.memory_space<hbm>>
      %dma_wait3A_359 = tpu.memref_slice %arg9[%rem3A_351] : memref<4x!tpu.dma_semaphore, #tpu.memory_space<semaphore_mem>> -> memref<1x!tpu.dma_semaphore, #tpu.memory_space<semaphore_mem>>
      %dma_wait3A_360 = tpu.memref_squeeze %dma_wait3A_359 : memref<1x!tpu.dma_semaphore, #tpu.memory_space<semaphore_mem>> -> memref<!tpu.dma_semaphore, #tpu.memory_space<semaphore_mem>>
      %dma_wait3A_361 = arith.constant 0 : i32
      %dma_wait3A_362 = arith.constant 0 : i32
      %dma_wait3A_363 = tpu.memref_slice %arg7[%rem3A_351, %dma_wait3A_361, %dma_wait3A_362] : memref<4x80x128xf32, #tpu.memory_space<vmem>> -> memref<1x80x128xf32, #tpu.memory_space<vmem>>
      %dma_wait3A_364 = tpu.memref_squeeze %dma_wait3A_363 : memref<1x80x128xf32, #tpu.memory_space<vmem>> -> memref<80x128xf32, #tpu.memory_space<vmem>>
      %dma_wait3A_365 = arith.constant 0 : i32
      %dma_wait3A_366 = arith.constant 0 : i32
      %dma_wait3A_367 = tpu.memref_slice %arg2[%dma_wait3A_365, %dma_wait3A_366] : memref<20000x128xf32, #tpu.memory_space<hbm>> -> memref<80x128xf32, #tpu.memory_space<hbm>>
      tpu.wait_dma2 semaphore(%dma_wait3A_360 : memref<!tpu.dma_semaphore, #tpu.memory_space<semaphore_mem>>) src(%dma_wait3A_367 : memref<80x128xf32, #tpu.memory_space<hbm>>) dst(%dma_wait3A_364 : memref<80x128xf32, #tpu.memory_space<vmem>>)
      %add3A_368 = arith.constant 3 : i32
      %add3A_369 = arith.addi %scan3A_350, %add3A_368 : i32
      %lt3A = arith.constant 125 : i32
      %lt3A_370 = arith.cmpi slt, %add3A_369, %lt3A : i32
      %convert_element_type3A = arith.extui %lt3A_370 : i1 to i32
      %cond3A = arith.constant 0 : i32
      %cond3A_371 = arith.cmpi ne, %convert_element_type3A, %cond3A : i32
      scf.if %cond3A_371 {
        %rem3A_394 = arith.constant 4 : i32
        %rem3A_395 = arith.remsi %add3A_369, %rem3A_394 : i32
        %ge3A = arith.constant 4 : i32
        %ge3A_396 = arith.cmpi sge, %add3A_369, %ge3A : i32
        %convert_element_type3A_397 = arith.extui %ge3A_396 : i1 to i32
        %cond3A_398 = arith.constant 0 : i32
        %cond3A_399 = arith.cmpi ne, %convert_element_type3A_397, %cond3A_398 : i32
        scf.if %cond3A_399 {
          %dma_wait3A_435 = arith.constant 0 : i32
          %dma_wait3A_436 = arith.constant 0 : i32
          %dma_wait3A_437 = arith.constant 0 : i32
          %dma_wait3A_438 = tpu.memref_slice %arg7[%dma_wait3A_435, %dma_wait3A_436, %dma_wait3A_437] : memref<4x80x128xf32, #tpu.memory_space<vmem>> -> memref<1x80x128xf32, #tpu.memory_space<vmem>>
          %dma_wait3A_439 = tpu.memref_squeeze %dma_wait3A_438 : memref<1x80x128xf32, #tpu.memory_space<vmem>> -> memref<80x128xf32, #tpu.memory_space<vmem>>
          %dma_wait3A_440 = arith.constant 0 : i32
          %dma_wait3A_441 = arith.constant 0 : i32
          %dma_wait3A_442 = tpu.memref_slice %arg8[%dma_wait3A_440, %dma_wait3A_441] : memref<10000x128xf32, #tpu.memory_space<vmem_shared>> -> memref<80x128xf32, #tpu.memory_space<vmem_shared>>
          %dma_wait3A_443 = tpu.memref_slice %arg10[%rem3A_395] : memref<4x!tpu.dma_semaphore, #tpu.memory_space<semaphore_mem>> -> memref<1x!tpu.dma_semaphore, #tpu.memory_space<semaphore_mem>>
          %dma_wait3A_444 = tpu.memref_squeeze %dma_wait3A_443 : memref<1x!tpu.dma_semaphore, #tpu.memory_space<semaphore_mem>> -> memref<!tpu.dma_semaphore, #tpu.memory_space<semaphore_mem>>
          %dma_wait3A_445 = arith.constant 0 : i32
          %dma_wait3A_446 = arith.constant 0 : i32
          %dma_wait3A_447 = tpu.memref_slice %arg8[%dma_wait3A_445, %dma_wait3A_446] : memref<10000x128xf32, #tpu.memory_space<vmem_shared>> -> memref<80x128xf32, #tpu.memory_space<vmem_shared>>
          %dma_wait3A_448 = arith.constant 0 : i32
          %dma_wait3A_449 = arith.constant 0 : i32
          %dma_wait3A_450 = tpu.memref_slice %arg7[%dma_wait3A_435, %dma_wait3A_448, %dma_wait3A_449] : memref<4x80x128xf32, #tpu.memory_space<vmem>> -> memref<1x80x128xf32, #tpu.memory_space<vmem>>
          %dma_wait3A_451 = tpu.memref_squeeze %dma_wait3A_450 : memref<1x80x128xf32, #tpu.memory_space<vmem>> -> memref<80x128xf32, #tpu.memory_space<vmem>>
          tpu.wait_dma2 semaphore(%dma_wait3A_444 : memref<!tpu.dma_semaphore, #tpu.memory_space<semaphore_mem>>) src(%dma_wait3A_451 : memref<80x128xf32, #tpu.memory_space<vmem>>) dst(%dma_wait3A_447 : memref<80x128xf32, #tpu.memory_space<vmem_shared>>)
        } else {
        }
        %rem3A_400 = arith.constant 8 : i32
        %rem3A_401 = arith.remsi %add3A_369, %rem3A_400 : i32
        %dma_wait3A_402 = arith.constant 0 : i32
        %dma_wait3A_403 = arith.constant 0 : i32
        %dma_wait3A_404 = arith.constant 0 : i32
        %dma_wait3A_405 = arith.constant 0 : i32
        %dma_wait3A_406 = tpu.memref_slice %arg6[%rem3A_401, %dma_wait3A_404, %dma_wait3A_405] : memref<8x2x80xi32, #tpu.memory_space<vmem>> -> memref<1x2x80xi32, #tpu.memory_space<vmem>>
        %dma_wait3A_407 = tpu.memref_squeeze %dma_wait3A_406 : memref<1x2x80xi32, #tpu.memory_space<vmem>> -> memref<2x80xi32, #tpu.memory_space<vmem>>
        %dma_wait3A_408 = arith.constant 0 : i32
        %dma_wait3A_409 = arith.constant 0 : i32
        %dma_wait3A_410 = tpu.memref_slice %arg3[%dma_wait3A_402, %dma_wait3A_403, %dma_wait3A_408, %dma_wait3A_409] : memref<32x128x2x80xi32, #tpu.memory_space<hbm>> -> memref<1x1x2x80xi32, #tpu.memory_space<hbm>>
        %dma_wait3A_411 = tpu.memref_squeeze %dma_wait3A_410 : memref<1x1x2x80xi32, #tpu.memory_space<hbm>> -> memref<2x80xi32, #tpu.memory_space<hbm>>
        %dma_wait3A_412 = tpu.memref_slice %arg11[%rem3A_401] : memref<8x!tpu.dma_semaphore, #tpu.memory_space<semaphore_mem>> -> memref<1x!tpu.dma_semaphore, #tpu.memory_space<semaphore_mem>>
        %dma_wait3A_413 = tpu.memref_squeeze %dma_wait3A_412 : memref<1x!tpu.dma_semaphore, #tpu.memory_space<semaphore_mem>> -> memref<!tpu.dma_semaphore, #tpu.memory_space<semaphore_mem>>
        %dma_wait3A_414 = arith.constant 0 : i32
        %dma_wait3A_415 = arith.constant 0 : i32
        %dma_wait3A_416 = tpu.memref_slice %arg6[%rem3A_401, %dma_wait3A_414, %dma_wait3A_415] : memref<8x2x80xi32, #tpu.memory_space<vmem>> -> memref<1x2x80xi32, #tpu.memory_space<vmem>>
        %dma_wait3A_417 = tpu.memref_squeeze %dma_wait3A_416 : memref<1x2x80xi32, #tpu.memory_space<vmem>> -> memref<2x80xi32, #tpu.memory_space<vmem>>
        %dma_wait3A_418 = arith.constant 0 : i32
        %dma_wait3A_419 = arith.constant 0 : i32
        %dma_wait3A_420 = tpu.memref_slice %arg3[%dma_wait3A_402, %dma_wait3A_403, %dma_wait3A_418, %dma_wait3A_419] : memref<32x128x2x80xi32, #tpu.memory_space<hbm>> -> memref<1x1x2x80xi32, #tpu.memory_space<hbm>>
        %dma_wait3A_421 = tpu.memref_squeeze %dma_wait3A_420 : memref<1x1x2x80xi32, #tpu.memory_space<hbm>> -> memref<2x80xi32, #tpu.memory_space<hbm>>
        tpu.wait_dma2 semaphore(%dma_wait3A_413 : memref<!tpu.dma_semaphore, #tpu.memory_space<semaphore_mem>>) src(%dma_wait3A_421 : memref<2x80xi32, #tpu.memory_space<hbm>>) dst(%dma_wait3A_417 : memref<2x80xi32, #tpu.memory_space<vmem>>)
        %dma_start3A_422 = arith.constant 0 : i32
        %dma_start3A_423 = arith.constant 0 : i32
        %dma_start3A_424 = arith.constant 0 : i32
        %dma_start3A_425 = tpu.memref_slice %arg7[%rem3A_395, %dma_start3A_423, %dma_start3A_424] : memref<4x80x128xf32, #tpu.memory_space<vmem>> -> memref<1x80x128xf32, #tpu.memory_space<vmem>>
        %dma_start3A_426 = tpu.memref_squeeze %dma_start3A_425 : memref<1x80x128xf32, #tpu.memory_space<vmem>> -> memref<80x128xf32, #tpu.memory_space<vmem>>
        %dma_start3A_427 = arith.constant 0 : i32
        %dma_start3A_428 = tpu.memref_slice %arg6[%rem3A_401, %dma_start3A_422, %dma_start3A_427] : memref<8x2x80xi32, #tpu.memory_space<vmem>> -> memref<1x1x80xi32, #tpu.memory_space<vmem>>
        %dma_start3A_429 = tpu.memref_squeeze %dma_start3A_428 : memref<1x1x80xi32, #tpu.memory_space<vmem>> -> memref<80xi32, #tpu.memory_space<vmem>>
        %dma_start3A_430 = arith.constant 0 : i32
        %dma_start3A_431 = arith.constant 0 : i32
        %dma_start3A_432 = tpu.memref_slice %arg2[%dma_start3A_430, %dma_start3A_431] : memref<20000x128xf32, #tpu.memory_space<hbm>> -> memref<20000x128xf32, #tpu.memory_space<hbm>>
        %dma_start3A_433 = tpu.memref_slice %arg9[%rem3A_395] : memref<4x!tpu.dma_semaphore, #tpu.memory_space<semaphore_mem>> -> memref<1x!tpu.dma_semaphore, #tpu.memory_space<semaphore_mem>>
        %dma_start3A_434 = tpu.memref_squeeze %dma_start3A_433 : memref<1x!tpu.dma_semaphore, #tpu.memory_space<semaphore_mem>> -> memref<!tpu.dma_semaphore, #tpu.memory_space<semaphore_mem>>
        tpu.enqueue_indirect_dma source(%dma_start3A_432 : memref<20000x128xf32, #tpu.memory_space<hbm>>) target(%dma_start3A_426 : memref<80x128xf32, #tpu.memory_space<vmem>>) offsets(%dma_start3A_429 : memref<80xi32, #tpu.memory_space<vmem>>) semaphore(%dma_start3A_434 : memref<!tpu.dma_semaphore, #tpu.memory_space<semaphore_mem>>)
      } else {
      }
      %rem3A_372 = arith.constant 8 : i32
      %rem3A_373 = arith.remsi %scan3A_350, %rem3A_372 : i32
      %dma_start3A_374 = arith.constant 1 : i32
      %dma_start3A_375 = arith.constant 0 : i32
      %dma_start3A_376 = arith.constant 0 : i32
      %dma_start3A_377 = tpu.memref_slice %arg7[%rem3A_351, %dma_start3A_375, %dma_start3A_376] : memref<4x80x128xf32, #tpu.memory_space<vmem>> -> memref<1x80x128xf32, #tpu.memory_space<vmem>>
      %dma_start3A_378 = tpu.memref_squeeze %dma_start3A_377 : memref<1x80x128xf32, #tpu.memory_space<vmem>> -> memref<80x128xf32, #tpu.memory_space<vmem>>
      %dma_start3A_379 = arith.constant 0 : i32
      %dma_start3A_380 = tpu.memref_slice %arg6[%rem3A_373, %dma_start3A_374, %dma_start3A_379] : memref<8x2x80xi32, #tpu.memory_space<vmem>> -> memref<1x1x80xi32, #tpu.memory_space<vmem>>
      %dma_start3A_381 = tpu.memref_squeeze %dma_start3A_380 : memref<1x1x80xi32, #tpu.memory_space<vmem>> -> memref<80xi32, #tpu.memory_space<vmem>>
      %dma_start3A_382 = arith.constant 0 : i32
      %dma_start3A_383 = arith.constant 0 : i32
      %dma_start3A_384 = tpu.memref_slice %arg8[%dma_start3A_382, %dma_start3A_383] : memref<10000x128xf32, #tpu.memory_space<vmem_shared>> -> memref<10000x128xf32, #tpu.memory_space<vmem_shared>>
      %dma_start3A_385 = tpu.memref_slice %arg10[%rem3A_351] : memref<4x!tpu.dma_semaphore, #tpu.memory_space<semaphore_mem>> -> memref<1x!tpu.dma_semaphore, #tpu.memory_space<semaphore_mem>>
      %dma_start3A_386 = tpu.memref_squeeze %dma_start3A_385 : memref<1x!tpu.dma_semaphore, #tpu.memory_space<semaphore_mem>> -> memref<!tpu.dma_semaphore, #tpu.memory_space<semaphore_mem>>
      tpu.enqueue_indirect_dma source(%dma_start3A_378 : memref<80x128xf32, #tpu.memory_space<vmem>>) target(%dma_start3A_384 : memref<10000x128xf32, #tpu.memory_space<vmem_shared>>) offsets(%dma_start3A_381 : memref<80xi32, #tpu.memory_space<vmem>>) semaphore(%dma_start3A_386 : memref<!tpu.dma_semaphore, #tpu.memory_space<semaphore_mem>>) {add = true}
      %add3A_387 = arith.constant 5 : i32
      %add3A_388 = arith.addi %scan3A_350, %add3A_387 : i32
      %lt3A_389 = arith.constant 125 : i32
      %lt3A_390 = arith.cmpi slt, %add3A_388, %lt3A_389 : i32
      %convert_element_type3A_391 = arith.extui %lt3A_390 : i1 to i32
      %cond3A_392 = arith.constant 0 : i32
      %cond3A_393 = arith.cmpi ne, %convert_element_type3A_391, %cond3A_392 : i32
      scf.if %cond3A_393 {
        %add3A_394 = arith.constant 5 : i32
        %add3A_395 = arith.addi %scan3A_350, %add3A_394 : i32
        %rem3A_396 = arith.constant 8 : i32
        %rem3A_397 = arith.remsi %add3A_395, %rem3A_396 : i32
        %add3A_398 = arith.constant 5 : i32
        %add3A_399 = arith.addi %scan3A_350, %add3A_398 : i32
        %dma_start3A_400 = arith.constant 0 : i32
        %dma_start3A_401 = arith.constant 0 : i32
        %dma_start3A_402 = tpu.memref_slice %arg6[%rem3A_397, %dma_start3A_400, %dma_start3A_401] : memref<8x2x80xi32, #tpu.memory_space<vmem>> -> memref<1x2x80xi32, #tpu.memory_space<vmem>>
        %dma_start3A_403 = tpu.memref_squeeze %dma_start3A_402 : memref<1x2x80xi32, #tpu.memory_space<vmem>> -> memref<2x80xi32, #tpu.memory_space<vmem>>
        %dma_start3A_404 = arith.constant 0 : i32
        %dma_start3A_405 = arith.constant 0 : i32
        %dma_start3A_406 = tpu.memref_slice %arg3[%add3A, %add3A_399, %dma_start3A_404, %dma_start3A_405] : memref<32x128x2x80xi32, #tpu.memory_space<hbm>> -> memref<1x1x2x80xi32, #tpu.memory_space<hbm>>
        %dma_start3A_407 = tpu.memref_squeeze %dma_start3A_406 : memref<1x1x2x80xi32, #tpu.memory_space<hbm>> -> memref<2x80xi32, #tpu.memory_space<hbm>>
        %dma_start3A_408 = tpu.memref_slice %arg11[%rem3A_397] : memref<8x!tpu.dma_semaphore, #tpu.memory_space<semaphore_mem>> -> memref<1x!tpu.dma_semaphore, #tpu.memory_space<semaphore_mem>>
        %dma_start3A_409 = tpu.memref_squeeze %dma_start3A_408 : memref<1x!tpu.dma_semaphore, #tpu.memory_space<semaphore_mem>> -> memref<!tpu.dma_semaphore, #tpu.memory_space<semaphore_mem>>
        %dma_start3A_410 = arith.constant 0 : i32
        %dma_start3A_411 = arith.constant 0 : i32
        %dma_start3A_412 = tpu.memref_slice %arg6[%rem3A_397, %dma_start3A_410, %dma_start3A_411] : memref<8x2x80xi32, #tpu.memory_space<vmem>> -> memref<1x2x80xi32, #tpu.memory_space<vmem>>
        %dma_start3A_413 = tpu.memref_squeeze %dma_start3A_412 : memref<1x2x80xi32, #tpu.memory_space<vmem>> -> memref<2x80xi32, #tpu.memory_space<vmem>>
        %dma_start3A_414 = arith.constant 0 : i32
        %dma_start3A_415 = arith.constant 0 : i32
        %dma_start3A_416 = tpu.memref_slice %arg3[%add3A, %add3A_399, %dma_start3A_414, %dma_start3A_415] : memref<32x128x2x80xi32, #tpu.memory_space<hbm>> -> memref<1x1x2x80xi32, #tpu.memory_space<hbm>>
        %dma_start3A_417 = tpu.memref_squeeze %dma_start3A_416 : memref<1x1x2x80xi32, #tpu.memory_space<hbm>> -> memref<2x80xi32, #tpu.memory_space<hbm>>
        tpu.enqueue_dma source(%dma_start3A_417 : memref<2x80xi32, #tpu.memory_space<hbm>>) target(%dma_start3A_413 : memref<2x80xi32, #tpu.memory_space<vmem>>) target_semaphore(%dma_start3A_409 : memref<!tpu.dma_semaphore, #tpu.memory_space<semaphore_mem>>)
      } else {
      }
    }
    %scan3A_234 = arith.constant 125 : i32
    %dma_wait3A_235 = arith.constant 0 : i32
    %dma_wait3A_236 = arith.constant 0 : i32
    %dma_wait3A_237 = arith.constant 0 : i32
    %dma_wait3A_238 = arith.constant 0 : i32
    %dma_wait3A_239 = tpu.memref_slice %arg7[%dma_wait3A_235, %dma_wait3A_237, %dma_wait3A_238] : memref<4x80x128xf32, #tpu.memory_space<vmem>> -> memref<1x80x128xf32, #tpu.memory_space<vmem>>
    %dma_wait3A_240 = tpu.memref_squeeze %dma_wait3A_239 : memref<1x80x128xf32, #tpu.memory_space<vmem>> -> memref<80x128xf32, #tpu.memory_space<vmem>>
    %dma_wait3A_241 = arith.constant 0 : i32
    %dma_wait3A_242 = arith.constant 0 : i32
    %dma_wait3A_243 = tpu.memref_slice %arg8[%dma_wait3A_241, %dma_wait3A_242] : memref<10000x128xf32, #tpu.memory_space<vmem_shared>> -> memref<80x128xf32, #tpu.memory_space<vmem_shared>>
    %dma_wait3A_244 = tpu.memref_slice %arg10[%dma_wait3A_236] : memref<4x!tpu.dma_semaphore, #tpu.memory_space<semaphore_mem>> -> memref<1x!tpu.dma_semaphore, #tpu.memory_space<semaphore_mem>>
    %dma_wait3A_245 = tpu.memref_squeeze %dma_wait3A_244 : memref<1x!tpu.dma_semaphore, #tpu.memory_space<semaphore_mem>> -> memref<!tpu.dma_semaphore, #tpu.memory_space<semaphore_mem>>
    %dma_wait3A_246 = arith.constant 0 : i32
    %dma_wait3A_247 = arith.constant 0 : i32
    %dma_wait3A_248 = tpu.memref_slice %arg8[%dma_wait3A_246, %dma_wait3A_247] : memref<10000x128xf32, #tpu.memory_space<vmem_shared>> -> memref<80x128xf32, #tpu.memory_space<vmem_shared>>
    %dma_wait3A_249 = arith.constant 0 : i32
    %dma_wait3A_250 = arith.constant 0 : i32
    %dma_wait3A_251 = tpu.memref_slice %arg7[%dma_wait3A_235, %dma_wait3A_249, %dma_wait3A_250] : memref<4x80x128xf32, #tpu.memory_space<vmem>> -> memref<1x80x128xf32, #tpu.memory_space<vmem>>
    %dma_wait3A_252 = tpu.memref_squeeze %dma_wait3A_251 : memref<1x80x128xf32, #tpu.memory_space<vmem>> -> memref<80x128xf32, #tpu.memory_space<vmem>>
    tpu.wait_dma2 semaphore(%dma_wait3A_245 : memref<!tpu.dma_semaphore, #tpu.memory_space<semaphore_mem>>) src(%dma_wait3A_252 : memref<80x128xf32, #tpu.memory_space<vmem>>) dst(%dma_wait3A_248 : memref<80x128xf32, #tpu.memory_space<vmem_shared>>)
    %dma_wait3A_253 = arith.constant 0 : i32
    %dma_wait3A_254 = arith.constant 1 : i32
    %dma_wait3A_255 = arith.constant 0 : i32
    %dma_wait3A_256 = arith.constant 0 : i32
    %dma_wait3A_257 = tpu.memref_slice %arg7[%dma_wait3A_253, %dma_wait3A_255, %dma_wait3A_256] : memref<4x80x128xf32, #tpu.memory_space<vmem>> -> memref<1x80x128xf32, #tpu.memory_space<vmem>>
    %dma_wait3A_258 = tpu.memref_squeeze %dma_wait3A_257 : memref<1x80x128xf32, #tpu.memory_space<vmem>> -> memref<80x128xf32, #tpu.memory_space<vmem>>
    %dma_wait3A_259 = arith.constant 0 : i32
    %dma_wait3A_260 = arith.constant 0 : i32
    %dma_wait3A_261 = tpu.memref_slice %arg8[%dma_wait3A_259, %dma_wait3A_260] : memref<10000x128xf32, #tpu.memory_space<vmem_shared>> -> memref<80x128xf32, #tpu.memory_space<vmem_shared>>
    %dma_wait3A_262 = tpu.memref_slice %arg10[%dma_wait3A_254] : memref<4x!tpu.dma_semaphore, #tpu.memory_space<semaphore_mem>> -> memref<1x!tpu.dma_semaphore, #tpu.memory_space<semaphore_mem>>
    %dma_wait3A_263 = tpu.memref_squeeze %dma_wait3A_262 : memref<1x!tpu.dma_semaphore, #tpu.memory_space<semaphore_mem>> -> memref<!tpu.dma_semaphore, #tpu.memory_space<semaphore_mem>>
    %dma_wait3A_264 = arith.constant 0 : i32
    %dma_wait3A_265 = arith.constant 0 : i32
    %dma_wait3A_266 = tpu.memref_slice %arg8[%dma_wait3A_264, %dma_wait3A_265] : memref<10000x128xf32, #tpu.memory_space<vmem_shared>> -> memref<80x128xf32, #tpu.memory_space<vmem_shared>>
    %dma_wait3A_267 = arith.constant 0 : i32
    %dma_wait3A_268 = arith.constant 0 : i32
    %dma_wait3A_269 = tpu.memref_slice %arg7[%dma_wait3A_253, %dma_wait3A_267, %dma_wait3A_268] : memref<4x80x128xf32, #tpu.memory_space<vmem>> -> memref<1x80x128xf32, #tpu.memory_space<vmem>>
    %dma_wait3A_270 = tpu.memref_squeeze %dma_wait3A_269 : memref<1x80x128xf32, #tpu.memory_space<vmem>> -> memref<80x128xf32, #tpu.memory_space<vmem>>
    tpu.wait_dma2 semaphore(%dma_wait3A_263 : memref<!tpu.dma_semaphore, #tpu.memory_space<semaphore_mem>>) src(%dma_wait3A_270 : memref<80x128xf32, #tpu.memory_space<vmem>>) dst(%dma_wait3A_266 : memref<80x128xf32, #tpu.memory_space<vmem_shared>>)
    %dma_wait3A_271 = arith.constant 0 : i32
    %dma_wait3A_272 = arith.constant 2 : i32
    %dma_wait3A_273 = arith.constant 0 : i32
    %dma_wait3A_274 = arith.constant 0 : i32
    %dma_wait3A_275 = tpu.memref_slice %arg7[%dma_wait3A_271, %dma_wait3A_273, %dma_wait3A_274] : memref<4x80x128xf32, #tpu.memory_space<vmem>> -> memref<1x80x128xf32, #tpu.memory_space<vmem>>
    %dma_wait3A_276 = tpu.memref_squeeze %dma_wait3A_275 : memref<1x80x128xf32, #tpu.memory_space<vmem>> -> memref<80x128xf32, #tpu.memory_space<vmem>>
    %dma_wait3A_277 = arith.constant 0 : i32
    %dma_wait3A_278 = arith.constant 0 : i32
    %dma_wait3A_279 = tpu.memref_slice %arg8[%dma_wait3A_277, %dma_wait3A_278] : memref<10000x128xf32, #tpu.memory_space<vmem_shared>> -> memref<80x128xf32, #tpu.memory_space<vmem_shared>>
    %dma_wait3A_280 = tpu.memref_slice %arg10[%dma_wait3A_272] : memref<4x!tpu.dma_semaphore, #tpu.memory_space<semaphore_mem>> -> memref<1x!tpu.dma_semaphore, #tpu.memory_space<semaphore_mem>>
    %dma_wait3A_281 = tpu.memref_squeeze %dma_wait3A_280 : memref<1x!tpu.dma_semaphore, #tpu.memory_space<semaphore_mem>> -> memref<!tpu.dma_semaphore, #tpu.memory_space<semaphore_mem>>
    %dma_wait3A_282 = arith.constant 0 : i32
    %dma_wait3A_283 = arith.constant 0 : i32
    %dma_wait3A_284 = tpu.memref_slice %arg8[%dma_wait3A_282, %dma_wait3A_283] : memref<10000x128xf32, #tpu.memory_space<vmem_shared>> -> memref<80x128xf32, #tpu.memory_space<vmem_shared>>
    %dma_wait3A_285 = arith.constant 0 : i32
    %dma_wait3A_286 = arith.constant 0 : i32
    %dma_wait3A_287 = tpu.memref_slice %arg7[%dma_wait3A_271, %dma_wait3A_285, %dma_wait3A_286] : memref<4x80x128xf32, #tpu.memory_space<vmem>> -> memref<1x80x128xf32, #tpu.memory_space<vmem>>
    %dma_wait3A_288 = tpu.memref_squeeze %dma_wait3A_287 : memref<1x80x128xf32, #tpu.memory_space<vmem>> -> memref<80x128xf32, #tpu.memory_space<vmem>>
    tpu.wait_dma2 semaphore(%dma_wait3A_281 : memref<!tpu.dma_semaphore, #tpu.memory_space<semaphore_mem>>) src(%dma_wait3A_288 : memref<80x128xf32, #tpu.memory_space<vmem>>) dst(%dma_wait3A_284 : memref<80x128xf32, #tpu.memory_space<vmem_shared>>)
    %dma_wait3A_289 = arith.constant 0 : i32
    %dma_wait3A_290 = arith.constant 3 : i32
    %dma_wait3A_291 = arith.constant 0 : i32
    %dma_wait3A_292 = arith.constant 0 : i32
    %dma_wait3A_293 = tpu.memref_slice %arg7[%dma_wait3A_289, %dma_wait3A_291, %dma_wait3A_292] : memref<4x80x128xf32, #tpu.memory_space<vmem>> -> memref<1x80x128xf32, #tpu.memory_space<vmem>>
    %dma_wait3A_294 = tpu.memref_squeeze %dma_wait3A_293 : memref<1x80x128xf32, #tpu.memory_space<vmem>> -> memref<80x128xf32, #tpu.memory_space<vmem>>
    %dma_wait3A_295 = arith.constant 0 : i32
    %dma_wait3A_296 = arith.constant 0 : i32
    %dma_wait3A_297 = tpu.memref_slice %arg8[%dma_wait3A_295, %dma_wait3A_296] : memref<10000x128xf32, #tpu.memory_space<vmem_shared>> -> memref<80x128xf32, #tpu.memory_space<vmem_shared>>
    %dma_wait3A_298 = tpu.memref_slice %arg10[%dma_wait3A_290] : memref<4x!tpu.dma_semaphore, #tpu.memory_space<semaphore_mem>> -> memref<1x!tpu.dma_semaphore, #tpu.memory_space<semaphore_mem>>
    %dma_wait3A_299 = tpu.memref_squeeze %dma_wait3A_298 : memref<1x!tpu.dma_semaphore, #tpu.memory_space<semaphore_mem>> -> memref<!tpu.dma_semaphore, #tpu.memory_space<semaphore_mem>>
    %dma_wait3A_300 = arith.constant 0 : i32
    %dma_wait3A_301 = arith.constant 0 : i32
    %dma_wait3A_302 = tpu.memref_slice %arg8[%dma_wait3A_300, %dma_wait3A_301] : memref<10000x128xf32, #tpu.memory_space<vmem_shared>> -> memref<80x128xf32, #tpu.memory_space<vmem_shared>>
    %dma_wait3A_303 = arith.constant 0 : i32
    %dma_wait3A_304 = arith.constant 0 : i32
    %dma_wait3A_305 = tpu.memref_slice %arg7[%dma_wait3A_289, %dma_wait3A_303, %dma_wait3A_304] : memref<4x80x128xf32, #tpu.memory_space<vmem>> -> memref<1x80x128xf32, #tpu.memory_space<vmem>>
    %dma_wait3A_306 = tpu.memref_squeeze %dma_wait3A_305 : memref<1x80x128xf32, #tpu.memory_space<vmem>> -> memref<80x128xf32, #tpu.memory_space<vmem>>
    tpu.wait_dma2 semaphore(%dma_wait3A_299 : memref<!tpu.dma_semaphore, #tpu.memory_space<semaphore_mem>>) src(%dma_wait3A_306 : memref<80x128xf32, #tpu.memory_space<vmem>>) dst(%dma_wait3A_302 : memref<80x128xf32, #tpu.memory_space<vmem_shared>>)
    %barrier3A_307 = arith.constant 0 : index
    tpu.barrier barrier_id(%barrier3A_307)
    %scan3A_308 = arith.constant 0 : i32
    %scan3A_309 = arith.constant 0 : i32
    %scan3A_310 = arith.constant 8 : i32
    %scan3A_311 = arith.addi %scan3A_309, %scan3A_310 : i32
    %scan3A_312 = arith.constant 1 : i32
    scf.for %scan3A_350 = %scan3A_309 to %scan3A_311 step %scan3A_312  : i32 {
      %mul3A_351 = arith.constant 8 : i32
      %mul3A_352 = arith.muli %arg1, %mul3A_351 : i32
      %add3A_353 = arith.addi %mul3A_352, %scan3A_350 : i32
      %min3A = arith.constant 124 : i32
      %min3A_354 = arith.minsi %add3A_353, %min3A : i32
      %rem3A = arith.constant 2 : i32
      %rem3A_355 = arith.remsi %scan3A_350, %rem3A : i32
      %ge3A = arith.constant 2 : i32
      %ge3A_356 = arith.cmpi sge, %scan3A_350, %ge3A : i32
      %convert_element_type3A = arith.extui %ge3A_356 : i1 to i32
      %cond3A = arith.constant 0 : i32
      %cond3A_357 = arith.cmpi ne, %convert_element_type3A, %cond3A : i32
      scf.if %cond3A_357 {
        %dma_wait3A_379 = arith.constant 0 : i32
        %dma_wait3A_380 = arith.constant 0 : i32
        %dma_wait3A_381 = arith.constant 0 : i32
        %dma_wait3A_382 = tpu.memref_slice %arg7[%dma_wait3A_379, %dma_wait3A_380, %dma_wait3A_381] : memref<4x80x128xf32, #tpu.memory_space<vmem>> -> memref<1x80x128xf32, #tpu.memory_space<vmem>>
        %dma_wait3A_383 = tpu.memref_squeeze %dma_wait3A_382 : memref<1x80x128xf32, #tpu.memory_space<vmem>> -> memref<80x128xf32, #tpu.memory_space<vmem>>
        %dma_wait3A_384 = arith.constant 0 : i32
        %dma_wait3A_385 = arith.constant 0 : i32
        %dma_wait3A_386 = tpu.memref_slice %arg5[%dma_wait3A_384, %dma_wait3A_385] : memref<20000x128xf32, #tpu.memory_space<hbm>> -> memref<80x128xf32, #tpu.memory_space<hbm>>
        %dma_wait3A_387 = tpu.memref_slice %arg12[%rem3A_355] : memref<2x!tpu.dma_semaphore, #tpu.memory_space<semaphore_mem>> -> memref<1x!tpu.dma_semaphore, #tpu.memory_space<semaphore_mem>>
        %dma_wait3A_388 = tpu.memref_squeeze %dma_wait3A_387 : memref<1x!tpu.dma_semaphore, #tpu.memory_space<semaphore_mem>> -> memref<!tpu.dma_semaphore, #tpu.memory_space<semaphore_mem>>
        %dma_wait3A_389 = arith.constant 0 : i32
        %dma_wait3A_390 = arith.constant 0 : i32
        %dma_wait3A_391 = tpu.memref_slice %arg5[%dma_wait3A_389, %dma_wait3A_390] : memref<20000x128xf32, #tpu.memory_space<hbm>> -> memref<80x128xf32, #tpu.memory_space<hbm>>
        %dma_wait3A_392 = arith.constant 0 : i32
        %dma_wait3A_393 = arith.constant 0 : i32
        %dma_wait3A_394 = tpu.memref_slice %arg7[%dma_wait3A_379, %dma_wait3A_392, %dma_wait3A_393] : memref<4x80x128xf32, #tpu.memory_space<vmem>> -> memref<1x80x128xf32, #tpu.memory_space<vmem>>
        %dma_wait3A_395 = tpu.memref_squeeze %dma_wait3A_394 : memref<1x80x128xf32, #tpu.memory_space<vmem>> -> memref<80x128xf32, #tpu.memory_space<vmem>>
        tpu.wait_dma2 semaphore(%dma_wait3A_388 : memref<!tpu.dma_semaphore, #tpu.memory_space<semaphore_mem>>) src(%dma_wait3A_395 : memref<80x128xf32, #tpu.memory_space<vmem>>) dst(%dma_wait3A_391 : memref<80x128xf32, #tpu.memory_space<hbm>>)
      } else {
      }
      %mul3A_358 = arith.constant 80 : i32
      %mul3A_359 = arith.muli %min3A_354, %mul3A_358 : i32
      "tpu.region"() ({
        %run_scoped3A_379 = tpu.sem_alloc : memref<!tpu.dma_semaphore, #tpu.memory_space<semaphore_mem>>
        %dma_start3A_380 = arith.constant 0 : i32
        %dma_start3A_381 = arith.constant 0 : i32
        %dma_start3A_382 = tpu.memref_slice %arg7[%rem3A_355, %dma_start3A_380, %dma_start3A_381] : memref<4x80x128xf32, #tpu.memory_space<vmem>> -> memref<1x80x128xf32, #tpu.memory_space<vmem>>
        %dma_start3A_383 = tpu.memref_squeeze %dma_start3A_382 : memref<1x80x128xf32, #tpu.memory_space<vmem>> -> memref<80x128xf32, #tpu.memory_space<vmem>>
        %dma_start3A_384 = arith.constant 0 : i32
        %dma_start3A_385 = tpu.memref_slice %arg8[%mul3A_359, %dma_start3A_384] : memref<10000x128xf32, #tpu.memory_space<vmem_shared>> -> memref<80x128xf32, #tpu.memory_space<vmem_shared>>
        %dma_start3A_386 = arith.constant 0 : i32
        %dma_start3A_387 = arith.constant 0 : i32
        %dma_start3A_388 = tpu.memref_slice %arg7[%rem3A_355, %dma_start3A_386, %dma_start3A_387] : memref<4x80x128xf32, #tpu.memory_space<vmem>> -> memref<1x80x128xf32, #tpu.memory_space<vmem>>
        %dma_start3A_389 = tpu.memref_squeeze %dma_start3A_388 : memref<1x80x128xf32, #tpu.memory_space<vmem>> -> memref<80x128xf32, #tpu.memory_space<vmem>>
        %dma_start3A_390 = arith.constant 0 : i32
        %dma_start3A_391 = tpu.memref_slice %arg8[%mul3A_359, %dma_start3A_390] : memref<10000x128xf32, #tpu.memory_space<vmem_shared>> -> memref<80x128xf32, #tpu.memory_space<vmem_shared>>
        tpu.enqueue_dma source(%dma_start3A_391 : memref<80x128xf32, #tpu.memory_space<vmem_shared>>) target(%dma_start3A_389 : memref<80x128xf32, #tpu.memory_space<vmem>>) target_semaphore(%run_scoped3A_379 : memref<!tpu.dma_semaphore, #tpu.memory_space<semaphore_mem>>)
        %dma_wait3A_392 = arith.constant 0 : i32
        %dma_wait3A_393 = arith.constant 0 : i32
        %dma_wait3A_394 = tpu.memref_slice %arg7[%rem3A_355, %dma_wait3A_392, %dma_wait3A_393] : memref<4x80x128xf32, #tpu.memory_space<vmem>> -> memref<1x80x128xf32, #tpu.memory_space<vmem>>
        %dma_wait3A_395 = tpu.memref_squeeze %dma_wait3A_394 : memref<1x80x128xf32, #tpu.memory_space<vmem>> -> memref<80x128xf32, #tpu.memory_space<vmem>>
        %dma_wait3A_396 = arith.constant 0 : i32
        %dma_wait3A_397 = tpu.memref_slice %arg8[%mul3A_359, %dma_wait3A_396] : memref<10000x128xf32, #tpu.memory_space<vmem_shared>> -> memref<80x128xf32, #tpu.memory_space<vmem_shared>>
        %dma_wait3A_398 = arith.constant 0 : i32
        %dma_wait3A_399 = arith.constant 0 : i32
        %dma_wait3A_400 = tpu.memref_slice %arg7[%rem3A_355, %dma_wait3A_398, %dma_wait3A_399] : memref<4x80x128xf32, #tpu.memory_space<vmem>> -> memref<1x80x128xf32, #tpu.memory_space<vmem>>
        %dma_wait3A_401 = tpu.memref_squeeze %dma_wait3A_400 : memref<1x80x128xf32, #tpu.memory_space<vmem>> -> memref<80x128xf32, #tpu.memory_space<vmem>>
        %dma_wait3A_402 = arith.constant 0 : i32
        %dma_wait3A_403 = tpu.memref_slice %arg8[%mul3A_359, %dma_wait3A_402] : memref<10000x128xf32, #tpu.memory_space<vmem_shared>> -> memref<80x128xf32, #tpu.memory_space<vmem_shared>>
        tpu.wait_dma2 semaphore(%run_scoped3A_379 : memref<!tpu.dma_semaphore, #tpu.memory_space<semaphore_mem>>) src(%dma_wait3A_403 : memref<80x128xf32, #tpu.memory_space<vmem_shared>>) dst(%dma_wait3A_401 : memref<80x128xf32, #tpu.memory_space<vmem>>)
        tpu.yield
      }) : () -> ()
      %mul3A_360 = arith.constant 10000 : i32
      %mul3A_361 = arith.muli %arg0, %mul3A_360 : i32
      %mul3A_362 = arith.constant 80 : i32
      %mul3A_363 = arith.muli %min3A_354, %mul3A_362 : i32
      %add3A_364 = arith.addi %mul3A_361, %mul3A_363 : i32
      %dma_start3A_365 = arith.constant 0 : i32
      %dma_start3A_366 = arith.constant 0 : i32
      %dma_start3A_367 = tpu.memref_slice %arg7[%rem3A_355, %dma_start3A_365, %dma_start3A_366] : memref<4x80x128xf32, #tpu.memory_space<vmem>> -> memref<1x80x128xf32, #tpu.memory_space<vmem>>
      %dma_start3A_368 = tpu.memref_squeeze %dma_start3A_367 : memref<1x80x128xf32, #tpu.memory_space<vmem>> -> memref<80x128xf32, #tpu.memory_space<vmem>>
      %dma_start3A_369 = arith.constant 0 : i32
      %dma_start3A_370 = tpu.memref_slice %arg5[%add3A_364, %dma_start3A_369] : memref<20000x128xf32, #tpu.memory_space<hbm>> -> memref<80x128xf32, #tpu.memory_space<hbm>>
      %dma_start3A_371 = tpu.memref_slice %arg12[%rem3A_355] : memref<2x!tpu.dma_semaphore, #tpu.memory_space<semaphore_mem>> -> memref<1x!tpu.dma_semaphore, #tpu.memory_space<semaphore_mem>>
      %dma_start3A_372 = tpu.memref_squeeze %dma_start3A_371 : memref<1x!tpu.dma_semaphore, #tpu.memory_space<semaphore_mem>> -> memref<!tpu.dma_semaphore, #tpu.memory_space<semaphore_mem>>
      %dma_start3A_373 = arith.constant 0 : i32
      %dma_start3A_374 = tpu.memref_slice %arg5[%add3A_364, %dma_start3A_373] : memref<20000x128xf32, #tpu.memory_space<hbm>> -> memref<80x128xf32, #tpu.memory_space<hbm>>
      %dma_start3A_375 = arith.constant 0 : i32
      %dma_start3A_376 = arith.constant 0 : i32
      %dma_start3A_377 = tpu.memref_slice %arg7[%rem3A_355, %dma_start3A_375, %dma_start3A_376] : memref<4x80x128xf32, #tpu.memory_space<vmem>> -> memref<1x80x128xf32, #tpu.memory_space<vmem>>
      %dma_start3A_378 = tpu.memref_squeeze %dma_start3A_377 : memref<1x80x128xf32, #tpu.memory_space<vmem>> -> memref<80x128xf32, #tpu.memory_space<vmem>>
      tpu.enqueue_dma source(%dma_start3A_378 : memref<80x128xf32, #tpu.memory_space<vmem>>) target(%dma_start3A_374 : memref<80x128xf32, #tpu.memory_space<hbm>>) target_semaphore(%dma_start3A_372 : memref<!tpu.dma_semaphore, #tpu.memory_space<semaphore_mem>>)
    }
    %scan3A_313 = arith.constant 8 : i32
    %dma_wait3A_314 = arith.constant 0 : i32
    %dma_wait3A_315 = arith.constant 0 : i32
    %dma_wait3A_316 = arith.constant 0 : i32
    %dma_wait3A_317 = arith.constant 0 : i32
    %dma_wait3A_318 = tpu.memref_slice %arg7[%dma_wait3A_314, %dma_wait3A_316, %dma_wait3A_317] : memref<4x80x128xf32, #tpu.memory_space<vmem>> -> memref<1x80x128xf32, #tpu.memory_space<vmem>>
    %dma_wait3A_319 = tpu.memref_squeeze %dma_wait3A_318 : memref<1x80x128xf32, #tpu.memory_space<vmem>> -> memref<80x128xf32, #tpu.memory_space<vmem>>
    %dma_wait3A_320 = arith.constant 0 : i32
    %dma_wait3A_321 = arith.constant 0 : i32
    %dma_wait3A_322 = tpu.memref_slice %arg5[%dma_wait3A_320, %dma_wait3A_321] : memref<20000x128xf32, #tpu.memory_space<hbm>> -> memref<80x128xf32, #tpu.memory_space<hbm>>
    %dma_wait3A_323 = tpu.memref_slice %arg12[%dma_wait3A_315] : memref<2x!tpu.dma_semaphore, #tpu.memory_space<semaphore_mem>> -> memref<1x!tpu.dma_semaphore, #tpu.memory_space<semaphore_mem>>
    %dma_wait3A_324 = tpu.memref_squeeze %dma_wait3A_323 : memref<1x!tpu.dma_semaphore, #tpu.memory_space<semaphore_mem>> -> memref<!tpu.dma_semaphore, #tpu.memory_space<semaphore_mem>>
    %dma_wait3A_325 = arith.constant 0 : i32
    %dma_wait3A_326 = arith.constant 0 : i32
    %dma_wait3A_327 = tpu.memref_slice %arg5[%dma_wait3A_325, %dma_wait3A_326] : memref<20000x128xf32, #tpu.memory_space<hbm>> -> memref<80x128xf32, #tpu.memory_space<hbm>>
    %dma_wait3A_328 = arith.constant 0 : i32
    %dma_wait3A_329 = arith.constant 0 : i32
    %dma_wait3A_330 = tpu.memref_slice %arg7[%dma_wait3A_314, %dma_wait3A_328, %dma_wait3A_329] : memref<4x80x128xf32, #tpu.memory_space<vmem>> -> memref<1x80x128xf32, #tpu.memory_space<vmem>>
    %dma_wait3A_331 = tpu.memref_squeeze %dma_wait3A_330 : memref<1x80x128xf32, #tpu.memory_space<vmem>> -> memref<80x128xf32, #tpu.memory_space<vmem>>
    tpu.wait_dma2 semaphore(%dma_wait3A_324 : memref<!tpu.dma_semaphore, #tpu.memory_space<semaphore_mem>>) src(%dma_wait3A_331 : memref<80x128xf32, #tpu.memory_space<vmem>>) dst(%dma_wait3A_327 : memref<80x128xf32, #tpu.memory_space<hbm>>)
    %dma_wait3A_332 = arith.constant 0 : i32
    %dma_wait3A_333 = arith.constant 1 : i32
    %dma_wait3A_334 = arith.constant 0 : i32
    %dma_wait3A_335 = arith.constant 0 : i32
    %dma_wait3A_336 = tpu.memref_slice %arg7[%dma_wait3A_332, %dma_wait3A_334, %dma_wait3A_335] : memref<4x80x128xf32, #tpu.memory_space<vmem>> -> memref<1x80x128xf32, #tpu.memory_space<vmem>>
    %dma_wait3A_337 = tpu.memref_squeeze %dma_wait3A_336 : memref<1x80x128xf32, #tpu.memory_space<vmem>> -> memref<80x128xf32, #tpu.memory_space<vmem>>
    %dma_wait3A_338 = arith.constant 0 : i32
    %dma_wait3A_339 = arith.constant 0 : i32
    %dma_wait3A_340 = tpu.memref_slice %arg5[%dma_wait3A_338, %dma_wait3A_339] : memref<20000x128xf32, #tpu.memory_space<hbm>> -> memref<80x128xf32, #tpu.memory_space<hbm>>
    %dma_wait3A_341 = tpu.memref_slice %arg12[%dma_wait3A_333] : memref<2x!tpu.dma_semaphore, #tpu.memory_space<semaphore_mem>> -> memref<1x!tpu.dma_semaphore, #tpu.memory_space<semaphore_mem>>
    %dma_wait3A_342 = tpu.memref_squeeze %dma_wait3A_341 : memref<1x!tpu.dma_semaphore, #tpu.memory_space<semaphore_mem>> -> memref<!tpu.dma_semaphore, #tpu.memory_space<semaphore_mem>>
    %dma_wait3A_343 = arith.constant 0 : i32
    %dma_wait3A_344 = arith.constant 0 : i32
    %dma_wait3A_345 = tpu.memref_slice %arg5[%dma_wait3A_343, %dma_wait3A_344] : memref<20000x128xf32, #tpu.memory_space<hbm>> -> memref<80x128xf32, #tpu.memory_space<hbm>>
    %dma_wait3A_346 = arith.constant 0 : i32
    %dma_wait3A_347 = arith.constant 0 : i32
    %dma_wait3A_348 = tpu.memref_slice %arg7[%dma_wait3A_332, %dma_wait3A_346, %dma_wait3A_347] : memref<4x80x128xf32, #tpu.memory_space<vmem>> -> memref<1x80x128xf32, #tpu.memory_space<vmem>>
    %dma_wait3A_349 = tpu.memref_squeeze %dma_wait3A_348 : memref<1x80x128xf32, #tpu.memory_space<vmem>> -> memref<80x128xf32, #tpu.memory_space<vmem>>
    tpu.wait_dma2 semaphore(%dma_wait3A_342 : memref<!tpu.dma_semaphore, #tpu.memory_space<semaphore_mem>>) src(%dma_wait3A_349 : memref<80x128xf32, #tpu.memory_space<vmem>>) dst(%dma_wait3A_345 : memref<80x128xf32, #tpu.memory_space<hbm>>)
    return
  }
}

#map = affine_map<(d0, d1) -> (0, 0)>
#map1 = affine_map<(d0, d1) -> (0, 0, 0, 0)>
module attributes {stable_mosaic.version = 14 : i64} {
  func.func @k(%arg0: i32, %arg1: i32, %arg2: memref<20000x128xf32, #tpu.memory_space<hbm>>, %arg3: memref<32x128x2x80xi32, #tpu.memory_space<hbm>>, %arg4: memref<80x128xf32, #tpu.memory_space<hbm>>, %arg5: memref<20000x128xf32, #tpu.memory_space<hbm>>, %arg6: memref<8x2x80xi32, #tpu.memory_space<vmem>>, %arg7: memref<4x80x128xf32, #tpu.memory_space<vmem>>, %arg8: memref<10000x128xf32, #tpu.memory_space<vmem_shared>>, %arg9: memref<4x!tpu.dma_semaphore, #tpu.memory_space<semaphore_mem>>, %arg10: memref<4x!tpu.dma_semaphore, #tpu.memory_space<semaphore_mem>>, %arg11: memref<8x!tpu.dma_semaphore, #tpu.memory_space<semaphore_mem>>, %arg12: memref<2x!tpu.dma_semaphore, #tpu.memory_space<semaphore_mem>>, %arg13: memref<!tpu.dma_semaphore, #tpu.memory_space<semaphore_mem>>) attributes {dimension_semantics = [#tpu.dimension_semantics<core_parallel>, #tpu.dimension_semantics<subcore_parallel>], iteration_bounds = array<i64: 2, 16>, scalar_prefetch = 0 : i64, scratch_operands = 8 : i64, tpu.core_type = #tpu.core_type<sc_vector_subcore>, window_params = [{transform_indices = #map}, {transform_indices = #map1}, {transform_indices = #map}, {transform_indices = #map}]} {
    %mul3A = arith.constant 16 : i32
    %mul3A_0 = arith.muli %arg0, %mul3A : i32
    %add3A = arith.addi %mul3A_0, %arg1 : i32
    %run_scoped3A = arith.constant 3 : i32
    "tpu.region"() ({
      %run_scoped3A_350 = tpu.sem_alloc : memref<!tpu.dma_semaphore, #tpu.memory_space<semaphore_mem>>
      %dma_start3A_351 = arith.constant 0 : i32
      %dma_start3A_352 = arith.constant 0 : i32
      %dma_start3A_353 = tpu.memref_slice %arg7[%run_scoped3A, %dma_start3A_351, %dma_start3A_352] : memref<4x80x128xf32, #tpu.memory_space<vmem>> -> memref<1x80x128xf32, #tpu.memory_space<vmem>>
      %dma_start3A_354 = tpu.memref_squeeze %dma_start3A_353 : memref<1x80x128xf32, #tpu.memory_space<vmem>> -> memref<80x128xf32, #tpu.memory_space<vmem>>
      %dma_start3A_355 = arith.constant 0 : i32
      %dma_start3A_356 = arith.constant 0 : i32
      %dma_start3A_357 = tpu.memref_slice %arg7[%run_scoped3A, %dma_start3A_355, %dma_start3A_356] : memref<4x80x128xf32, #tpu.memory_space<vmem>> -> memref<1x80x128xf32, #tpu.memory_space<vmem>>
      %dma_start3A_358 = tpu.memref_squeeze %dma_start3A_357 : memref<1x80x128xf32, #tpu.memory_space<vmem>> -> memref<80x128xf32, #tpu.memory_space<vmem>>
      tpu.enqueue_dma source(%arg4 : memref<80x128xf32, #tpu.memory_space<hbm>>) target(%dma_start3A_358 : memref<80x128xf32, #tpu.memory_space<vmem>>) target_semaphore(%run_scoped3A_350 : memref<!tpu.dma_semaphore, #tpu.memory_space<semaphore_mem>>)
      %dma_wait3A_359 = arith.constant 0 : i32
      %dma_wait3A_360 = arith.constant 0 : i32
      %dma_wait3A_361 = tpu.memref_slice %arg7[%run_scoped3A, %dma_wait3A_359, %dma_wait3A_360] : memref<4x80x128xf32, #tpu.memory_space<vmem>> -> memref<1x80x128xf32, #tpu.memory_space<vmem>>
      %dma_wait3A_362 = tpu.memref_squeeze %dma_wait3A_361 : memref<1x80x128xf32, #tpu.memory_space<vmem>> -> memref<80x128xf32, #tpu.memory_space<vmem>>
      %dma_wait3A_363 = arith.constant 0 : i32
      %dma_wait3A_364 = arith.constant 0 : i32
      %dma_wait3A_365 = tpu.memref_slice %arg7[%run_scoped3A, %dma_wait3A_363, %dma_wait3A_364] : memref<4x80x128xf32, #tpu.memory_space<vmem>> -> memref<1x80x128xf32, #tpu.memory_space<vmem>>
      %dma_wait3A_366 = tpu.memref_squeeze %dma_wait3A_365 : memref<1x80x128xf32, #tpu.memory_space<vmem>> -> memref<80x128xf32, #tpu.memory_space<vmem>>
      tpu.wait_dma2 semaphore(%run_scoped3A_350 : memref<!tpu.dma_semaphore, #tpu.memory_space<semaphore_mem>>) src(%arg4 : memref<80x128xf32, #tpu.memory_space<hbm>>) dst(%dma_wait3A_366 : memref<80x128xf32, #tpu.memory_space<vmem>>)
      tpu.yield
    }) : () -> ()
    %scan3A = arith.constant 0 : i32
    %scan3A_1 = arith.constant 0 : i32
    %scan3A_2 = arith.constant 8 : i32
    %scan3A_3 = arith.addi %scan3A_1, %scan3A_2 : i32
    %scan3A_4 = arith.constant 1 : i32
    scf.for %scan3A_350 = %scan3A_1 to %scan3A_3 step %scan3A_4  : i32 {
      %mul3A_351 = arith.constant 8 : i32
      %mul3A_352 = arith.muli %arg1, %mul3A_351 : i32
      %add3A_353 = arith.addi %mul3A_352, %scan3A_350 : i32
      %min3A = arith.constant 124 : i32
      %min3A_354 = arith.minsi %add3A_353, %min3A : i32
      %mul3A_355 = arith.constant 80 : i32
      %mul3A_356 = arith.muli %min3A_354, %mul3A_355 : i32
      %dma_start3A_357 = arith.constant 3 : i32
      %dma_start3A_358 = arith.constant 0 : i32
      %dma_start3A_359 = arith.constant 0 : i32
      %dma_start3A_360 = tpu.memref_slice %arg7[%dma_start3A_357, %dma_start3A_358, %dma_start3A_359] : memref<4x80x128xf32, #tpu.memory_space<vmem>> -> memref<1x80x128xf32, #tpu.memory_space<vmem>>
      %dma_start3A_361 = tpu.memref_squeeze %dma_start3A_360 : memref<1x80x128xf32, #tpu.memory_space<vmem>> -> memref<80x128xf32, #tpu.memory_space<vmem>>
      %dma_start3A_362 = arith.constant 0 : i32
      %dma_start3A_363 = tpu.memref_slice %arg8[%mul3A_356, %dma_start3A_362] : memref<10000x128xf32, #tpu.memory_space<vmem_shared>> -> memref<80x128xf32, #tpu.memory_space<vmem_shared>>
      %dma_start3A_364 = arith.constant 0 : i32
      %dma_start3A_365 = tpu.memref_slice %arg8[%mul3A_356, %dma_start3A_364] : memref<10000x128xf32, #tpu.memory_space<vmem_shared>> -> memref<80x128xf32, #tpu.memory_space<vmem_shared>>
      %dma_start3A_366 = arith.constant 0 : i32
      %dma_start3A_367 = arith.constant 0 : i32
      %dma_start3A_368 = tpu.memref_slice %arg7[%dma_start3A_357, %dma_start3A_366, %dma_start3A_367] : memref<4x80x128xf32, #tpu.memory_space<vmem>> -> memref<1x80x128xf32, #tpu.memory_space<vmem>>
      %dma_start3A_369 = tpu.memref_squeeze %dma_start3A_368 : memref<1x80x128xf32, #tpu.memory_space<vmem>> -> memref<80x128xf32, #tpu.memory_space<vmem>>
      tpu.enqueue_dma source(%dma_start3A_369 : memref<80x128xf32, #tpu.memory_space<vmem>>) target(%dma_start3A_365 : memref<80x128xf32, #tpu.memory_space<vmem_shared>>) target_semaphore(%arg13 : memref<!tpu.dma_semaphore, #tpu.memory_space<semaphore_mem>>)
    }
    %scan3A_5 = arith.constant 8 : i32
    %dma_start3A = arith.constant 0 : i32
    %dma_start3A_6 = arith.constant 0 : i32
    %dma_start3A_7 = arith.constant 0 : i32
    %dma_start3A_8 = arith.constant 0 : i32
    %dma_start3A_9 = arith.constant 0 : i32
    %dma_start3A_10 = tpu.memref_slice %arg6[%dma_start3A_6, %dma_start3A_8, %dma_start3A_9] : memref<8x2x80xi32, #tpu.memory_space<vmem>> -> memref<1x2x80xi32, #tpu.memory_space<vmem>>
    %dma_start3A_11 = tpu.memref_squeeze %dma_start3A_10 : memref<1x2x80xi32, #tpu.memory_space<vmem>> -> memref<2x80xi32, #tpu.memory_space<vmem>>
    %dma_start3A_12 = arith.constant 0 : i32
    %dma_start3A_13 = arith.constant 0 : i32
    %dma_start3A_14 = tpu.memref_slice %arg3[%add3A, %dma_start3A, %dma_start3A_12, %dma_start3A_13] : memref<32x128x2x80xi32, #tpu.memory_space<hbm>> -> memref<1x1x2x80xi32, #tpu.memory_space<hbm>>
    %dma_start3A_15 = tpu.memref_squeeze %dma_start3A_14 : memref<1x1x2x80xi32, #tpu.memory_space<hbm>> -> memref<2x80xi32, #tpu.memory_space<hbm>>
    %dma_start3A_16 = tpu.memref_slice %arg11[%dma_start3A_7] : memref<8x!tpu.dma_semaphore, #tpu.memory_space<semaphore_mem>> -> memref<1x!tpu.dma_semaphore, #tpu.memory_space<semaphore_mem>>
    %dma_start3A_17 = tpu.memref_squeeze %dma_start3A_16 : memref<1x!tpu.dma_semaphore, #tpu.memory_space<semaphore_mem>> -> memref<!tpu.dma_semaphore, #tpu.memory_space<semaphore_mem>>
    %dma_start3A_18 = arith.constant 0 : i32
    %dma_start3A_19 = arith.constant 0 : i32
    %dma_start3A_20 = tpu.memref_slice %arg6[%dma_start3A_6, %dma_start3A_18, %dma_start3A_19] : memref<8x2x80xi32, #tpu.memory_space<vmem>> -> memref<1x2x80xi32, #tpu.memory_space<vmem>>
    %dma_start3A_21 = tpu.memref_squeeze %dma_start3A_20 : memref<1x2x80xi32, #tpu.memory_space<vmem>> -> memref<2x80xi32, #tpu.memory_space<vmem>>
    %dma_start3A_22 = arith.constant 0 : i32
    %dma_start3A_23 = arith.constant 0 : i32
    %dma_start3A_24 = tpu.memref_slice %arg3[%add3A, %dma_start3A, %dma_start3A_22, %dma_start3A_23] : memref<32x128x2x80xi32, #tpu.memory_space<hbm>> -> memref<1x1x2x80xi32, #tpu.memory_space<hbm>>
    %dma_start3A_25 = tpu.memref_squeeze %dma_start3A_24 : memref<1x1x2x80xi32, #tpu.memory_space<hbm>> -> memref<2x80xi32, #tpu.memory_space<hbm>>
    tpu.enqueue_dma source(%dma_start3A_25 : memref<2x80xi32, #tpu.memory_space<hbm>>) target(%dma_start3A_21 : memref<2x80xi32, #tpu.memory_space<vmem>>) target_semaphore(%dma_start3A_17 : memref<!tpu.dma_semaphore, #tpu.memory_space<semaphore_mem>>)
    %dma_start3A_26 = arith.constant 1 : i32
    %dma_start3A_27 = arith.constant 1 : i32
    %dma_start3A_28 = arith.constant 1 : i32
    %dma_start3A_29 = arith.constant 0 : i32
    %dma_start3A_30 = arith.constant 0 : i32
    %dma_start3A_31 = tpu.memref_slice %arg6[%dma_start3A_27, %dma_start3A_29, %dma_start3A_30] : memref<8x2x80xi32, #tpu.memory_space<vmem>> -> memref<1x2x80xi32, #tpu.memory_space<vmem>>
    %dma_start3A_32 = tpu.memref_squeeze %dma_start3A_31 : memref<1x2x80xi32, #tpu.memory_space<vmem>> -> memref<2x80xi32, #tpu.memory_space<vmem>>
    %dma_start3A_33 = arith.constant 0 : i32
    %dma_start3A_34 = arith.constant 0 : i32
    %dma_start3A_35 = tpu.memref_slice %arg3[%add3A, %dma_start3A_26, %dma_start3A_33, %dma_start3A_34] : memref<32x128x2x80xi32, #tpu.memory_space<hbm>> -> memref<1x1x2x80xi32, #tpu.memory_space<hbm>>
    %dma_start3A_36 = tpu.memref_squeeze %dma_start3A_35 : memref<1x1x2x80xi32, #tpu.memory_space<hbm>> -> memref<2x80xi32, #tpu.memory_space<hbm>>
    %dma_start3A_37 = tpu.memref_slice %arg11[%dma_start3A_28] : memref<8x!tpu.dma_semaphore, #tpu.memory_space<semaphore_mem>> -> memref<1x!tpu.dma_semaphore, #tpu.memory_space<semaphore_mem>>
    %dma_start3A_38 = tpu.memref_squeeze %dma_start3A_37 : memref<1x!tpu.dma_semaphore, #tpu.memory_space<semaphore_mem>> -> memref<!tpu.dma_semaphore, #tpu.memory_space<semaphore_mem>>
    %dma_start3A_39 = arith.constant 0 : i32
    %dma_start3A_40 = arith.constant 0 : i32
    %dma_start3A_41 = tpu.memref_slice %arg6[%dma_start3A_27, %dma_start3A_39, %dma_start3A_40] : memref<8x2x80xi32, #tpu.memory_space<vmem>> -> memref<1x2x80xi32, #tpu.memory_space<vmem>>
    %dma_start3A_42 = tpu.memref_squeeze %dma_start3A_41 : memref<1x2x80xi32, #tpu.memory_space<vmem>> -> memref<2x80xi32, #tpu.memory_space<vmem>>
    %dma_start3A_43 = arith.constant 0 : i32
    %dma_start3A_44 = arith.constant 0 : i32
    %dma_start3A_45 = tpu.memref_slice %arg3[%add3A, %dma_start3A_26, %dma_start3A_43, %dma_start3A_44] : memref<32x128x2x80xi32, #tpu.memory_space<hbm>> -> memref<1x1x2x80xi32, #tpu.memory_space<hbm>>
    %dma_start3A_46 = tpu.memref_squeeze %dma_start3A_45 : memref<1x1x2x80xi32, #tpu.memory_space<hbm>> -> memref<2x80xi32, #tpu.memory_space<hbm>>
    tpu.enqueue_dma source(%dma_start3A_46 : memref<2x80xi32, #tpu.memory_space<hbm>>) target(%dma_start3A_42 : memref<2x80xi32, #tpu.memory_space<vmem>>) target_semaphore(%dma_start3A_38 : memref<!tpu.dma_semaphore, #tpu.memory_space<semaphore_mem>>)
    %dma_start3A_47 = arith.constant 2 : i32
    %dma_start3A_48 = arith.constant 2 : i32
    %dma_start3A_49 = arith.constant 2 : i32
    %dma_start3A_50 = arith.constant 0 : i32
    %dma_start3A_51 = arith.constant 0 : i32
    %dma_start3A_52 = tpu.memref_slice %arg6[%dma_start3A_48, %dma_start3A_50, %dma_start3A_51] : memref<8x2x80xi32, #tpu.memory_space<vmem>> -> memref<1x2x80xi32, #tpu.memory_space<vmem>>
    %dma_start3A_53 = tpu.memref_squeeze %dma_start3A_52 : memref<1x2x80xi32, #tpu.memory_space<vmem>> -> memref<2x80xi32, #tpu.memory_space<vmem>>
    %dma_start3A_54 = arith.constant 0 : i32
    %dma_start3A_55 = arith.constant 0 : i32
    %dma_start3A_56 = tpu.memref_slice %arg3[%add3A, %dma_start3A_47, %dma_start3A_54, %dma_start3A_55] : memref<32x128x2x80xi32, #tpu.memory_space<hbm>> -> memref<1x1x2x80xi32, #tpu.memory_space<hbm>>
    %dma_start3A_57 = tpu.memref_squeeze %dma_start3A_56 : memref<1x1x2x80xi32, #tpu.memory_space<hbm>> -> memref<2x80xi32, #tpu.memory_space<hbm>>
    %dma_start3A_58 = tpu.memref_slice %arg11[%dma_start3A_49] : memref<8x!tpu.dma_semaphore, #tpu.memory_space<semaphore_mem>> -> memref<1x!tpu.dma_semaphore, #tpu.memory_space<semaphore_mem>>
    %dma_start3A_59 = tpu.memref_squeeze %dma_start3A_58 : memref<1x!tpu.dma_semaphore, #tpu.memory_space<semaphore_mem>> -> memref<!tpu.dma_semaphore, #tpu.memory_space<semaphore_mem>>
    %dma_start3A_60 = arith.constant 0 : i32
    %dma_start3A_61 = arith.constant 0 : i32
    %dma_start3A_62 = tpu.memref_slice %arg6[%dma_start3A_48, %dma_start3A_60, %dma_start3A_61] : memref<8x2x80xi32, #tpu.memory_space<vmem>> -> memref<1x2x80xi32, #tpu.memory_space<vmem>>
    %dma_start3A_63 = tpu.memref_squeeze %dma_start3A_62 : memref<1x2x80xi32, #tpu.memory_space<vmem>> -> memref<2x80xi32, #tpu.memory_space<vmem>>
    %dma_start3A_64 = arith.constant 0 : i32
    %dma_start3A_65 = arith.constant 0 : i32
    %dma_start3A_66 = tpu.memref_slice %arg3[%add3A, %dma_start3A_47, %dma_start3A_64, %dma_start3A_65] : memref<32x128x2x80xi32, #tpu.memory_space<hbm>> -> memref<1x1x2x80xi32, #tpu.memory_space<hbm>>
    %dma_start3A_67 = tpu.memref_squeeze %dma_start3A_66 : memref<1x1x2x80xi32, #tpu.memory_space<hbm>> -> memref<2x80xi32, #tpu.memory_space<hbm>>
    tpu.enqueue_dma source(%dma_start3A_67 : memref<2x80xi32, #tpu.memory_space<hbm>>) target(%dma_start3A_63 : memref<2x80xi32, #tpu.memory_space<vmem>>) target_semaphore(%dma_start3A_59 : memref<!tpu.dma_semaphore, #tpu.memory_space<semaphore_mem>>)
    %dma_start3A_68 = arith.constant 3 : i32
    %dma_start3A_69 = arith.constant 3 : i32
    %dma_start3A_70 = arith.constant 3 : i32
    %dma_start3A_71 = arith.constant 0 : i32
    %dma_start3A_72 = arith.constant 0 : i32
    %dma_start3A_73 = tpu.memref_slice %arg6[%dma_start3A_69, %dma_start3A_71, %dma_start3A_72] : memref<8x2x80xi32, #tpu.memory_space<vmem>> -> memref<1x2x80xi32, #tpu.memory_space<vmem>>
    %dma_start3A_74 = tpu.memref_squeeze %dma_start3A_73 : memref<1x2x80xi32, #tpu.memory_space<vmem>> -> memref<2x80xi32, #tpu.memory_space<vmem>>
    %dma_start3A_75 = arith.constant 0 : i32
    %dma_start3A_76 = arith.constant 0 : i32
    %dma_start3A_77 = tpu.memref_slice %arg3[%add3A, %dma_start3A_68, %dma_start3A_75, %dma_start3A_76] : memref<32x128x2x80xi32, #tpu.memory_space<hbm>> -> memref<1x1x2x80xi32, #tpu.memory_space<hbm>>
    %dma_start3A_78 = tpu.memref_squeeze %dma_start3A_77 : memref<1x1x2x80xi32, #tpu.memory_space<hbm>> -> memref<2x80xi32, #tpu.memory_space<hbm>>
    %dma_start3A_79 = tpu.memref_slice %arg11[%dma_start3A_70] : memref<8x!tpu.dma_semaphore, #tpu.memory_space<semaphore_mem>> -> memref<1x!tpu.dma_semaphore, #tpu.memory_space<semaphore_mem>>
    %dma_start3A_80 = tpu.memref_squeeze %dma_start3A_79 : memref<1x!tpu.dma_semaphore, #tpu.memory_space<semaphore_mem>> -> memref<!tpu.dma_semaphore, #tpu.memory_space<semaphore_mem>>
    %dma_start3A_81 = arith.constant 0 : i32
    %dma_start3A_82 = arith.constant 0 : i32
    %dma_start3A_83 = tpu.memref_slice %arg6[%dma_start3A_69, %dma_start3A_81, %dma_start3A_82] : memref<8x2x80xi32, #tpu.memory_space<vmem>> -> memref<1x2x80xi32, #tpu.memory_space<vmem>>
    %dma_start3A_84 = tpu.memref_squeeze %dma_start3A_83 : memref<1x2x80xi32, #tpu.memory_space<vmem>> -> memref<2x80xi32, #tpu.memory_space<vmem>>
    %dma_start3A_85 = arith.constant 0 : i32
    %dma_start3A_86 = arith.constant 0 : i32
    %dma_start3A_87 = tpu.memref_slice %arg3[%add3A, %dma_start3A_68, %dma_start3A_85, %dma_start3A_86] : memref<32x128x2x80xi32, #tpu.memory_space<hbm>> -> memref<1x1x2x80xi32, #tpu.memory_space<hbm>>
    %dma_start3A_88 = tpu.memref_squeeze %dma_start3A_87 : memref<1x1x2x80xi32, #tpu.memory_space<hbm>> -> memref<2x80xi32, #tpu.memory_space<hbm>>
    tpu.enqueue_dma source(%dma_start3A_88 : memref<2x80xi32, #tpu.memory_space<hbm>>) target(%dma_start3A_84 : memref<2x80xi32, #tpu.memory_space<vmem>>) target_semaphore(%dma_start3A_80 : memref<!tpu.dma_semaphore, #tpu.memory_space<semaphore_mem>>)
    %dma_start3A_89 = arith.constant 4 : i32
    %dma_start3A_90 = arith.constant 4 : i32
    %dma_start3A_91 = arith.constant 4 : i32
    %dma_start3A_92 = arith.constant 0 : i32
    %dma_start3A_93 = arith.constant 0 : i32
    %dma_start3A_94 = tpu.memref_slice %arg6[%dma_start3A_90, %dma_start3A_92, %dma_start3A_93] : memref<8x2x80xi32, #tpu.memory_space<vmem>> -> memref<1x2x80xi32, #tpu.memory_space<vmem>>
    %dma_start3A_95 = tpu.memref_squeeze %dma_start3A_94 : memref<1x2x80xi32, #tpu.memory_space<vmem>> -> memref<2x80xi32, #tpu.memory_space<vmem>>
    %dma_start3A_96 = arith.constant 0 : i32
    %dma_start3A_97 = arith.constant 0 : i32
    %dma_start3A_98 = tpu.memref_slice %arg3[%add3A, %dma_start3A_89, %dma_start3A_96, %dma_start3A_97] : memref<32x128x2x80xi32, #tpu.memory_space<hbm>> -> memref<1x1x2x80xi32, #tpu.memory_space<hbm>>
    %dma_start3A_99 = tpu.memref_squeeze %dma_start3A_98 : memref<1x1x2x80xi32, #tpu.memory_space<hbm>> -> memref<2x80xi32, #tpu.memory_space<hbm>>
    %dma_start3A_100 = tpu.memref_slice %arg11[%dma_start3A_91] : memref<8x!tpu.dma_semaphore, #tpu.memory_space<semaphore_mem>> -> memref<1x!tpu.dma_semaphore, #tpu.memory_space<semaphore_mem>>
    %dma_start3A_101 = tpu.memref_squeeze %dma_start3A_100 : memref<1x!tpu.dma_semaphore, #tpu.memory_space<semaphore_mem>> -> memref<!tpu.dma_semaphore, #tpu.memory_space<semaphore_mem>>
    %dma_start3A_102 = arith.constant 0 : i32
    %dma_start3A_103 = arith.constant 0 : i32
    %dma_start3A_104 = tpu.memref_slice %arg6[%dma_start3A_90, %dma_start3A_102, %dma_start3A_103] : memref<8x2x80xi32, #tpu.memory_space<vmem>> -> memref<1x2x80xi32, #tpu.memory_space<vmem>>
    %dma_start3A_105 = tpu.memref_squeeze %dma_start3A_104 : memref<1x2x80xi32, #tpu.memory_space<vmem>> -> memref<2x80xi32, #tpu.memory_space<vmem>>
    %dma_start3A_106 = arith.constant 0 : i32
    %dma_start3A_107 = arith.constant 0 : i32
    %dma_start3A_108 = tpu.memref_slice %arg3[%add3A, %dma_start3A_89, %dma_start3A_106, %dma_start3A_107] : memref<32x128x2x80xi32, #tpu.memory_space<hbm>> -> memref<1x1x2x80xi32, #tpu.memory_space<hbm>>
    %dma_start3A_109 = tpu.memref_squeeze %dma_start3A_108 : memref<1x1x2x80xi32, #tpu.memory_space<hbm>> -> memref<2x80xi32, #tpu.memory_space<hbm>>
    tpu.enqueue_dma source(%dma_start3A_109 : memref<2x80xi32, #tpu.memory_space<hbm>>) target(%dma_start3A_105 : memref<2x80xi32, #tpu.memory_space<vmem>>) target_semaphore(%dma_start3A_101 : memref<!tpu.dma_semaphore, #tpu.memory_space<semaphore_mem>>)
    %dma_wait3A = arith.constant 0 : i32
    %dma_wait3A_110 = arith.constant 0 : i32
    %dma_wait3A_111 = arith.constant 0 : i32
    %dma_wait3A_112 = arith.constant 0 : i32
    %dma_wait3A_113 = arith.constant 0 : i32
    %dma_wait3A_114 = arith.constant 0 : i32
    %dma_wait3A_115 = tpu.memref_slice %arg6[%dma_wait3A_111, %dma_wait3A_113, %dma_wait3A_114] : memref<8x2x80xi32, #tpu.memory_space<vmem>> -> memref<1x2x80xi32, #tpu.memory_space<vmem>>
    %dma_wait3A_116 = tpu.memref_squeeze %dma_wait3A_115 : memref<1x2x80xi32, #tpu.memory_space<vmem>> -> memref<2x80xi32, #tpu.memory_space<vmem>>
    %dma_wait3A_117 = arith.constant 0 : i32
    %dma_wait3A_118 = arith.constant 0 : i32
    %dma_wait3A_119 = tpu.memref_slice %arg3[%dma_wait3A, %dma_wait3A_110, %dma_wait3A_117, %dma_wait3A_118] : memref<32x128x2x80xi32, #tpu.memory_space<hbm>> -> memref<1x1x2x80xi32, #tpu.memory_space<hbm>>
    %dma_wait3A_120 = tpu.memref_squeeze %dma_wait3A_119 : memref<1x1x2x80xi32, #tpu.memory_space<hbm>> -> memref<2x80xi32, #tpu.memory_space<hbm>>
    %dma_wait3A_121 = tpu.memref_slice %arg11[%dma_wait3A_112] : memref<8x!tpu.dma_semaphore, #tpu.memory_space<semaphore_mem>> -> memref<1x!tpu.dma_semaphore, #tpu.memory_space<semaphore_mem>>
    %dma_wait3A_122 = tpu.memref_squeeze %dma_wait3A_121 : memref<1x!tpu.dma_semaphore, #tpu.memory_space<semaphore_mem>> -> memref<!tpu.dma_semaphore, #tpu.memory_space<semaphore_mem>>
    %dma_wait3A_123 = arith.constant 0 : i32
    %dma_wait3A_124 = arith.constant 0 : i32
    %dma_wait3A_125 = tpu.memref_slice %arg6[%dma_wait3A_111, %dma_wait3A_123, %dma_wait3A_124] : memref<8x2x80xi32, #tpu.memory_space<vmem>> -> memref<1x2x80xi32, #tpu.memory_space<vmem>>
    %dma_wait3A_126 = tpu.memref_squeeze %dma_wait3A_125 : memref<1x2x80xi32, #tpu.memory_space<vmem>> -> memref<2x80xi32, #tpu.memory_space<vmem>>
    %dma_wait3A_127 = arith.constant 0 : i32
    %dma_wait3A_128 = arith.constant 0 : i32
    %dma_wait3A_129 = tpu.memref_slice %arg3[%dma_wait3A, %dma_wait3A_110, %dma_wait3A_127, %dma_wait3A_128] : memref<32x128x2x80xi32, #tpu.memory_space<hbm>> -> memref<1x1x2x80xi32, #tpu.memory_space<hbm>>
    %dma_wait3A_130 = tpu.memref_squeeze %dma_wait3A_129 : memref<1x1x2x80xi32, #tpu.memory_space<hbm>> -> memref<2x80xi32, #tpu.memory_space<hbm>>
    tpu.wait_dma2 semaphore(%dma_wait3A_122 : memref<!tpu.dma_semaphore, #tpu.memory_space<semaphore_mem>>) src(%dma_wait3A_130 : memref<2x80xi32, #tpu.memory_space<hbm>>) dst(%dma_wait3A_126 : memref<2x80xi32, #tpu.memory_space<vmem>>)
    %dma_start3A_131 = arith.constant 0 : i32
    %dma_start3A_132 = arith.constant 0 : i32
    %dma_start3A_133 = arith.constant 0 : i32
    %dma_start3A_134 = arith.constant 0 : i32
    %dma_start3A_135 = arith.constant 0 : i32
    %dma_start3A_136 = arith.constant 0 : i32
    %dma_start3A_137 = tpu.memref_slice %arg7[%dma_start3A_133, %dma_start3A_135, %dma_start3A_136] : memref<4x80x128xf32, #tpu.memory_space<vmem>> -> memref<1x80x128xf32, #tpu.memory_space<vmem>>
    %dma_start3A_138 = tpu.memref_squeeze %dma_start3A_137 : memref<1x80x128xf32, #tpu.memory_space<vmem>> -> memref<80x128xf32, #tpu.memory_space<vmem>>
    %dma_start3A_139 = arith.constant 0 : i32
    %dma_start3A_140 = tpu.memref_slice %arg6[%dma_start3A_131, %dma_start3A_132, %dma_start3A_139] : memref<8x2x80xi32, #tpu.memory_space<vmem>> -> memref<1x1x80xi32, #tpu.memory_space<vmem>>
    %dma_start3A_141 = tpu.memref_squeeze %dma_start3A_140 : memref<1x1x80xi32, #tpu.memory_space<vmem>> -> memref<80xi32, #tpu.memory_space<vmem>>
    %dma_start3A_142 = arith.constant 0 : i32
    %dma_start3A_143 = arith.constant 0 : i32
    %dma_start3A_144 = tpu.memref_slice %arg2[%dma_start3A_142, %dma_start3A_143] : memref<20000x128xf32, #tpu.memory_space<hbm>> -> memref<20000x128xf32, #tpu.memory_space<hbm>>
    %dma_start3A_145 = tpu.memref_slice %arg9[%dma_start3A_134] : memref<4x!tpu.dma_semaphore, #tpu.memory_space<semaphore_mem>> -> memref<1x!tpu.dma_semaphore, #tpu.memory_space<semaphore_mem>>
    %dma_start3A_146 = tpu.memref_squeeze %dma_start3A_145 : memref<1x!tpu.dma_semaphore, #tpu.memory_space<semaphore_mem>> -> memref<!tpu.dma_semaphore, #tpu.memory_space<semaphore_mem>>
    tpu.enqueue_indirect_dma source(%dma_start3A_144 : memref<20000x128xf32, #tpu.memory_space<hbm>>) target(%dma_start3A_138 : memref<80x128xf32, #tpu.memory_space<vmem>>) offsets(%dma_start3A_141 : memref<80xi32, #tpu.memory_space<vmem>>) semaphore(%dma_start3A_146 : memref<!tpu.dma_semaphore, #tpu.memory_space<semaphore_mem>>)
    %dma_wait3A_147 = arith.constant 0 : i32
    %dma_wait3A_148 = arith.constant 0 : i32
    %dma_wait3A_149 = arith.constant 1 : i32
    %dma_wait3A_150 = arith.constant 1 : i32
    %dma_wait3A_151 = arith.constant 0 : i32
    %dma_wait3A_152 = arith.constant 0 : i32
    %dma_wait3A_153 = tpu.memref_slice %arg6[%dma_wait3A_149, %dma_wait3A_151, %dma_wait3A_152] : memref<8x2x80xi32, #tpu.memory_space<vmem>> -> memref<1x2x80xi32, #tpu.memory_space<vmem>>
    %dma_wait3A_154 = tpu.memref_squeeze %dma_wait3A_153 : memref<1x2x80xi32, #tpu.memory_space<vmem>> -> memref<2x80xi32, #tpu.memory_space<vmem>>
    %dma_wait3A_155 = arith.constant 0 : i32
    %dma_wait3A_156 = arith.constant 0 : i32
    %dma_wait3A_157 = tpu.memref_slice %arg3[%dma_wait3A_147, %dma_wait3A_148, %dma_wait3A_155, %dma_wait3A_156] : memref<32x128x2x80xi32, #tpu.memory_space<hbm>> -> memref<1x1x2x80xi32, #tpu.memory_space<hbm>>
    %dma_wait3A_158 = tpu.memref_squeeze %dma_wait3A_157 : memref<1x1x2x80xi32, #tpu.memory_space<hbm>> -> memref<2x80xi32, #tpu.memory_space<hbm>>
    %dma_wait3A_159 = tpu.memref_slice %arg11[%dma_wait3A_150] : memref<8x!tpu.dma_semaphore, #tpu.memory_space<semaphore_mem>> -> memref<1x!tpu.dma_semaphore, #tpu.memory_space<semaphore_mem>>
    %dma_wait3A_160 = tpu.memref_squeeze %dma_wait3A_159 : memref<1x!tpu.dma_semaphore, #tpu.memory_space<semaphore_mem>> -> memref<!tpu.dma_semaphore, #tpu.memory_space<semaphore_mem>>
    %dma_wait3A_161 = arith.constant 0 : i32
    %dma_wait3A_162 = arith.constant 0 : i32
    %dma_wait3A_163 = tpu.memref_slice %arg6[%dma_wait3A_149, %dma_wait3A_161, %dma_wait3A_162] : memref<8x2x80xi32, #tpu.memory_space<vmem>> -> memref<1x2x80xi32, #tpu.memory_space<vmem>>
    %dma_wait3A_164 = tpu.memref_squeeze %dma_wait3A_163 : memref<1x2x80xi32, #tpu.memory_space<vmem>> -> memref<2x80xi32, #tpu.memory_space<vmem>>
    %dma_wait3A_165 = arith.constant 0 : i32
    %dma_wait3A_166 = arith.constant 0 : i32
    %dma_wait3A_167 = tpu.memref_slice %arg3[%dma_wait3A_147, %dma_wait3A_148, %dma_wait3A_165, %dma_wait3A_166] : memref<32x128x2x80xi32, #tpu.memory_space<hbm>> -> memref<1x1x2x80xi32, #tpu.memory_space<hbm>>
    %dma_wait3A_168 = tpu.memref_squeeze %dma_wait3A_167 : memref<1x1x2x80xi32, #tpu.memory_space<hbm>> -> memref<2x80xi32, #tpu.memory_space<hbm>>
    tpu.wait_dma2 semaphore(%dma_wait3A_160 : memref<!tpu.dma_semaphore, #tpu.memory_space<semaphore_mem>>) src(%dma_wait3A_168 : memref<2x80xi32, #tpu.memory_space<hbm>>) dst(%dma_wait3A_164 : memref<2x80xi32, #tpu.memory_space<vmem>>)
    %dma_start3A_169 = arith.constant 1 : i32
    %dma_start3A_170 = arith.constant 0 : i32
    %dma_start3A_171 = arith.constant 1 : i32
    %dma_start3A_172 = arith.constant 1 : i32
    %dma_start3A_173 = arith.constant 0 : i32
    %dma_start3A_174 = arith.constant 0 : i32
    %dma_start3A_175 = tpu.memref_slice %arg7[%dma_start3A_171, %dma_start3A_173, %dma_start3A_174] : memref<4x80x128xf32, #tpu.memory_space<vmem>> -> memref<1x80x128xf32, #tpu.memory_space<vmem>>
    %dma_start3A_176 = tpu.memref_squeeze %dma_start3A_175 : memref<1x80x128xf32, #tpu.memory_space<vmem>> -> memref<80x128xf32, #tpu.memory_space<vmem>>
    %dma_start3A_177 = arith.constant 0 : i32
    %dma_start3A_178 = tpu.memref_slice %arg6[%dma_start3A_169, %dma_start3A_170, %dma_start3A_177] : memref<8x2x80xi32, #tpu.memory_space<vmem>> -> memref<1x1x80xi32, #tpu.memory_space<vmem>>
    %dma_start3A_179 = tpu.memref_squeeze %dma_start3A_178 : memref<1x1x80xi32, #tpu.memory_space<vmem>> -> memref<80xi32, #tpu.memory_space<vmem>>
    %dma_start3A_180 = arith.constant 0 : i32
    %dma_start3A_181 = arith.constant 0 : i32
    %dma_start3A_182 = tpu.memref_slice %arg2[%dma_start3A_180, %dma_start3A_181] : memref<20000x128xf32, #tpu.memory_space<hbm>> -> memref<20000x128xf32, #tpu.memory_space<hbm>>
    %dma_start3A_183 = tpu.memref_slice %arg9[%dma_start3A_172] : memref<4x!tpu.dma_semaphore, #tpu.memory_space<semaphore_mem>> -> memref<1x!tpu.dma_semaphore, #tpu.memory_space<semaphore_mem>>
    %dma_start3A_184 = tpu.memref_squeeze %dma_start3A_183 : memref<1x!tpu.dma_semaphore, #tpu.memory_space<semaphore_mem>> -> memref<!tpu.dma_semaphore, #tpu.memory_space<semaphore_mem>>
    tpu.enqueue_indirect_dma source(%dma_start3A_182 : memref<20000x128xf32, #tpu.memory_space<hbm>>) target(%dma_start3A_176 : memref<80x128xf32, #tpu.memory_space<vmem>>) offsets(%dma_start3A_179 : memref<80xi32, #tpu.memory_space<vmem>>) semaphore(%dma_start3A_184 : memref<!tpu.dma_semaphore, #tpu.memory_space<semaphore_mem>>)
    %dma_wait3A_185 = arith.constant 0 : i32
    %dma_wait3A_186 = arith.constant 0 : i32
    %dma_wait3A_187 = arith.constant 2 : i32
    %dma_wait3A_188 = arith.constant 2 : i32
    %dma_wait3A_189 = arith.constant 0 : i32
    %dma_wait3A_190 = arith.constant 0 : i32
    %dma_wait3A_191 = tpu.memref_slice %arg6[%dma_wait3A_187, %dma_wait3A_189, %dma_wait3A_190] : memref<8x2x80xi32, #tpu.memory_space<vmem>> -> memref<1x2x80xi32, #tpu.memory_space<vmem>>
    %dma_wait3A_192 = tpu.memref_squeeze %dma_wait3A_191 : memref<1x2x80xi32, #tpu.memory_space<vmem>> -> memref<2x80xi32, #tpu.memory_space<vmem>>
    %dma_wait3A_193 = arith.constant 0 : i32
    %dma_wait3A_194 = arith.constant 0 : i32
    %dma_wait3A_195 = tpu.memref_slice %arg3[%dma_wait3A_185, %dma_wait3A_186, %dma_wait3A_193, %dma_wait3A_194] : memref<32x128x2x80xi32, #tpu.memory_space<hbm>> -> memref<1x1x2x80xi32, #tpu.memory_space<hbm>>
    %dma_wait3A_196 = tpu.memref_squeeze %dma_wait3A_195 : memref<1x1x2x80xi32, #tpu.memory_space<hbm>> -> memref<2x80xi32, #tpu.memory_space<hbm>>
    %dma_wait3A_197 = tpu.memref_slice %arg11[%dma_wait3A_188] : memref<8x!tpu.dma_semaphore, #tpu.memory_space<semaphore_mem>> -> memref<1x!tpu.dma_semaphore, #tpu.memory_space<semaphore_mem>>
    %dma_wait3A_198 = tpu.memref_squeeze %dma_wait3A_197 : memref<1x!tpu.dma_semaphore, #tpu.memory_space<semaphore_mem>> -> memref<!tpu.dma_semaphore, #tpu.memory_space<semaphore_mem>>
    %dma_wait3A_199 = arith.constant 0 : i32
    %dma_wait3A_200 = arith.constant 0 : i32
    %dma_wait3A_201 = tpu.memref_slice %arg6[%dma_wait3A_187, %dma_wait3A_199, %dma_wait3A_200] : memref<8x2x80xi32, #tpu.memory_space<vmem>> -> memref<1x2x80xi32, #tpu.memory_space<vmem>>
    %dma_wait3A_202 = tpu.memref_squeeze %dma_wait3A_201 : memref<1x2x80xi32, #tpu.memory_space<vmem>> -> memref<2x80xi32, #tpu.memory_space<vmem>>
    %dma_wait3A_203 = arith.constant 0 : i32
    %dma_wait3A_204 = arith.constant 0 : i32
    %dma_wait3A_205 = tpu.memref_slice %arg3[%dma_wait3A_185, %dma_wait3A_186, %dma_wait3A_203, %dma_wait3A_204] : memref<32x128x2x80xi32, #tpu.memory_space<hbm>> -> memref<1x1x2x80xi32, #tpu.memory_space<hbm>>
    %dma_wait3A_206 = tpu.memref_squeeze %dma_wait3A_205 : memref<1x1x2x80xi32, #tpu.memory_space<hbm>> -> memref<2x80xi32, #tpu.memory_space<hbm>>
    tpu.wait_dma2 semaphore(%dma_wait3A_198 : memref<!tpu.dma_semaphore, #tpu.memory_space<semaphore_mem>>) src(%dma_wait3A_206 : memref<2x80xi32, #tpu.memory_space<hbm>>) dst(%dma_wait3A_202 : memref<2x80xi32, #tpu.memory_space<vmem>>)
    %dma_start3A_207 = arith.constant 2 : i32
    %dma_start3A_208 = arith.constant 0 : i32
    %dma_start3A_209 = arith.constant 2 : i32
    %dma_start3A_210 = arith.constant 2 : i32
    %dma_start3A_211 = arith.constant 0 : i32
    %dma_start3A_212 = arith.constant 0 : i32
    %dma_start3A_213 = tpu.memref_slice %arg7[%dma_start3A_209, %dma_start3A_211, %dma_start3A_212] : memref<4x80x128xf32, #tpu.memory_space<vmem>> -> memref<1x80x128xf32, #tpu.memory_space<vmem>>
    %dma_start3A_214 = tpu.memref_squeeze %dma_start3A_213 : memref<1x80x128xf32, #tpu.memory_space<vmem>> -> memref<80x128xf32, #tpu.memory_space<vmem>>
    %dma_start3A_215 = arith.constant 0 : i32
    %dma_start3A_216 = tpu.memref_slice %arg6[%dma_start3A_207, %dma_start3A_208, %dma_start3A_215] : memref<8x2x80xi32, #tpu.memory_space<vmem>> -> memref<1x1x80xi32, #tpu.memory_space<vmem>>
    %dma_start3A_217 = tpu.memref_squeeze %dma_start3A_216 : memref<1x1x80xi32, #tpu.memory_space<vmem>> -> memref<80xi32, #tpu.memory_space<vmem>>
    %dma_start3A_218 = arith.constant 0 : i32
    %dma_start3A_219 = arith.constant 0 : i32
    %dma_start3A_220 = tpu.memref_slice %arg2[%dma_start3A_218, %dma_start3A_219] : memref<20000x128xf32, #tpu.memory_space<hbm>> -> memref<20000x128xf32, #tpu.memory_space<hbm>>
    %dma_start3A_221 = tpu.memref_slice %arg9[%dma_start3A_210] : memref<4x!tpu.dma_semaphore, #tpu.memory_space<semaphore_mem>> -> memref<1x!tpu.dma_semaphore, #tpu.memory_space<semaphore_mem>>
    %dma_start3A_222 = tpu.memref_squeeze %dma_start3A_221 : memref<1x!tpu.dma_semaphore, #tpu.memory_space<semaphore_mem>> -> memref<!tpu.dma_semaphore, #tpu.memory_space<semaphore_mem>>
    tpu.enqueue_indirect_dma source(%dma_start3A_220 : memref<20000x128xf32, #tpu.memory_space<hbm>>) target(%dma_start3A_214 : memref<80x128xf32, #tpu.memory_space<vmem>>) offsets(%dma_start3A_217 : memref<80xi32, #tpu.memory_space<vmem>>) semaphore(%dma_start3A_222 : memref<!tpu.dma_semaphore, #tpu.memory_space<semaphore_mem>>)
    %scan3A_223 = arith.constant 0 : i32
    %scan3A_224 = arith.constant 0 : i32
    %scan3A_225 = arith.constant 8 : i32
    %scan3A_226 = arith.addi %scan3A_224, %scan3A_225 : i32
    %scan3A_227 = arith.constant 1 : i32
    scf.for %scan3A_350 = %scan3A_224 to %scan3A_226 step %scan3A_227  : i32 {
      %dma_wait3A_351 = arith.constant 0 : i32
      %dma_wait3A_352 = arith.constant 0 : i32
      %dma_wait3A_353 = arith.constant 0 : i32
      %dma_wait3A_354 = tpu.memref_slice %arg7[%dma_wait3A_351, %dma_wait3A_352, %dma_wait3A_353] : memref<4x80x128xf32, #tpu.memory_space<vmem>> -> memref<1x80x128xf32, #tpu.memory_space<vmem>>
      %dma_wait3A_355 = tpu.memref_squeeze %dma_wait3A_354 : memref<1x80x128xf32, #tpu.memory_space<vmem>> -> memref<80x128xf32, #tpu.memory_space<vmem>>
      %dma_wait3A_356 = arith.constant 0 : i32
      %dma_wait3A_357 = arith.constant 0 : i32
      %dma_wait3A_358 = tpu.memref_slice %arg8[%dma_wait3A_356, %dma_wait3A_357] : memref<10000x128xf32, #tpu.memory_space<vmem_shared>> -> memref<80x128xf32, #tpu.memory_space<vmem_shared>>
      %dma_wait3A_359 = arith.constant 0 : i32
      %dma_wait3A_360 = arith.constant 0 : i32
      %dma_wait3A_361 = tpu.memref_slice %arg8[%dma_wait3A_359, %dma_wait3A_360] : memref<10000x128xf32, #tpu.memory_space<vmem_shared>> -> memref<80x128xf32, #tpu.memory_space<vmem_shared>>
      %dma_wait3A_362 = arith.constant 0 : i32
      %dma_wait3A_363 = arith.constant 0 : i32
      %dma_wait3A_364 = tpu.memref_slice %arg7[%dma_wait3A_351, %dma_wait3A_362, %dma_wait3A_363] : memref<4x80x128xf32, #tpu.memory_space<vmem>> -> memref<1x80x128xf32, #tpu.memory_space<vmem>>
      %dma_wait3A_365 = tpu.memref_squeeze %dma_wait3A_364 : memref<1x80x128xf32, #tpu.memory_space<vmem>> -> memref<80x128xf32, #tpu.memory_space<vmem>>
      tpu.wait_dma2 semaphore(%arg13 : memref<!tpu.dma_semaphore, #tpu.memory_space<semaphore_mem>>) src(%dma_wait3A_365 : memref<80x128xf32, #tpu.memory_space<vmem>>) dst(%dma_wait3A_361 : memref<80x128xf32, #tpu.memory_space<vmem_shared>>)
    }
    %scan3A_228 = arith.constant 8 : i32
    %barrier3A = arith.constant 0 : index
    tpu.barrier barrier_id(%barrier3A)
    %scan3A_229 = arith.constant 0 : i32
    %scan3A_230 = arith.constant 0 : i32
    %scan3A_231 = arith.constant 125 : i32
    %scan3A_232 = arith.addi %scan3A_230, %scan3A_231 : i32
    %scan3A_233 = arith.constant 1 : i32
    scf.for %scan3A_350 = %scan3A_230 to %scan3A_232 step %scan3A_233  : i32 {
      %rem3A = arith.constant 4 : i32
      %rem3A_351 = arith.remsi %scan3A_350, %rem3A : i32
      %dma_wait3A_352 = arith.constant 0 : i32
      %dma_wait3A_353 = arith.constant 0 : i32
      %dma_wait3A_354 = tpu.memref_slice %arg7[%rem3A_351, %dma_wait3A_352, %dma_wait3A_353] : memref<4x80x128xf32, #tpu.memory_space<vmem>> -> memref<1x80x128xf32, #tpu.memory_space<vmem>>
      %dma_wait3A_355 = tpu.memref_squeeze %dma_wait3A_354 : memref<1x80x128xf32, #tpu.memory_space<vmem>> -> memref<80x128xf32, #tpu.memory_space<vmem>>
      %dma_wait3A_356 = arith.constant 0 : i32
      %dma_wait3A_357 = arith.constant 0 : i32
      %dma_wait3A_358 = tpu.memref_slice %arg2[%dma_wait3A_356, %dma_wait3A_357] : memref<20000x128xf32, #tpu.memory_space<hbm>> -> memref<80x128xf32, #tpu.memory_space<hbm>>
      %dma_wait3A_359 = tpu.memref_slice %arg9[%rem3A_351] : memref<4x!tpu.dma_semaphore, #tpu.memory_space<semaphore_mem>> -> memref<1x!tpu.dma_semaphore, #tpu.memory_space<semaphore_mem>>
      %dma_wait3A_360 = tpu.memref_squeeze %dma_wait3A_359 : memref<1x!tpu.dma_semaphore, #tpu.memory_space<semaphore_mem>> -> memref<!tpu.dma_semaphore, #tpu.memory_space<semaphore_mem>>
      %dma_wait3A_361 = arith.constant 0 : i32
      %dma_wait3A_362 = arith.constant 0 : i32
      %dma_wait3A_363 = tpu.memref_slice %arg7[%rem3A_351, %dma_wait3A_361, %dma_wait3A_362] : memref<4x80x128xf32, #tpu.memory_space<vmem>> -> memref<1x80x128xf32, #tpu.memory_space<vmem>>
      %dma_wait3A_364 = tpu.memref_squeeze %dma_wait3A_363 : memref<1x80x128xf32, #tpu.memory_space<vmem>> -> memref<80x128xf32, #tpu.memory_space<vmem>>
      %dma_wait3A_365 = arith.constant 0 : i32
      %dma_wait3A_366 = arith.constant 0 : i32
      %dma_wait3A_367 = tpu.memref_slice %arg2[%dma_wait3A_365, %dma_wait3A_366] : memref<20000x128xf32, #tpu.memory_space<hbm>> -> memref<80x128xf32, #tpu.memory_space<hbm>>
      tpu.wait_dma2 semaphore(%dma_wait3A_360 : memref<!tpu.dma_semaphore, #tpu.memory_space<semaphore_mem>>) src(%dma_wait3A_367 : memref<80x128xf32, #tpu.memory_space<hbm>>) dst(%dma_wait3A_364 : memref<80x128xf32, #tpu.memory_space<vmem>>)
      %add3A_368 = arith.constant 3 : i32
      %add3A_369 = arith.addi %scan3A_350, %add3A_368 : i32
      %lt3A = arith.constant 125 : i32
      %lt3A_370 = arith.cmpi slt, %add3A_369, %lt3A : i32
      %convert_element_type3A = arith.extui %lt3A_370 : i1 to i32
      %cond3A = arith.constant 0 : i32
      %cond3A_371 = arith.cmpi ne, %convert_element_type3A, %cond3A : i32
      scf.if %cond3A_371 {
        %rem3A_394 = arith.constant 4 : i32
        %rem3A_395 = arith.remsi %add3A_369, %rem3A_394 : i32
        %ge3A = arith.constant 4 : i32
        %ge3A_396 = arith.cmpi sge, %add3A_369, %ge3A : i32
        %convert_element_type3A_397 = arith.extui %ge3A_396 : i1 to i32
        %cond3A_398 = arith.constant 0 : i32
        %cond3A_399 = arith.cmpi ne, %convert_element_type3A_397, %cond3A_398 : i32
        scf.if %cond3A_399 {
          %dma_wait3A_435 = arith.constant 0 : i32
          %dma_wait3A_436 = arith.constant 0 : i32
          %dma_wait3A_437 = arith.constant 0 : i32
          %dma_wait3A_438 = tpu.memref_slice %arg7[%dma_wait3A_435, %dma_wait3A_436, %dma_wait3A_437] : memref<4x80x128xf32, #tpu.memory_space<vmem>> -> memref<1x80x128xf32, #tpu.memory_space<vmem>>
          %dma_wait3A_439 = tpu.memref_squeeze %dma_wait3A_438 : memref<1x80x128xf32, #tpu.memory_space<vmem>> -> memref<80x128xf32, #tpu.memory_space<vmem>>
          %dma_wait3A_440 = arith.constant 0 : i32
          %dma_wait3A_441 = arith.constant 0 : i32
          %dma_wait3A_442 = tpu.memref_slice %arg8[%dma_wait3A_440, %dma_wait3A_441] : memref<10000x128xf32, #tpu.memory_space<vmem_shared>> -> memref<80x128xf32, #tpu.memory_space<vmem_shared>>
          %dma_wait3A_443 = tpu.memref_slice %arg10[%rem3A_395] : memref<4x!tpu.dma_semaphore, #tpu.memory_space<semaphore_mem>> -> memref<1x!tpu.dma_semaphore, #tpu.memory_space<semaphore_mem>>
          %dma_wait3A_444 = tpu.memref_squeeze %dma_wait3A_443 : memref<1x!tpu.dma_semaphore, #tpu.memory_space<semaphore_mem>> -> memref<!tpu.dma_semaphore, #tpu.memory_space<semaphore_mem>>
          %dma_wait3A_445 = arith.constant 0 : i32
          %dma_wait3A_446 = arith.constant 0 : i32
          %dma_wait3A_447 = tpu.memref_slice %arg8[%dma_wait3A_445, %dma_wait3A_446] : memref<10000x128xf32, #tpu.memory_space<vmem_shared>> -> memref<80x128xf32, #tpu.memory_space<vmem_shared>>
          %dma_wait3A_448 = arith.constant 0 : i32
          %dma_wait3A_449 = arith.constant 0 : i32
          %dma_wait3A_450 = tpu.memref_slice %arg7[%dma_wait3A_435, %dma_wait3A_448, %dma_wait3A_449] : memref<4x80x128xf32, #tpu.memory_space<vmem>> -> memref<1x80x128xf32, #tpu.memory_space<vmem>>
          %dma_wait3A_451 = tpu.memref_squeeze %dma_wait3A_450 : memref<1x80x128xf32, #tpu.memory_space<vmem>> -> memref<80x128xf32, #tpu.memory_space<vmem>>
          tpu.wait_dma2 semaphore(%dma_wait3A_444 : memref<!tpu.dma_semaphore, #tpu.memory_space<semaphore_mem>>) src(%dma_wait3A_451 : memref<80x128xf32, #tpu.memory_space<vmem>>) dst(%dma_wait3A_447 : memref<80x128xf32, #tpu.memory_space<vmem_shared>>)
        } else {
        }
        %rem3A_400 = arith.constant 8 : i32
        %rem3A_401 = arith.remsi %add3A_369, %rem3A_400 : i32
        %dma_wait3A_402 = arith.constant 0 : i32
        %dma_wait3A_403 = arith.constant 0 : i32
        %dma_wait3A_404 = arith.constant 0 : i32
        %dma_wait3A_405 = arith.constant 0 : i32
        %dma_wait3A_406 = tpu.memref_slice %arg6[%rem3A_401, %dma_wait3A_404, %dma_wait3A_405] : memref<8x2x80xi32, #tpu.memory_space<vmem>> -> memref<1x2x80xi32, #tpu.memory_space<vmem>>
        %dma_wait3A_407 = tpu.memref_squeeze %dma_wait3A_406 : memref<1x2x80xi32, #tpu.memory_space<vmem>> -> memref<2x80xi32, #tpu.memory_space<vmem>>
        %dma_wait3A_408 = arith.constant 0 : i32
        %dma_wait3A_409 = arith.constant 0 : i32
        %dma_wait3A_410 = tpu.memref_slice %arg3[%dma_wait3A_402, %dma_wait3A_403, %dma_wait3A_408, %dma_wait3A_409] : memref<32x128x2x80xi32, #tpu.memory_space<hbm>> -> memref<1x1x2x80xi32, #tpu.memory_space<hbm>>
        %dma_wait3A_411 = tpu.memref_squeeze %dma_wait3A_410 : memref<1x1x2x80xi32, #tpu.memory_space<hbm>> -> memref<2x80xi32, #tpu.memory_space<hbm>>
        %dma_wait3A_412 = tpu.memref_slice %arg11[%rem3A_401] : memref<8x!tpu.dma_semaphore, #tpu.memory_space<semaphore_mem>> -> memref<1x!tpu.dma_semaphore, #tpu.memory_space<semaphore_mem>>
        %dma_wait3A_413 = tpu.memref_squeeze %dma_wait3A_412 : memref<1x!tpu.dma_semaphore, #tpu.memory_space<semaphore_mem>> -> memref<!tpu.dma_semaphore, #tpu.memory_space<semaphore_mem>>
        %dma_wait3A_414 = arith.constant 0 : i32
        %dma_wait3A_415 = arith.constant 0 : i32
        %dma_wait3A_416 = tpu.memref_slice %arg6[%rem3A_401, %dma_wait3A_414, %dma_wait3A_415] : memref<8x2x80xi32, #tpu.memory_space<vmem>> -> memref<1x2x80xi32, #tpu.memory_space<vmem>>
        %dma_wait3A_417 = tpu.memref_squeeze %dma_wait3A_416 : memref<1x2x80xi32, #tpu.memory_space<vmem>> -> memref<2x80xi32, #tpu.memory_space<vmem>>
        %dma_wait3A_418 = arith.constant 0 : i32
        %dma_wait3A_419 = arith.constant 0 : i32
        %dma_wait3A_420 = tpu.memref_slice %arg3[%dma_wait3A_402, %dma_wait3A_403, %dma_wait3A_418, %dma_wait3A_419] : memref<32x128x2x80xi32, #tpu.memory_space<hbm>> -> memref<1x1x2x80xi32, #tpu.memory_space<hbm>>
        %dma_wait3A_421 = tpu.memref_squeeze %dma_wait3A_420 : memref<1x1x2x80xi32, #tpu.memory_space<hbm>> -> memref<2x80xi32, #tpu.memory_space<hbm>>
        tpu.wait_dma2 semaphore(%dma_wait3A_413 : memref<!tpu.dma_semaphore, #tpu.memory_space<semaphore_mem>>) src(%dma_wait3A_421 : memref<2x80xi32, #tpu.memory_space<hbm>>) dst(%dma_wait3A_417 : memref<2x80xi32, #tpu.memory_space<vmem>>)
        %dma_start3A_422 = arith.constant 0 : i32
        %dma_start3A_423 = arith.constant 0 : i32
        %dma_start3A_424 = arith.constant 0 : i32
        %dma_start3A_425 = tpu.memref_slice %arg7[%rem3A_395, %dma_start3A_423, %dma_start3A_424] : memref<4x80x128xf32, #tpu.memory_space<vmem>> -> memref<1x80x128xf32, #tpu.memory_space<vmem>>
        %dma_start3A_426 = tpu.memref_squeeze %dma_start3A_425 : memref<1x80x128xf32, #tpu.memory_space<vmem>> -> memref<80x128xf32, #tpu.memory_space<vmem>>
        %dma_start3A_427 = arith.constant 0 : i32
        %dma_start3A_428 = tpu.memref_slice %arg6[%rem3A_401, %dma_start3A_422, %dma_start3A_427] : memref<8x2x80xi32, #tpu.memory_space<vmem>> -> memref<1x1x80xi32, #tpu.memory_space<vmem>>
        %dma_start3A_429 = tpu.memref_squeeze %dma_start3A_428 : memref<1x1x80xi32, #tpu.memory_space<vmem>> -> memref<80xi32, #tpu.memory_space<vmem>>
        %dma_start3A_430 = arith.constant 0 : i32
        %dma_start3A_431 = arith.constant 0 : i32
        %dma_start3A_432 = tpu.memref_slice %arg2[%dma_start3A_430, %dma_start3A_431] : memref<20000x128xf32, #tpu.memory_space<hbm>> -> memref<20000x128xf32, #tpu.memory_space<hbm>>
        %dma_start3A_433 = tpu.memref_slice %arg9[%rem3A_395] : memref<4x!tpu.dma_semaphore, #tpu.memory_space<semaphore_mem>> -> memref<1x!tpu.dma_semaphore, #tpu.memory_space<semaphore_mem>>
        %dma_start3A_434 = tpu.memref_squeeze %dma_start3A_433 : memref<1x!tpu.dma_semaphore, #tpu.memory_space<semaphore_mem>> -> memref<!tpu.dma_semaphore, #tpu.memory_space<semaphore_mem>>
        tpu.enqueue_indirect_dma source(%dma_start3A_432 : memref<20000x128xf32, #tpu.memory_space<hbm>>) target(%dma_start3A_426 : memref<80x128xf32, #tpu.memory_space<vmem>>) offsets(%dma_start3A_429 : memref<80xi32, #tpu.memory_space<vmem>>) semaphore(%dma_start3A_434 : memref<!tpu.dma_semaphore, #tpu.memory_space<semaphore_mem>>)
      } else {
      }
      %rem3A_372 = arith.constant 8 : i32
      %rem3A_373 = arith.remsi %scan3A_350, %rem3A_372 : i32
      %dma_start3A_374 = arith.constant 1 : i32
      %dma_start3A_375 = arith.constant 0 : i32
      %dma_start3A_376 = arith.constant 0 : i32
      %dma_start3A_377 = tpu.memref_slice %arg7[%rem3A_351, %dma_start3A_375, %dma_start3A_376] : memref<4x80x128xf32, #tpu.memory_space<vmem>> -> memref<1x80x128xf32, #tpu.memory_space<vmem>>
      %dma_start3A_378 = tpu.memref_squeeze %dma_start3A_377 : memref<1x80x128xf32, #tpu.memory_space<vmem>> -> memref<80x128xf32, #tpu.memory_space<vmem>>
      %dma_start3A_379 = arith.constant 0 : i32
      %dma_start3A_380 = tpu.memref_slice %arg6[%rem3A_373, %dma_start3A_374, %dma_start3A_379] : memref<8x2x80xi32, #tpu.memory_space<vmem>> -> memref<1x1x80xi32, #tpu.memory_space<vmem>>
      %dma_start3A_381 = tpu.memref_squeeze %dma_start3A_380 : memref<1x1x80xi32, #tpu.memory_space<vmem>> -> memref<80xi32, #tpu.memory_space<vmem>>
      %dma_start3A_382 = arith.constant 0 : i32
      %dma_start3A_383 = arith.constant 0 : i32
      %dma_start3A_384 = tpu.memref_slice %arg8[%dma_start3A_382, %dma_start3A_383] : memref<10000x128xf32, #tpu.memory_space<vmem_shared>> -> memref<10000x128xf32, #tpu.memory_space<vmem_shared>>
      %dma_start3A_385 = tpu.memref_slice %arg10[%rem3A_351] : memref<4x!tpu.dma_semaphore, #tpu.memory_space<semaphore_mem>> -> memref<1x!tpu.dma_semaphore, #tpu.memory_space<semaphore_mem>>
      %dma_start3A_386 = tpu.memref_squeeze %dma_start3A_385 : memref<1x!tpu.dma_semaphore, #tpu.memory_space<semaphore_mem>> -> memref<!tpu.dma_semaphore, #tpu.memory_space<semaphore_mem>>
      tpu.enqueue_indirect_dma source(%dma_start3A_378 : memref<80x128xf32, #tpu.memory_space<vmem>>) target(%dma_start3A_384 : memref<10000x128xf32, #tpu.memory_space<vmem_shared>>) offsets(%dma_start3A_381 : memref<80xi32, #tpu.memory_space<vmem>>) semaphore(%dma_start3A_386 : memref<!tpu.dma_semaphore, #tpu.memory_space<semaphore_mem>>) {add = true}
      %add3A_387 = arith.constant 5 : i32
      %add3A_388 = arith.addi %scan3A_350, %add3A_387 : i32
      %lt3A_389 = arith.constant 125 : i32
      %lt3A_390 = arith.cmpi slt, %add3A_388, %lt3A_389 : i32
      %convert_element_type3A_391 = arith.extui %lt3A_390 : i1 to i32
      %cond3A_392 = arith.constant 0 : i32
      %cond3A_393 = arith.cmpi ne, %convert_element_type3A_391, %cond3A_392 : i32
      scf.if %cond3A_393 {
        %add3A_394 = arith.constant 5 : i32
        %add3A_395 = arith.addi %scan3A_350, %add3A_394 : i32
        %rem3A_396 = arith.constant 8 : i32
        %rem3A_397 = arith.remsi %add3A_395, %rem3A_396 : i32
        %add3A_398 = arith.constant 5 : i32
        %add3A_399 = arith.addi %scan3A_350, %add3A_398 : i32
        %dma_start3A_400 = arith.constant 0 : i32
        %dma_start3A_401 = arith.constant 0 : i32
        %dma_start3A_402 = tpu.memref_slice %arg6[%rem3A_397, %dma_start3A_400, %dma_start3A_401] : memref<8x2x80xi32, #tpu.memory_space<vmem>> -> memref<1x2x80xi32, #tpu.memory_space<vmem>>
        %dma_start3A_403 = tpu.memref_squeeze %dma_start3A_402 : memref<1x2x80xi32, #tpu.memory_space<vmem>> -> memref<2x80xi32, #tpu.memory_space<vmem>>
        %dma_start3A_404 = arith.constant 0 : i32
        %dma_start3A_405 = arith.constant 0 : i32
        %dma_start3A_406 = tpu.memref_slice %arg3[%add3A, %add3A_399, %dma_start3A_404, %dma_start3A_405] : memref<32x128x2x80xi32, #tpu.memory_space<hbm>> -> memref<1x1x2x80xi32, #tpu.memory_space<hbm>>
        %dma_start3A_407 = tpu.memref_squeeze %dma_start3A_406 : memref<1x1x2x80xi32, #tpu.memory_space<hbm>> -> memref<2x80xi32, #tpu.memory_space<hbm>>
        %dma_start3A_408 = tpu.memref_slice %arg11[%rem3A_397] : memref<8x!tpu.dma_semaphore, #tpu.memory_space<semaphore_mem>> -> memref<1x!tpu.dma_semaphore, #tpu.memory_space<semaphore_mem>>
        %dma_start3A_409 = tpu.memref_squeeze %dma_start3A_408 : memref<1x!tpu.dma_semaphore, #tpu.memory_space<semaphore_mem>> -> memref<!tpu.dma_semaphore, #tpu.memory_space<semaphore_mem>>
        %dma_start3A_410 = arith.constant 0 : i32
        %dma_start3A_411 = arith.constant 0 : i32
        %dma_start3A_412 = tpu.memref_slice %arg6[%rem3A_397, %dma_start3A_410, %dma_start3A_411] : memref<8x2x80xi32, #tpu.memory_space<vmem>> -> memref<1x2x80xi32, #tpu.memory_space<vmem>>
        %dma_start3A_413 = tpu.memref_squeeze %dma_start3A_412 : memref<1x2x80xi32, #tpu.memory_space<vmem>> -> memref<2x80xi32, #tpu.memory_space<vmem>>
        %dma_start3A_414 = arith.constant 0 : i32
        %dma_start3A_415 = arith.constant 0 : i32
        %dma_start3A_416 = tpu.memref_slice %arg3[%add3A, %add3A_399, %dma_start3A_414, %dma_start3A_415] : memref<32x128x2x80xi32, #tpu.memory_space<hbm>> -> memref<1x1x2x80xi32, #tpu.memory_space<hbm>>
        %dma_start3A_417 = tpu.memref_squeeze %dma_start3A_416 : memref<1x1x2x80xi32, #tpu.memory_space<hbm>> -> memref<2x80xi32, #tpu.memory_space<hbm>>
        tpu.enqueue_dma source(%dma_start3A_417 : memref<2x80xi32, #tpu.memory_space<hbm>>) target(%dma_start3A_413 : memref<2x80xi32, #tpu.memory_space<vmem>>) target_semaphore(%dma_start3A_409 : memref<!tpu.dma_semaphore, #tpu.memory_space<semaphore_mem>>)
      } else {
      }
    }
    %scan3A_234 = arith.constant 125 : i32
    %dma_wait3A_235 = arith.constant 0 : i32
    %dma_wait3A_236 = arith.constant 0 : i32
    %dma_wait3A_237 = arith.constant 0 : i32
    %dma_wait3A_238 = arith.constant 0 : i32
    %dma_wait3A_239 = tpu.memref_slice %arg7[%dma_wait3A_235, %dma_wait3A_237, %dma_wait3A_238] : memref<4x80x128xf32, #tpu.memory_space<vmem>> -> memref<1x80x128xf32, #tpu.memory_space<vmem>>
    %dma_wait3A_240 = tpu.memref_squeeze %dma_wait3A_239 : memref<1x80x128xf32, #tpu.memory_space<vmem>> -> memref<80x128xf32, #tpu.memory_space<vmem>>
    %dma_wait3A_241 = arith.constant 0 : i32
    %dma_wait3A_242 = arith.constant 0 : i32
    %dma_wait3A_243 = tpu.memref_slice %arg8[%dma_wait3A_241, %dma_wait3A_242] : memref<10000x128xf32, #tpu.memory_space<vmem_shared>> -> memref<80x128xf32, #tpu.memory_space<vmem_shared>>
    %dma_wait3A_244 = tpu.memref_slice %arg10[%dma_wait3A_236] : memref<4x!tpu.dma_semaphore, #tpu.memory_space<semaphore_mem>> -> memref<1x!tpu.dma_semaphore, #tpu.memory_space<semaphore_mem>>
    %dma_wait3A_245 = tpu.memref_squeeze %dma_wait3A_244 : memref<1x!tpu.dma_semaphore, #tpu.memory_space<semaphore_mem>> -> memref<!tpu.dma_semaphore, #tpu.memory_space<semaphore_mem>>
    %dma_wait3A_246 = arith.constant 0 : i32
    %dma_wait3A_247 = arith.constant 0 : i32
    %dma_wait3A_248 = tpu.memref_slice %arg8[%dma_wait3A_246, %dma_wait3A_247] : memref<10000x128xf32, #tpu.memory_space<vmem_shared>> -> memref<80x128xf32, #tpu.memory_space<vmem_shared>>
    %dma_wait3A_249 = arith.constant 0 : i32
    %dma_wait3A_250 = arith.constant 0 : i32
    %dma_wait3A_251 = tpu.memref_slice %arg7[%dma_wait3A_235, %dma_wait3A_249, %dma_wait3A_250] : memref<4x80x128xf32, #tpu.memory_space<vmem>> -> memref<1x80x128xf32, #tpu.memory_space<vmem>>
    %dma_wait3A_252 = tpu.memref_squeeze %dma_wait3A_251 : memref<1x80x128xf32, #tpu.memory_space<vmem>> -> memref<80x128xf32, #tpu.memory_space<vmem>>
    tpu.wait_dma2 semaphore(%dma_wait3A_245 : memref<!tpu.dma_semaphore, #tpu.memory_space<semaphore_mem>>) src(%dma_wait3A_252 : memref<80x128xf32, #tpu.memory_space<vmem>>) dst(%dma_wait3A_248 : memref<80x128xf32, #tpu.memory_space<vmem_shared>>)
    %dma_wait3A_253 = arith.constant 0 : i32
    %dma_wait3A_254 = arith.constant 1 : i32
    %dma_wait3A_255 = arith.constant 0 : i32
    %dma_wait3A_256 = arith.constant 0 : i32
    %dma_wait3A_257 = tpu.memref_slice %arg7[%dma_wait3A_253, %dma_wait3A_255, %dma_wait3A_256] : memref<4x80x128xf32, #tpu.memory_space<vmem>> -> memref<1x80x128xf32, #tpu.memory_space<vmem>>
    %dma_wait3A_258 = tpu.memref_squeeze %dma_wait3A_257 : memref<1x80x128xf32, #tpu.memory_space<vmem>> -> memref<80x128xf32, #tpu.memory_space<vmem>>
    %dma_wait3A_259 = arith.constant 0 : i32
    %dma_wait3A_260 = arith.constant 0 : i32
    %dma_wait3A_261 = tpu.memref_slice %arg8[%dma_wait3A_259, %dma_wait3A_260] : memref<10000x128xf32, #tpu.memory_space<vmem_shared>> -> memref<80x128xf32, #tpu.memory_space<vmem_shared>>
    %dma_wait3A_262 = tpu.memref_slice %arg10[%dma_wait3A_254] : memref<4x!tpu.dma_semaphore, #tpu.memory_space<semaphore_mem>> -> memref<1x!tpu.dma_semaphore, #tpu.memory_space<semaphore_mem>>
    %dma_wait3A_263 = tpu.memref_squeeze %dma_wait3A_262 : memref<1x!tpu.dma_semaphore, #tpu.memory_space<semaphore_mem>> -> memref<!tpu.dma_semaphore, #tpu.memory_space<semaphore_mem>>
    %dma_wait3A_264 = arith.constant 0 : i32
    %dma_wait3A_265 = arith.constant 0 : i32
    %dma_wait3A_266 = tpu.memref_slice %arg8[%dma_wait3A_264, %dma_wait3A_265] : memref<10000x128xf32, #tpu.memory_space<vmem_shared>> -> memref<80x128xf32, #tpu.memory_space<vmem_shared>>
    %dma_wait3A_267 = arith.constant 0 : i32
    %dma_wait3A_268 = arith.constant 0 : i32
    %dma_wait3A_269 = tpu.memref_slice %arg7[%dma_wait3A_253, %dma_wait3A_267, %dma_wait3A_268] : memref<4x80x128xf32, #tpu.memory_space<vmem>> -> memref<1x80x128xf32, #tpu.memory_space<vmem>>
    %dma_wait3A_270 = tpu.memref_squeeze %dma_wait3A_269 : memref<1x80x128xf32, #tpu.memory_space<vmem>> -> memref<80x128xf32, #tpu.memory_space<vmem>>
    tpu.wait_dma2 semaphore(%dma_wait3A_263 : memref<!tpu.dma_semaphore, #tpu.memory_space<semaphore_mem>>) src(%dma_wait3A_270 : memref<80x128xf32, #tpu.memory_space<vmem>>) dst(%dma_wait3A_266 : memref<80x128xf32, #tpu.memory_space<vmem_shared>>)
    %dma_wait3A_271 = arith.constant 0 : i32
    %dma_wait3A_272 = arith.constant 2 : i32
    %dma_wait3A_273 = arith.constant 0 : i32
    %dma_wait3A_274 = arith.constant 0 : i32
    %dma_wait3A_275 = tpu.memref_slice %arg7[%dma_wait3A_271, %dma_wait3A_273, %dma_wait3A_274] : memref<4x80x128xf32, #tpu.memory_space<vmem>> -> memref<1x80x128xf32, #tpu.memory_space<vmem>>
    %dma_wait3A_276 = tpu.memref_squeeze %dma_wait3A_275 : memref<1x80x128xf32, #tpu.memory_space<vmem>> -> memref<80x128xf32, #tpu.memory_space<vmem>>
    %dma_wait3A_277 = arith.constant 0 : i32
    %dma_wait3A_278 = arith.constant 0 : i32
    %dma_wait3A_279 = tpu.memref_slice %arg8[%dma_wait3A_277, %dma_wait3A_278] : memref<10000x128xf32, #tpu.memory_space<vmem_shared>> -> memref<80x128xf32, #tpu.memory_space<vmem_shared>>
    %dma_wait3A_280 = tpu.memref_slice %arg10[%dma_wait3A_272] : memref<4x!tpu.dma_semaphore, #tpu.memory_space<semaphore_mem>> -> memref<1x!tpu.dma_semaphore, #tpu.memory_space<semaphore_mem>>
    %dma_wait3A_281 = tpu.memref_squeeze %dma_wait3A_280 : memref<1x!tpu.dma_semaphore, #tpu.memory_space<semaphore_mem>> -> memref<!tpu.dma_semaphore, #tpu.memory_space<semaphore_mem>>
    %dma_wait3A_282 = arith.constant 0 : i32
    %dma_wait3A_283 = arith.constant 0 : i32
    %dma_wait3A_284 = tpu.memref_slice %arg8[%dma_wait3A_282, %dma_wait3A_283] : memref<10000x128xf32, #tpu.memory_space<vmem_shared>> -> memref<80x128xf32, #tpu.memory_space<vmem_shared>>
    %dma_wait3A_285 = arith.constant 0 : i32
    %dma_wait3A_286 = arith.constant 0 : i32
    %dma_wait3A_287 = tpu.memref_slice %arg7[%dma_wait3A_271, %dma_wait3A_285, %dma_wait3A_286] : memref<4x80x128xf32, #tpu.memory_space<vmem>> -> memref<1x80x128xf32, #tpu.memory_space<vmem>>
    %dma_wait3A_288 = tpu.memref_squeeze %dma_wait3A_287 : memref<1x80x128xf32, #tpu.memory_space<vmem>> -> memref<80x128xf32, #tpu.memory_space<vmem>>
    tpu.wait_dma2 semaphore(%dma_wait3A_281 : memref<!tpu.dma_semaphore, #tpu.memory_space<semaphore_mem>>) src(%dma_wait3A_288 : memref<80x128xf32, #tpu.memory_space<vmem>>) dst(%dma_wait3A_284 : memref<80x128xf32, #tpu.memory_space<vmem_shared>>)
    %dma_wait3A_289 = arith.constant 0 : i32
    %dma_wait3A_290 = arith.constant 3 : i32
    %dma_wait3A_291 = arith.constant 0 : i32
    %dma_wait3A_292 = arith.constant 0 : i32
    %dma_wait3A_293 = tpu.memref_slice %arg7[%dma_wait3A_289, %dma_wait3A_291, %dma_wait3A_292] : memref<4x80x128xf32, #tpu.memory_space<vmem>> -> memref<1x80x128xf32, #tpu.memory_space<vmem>>
    %dma_wait3A_294 = tpu.memref_squeeze %dma_wait3A_293 : memref<1x80x128xf32, #tpu.memory_space<vmem>> -> memref<80x128xf32, #tpu.memory_space<vmem>>
    %dma_wait3A_295 = arith.constant 0 : i32
    %dma_wait3A_296 = arith.constant 0 : i32
    %dma_wait3A_297 = tpu.memref_slice %arg8[%dma_wait3A_295, %dma_wait3A_296] : memref<10000x128xf32, #tpu.memory_space<vmem_shared>> -> memref<80x128xf32, #tpu.memory_space<vmem_shared>>
    %dma_wait3A_298 = tpu.memref_slice %arg10[%dma_wait3A_290] : memref<4x!tpu.dma_semaphore, #tpu.memory_space<semaphore_mem>> -> memref<1x!tpu.dma_semaphore, #tpu.memory_space<semaphore_mem>>
    %dma_wait3A_299 = tpu.memref_squeeze %dma_wait3A_298 : memref<1x!tpu.dma_semaphore, #tpu.memory_space<semaphore_mem>> -> memref<!tpu.dma_semaphore, #tpu.memory_space<semaphore_mem>>
    %dma_wait3A_300 = arith.constant 0 : i32
    %dma_wait3A_301 = arith.constant 0 : i32
    %dma_wait3A_302 = tpu.memref_slice %arg8[%dma_wait3A_300, %dma_wait3A_301] : memref<10000x128xf32, #tpu.memory_space<vmem_shared>> -> memref<80x128xf32, #tpu.memory_space<vmem_shared>>
    %dma_wait3A_303 = arith.constant 0 : i32
    %dma_wait3A_304 = arith.constant 0 : i32
    %dma_wait3A_305 = tpu.memref_slice %arg7[%dma_wait3A_289, %dma_wait3A_303, %dma_wait3A_304] : memref<4x80x128xf32, #tpu.memory_space<vmem>> -> memref<1x80x128xf32, #tpu.memory_space<vmem>>
    %dma_wait3A_306 = tpu.memref_squeeze %dma_wait3A_305 : memref<1x80x128xf32, #tpu.memory_space<vmem>> -> memref<80x128xf32, #tpu.memory_space<vmem>>
    tpu.wait_dma2 semaphore(%dma_wait3A_299 : memref<!tpu.dma_semaphore, #tpu.memory_space<semaphore_mem>>) src(%dma_wait3A_306 : memref<80x128xf32, #tpu.memory_space<vmem>>) dst(%dma_wait3A_302 : memref<80x128xf32, #tpu.memory_space<vmem_shared>>)
    %barrier3A_307 = arith.constant 0 : index
    tpu.barrier barrier_id(%barrier3A_307)
    %scan3A_308 = arith.constant 0 : i32
    %scan3A_309 = arith.constant 0 : i32
    %scan3A_310 = arith.constant 8 : i32
    %scan3A_311 = arith.addi %scan3A_309, %scan3A_310 : i32
    %scan3A_312 = arith.constant 1 : i32
    scf.for %scan3A_350 = %scan3A_309 to %scan3A_311 step %scan3A_312  : i32 {
      %mul3A_351 = arith.constant 8 : i32
      %mul3A_352 = arith.muli %arg1, %mul3A_351 : i32
      %add3A_353 = arith.addi %mul3A_352, %scan3A_350 : i32
      %min3A = arith.constant 124 : i32
      %min3A_354 = arith.minsi %add3A_353, %min3A : i32
      %rem3A = arith.constant 2 : i32
      %rem3A_355 = arith.remsi %scan3A_350, %rem3A : i32
      %ge3A = arith.constant 2 : i32
      %ge3A_356 = arith.cmpi sge, %scan3A_350, %ge3A : i32
      %convert_element_type3A = arith.extui %ge3A_356 : i1 to i32
      %cond3A = arith.constant 0 : i32
      %cond3A_357 = arith.cmpi ne, %convert_element_type3A, %cond3A : i32
      scf.if %cond3A_357 {
        %dma_wait3A_379 = arith.constant 0 : i32
        %dma_wait3A_380 = arith.constant 0 : i32
        %dma_wait3A_381 = arith.constant 0 : i32
        %dma_wait3A_382 = tpu.memref_slice %arg7[%dma_wait3A_379, %dma_wait3A_380, %dma_wait3A_381] : memref<4x80x128xf32, #tpu.memory_space<vmem>> -> memref<1x80x128xf32, #tpu.memory_space<vmem>>
        %dma_wait3A_383 = tpu.memref_squeeze %dma_wait3A_382 : memref<1x80x128xf32, #tpu.memory_space<vmem>> -> memref<80x128xf32, #tpu.memory_space<vmem>>
        %dma_wait3A_384 = arith.constant 0 : i32
        %dma_wait3A_385 = arith.constant 0 : i32
        %dma_wait3A_386 = tpu.memref_slice %arg5[%dma_wait3A_384, %dma_wait3A_385] : memref<20000x128xf32, #tpu.memory_space<hbm>> -> memref<80x128xf32, #tpu.memory_space<hbm>>
        %dma_wait3A_387 = tpu.memref_slice %arg12[%rem3A_355] : memref<2x!tpu.dma_semaphore, #tpu.memory_space<semaphore_mem>> -> memref<1x!tpu.dma_semaphore, #tpu.memory_space<semaphore_mem>>
        %dma_wait3A_388 = tpu.memref_squeeze %dma_wait3A_387 : memref<1x!tpu.dma_semaphore, #tpu.memory_space<semaphore_mem>> -> memref<!tpu.dma_semaphore, #tpu.memory_space<semaphore_mem>>
        %dma_wait3A_389 = arith.constant 0 : i32
        %dma_wait3A_390 = arith.constant 0 : i32
        %dma_wait3A_391 = tpu.memref_slice %arg5[%dma_wait3A_389, %dma_wait3A_390] : memref<20000x128xf32, #tpu.memory_space<hbm>> -> memref<80x128xf32, #tpu.memory_space<hbm>>
        %dma_wait3A_392 = arith.constant 0 : i32
        %dma_wait3A_393 = arith.constant 0 : i32
        %dma_wait3A_394 = tpu.memref_slice %arg7[%dma_wait3A_379, %dma_wait3A_392, %dma_wait3A_393] : memref<4x80x128xf32, #tpu.memory_space<vmem>> -> memref<1x80x128xf32, #tpu.memory_space<vmem>>
        %dma_wait3A_395 = tpu.memref_squeeze %dma_wait3A_394 : memref<1x80x128xf32, #tpu.memory_space<vmem>> -> memref<80x128xf32, #tpu.memory_space<vmem>>
        tpu.wait_dma2 semaphore(%dma_wait3A_388 : memref<!tpu.dma_semaphore, #tpu.memory_space<semaphore_mem>>) src(%dma_wait3A_395 : memref<80x128xf32, #tpu.memory_space<vmem>>) dst(%dma_wait3A_391 : memref<80x128xf32, #tpu.memory_space<hbm>>)
      } else {
      }
      %mul3A_358 = arith.constant 80 : i32
      %mul3A_359 = arith.muli %min3A_354, %mul3A_358 : i32
      "tpu.region"() ({
        %run_scoped3A_379 = tpu.sem_alloc : memref<!tpu.dma_semaphore, #tpu.memory_space<semaphore_mem>>
        %dma_start3A_380 = arith.constant 0 : i32
        %dma_start3A_381 = arith.constant 0 : i32
        %dma_start3A_382 = tpu.memref_slice %arg7[%rem3A_355, %dma_start3A_380, %dma_start3A_381] : memref<4x80x128xf32, #tpu.memory_space<vmem>> -> memref<1x80x128xf32, #tpu.memory_space<vmem>>
        %dma_start3A_383 = tpu.memref_squeeze %dma_start3A_382 : memref<1x80x128xf32, #tpu.memory_space<vmem>> -> memref<80x128xf32, #tpu.memory_space<vmem>>
        %dma_start3A_384 = arith.constant 0 : i32
        %dma_start3A_385 = tpu.memref_slice %arg8[%mul3A_359, %dma_start3A_384] : memref<10000x128xf32, #tpu.memory_space<vmem_shared>> -> memref<80x128xf32, #tpu.memory_space<vmem_shared>>
        %dma_start3A_386 = arith.constant 0 : i32
        %dma_start3A_387 = arith.constant 0 : i32
        %dma_start3A_388 = tpu.memref_slice %arg7[%rem3A_355, %dma_start3A_386, %dma_start3A_387] : memref<4x80x128xf32, #tpu.memory_space<vmem>> -> memref<1x80x128xf32, #tpu.memory_space<vmem>>
        %dma_start3A_389 = tpu.memref_squeeze %dma_start3A_388 : memref<1x80x128xf32, #tpu.memory_space<vmem>> -> memref<80x128xf32, #tpu.memory_space<vmem>>
        %dma_start3A_390 = arith.constant 0 : i32
        %dma_start3A_391 = tpu.memref_slice %arg8[%mul3A_359, %dma_start3A_390] : memref<10000x128xf32, #tpu.memory_space<vmem_shared>> -> memref<80x128xf32, #tpu.memory_space<vmem_shared>>
        tpu.enqueue_dma source(%dma_start3A_391 : memref<80x128xf32, #tpu.memory_space<vmem_shared>>) target(%dma_start3A_389 : memref<80x128xf32, #tpu.memory_space<vmem>>) target_semaphore(%run_scoped3A_379 : memref<!tpu.dma_semaphore, #tpu.memory_space<semaphore_mem>>)
        %dma_wait3A_392 = arith.constant 0 : i32
        %dma_wait3A_393 = arith.constant 0 : i32
        %dma_wait3A_394 = tpu.memref_slice %arg7[%rem3A_355, %dma_wait3A_392, %dma_wait3A_393] : memref<4x80x128xf32, #tpu.memory_space<vmem>> -> memref<1x80x128xf32, #tpu.memory_space<vmem>>
        %dma_wait3A_395 = tpu.memref_squeeze %dma_wait3A_394 : memref<1x80x128xf32, #tpu.memory_space<vmem>> -> memref<80x128xf32, #tpu.memory_space<vmem>>
        %dma_wait3A_396 = arith.constant 0 : i32
        %dma_wait3A_397 = tpu.memref_slice %arg8[%mul3A_359, %dma_wait3A_396] : memref<10000x128xf32, #tpu.memory_space<vmem_shared>> -> memref<80x128xf32, #tpu.memory_space<vmem_shared>>
        %dma_wait3A_398 = arith.constant 0 : i32
        %dma_wait3A_399 = arith.constant 0 : i32
        %dma_wait3A_400 = tpu.memref_slice %arg7[%rem3A_355, %dma_wait3A_398, %dma_wait3A_399] : memref<4x80x128xf32, #tpu.memory_space<vmem>> -> memref<1x80x128xf32, #tpu.memory_space<vmem>>
        %dma_wait3A_401 = tpu.memref_squeeze %dma_wait3A_400 : memref<1x80x128xf32, #tpu.memory_space<vmem>> -> memref<80x128xf32, #tpu.memory_space<vmem>>
        %dma_wait3A_402 = arith.constant 0 : i32
        %dma_wait3A_403 = tpu.memref_slice %arg8[%mul3A_359, %dma_wait3A_402] : memref<10000x128xf32, #tpu.memory_space<vmem_shared>> -> memref<80x128xf32, #tpu.memory_space<vmem_shared>>
        tpu.wait_dma2 semaphore(%run_scoped3A_379 : memref<!tpu.dma_semaphore, #tpu.memory_space<semaphore_mem>>) src(%dma_wait3A_403 : memref<80x128xf32, #tpu.memory_space<vmem_shared>>) dst(%dma_wait3A_401 : memref<80x128xf32, #tpu.memory_space<vmem>>)
        tpu.yield
      }) : () -> ()
      %mul3A_360 = arith.constant 10000 : i32
      %mul3A_361 = arith.muli %arg0, %mul3A_360 : i32
      %mul3A_362 = arith.constant 80 : i32
      %mul3A_363 = arith.muli %min3A_354, %mul3A_362 : i32
      %add3A_364 = arith.addi %mul3A_361, %mul3A_363 : i32
      %dma_start3A_365 = arith.constant 0 : i32
      %dma_start3A_366 = arith.constant 0 : i32
      %dma_start3A_367 = tpu.memref_slice %arg7[%rem3A_355, %dma_start3A_365, %dma_start3A_366] : memref<4x80x128xf32, #tpu.memory_space<vmem>> -> memref<1x80x128xf32, #tpu.memory_space<vmem>>
      %dma_start3A_368 = tpu.memref_squeeze %dma_start3A_367 : memref<1x80x128xf32, #tpu.memory_space<vmem>> -> memref<80x128xf32, #tpu.memory_space<vmem>>
      %dma_start3A_369 = arith.constant 0 : i32
      %dma_start3A_370 = tpu.memref_slice %arg5[%add3A_364, %dma_start3A_369] : memref<20000x128xf32, #tpu.memory_space<hbm>> -> memref<80x128xf32, #tpu.memory_space<hbm>>
      %dma_start3A_371 = tpu.memref_slice %arg12[%rem3A_355] : memref<2x!tpu.dma_semaphore, #tpu.memory_space<semaphore_mem>> -> memref<1x!tpu.dma_semaphore, #tpu.memory_space<semaphore_mem>>
      %dma_start3A_372 = tpu.memref_squeeze %dma_start3A_371 : memref<1x!tpu.dma_semaphore, #tpu.memory_space<semaphore_mem>> -> memref<!tpu.dma_semaphore, #tpu.memory_space<semaphore_mem>>
      %dma_start3A_373 = arith.constant 0 : i32
      %dma_start3A_374 = tpu.memref_slice %arg5[%add3A_364, %dma_start3A_373] : memref<20000x128xf32, #tpu.memory_space<hbm>> -> memref<80x128xf32, #tpu.memory_space<hbm>>
      %dma_start3A_375 = arith.constant 0 : i32
      %dma_start3A_376 = arith.constant 0 : i32
      %dma_start3A_377 = tpu.memref_slice %arg7[%rem3A_355, %dma_start3A_375, %dma_start3A_376] : memref<4x80x128xf32, #tpu.memory_space<vmem>> -> memref<1x80x128xf32, #tpu.memory_space<vmem>>
      %dma_start3A_378 = tpu.memref_squeeze %dma_start3A_377 : memref<1x80x128xf32, #tpu.memory_space<vmem>> -> memref<80x128xf32, #tpu.memory_space<vmem>>
      tpu.enqueue_dma source(%dma_start3A_378 : memref<80x128xf32, #tpu.memory_space<vmem>>) target(%dma_start3A_374 : memref<80x128xf32, #tpu.memory_space<hbm>>) target_semaphore(%dma_start3A_372 : memref<!tpu.dma_semaphore, #tpu.memory_space<semaphore_mem>>)
    }
    %scan3A_313 = arith.constant 8 : i32
    %dma_wait3A_314 = arith.constant 0 : i32
    %dma_wait3A_315 = arith.constant 0 : i32
    %dma_wait3A_316 = arith.constant 0 : i32
    %dma_wait3A_317 = arith.constant 0 : i32
    %dma_wait3A_318 = tpu.memref_slice %arg7[%dma_wait3A_314, %dma_wait3A_316, %dma_wait3A_317] : memref<4x80x128xf32, #tpu.memory_space<vmem>> -> memref<1x80x128xf32, #tpu.memory_space<vmem>>
    %dma_wait3A_319 = tpu.memref_squeeze %dma_wait3A_318 : memref<1x80x128xf32, #tpu.memory_space<vmem>> -> memref<80x128xf32, #tpu.memory_space<vmem>>
    %dma_wait3A_320 = arith.constant 0 : i32
    %dma_wait3A_321 = arith.constant 0 : i32
    %dma_wait3A_322 = tpu.memref_slice %arg5[%dma_wait3A_320, %dma_wait3A_321] : memref<20000x128xf32, #tpu.memory_space<hbm>> -> memref<80x128xf32, #tpu.memory_space<hbm>>
    %dma_wait3A_323 = tpu.memref_slice %arg12[%dma_wait3A_315] : memref<2x!tpu.dma_semaphore, #tpu.memory_space<semaphore_mem>> -> memref<1x!tpu.dma_semaphore, #tpu.memory_space<semaphore_mem>>
    %dma_wait3A_324 = tpu.memref_squeeze %dma_wait3A_323 : memref<1x!tpu.dma_semaphore, #tpu.memory_space<semaphore_mem>> -> memref<!tpu.dma_semaphore, #tpu.memory_space<semaphore_mem>>
    %dma_wait3A_325 = arith.constant 0 : i32
    %dma_wait3A_326 = arith.constant 0 : i32
    %dma_wait3A_327 = tpu.memref_slice %arg5[%dma_wait3A_325, %dma_wait3A_326] : memref<20000x128xf32, #tpu.memory_space<hbm>> -> memref<80x128xf32, #tpu.memory_space<hbm>>
    %dma_wait3A_328 = arith.constant 0 : i32
    %dma_wait3A_329 = arith.constant 0 : i32
    %dma_wait3A_330 = tpu.memref_slice %arg7[%dma_wait3A_314, %dma_wait3A_328, %dma_wait3A_329] : memref<4x80x128xf32, #tpu.memory_space<vmem>> -> memref<1x80x128xf32, #tpu.memory_space<vmem>>
    %dma_wait3A_331 = tpu.memref_squeeze %dma_wait3A_330 : memref<1x80x128xf32, #tpu.memory_space<vmem>> -> memref<80x128xf32, #tpu.memory_space<vmem>>
    tpu.wait_dma2 semaphore(%dma_wait3A_324 : memref<!tpu.dma_semaphore, #tpu.memory_space<semaphore_mem>>) src(%dma_wait3A_331 : memref<80x128xf32, #tpu.memory_space<vmem>>) dst(%dma_wait3A_327 : memref<80x128xf32, #tpu.memory_space<hbm>>)
    %dma_wait3A_332 = arith.constant 0 : i32
    %dma_wait3A_333 = arith.constant 1 : i32
    %dma_wait3A_334 = arith.constant 0 : i32
    %dma_wait3A_335 = arith.constant 0 : i32
    %dma_wait3A_336 = tpu.memref_slice %arg7[%dma_wait3A_332, %dma_wait3A_334, %dma_wait3A_335] : memref<4x80x128xf32, #tpu.memory_space<vmem>> -> memref<1x80x128xf32, #tpu.memory_space<vmem>>
    %dma_wait3A_337 = tpu.memref_squeeze %dma_wait3A_336 : memref<1x80x128xf32, #tpu.memory_space<vmem>> -> memref<80x128xf32, #tpu.memory_space<vmem>>
    %dma_wait3A_338 = arith.constant 0 : i32
    %dma_wait3A_339 = arith.constant 0 : i32
    %dma_wait3A_340 = tpu.memref_slice %arg5[%dma_wait3A_338, %dma_wait3A_339] : memref<20000x128xf32, #tpu.memory_space<hbm>> -> memref<80x128xf32, #tpu.memory_space<hbm>>
    %dma_wait3A_341 = tpu.memref_slice %arg12[%dma_wait3A_333] : memref<2x!tpu.dma_semaphore, #tpu.memory_space<semaphore_mem>> -> memref<1x!tpu.dma_semaphore, #tpu.memory_space<semaphore_mem>>
    %dma_wait3A_342 = tpu.memref_squeeze %dma_wait3A_341 : memref<1x!tpu.dma_semaphore, #tpu.memory_space<semaphore_mem>> -> memref<!tpu.dma_semaphore, #tpu.memory_space<semaphore_mem>>
    %dma_wait3A_343 = arith.constant 0 : i32
    %dma_wait3A_344 = arith.constant 0 : i32
    %dma_wait3A_345 = tpu.memref_slice %arg5[%dma_wait3A_343, %dma_wait3A_344] : memref<20000x128xf32, #tpu.memory_space<hbm>> -> memref<80x128xf32, #tpu.memory_space<hbm>>
    %dma_wait3A_346 = arith.constant 0 : i32
    %dma_wait3A_347 = arith.constant 0 : i32
    %dma_wait3A_348 = tpu.memref_slice %arg7[%dma_wait3A_332, %dma_wait3A_346, %dma_wait3A_347] : memref<4x80x128xf32, #tpu.memory_space<vmem>> -> memref<1x80x128xf32, #tpu.memory_space<vmem>>
    %dma_wait3A_349 = tpu.memref_squeeze %dma_wait3A_348 : memref<1x80x128xf32, #tpu.memory_space<vmem>> -> memref<80x128xf32, #tpu.memory_space<vmem>>
    tpu.wait_dma2 semaphore(%dma_wait3A_342 : memref<!tpu.dma_semaphore, #tpu.memory_space<semaphore_mem>>) src(%dma_wait3A_349 : memref<80x128xf32, #tpu.memory_space<vmem>>) dst(%dma_wait3A_345 : memref<80x128xf32, #tpu.memory_space<hbm>>)
    return
  }
}

module attributes {stable_mosaic.version = 14 : i64} {
  func.func @_embed_body(%arg0: i32, %arg1: memref<2000x128xf32, #tpu.memory_space<vmem>>, %arg2: memref<2000x128xf32, #tpu.memory_space<vmem>>, %arg3: memref<128x128xf32, #tpu.memory_space<vmem>>, %arg4: memref<1x128xf32, #tpu.memory_space<vmem>>, %arg5: memref<2000x128xf32, #tpu.memory_space<vmem>>, %arg6: memref<2000x128xf32, #tpu.memory_space<vmem>>, %arg7: memref<2000x128xf32, #tpu.memory_space<vmem>>) attributes {dimension_semantics = [#tpu.dimension_semantics<arbitrary>], iteration_bounds = array<i64: 10>, scalar_prefetch = 0 : i64, scratch_operands = 0 : i64, tpu.core_type = #tpu.core_type<tc>, window_params = [{transform_indices = @transform_0, window_bounds = array<i64: 2000, 128>}, {transform_indices = @transform_1, window_bounds = array<i64: 2000, 128>}, {pipeline_mode = #tpu.pipeline_mode<synchronous>, transform_indices = @transform_2, window_bounds = array<i64: 128, 128>}, {pipeline_mode = #tpu.pipeline_mode<synchronous>, transform_indices = @transform_3, window_bounds = array<i64: 1, 128>}, {transform_indices = @transform_4, window_bounds = array<i64: 2000, 128>}, {transform_indices = @transform_5, window_bounds = array<i64: 2000, 128>}, {transform_indices = @transform_6, window_bounds = array<i64: 2000, 128>}]} {
    %get3A = arith.constant 0 : index
    %get3A_0 = arith.constant 0 : index
    %get3A_1 = vector.load %arg3[%get3A, %get3A_0] : memref<128x128xf32, #tpu.memory_space<vmem>>, vector<128x128xf32>
    %get3A_2 = arith.constant 0 : index
    %get3A_3 = arith.constant 0 : index
    %get3A_4 = vector.load %arg4[%get3A_2, %get3A_3] : memref<1x128xf32, #tpu.memory_space<vmem>>, vector<1x128xf32>
    %get3A_5 = arith.constant 0 : index
    %get3A_6 = arith.constant 0 : index
    %get3A_7 = vector.load %arg1[%get3A_5, %get3A_6] : memref<2000x128xf32, #tpu.memory_space<vmem>>, vector<2000x128xf32>
    %dot_general3A = arith.constant dense<0.000000e+00> : vector<2000x128xf32>
    %dot_general3A_8 = tpu.matmul %get3A_7, %get3A_1, %dot_general3A {dimension_numbers = #tpu.dot_dimension_numbers<[1], [0], [0], [1], [0, 0, 1, 1], [], []>, transpose_lhs_hint = false} : vector<2000x128xf32>, vector<128x128xf32>, vector<2000x128xf32> -> vector<2000x128xf32>
    %add3A = vector.broadcast %get3A_4 : vector<1x128xf32> to vector<2000x128xf32>
    %add3A_9 = arith.addf %dot_general3A_8, %add3A : vector<2000x128xf32>
    %max3A = arith.constant 0.000000e+00 : f32
    %max3A_10 = vector.broadcast %max3A : f32 to vector<2000x128xf32>
    %max3A_11 = arith.maximumf %add3A_9, %max3A_10 : vector<2000x128xf32>
    %get3A_12 = arith.constant 0 : index
    %get3A_13 = arith.constant 0 : index
    %get3A_14 = vector.load %arg2[%get3A_12, %get3A_13] : memref<2000x128xf32, #tpu.memory_space<vmem>>, vector<2000x128xf32>
    %dot_general3A_15 = arith.constant dense<0.000000e+00> : vector<2000x128xf32>
    %dot_general3A_16 = tpu.matmul %get3A_14, %get3A_1, %dot_general3A_15 {dimension_numbers = #tpu.dot_dimension_numbers<[1], [0], [0], [1], [0, 0, 1, 1], [], []>, transpose_lhs_hint = false} : vector<2000x128xf32>, vector<128x128xf32>, vector<2000x128xf32> -> vector<2000x128xf32>
    %add3A_17 = vector.broadcast %get3A_4 : vector<1x128xf32> to vector<2000x128xf32>
    %add3A_18 = arith.addf %dot_general3A_16, %add3A_17 : vector<2000x128xf32>
    %max3A_19 = arith.constant 0.000000e+00 : f32
    %max3A_20 = vector.broadcast %max3A_19 : f32 to vector<2000x128xf32>
    %max3A_21 = arith.maximumf %add3A_18, %max3A_20 : vector<2000x128xf32>
    %swap3A = arith.constant 0 : index
    %swap3A_22 = arith.constant 0 : index
    %swap3A_23 = vector.load %arg5[%swap3A, %swap3A_22] : memref<2000x128xf32, #tpu.memory_space<vmem>>, vector<2000x128xf32>
    tpu.vector_store %arg5[%swap3A, %swap3A_22], %max3A_11 {strides = array<i32>} : memref<2000x128xf32, #tpu.memory_space<vmem>>, vector<2000x128xf32>,
    %swap3A_24 = arith.constant 0 : index
    %swap3A_25 = arith.constant 0 : index
    %swap3A_26 = vector.load %arg6[%swap3A_24, %swap3A_25] : memref<2000x128xf32, #tpu.memory_space<vmem>>, vector<2000x128xf32>
    tpu.vector_store %arg6[%swap3A_24, %swap3A_25], %max3A_21 {strides = array<i32>} : memref<2000x128xf32, #tpu.memory_space<vmem>>, vector<2000x128xf32>,
    %add3A_27 = arith.addf %max3A_11, %max3A_21 : vector<2000x128xf32>
    %swap3A_28 = arith.constant 0 : index
    %swap3A_29 = arith.constant 0 : index
    %swap3A_30 = vector.load %arg7[%swap3A_28, %swap3A_29] : memref<2000x128xf32, #tpu.memory_space<vmem>>, vector<2000x128xf32>
    tpu.vector_store %arg7[%swap3A_28, %swap3A_29], %add3A_27 {strides = array<i32>} : memref<2000x128xf32, #tpu.memory_space<vmem>>, vector<2000x128xf32>,
    return
  }
  func.func @transform_0(%arg0: i32) -> (i32, i32) {
    %c0_i32 = arith.constant 0 : i32
    %c0_i32_0 = arith.constant 0 : i32
    return %arg0, %c0_i32 : i32, i32
  }
  func.func @transform_1(%arg0: i32) -> (i32, i32) {
    %c0_i32 = arith.constant 0 : i32
    %c0_i32_0 = arith.constant 0 : i32
    return %arg0, %c0_i32 : i32, i32
  }
  func.func @transform_2(%arg0: i32) -> (i32, i32) {
    %c0_i32 = arith.constant 0 : i32
    %c0_i32_0 = arith.constant 0 : i32
    %c0_i32_1 = arith.constant 0 : i32
    return %c0_i32, %c0_i32_0 : i32, i32
  }
  func.func @transform_3(%arg0: i32) -> (i32, i32) {
    %c0_i32 = arith.constant 0 : i32
    %c0_i32_0 = arith.constant 0 : i32
    %c0_i32_1 = arith.constant 0 : i32
    return %c0_i32, %c0_i32_0 : i32, i32
  }
  func.func @transform_4(%arg0: i32) -> (i32, i32) {
    %c0_i32 = arith.constant 0 : i32
    %c0_i32_0 = arith.constant 0 : i32
    return %arg0, %c0_i32 : i32, i32
  }
  func.func @transform_5(%arg0: i32) -> (i32, i32) {
    %c0_i32 = arith.constant 0 : i32
    %c0_i32_0 = arith.constant 0 : i32
    return %arg0, %c0_i32 : i32, i32
  }
  func.func @transform_6(%arg0: i32) -> (i32, i32) {
    %c0_i32 = arith.constant 0 : i32
    %c0_i32_0 = arith.constant 0 : i32
    return %arg0, %c0_i32 : i32, i32
  }
}

module attributes {stable_mosaic.version = 14 : i64} {
  func.func @_upem_body(%arg0: i32, %arg1: memref<2000x128xf32, #tpu.memory_space<vmem>>, %arg2: memref<2000x128xf32, #tpu.memory_space<vmem>>, %arg3: memref<2000x128xf32, #tpu.memory_space<vmem>>, %arg4: memref<128x128xf32, #tpu.memory_space<vmem>>, %arg5: memref<128x128xf32, #tpu.memory_space<vmem>>, %arg6: memref<1x128xf32, #tpu.memory_space<vmem>>, %arg7: memref<128x128xf32, #tpu.memory_space<vmem>>, %arg8: memref<1x128xf32, #tpu.memory_space<vmem>>, %arg9: memref<2000x128xf32, #tpu.memory_space<vmem>>, %arg10: memref<2000x128xf32, #tpu.memory_space<vmem>>, %arg11: memref<2000x128xf32, #tpu.memory_space<vmem>>) attributes {dimension_semantics = [#tpu.dimension_semantics<arbitrary>], iteration_bounds = array<i64: 10>, scalar_prefetch = 0 : i64, scratch_operands = 0 : i64, tpu.core_type = #tpu.core_type<tc>, window_params = [{transform_indices = @transform_0, window_bounds = array<i64: 2000, 128>}, {transform_indices = @transform_1, window_bounds = array<i64: 2000, 128>}, {transform_indices = @transform_2, window_bounds = array<i64: 2000, 128>}, {pipeline_mode = #tpu.pipeline_mode<synchronous>, transform_indices = @transform_3, window_bounds = array<i64: 128, 128>}, {pipeline_mode = #tpu.pipeline_mode<synchronous>, transform_indices = @transform_4, window_bounds = array<i64: 128, 128>}, {pipeline_mode = #tpu.pipeline_mode<synchronous>, transform_indices = @transform_5, window_bounds = array<i64: 1, 128>}, {pipeline_mode = #tpu.pipeline_mode<synchronous>, transform_indices = @transform_6, window_bounds = array<i64: 128, 128>}, {pipeline_mode = #tpu.pipeline_mode<synchronous>, transform_indices = @transform_7, window_bounds = array<i64: 1, 128>}, {transform_indices = @transform_8, window_bounds = array<i64: 2000, 128>}, {transform_indices = @transform_9, window_bounds = array<i64: 2000, 128>}, {transform_indices = @transform_10, window_bounds = array<i64: 2000, 128>}]} {
    %get3A = arith.constant 0 : index
    %get3A_0 = arith.constant 0 : index
    %get3A_1 = vector.load %arg1[%get3A, %get3A_0] : memref<2000x128xf32, #tpu.memory_space<vmem>>, vector<2000x128xf32>
    %get3A_2 = arith.constant 0 : index
    %get3A_3 = arith.constant 0 : index
    %get3A_4 = vector.load %arg4[%get3A_2, %get3A_3] : memref<128x128xf32, #tpu.memory_space<vmem>>, vector<128x128xf32>
    %dot_general3A = arith.constant dense<0.000000e+00> : vector<2000x128xf32>
    %dot_general3A_5 = tpu.matmul %get3A_1, %get3A_4, %dot_general3A {dimension_numbers = #tpu.dot_dimension_numbers<[1], [0], [0], [1], [0, 0, 1, 1], [], []>, transpose_lhs_hint = false} : vector<2000x128xf32>, vector<128x128xf32>, vector<2000x128xf32> -> vector<2000x128xf32>
    %get3A_6 = arith.constant 0 : index
    %get3A_7 = arith.constant 0 : index
    %get3A_8 = vector.load %arg2[%get3A_6, %get3A_7] : memref<2000x128xf32, #tpu.memory_space<vmem>>, vector<2000x128xf32>
    %get3A_9 = arith.constant 0 : index
    %get3A_10 = arith.constant 0 : index
    %get3A_11 = vector.load %arg5[%get3A_9, %get3A_10] : memref<128x128xf32, #tpu.memory_space<vmem>>, vector<128x128xf32>
    %dot_general3A_12 = arith.constant dense<0.000000e+00> : vector<2000x128xf32>
    %dot_general3A_13 = tpu.matmul %get3A_8, %get3A_11, %dot_general3A_12 {dimension_numbers = #tpu.dot_dimension_numbers<[1], [0], [0], [1], [0, 0, 1, 1], [], []>, transpose_lhs_hint = false} : vector<2000x128xf32>, vector<128x128xf32>, vector<2000x128xf32> -> vector<2000x128xf32>
    %add3A = arith.addf %dot_general3A_5, %dot_general3A_13 : vector<2000x128xf32>
    %get3A_14 = arith.constant 0 : index
    %get3A_15 = arith.constant 0 : index
    %get3A_16 = vector.load %arg6[%get3A_14, %get3A_15] : memref<1x128xf32, #tpu.memory_space<vmem>>, vector<1x128xf32>
    %add3A_17 = vector.broadcast %get3A_16 : vector<1x128xf32> to vector<2000x128xf32>
    %add3A_18 = arith.addf %add3A, %add3A_17 : vector<2000x128xf32>
    %max3A = arith.constant 0.000000e+00 : f32
    %max3A_19 = vector.broadcast %max3A : f32 to vector<2000x128xf32>
    %max3A_20 = arith.maximumf %add3A_18, %max3A_19 : vector<2000x128xf32>
    %get3A_21 = arith.constant 0 : index
    %get3A_22 = arith.constant 0 : index
    %get3A_23 = vector.load %arg7[%get3A_21, %get3A_22] : memref<128x128xf32, #tpu.memory_space<vmem>>, vector<128x128xf32>
    %get3A_24 = arith.constant 0 : index
    %get3A_25 = arith.constant 0 : index
    %get3A_26 = vector.load %arg8[%get3A_24, %get3A_25] : memref<1x128xf32, #tpu.memory_space<vmem>>, vector<1x128xf32>
    %get3A_27 = arith.constant 0 : index
    %get3A_28 = arith.constant 0 : index
    %get3A_29 = vector.load %arg3[%get3A_27, %get3A_28] : memref<2000x128xf32, #tpu.memory_space<vmem>>, vector<2000x128xf32>
    %dot_general3A_30 = arith.constant dense<0.000000e+00> : vector<2000x128xf32>
    %dot_general3A_31 = tpu.matmul %get3A_29, %get3A_23, %dot_general3A_30 {dimension_numbers = #tpu.dot_dimension_numbers<[1], [0], [0], [1], [0, 0, 1, 1], [], []>, transpose_lhs_hint = false} : vector<2000x128xf32>, vector<128x128xf32>, vector<2000x128xf32> -> vector<2000x128xf32>
    %add3A_32 = vector.broadcast %get3A_26 : vector<1x128xf32> to vector<2000x128xf32>
    %add3A_33 = arith.addf %dot_general3A_31, %add3A_32 : vector<2000x128xf32>
    %max3A_34 = arith.constant 0.000000e+00 : f32
    %max3A_35 = vector.broadcast %max3A_34 : f32 to vector<2000x128xf32>
    %max3A_36 = arith.maximumf %add3A_33, %max3A_35 : vector<2000x128xf32>
    %dot_general3A_37 = arith.constant dense<0.000000e+00> : vector<2000x128xf32>
    %dot_general3A_38 = tpu.matmul %max3A_20, %get3A_23, %dot_general3A_37 {dimension_numbers = #tpu.dot_dimension_numbers<[1], [0], [0], [1], [0, 0, 1, 1], [], []>, transpose_lhs_hint = false} : vector<2000x128xf32>, vector<128x128xf32>, vector<2000x128xf32> -> vector<2000x128xf32>
    %add3A_39 = vector.broadcast %get3A_26 : vector<1x128xf32> to vector<2000x128xf32>
    %add3A_40 = arith.addf %dot_general3A_38, %add3A_39 : vector<2000x128xf32>
    %max3A_41 = arith.constant 0.000000e+00 : f32
    %max3A_42 = vector.broadcast %max3A_41 : f32 to vector<2000x128xf32>
    %max3A_43 = arith.maximumf %add3A_40, %max3A_42 : vector<2000x128xf32>
    %swap3A = arith.constant 0 : index
    %swap3A_44 = arith.constant 0 : index
    %swap3A_45 = vector.load %arg9[%swap3A, %swap3A_44] : memref<2000x128xf32, #tpu.memory_space<vmem>>, vector<2000x128xf32>
    tpu.vector_store %arg9[%swap3A, %swap3A_44], %max3A_36 {strides = array<i32>} : memref<2000x128xf32, #tpu.memory_space<vmem>>, vector<2000x128xf32>,
    %swap3A_46 = arith.constant 0 : index
    %swap3A_47 = arith.constant 0 : index
    %swap3A_48 = vector.load %arg10[%swap3A_46, %swap3A_47] : memref<2000x128xf32, #tpu.memory_space<vmem>>, vector<2000x128xf32>
    tpu.vector_store %arg10[%swap3A_46, %swap3A_47], %max3A_43 {strides = array<i32>} : memref<2000x128xf32, #tpu.memory_space<vmem>>, vector<2000x128xf32>,
    %add3A_49 = arith.addf %max3A_36, %max3A_43 : vector<2000x128xf32>
    %swap3A_50 = arith.constant 0 : index
    %swap3A_51 = arith.constant 0 : index
    %swap3A_52 = vector.load %arg11[%swap3A_50, %swap3A_51] : memref<2000x128xf32, #tpu.memory_space<vmem>>, vector<2000x128xf32>
    tpu.vector_store %arg11[%swap3A_50, %swap3A_51], %add3A_49 {strides = array<i32>} : memref<2000x128xf32, #tpu.memory_space<vmem>>, vector<2000x128xf32>,
    return
  }
  func.func @transform_0(%arg0: i32) -> (i32, i32) {
    %c0_i32 = arith.constant 0 : i32
    %c0_i32_0 = arith.constant 0 : i32
    return %arg0, %c0_i32 : i32, i32
  }
  func.func @transform_1(%arg0: i32) -> (i32, i32) {
    %c0_i32 = arith.constant 0 : i32
    %c0_i32_0 = arith.constant 0 : i32
    return %arg0, %c0_i32 : i32, i32
  }
  func.func @transform_2(%arg0: i32) -> (i32, i32) {
    %c0_i32 = arith.constant 0 : i32
    %c0_i32_0 = arith.constant 0 : i32
    return %arg0, %c0_i32 : i32, i32
  }
  func.func @transform_3(%arg0: i32) -> (i32, i32) {
    %c0_i32 = arith.constant 0 : i32
    %c0_i32_0 = arith.constant 0 : i32
    %c0_i32_1 = arith.constant 0 : i32
    return %c0_i32, %c0_i32_0 : i32, i32
  }
  func.func @transform_4(%arg0: i32) -> (i32, i32) {
    %c0_i32 = arith.constant 0 : i32
    %c0_i32_0 = arith.constant 0 : i32
    %c0_i32_1 = arith.constant 0 : i32
    return %c0_i32, %c0_i32_0 : i32, i32
  }
  func.func @transform_5(%arg0: i32) -> (i32, i32) {
    %c0_i32 = arith.constant 0 : i32
    %c0_i32_0 = arith.constant 0 : i32
    %c0_i32_1 = arith.constant 0 : i32
    return %c0_i32, %c0_i32_0 : i32, i32
  }
  func.func @transform_6(%arg0: i32) -> (i32, i32) {
    %c0_i32 = arith.constant 0 : i32
    %c0_i32_0 = arith.constant 0 : i32
    %c0_i32_1 = arith.constant 0 : i32
    return %c0_i32, %c0_i32_0 : i32, i32
  }
  func.func @transform_7(%arg0: i32) -> (i32, i32) {
    %c0_i32 = arith.constant 0 : i32
    %c0_i32_0 = arith.constant 0 : i32
    %c0_i32_1 = arith.constant 0 : i32
    return %c0_i32, %c0_i32_0 : i32, i32
  }
  func.func @transform_8(%arg0: i32) -> (i32, i32) {
    %c0_i32 = arith.constant 0 : i32
    %c0_i32_0 = arith.constant 0 : i32
    return %arg0, %c0_i32 : i32, i32
  }
  func.func @transform_9(%arg0: i32) -> (i32, i32) {
    %c0_i32 = arith.constant 0 : i32
    %c0_i32_0 = arith.constant 0 : i32
    return %arg0, %c0_i32 : i32, i32
  }
  func.func @transform_10(%arg0: i32) -> (i32, i32) {
    %c0_i32 = arith.constant 0 : i32
    %c0_i32_0 = arith.constant 0 : i32
    return %arg0, %c0_i32 : i32, i32
  }
}

module attributes {stable_mosaic.version = 14 : i64} {
  func.func @_upem_body(%arg0: i32, %arg1: memref<2000x128xf32, #tpu.memory_space<vmem>>, %arg2: memref<2000x128xf32, #tpu.memory_space<vmem>>, %arg3: memref<2000x128xf32, #tpu.memory_space<vmem>>, %arg4: memref<128x128xf32, #tpu.memory_space<vmem>>, %arg5: memref<128x128xf32, #tpu.memory_space<vmem>>, %arg6: memref<1x128xf32, #tpu.memory_space<vmem>>, %arg7: memref<128x128xf32, #tpu.memory_space<vmem>>, %arg8: memref<1x128xf32, #tpu.memory_space<vmem>>, %arg9: memref<2000x128xf32, #tpu.memory_space<vmem>>, %arg10: memref<2000x128xf32, #tpu.memory_space<vmem>>, %arg11: memref<2000x128xf32, #tpu.memory_space<vmem>>) attributes {dimension_semantics = [#tpu.dimension_semantics<arbitrary>], iteration_bounds = array<i64: 10>, scalar_prefetch = 0 : i64, scratch_operands = 0 : i64, tpu.core_type = #tpu.core_type<tc>, window_params = [{transform_indices = @transform_0, window_bounds = array<i64: 2000, 128>}, {transform_indices = @transform_1, window_bounds = array<i64: 2000, 128>}, {transform_indices = @transform_2, window_bounds = array<i64: 2000, 128>}, {pipeline_mode = #tpu.pipeline_mode<synchronous>, transform_indices = @transform_3, window_bounds = array<i64: 128, 128>}, {pipeline_mode = #tpu.pipeline_mode<synchronous>, transform_indices = @transform_4, window_bounds = array<i64: 128, 128>}, {pipeline_mode = #tpu.pipeline_mode<synchronous>, transform_indices = @transform_5, window_bounds = array<i64: 1, 128>}, {pipeline_mode = #tpu.pipeline_mode<synchronous>, transform_indices = @transform_6, window_bounds = array<i64: 128, 128>}, {pipeline_mode = #tpu.pipeline_mode<synchronous>, transform_indices = @transform_7, window_bounds = array<i64: 1, 128>}, {transform_indices = @transform_8, window_bounds = array<i64: 2000, 128>}, {transform_indices = @transform_9, window_bounds = array<i64: 2000, 128>}, {transform_indices = @transform_10, window_bounds = array<i64: 2000, 128>}]} {
    %get3A = arith.constant 0 : index
    %get3A_0 = arith.constant 0 : index
    %get3A_1 = vector.load %arg1[%get3A, %get3A_0] : memref<2000x128xf32, #tpu.memory_space<vmem>>, vector<2000x128xf32>
    %get3A_2 = arith.constant 0 : index
    %get3A_3 = arith.constant 0 : index
    %get3A_4 = vector.load %arg4[%get3A_2, %get3A_3] : memref<128x128xf32, #tpu.memory_space<vmem>>, vector<128x128xf32>
    %dot_general3A = arith.constant dense<0.000000e+00> : vector<2000x128xf32>
    %dot_general3A_5 = tpu.matmul %get3A_1, %get3A_4, %dot_general3A {dimension_numbers = #tpu.dot_dimension_numbers<[1], [0], [0], [1], [0, 0, 1, 1], [], []>, transpose_lhs_hint = false} : vector<2000x128xf32>, vector<128x128xf32>, vector<2000x128xf32> -> vector<2000x128xf32>
    %get3A_6 = arith.constant 0 : index
    %get3A_7 = arith.constant 0 : index
    %get3A_8 = vector.load %arg2[%get3A_6, %get3A_7] : memref<2000x128xf32, #tpu.memory_space<vmem>>, vector<2000x128xf32>
    %get3A_9 = arith.constant 0 : index
    %get3A_10 = arith.constant 0 : index
    %get3A_11 = vector.load %arg5[%get3A_9, %get3A_10] : memref<128x128xf32, #tpu.memory_space<vmem>>, vector<128x128xf32>
    %dot_general3A_12 = arith.constant dense<0.000000e+00> : vector<2000x128xf32>
    %dot_general3A_13 = tpu.matmul %get3A_8, %get3A_11, %dot_general3A_12 {dimension_numbers = #tpu.dot_dimension_numbers<[1], [0], [0], [1], [0, 0, 1, 1], [], []>, transpose_lhs_hint = false} : vector<2000x128xf32>, vector<128x128xf32>, vector<2000x128xf32> -> vector<2000x128xf32>
    %add3A = arith.addf %dot_general3A_5, %dot_general3A_13 : vector<2000x128xf32>
    %get3A_14 = arith.constant 0 : index
    %get3A_15 = arith.constant 0 : index
    %get3A_16 = vector.load %arg6[%get3A_14, %get3A_15] : memref<1x128xf32, #tpu.memory_space<vmem>>, vector<1x128xf32>
    %add3A_17 = vector.broadcast %get3A_16 : vector<1x128xf32> to vector<2000x128xf32>
    %add3A_18 = arith.addf %add3A, %add3A_17 : vector<2000x128xf32>
    %max3A = arith.constant 0.000000e+00 : f32
    %max3A_19 = vector.broadcast %max3A : f32 to vector<2000x128xf32>
    %max3A_20 = arith.maximumf %add3A_18, %max3A_19 : vector<2000x128xf32>
    %get3A_21 = arith.constant 0 : index
    %get3A_22 = arith.constant 0 : index
    %get3A_23 = vector.load %arg7[%get3A_21, %get3A_22] : memref<128x128xf32, #tpu.memory_space<vmem>>, vector<128x128xf32>
    %get3A_24 = arith.constant 0 : index
    %get3A_25 = arith.constant 0 : index
    %get3A_26 = vector.load %arg8[%get3A_24, %get3A_25] : memref<1x128xf32, #tpu.memory_space<vmem>>, vector<1x128xf32>
    %get3A_27 = arith.constant 0 : index
    %get3A_28 = arith.constant 0 : index
    %get3A_29 = vector.load %arg3[%get3A_27, %get3A_28] : memref<2000x128xf32, #tpu.memory_space<vmem>>, vector<2000x128xf32>
    %dot_general3A_30 = arith.constant dense<0.000000e+00> : vector<2000x128xf32>
    %dot_general3A_31 = tpu.matmul %get3A_29, %get3A_23, %dot_general3A_30 {dimension_numbers = #tpu.dot_dimension_numbers<[1], [0], [0], [1], [0, 0, 1, 1], [], []>, transpose_lhs_hint = false} : vector<2000x128xf32>, vector<128x128xf32>, vector<2000x128xf32> -> vector<2000x128xf32>
    %add3A_32 = vector.broadcast %get3A_26 : vector<1x128xf32> to vector<2000x128xf32>
    %add3A_33 = arith.addf %dot_general3A_31, %add3A_32 : vector<2000x128xf32>
    %max3A_34 = arith.constant 0.000000e+00 : f32
    %max3A_35 = vector.broadcast %max3A_34 : f32 to vector<2000x128xf32>
    %max3A_36 = arith.maximumf %add3A_33, %max3A_35 : vector<2000x128xf32>
    %dot_general3A_37 = arith.constant dense<0.000000e+00> : vector<2000x128xf32>
    %dot_general3A_38 = tpu.matmul %max3A_20, %get3A_23, %dot_general3A_37 {dimension_numbers = #tpu.dot_dimension_numbers<[1], [0], [0], [1], [0, 0, 1, 1], [], []>, transpose_lhs_hint = false} : vector<2000x128xf32>, vector<128x128xf32>, vector<2000x128xf32> -> vector<2000x128xf32>
    %add3A_39 = vector.broadcast %get3A_26 : vector<1x128xf32> to vector<2000x128xf32>
    %add3A_40 = arith.addf %dot_general3A_38, %add3A_39 : vector<2000x128xf32>
    %max3A_41 = arith.constant 0.000000e+00 : f32
    %max3A_42 = vector.broadcast %max3A_41 : f32 to vector<2000x128xf32>
    %max3A_43 = arith.maximumf %add3A_40, %max3A_42 : vector<2000x128xf32>
    %swap3A = arith.constant 0 : index
    %swap3A_44 = arith.constant 0 : index
    %swap3A_45 = vector.load %arg9[%swap3A, %swap3A_44] : memref<2000x128xf32, #tpu.memory_space<vmem>>, vector<2000x128xf32>
    tpu.vector_store %arg9[%swap3A, %swap3A_44], %max3A_36 {strides = array<i32>} : memref<2000x128xf32, #tpu.memory_space<vmem>>, vector<2000x128xf32>,
    %swap3A_46 = arith.constant 0 : index
    %swap3A_47 = arith.constant 0 : index
    %swap3A_48 = vector.load %arg10[%swap3A_46, %swap3A_47] : memref<2000x128xf32, #tpu.memory_space<vmem>>, vector<2000x128xf32>
    tpu.vector_store %arg10[%swap3A_46, %swap3A_47], %max3A_43 {strides = array<i32>} : memref<2000x128xf32, #tpu.memory_space<vmem>>, vector<2000x128xf32>,
    %add3A_49 = arith.addf %max3A_36, %max3A_43 : vector<2000x128xf32>
    %swap3A_50 = arith.constant 0 : index
    %swap3A_51 = arith.constant 0 : index
    %swap3A_52 = vector.load %arg11[%swap3A_50, %swap3A_51] : memref<2000x128xf32, #tpu.memory_space<vmem>>, vector<2000x128xf32>
    tpu.vector_store %arg11[%swap3A_50, %swap3A_51], %add3A_49 {strides = array<i32>} : memref<2000x128xf32, #tpu.memory_space<vmem>>, vector<2000x128xf32>,
    return
  }
  func.func @transform_0(%arg0: i32) -> (i32, i32) {
    %c0_i32 = arith.constant 0 : i32
    %c0_i32_0 = arith.constant 0 : i32
    return %arg0, %c0_i32 : i32, i32
  }
  func.func @transform_1(%arg0: i32) -> (i32, i32) {
    %c0_i32 = arith.constant 0 : i32
    %c0_i32_0 = arith.constant 0 : i32
    return %arg0, %c0_i32 : i32, i32
  }
  func.func @transform_2(%arg0: i32) -> (i32, i32) {
    %c0_i32 = arith.constant 0 : i32
    %c0_i32_0 = arith.constant 0 : i32
    return %arg0, %c0_i32 : i32, i32
  }
  func.func @transform_3(%arg0: i32) -> (i32, i32) {
    %c0_i32 = arith.constant 0 : i32
    %c0_i32_0 = arith.constant 0 : i32
    %c0_i32_1 = arith.constant 0 : i32
    return %c0_i32, %c0_i32_0 : i32, i32
  }
  func.func @transform_4(%arg0: i32) -> (i32, i32) {
    %c0_i32 = arith.constant 0 : i32
    %c0_i32_0 = arith.constant 0 : i32
    %c0_i32_1 = arith.constant 0 : i32
    return %c0_i32, %c0_i32_0 : i32, i32
  }
  func.func @transform_5(%arg0: i32) -> (i32, i32) {
    %c0_i32 = arith.constant 0 : i32
    %c0_i32_0 = arith.constant 0 : i32
    %c0_i32_1 = arith.constant 0 : i32
    return %c0_i32, %c0_i32_0 : i32, i32
  }
  func.func @transform_6(%arg0: i32) -> (i32, i32) {
    %c0_i32 = arith.constant 0 : i32
    %c0_i32_0 = arith.constant 0 : i32
    %c0_i32_1 = arith.constant 0 : i32
    return %c0_i32, %c0_i32_0 : i32, i32
  }
  func.func @transform_7(%arg0: i32) -> (i32, i32) {
    %c0_i32 = arith.constant 0 : i32
    %c0_i32_0 = arith.constant 0 : i32
    %c0_i32_1 = arith.constant 0 : i32
    return %c0_i32, %c0_i32_0 : i32, i32
  }
  func.func @transform_8(%arg0: i32) -> (i32, i32) {
    %c0_i32 = arith.constant 0 : i32
    %c0_i32_0 = arith.constant 0 : i32
    return %arg0, %c0_i32 : i32, i32
  }
  func.func @transform_9(%arg0: i32) -> (i32, i32) {
    %c0_i32 = arith.constant 0 : i32
    %c0_i32_0 = arith.constant 0 : i32
    return %arg0, %c0_i32 : i32, i32
  }
  func.func @transform_10(%arg0: i32) -> (i32, i32) {
    %c0_i32 = arith.constant 0 : i32
    %c0_i32_0 = arith.constant 0 : i32
    return %arg0, %c0_i32 : i32, i32
  }
}

module attributes {stable_mosaic.version = 14 : i64} {
  func.func @_final_body(%arg0: i32, %arg1: memref<2000x128xf32, #tpu.memory_space<vmem>>, %arg2: memref<2000x128xf32, #tpu.memory_space<vmem>>, %arg3: memref<128x128xf32, #tpu.memory_space<vmem>>, %arg4: memref<128x128xf32, #tpu.memory_space<vmem>>, %arg5: memref<1x128xf32, #tpu.memory_space<vmem>>, %arg6: memref<2000x128xf32, #tpu.memory_space<vmem>>) attributes {dimension_semantics = [#tpu.dimension_semantics<arbitrary>], iteration_bounds = array<i64: 10>, scalar_prefetch = 0 : i64, scratch_operands = 0 : i64, tpu.core_type = #tpu.core_type<tc>, window_params = [{transform_indices = @transform_0, window_bounds = array<i64: 2000, 128>}, {transform_indices = @transform_1, window_bounds = array<i64: 2000, 128>}, {pipeline_mode = #tpu.pipeline_mode<synchronous>, transform_indices = @transform_2, window_bounds = array<i64: 128, 128>}, {pipeline_mode = #tpu.pipeline_mode<synchronous>, transform_indices = @transform_3, window_bounds = array<i64: 128, 128>}, {pipeline_mode = #tpu.pipeline_mode<synchronous>, transform_indices = @transform_4, window_bounds = array<i64: 1, 128>}, {transform_indices = @transform_5, window_bounds = array<i64: 2000, 128>}]} {
    %get3A = arith.constant 0 : index
    %get3A_0 = arith.constant 0 : index
    %get3A_1 = vector.load %arg1[%get3A, %get3A_0] : memref<2000x128xf32, #tpu.memory_space<vmem>>, vector<2000x128xf32>
    %get3A_2 = arith.constant 0 : index
    %get3A_3 = arith.constant 0 : index
    %get3A_4 = vector.load %arg3[%get3A_2, %get3A_3] : memref<128x128xf32, #tpu.memory_space<vmem>>, vector<128x128xf32>
    %dot_general3A = arith.constant dense<0.000000e+00> : vector<2000x128xf32>
    %dot_general3A_5 = tpu.matmul %get3A_1, %get3A_4, %dot_general3A {dimension_numbers = #tpu.dot_dimension_numbers<[1], [0], [0], [1], [0, 0, 1, 1], [], []>, transpose_lhs_hint = false} : vector<2000x128xf32>, vector<128x128xf32>, vector<2000x128xf32> -> vector<2000x128xf32>
    %get3A_6 = arith.constant 0 : index
    %get3A_7 = arith.constant 0 : index
    %get3A_8 = vector.load %arg2[%get3A_6, %get3A_7] : memref<2000x128xf32, #tpu.memory_space<vmem>>, vector<2000x128xf32>
    %get3A_9 = arith.constant 0 : index
    %get3A_10 = arith.constant 0 : index
    %get3A_11 = vector.load %arg4[%get3A_9, %get3A_10] : memref<128x128xf32, #tpu.memory_space<vmem>>, vector<128x128xf32>
    %dot_general3A_12 = arith.constant dense<0.000000e+00> : vector<2000x128xf32>
    %dot_general3A_13 = tpu.matmul %get3A_8, %get3A_11, %dot_general3A_12 {dimension_numbers = #tpu.dot_dimension_numbers<[1], [0], [0], [1], [0, 0, 1, 1], [], []>, transpose_lhs_hint = false} : vector<2000x128xf32>, vector<128x128xf32>, vector<2000x128xf32> -> vector<2000x128xf32>
    %add3A = arith.addf %dot_general3A_5, %dot_general3A_13 : vector<2000x128xf32>
    %get3A_14 = arith.constant 0 : index
    %get3A_15 = arith.constant 0 : index
    %get3A_16 = vector.load %arg5[%get3A_14, %get3A_15] : memref<1x128xf32, #tpu.memory_space<vmem>>, vector<1x128xf32>
    %add3A_17 = vector.broadcast %get3A_16 : vector<1x128xf32> to vector<2000x128xf32>
    %add3A_18 = arith.addf %add3A, %add3A_17 : vector<2000x128xf32>
    %max3A = arith.constant 0.000000e+00 : f32
    %max3A_19 = vector.broadcast %max3A : f32 to vector<2000x128xf32>
    %max3A_20 = arith.maximumf %add3A_18, %max3A_19 : vector<2000x128xf32>
    %swap3A = arith.constant 0 : index
    %swap3A_21 = arith.constant 0 : index
    %swap3A_22 = vector.load %arg6[%swap3A, %swap3A_21] : memref<2000x128xf32, #tpu.memory_space<vmem>>, vector<2000x128xf32>
    tpu.vector_store %arg6[%swap3A, %swap3A_21], %max3A_20 {strides = array<i32>} : memref<2000x128xf32, #tpu.memory_space<vmem>>, vector<2000x128xf32>,
    return
  }
  func.func @transform_0(%arg0: i32) -> (i32, i32) {
    %c0_i32 = arith.constant 0 : i32
    %c0_i32_0 = arith.constant 0 : i32
    return %arg0, %c0_i32 : i32, i32
  }
  func.func @transform_1(%arg0: i32) -> (i32, i32) {
    %c0_i32 = arith.constant 0 : i32
    %c0_i32_0 = arith.constant 0 : i32
    return %arg0, %c0_i32 : i32, i32
  }
  func.func @transform_2(%arg0: i32) -> (i32, i32) {
    %c0_i32 = arith.constant 0 : i32
    %c0_i32_0 = arith.constant 0 : i32
    %c0_i32_1 = arith.constant 0 : i32
    return %c0_i32, %c0_i32_0 : i32, i32
  }
  func.func @transform_3(%arg0: i32) -> (i32, i32) {
    %c0_i32 = arith.constant 0 : i32
    %c0_i32_0 = arith.constant 0 : i32
    %c0_i32_1 = arith.constant 0 : i32
    return %c0_i32, %c0_i32_0 : i32, i32
  }
  func.func @transform_4(%arg0: i32) -> (i32, i32) {
    %c0_i32 = arith.constant 0 : i32
    %c0_i32_0 = arith.constant 0 : i32
    %c0_i32_1 = arith.constant 0 : i32
    return %c0_i32, %c0_i32_0 : i32, i32
  }
  func.func @transform_5(%arg0: i32) -> (i32, i32) {
    %c0_i32 = arith.constant 0 : i32
    %c0_i32_0 = arith.constant 0 : i32
    return %arg0, %c0_i32 : i32, i32
  }
}

</mosaic_0001>

<sc_bundles>
// kernel: kernel.12.cloned.1.call-start
scs
__scs_entry_jumppad:
0x0: {  	(pc) =	sbr.rel $0x88, $3  }
0x1: {  	(tag) =	ssettag $0x0;
	lr =	simm.s32 $0x1  }
0x2: {  	[smem:$0x3F92] =	sst lr;
	_ =	strace $0xD0000000  }
0x3: {  	_ = 	snop  }
0x4: {  	_ = 	snop  }
0x5: {  	_ = 	snop  }
0x6: {  	_ = 	snop  }
0x7: {  	_ = 	snop  }
__scs_overlays_trampoline_lowered:
0x8: {  	[smem:$0x3FA1] =	sst s0  }
0x9: {  	[smem:$0x3FA2] =	sst s1  }
0xa: {  	[smem:$0x3FA3] =	sst s2  }
0xb: {  	[smem:$0x3FA4] =	sst s3  }
0xc: {  	[smem:$0x3FA5] =	sst s4  }
0xd: {  	[smem:$0x3FA6] =	sst s5  }
0xe: {  	[smem:$0x3FA7] =	sst s6  }
0xf: {  	[smem:$0x3FA8] =	sst s7  }
0x10: {  	[smem:$0x3FA9] =	sst s8  }
0x11: {  	[smem:$0x3FAA] =	sst s9;
	s0 =	simm.s32 @!p0 $0x0  }
0x12: {  	s1 =	sld [smem:$0x3F90];
	s0 =	simm.s32 @p0 $0x1  }
0x13: {  	[smem:$0x3FAB] =	sst s0;
	s0 =	simm.s32 @!p1 $0x0  }
0x14: {  	s2 =	sld [smem:$0x3F8F];
	s0 =	simm.s32 @p1 $0x1  }
0x15: {  	[smem:$0x3FAC] =	sst s0;
	s0 =	simm.s32 @!p2 $0x0  }
0x16: {  	s3 =	sld [smem:$0x3FDB];
	s0 =	simm.s32 @p2 $0x1  }
0x17: {  	s4 =	simm.s32 $0x1BF5;
	[smem:$0x3FAE] =	sst s0  }
0x18: {  	s0 =	sld [smem:$0x3F91];
	_ =	swait.ge [sflag:s4], $0x0  }
0x19: {  	s7 =	sld [smem:$0x3F92]  }
0x1a: {  	s8 =	sadd.s32 $0xFFFFE003, lr  }
0x1b: {  	s9 =	sadd.s32 $0xFFFFFEF7, lr;
	s5 =	simm.s32 $0xFFFFFFFF;
	p2 =	slt.u32 s8, $0xFFFFF086  }
0x1c: {  	p1 =	slt.u32 s9, $0xF7A;
	s5 =	simm.s32 @!p2 $0x0  }
0x1d: {  	s5 =	simm.s32 @p1 $0x1;
	p0 =	seq.s32 s7, s2  }
0x1e: {  	s7 =	smul.u32 @!p0 $0xF7A, s2;
	p2 =	seq.s32 @!p0 s5, $0x0  }
0x1f: {  	s9 =	smul.u32 $0xF7A, s1;
	s8 =	simm.s32 @!p0 $0x1BF5;
	p2 =	por !p2, p0  }
0x20: {  	[sflag:s8] =	ssyncset.s32 @!p0 $0xFFFFF086;
	s6 =	sadd.s32 @!p0 s3, s7;
	s7 =	simm.s32 @!p0 $0x108  }
0x21: {  	s3 =	sadd.s32 s3, s9;
	s6 =	sadd.s32 @!p0 $0x88, s6;
	s7 =	simm.s32 @p2 $0x1082  }
0x22: {  	[simem:s7], [sflag:s8] =	dma.local @!p0 [hbm:s6], $0xF7A  }
0x23: {  	s9 =	sor.u32 $0xD0000000, s2;
	s6 =	simm.s32 $0x108;
	_ =	swait.ge @!p0 [sflag:s8], $0x0  }
0x24: {  	s3 =	sadd.s32 $0x88, s3;
	s6 =	simm.s32 @!p1 $0x1082;
	[sflag:s4] =	ssyncset.s32 $0xFFFFF086  }
0x25: {  	[simem:s6], [sflag:s4] =	dma.local [hbm:s3], $0xF7A  }
0x26: {  	[smem:$0x3F92] =	sst s1;
	(tag) =	ssettag s2;
	_ =	strace s9  }
0x27: {  	s1 =	sld [smem:$0x3FA2]  }
0x28: {  	s2 =	sld [smem:$0x3FA3]  }
0x29: {  	s4 =	sld [smem:$0x3FA5]  }
0x2a: {  	p0 =	seq.s32 s5, $0x0;
	s5 =	sld [smem:$0x3FA6]  }
0x2b: {  	s6 =	sld [smem:$0x3FA7]  }
0x2c: {  	s7 =	sld [smem:$0x3FA8]  }
0x2d: {  	s3 =	simm.s32 $0x108;
	s8 =	sld [smem:$0x3FA9]  }
0x2e: {  	s3 =	simm.s32 @!p0 $0x1082;
	s9 =	sld [smem:$0x3FAA]  }
0x2f: {  	lr =	sadd.s32 s0, s3;
	s0 =	sld [smem:$0x3FA1]  }
0x30: {  	s3 =	sld [smem:$0x3FA4]  }
0x31: {  	[smem:$0x3FAD] =	sst s10  }
0x32: {  	s10 =	sld [smem:$0x3FAB];
	_ =	sdelay $0x3  }
0x33: {  	p0 =	seq.s32 s10, $0x1;
	s10 =	sld [smem:$0x3FAD];
	_ =	sdelay $0x3  }
0x34: {  	[smem:$0x3FAD] =	sst s10  }
0x35: {  	s10 =	sld [smem:$0x3FAC];
	_ =	sdelay $0x3  }
0x36: {  	p1 =	seq.s32 s10, $0x1;
	s10 =	sld [smem:$0x3FAD];
	_ =	sdelay $0x3  }
0x37: {  	[smem:$0x3FAD] =	sst s10  }
0x38: {  	s10 =	sld [smem:$0x3FAE]  }
0x39: {  	_ = 	snop;
	(pc) =	sbr.ind lr, $3  }
0x3a: {  	_ = 	snop  }
0x3b: {  	_ = 	snop  }
0x3c: {  	p2 =	seq.s32 s10, $0x1;
	s10 =	sld [smem:$0x3FAD]  }
0x3d: {  	_ =	shalt  }
0x3e: {  	_ =	shalt  }
0x3f: {  	_ =	shalt  }
0x40: {  	_ =	shalt  }
0x41: {  	_ =	shalt  }
0x42: {  	_ =	shalt  }
0x43: {  	_ =	shalt  }
0x44: {  	_ =	shalt  }
0x45: {  	_ =	shalt  }
0x46: {  	_ =	shalt  }
0x47: {  	_ =	shalt  }
0x48: {  	_ =	shalt  }
0x49: {  	_ =	shalt  }
0x4a: {  	_ =	shalt  }
0x4b: {  	_ =	shalt  }
0x4c: {  	_ =	shalt  }
0x4d: {  	_ =	shalt  }
0x4e: {  	_ =	shalt  }
0x4f: {  	_ =	shalt  }
0x50: {  	_ =	shalt  }
0x51: {  	_ =	shalt  }
0x52: {  	_ =	shalt  }
0x53: {  	_ =	shalt  }
0x54: {  	_ =	shalt  }
0x55: {  	_ =	shalt  }
0x56: {  	_ =	shalt  }
0x57: {  	_ =	shalt  }
0x58: {  	_ =	shalt  }
0x59: {  	_ =	shalt  }
0x5a: {  	_ =	shalt  }
0x5b: {  	_ =	shalt  }
0x5c: {  	_ =	shalt  }
0x5d: {  	_ =	shalt  }
0x5e: {  	_ =	shalt  }
0x5f: {  	_ =	shalt  }
0x60: {  	_ =	shalt  }
0x61: {  	_ =	shalt  }
0x62: {  	_ =	shalt  }
0x63: {  	_ =	shalt  }
0x64: {  	_ =	shalt  }
0x65: {  	_ =	shalt  }
0x66: {  	_ =	shalt  }
0x67: {  	_ =	shalt  }
0x68: {  	_ =	shalt  }
0x69: {  	_ =	shalt  }
0x6a: {  	_ =	shalt  }
0x6b: {  	_ =	shalt  }
0x6c: {  	_ =	shalt  }
0x6d: {  	_ =	shalt  }
0x6e: {  	_ =	shalt  }
0x6f: {  	_ =	shalt  }
0x70: {  	_ =	shalt  }
0x71: {  	_ =	shalt  }
0x72: {  	_ =	shalt  }
0x73: {  	_ =	shalt  }
0x74: {  	_ =	shalt  }
0x75: {  	_ =	shalt  }
0x76: {  	_ =	shalt  }
0x77: {  	_ =	shalt  }
0x78: {  	_ =	shalt  }
0x79: {  	_ =	shalt  }
0x7a: {  	_ =	shalt  }
0x7b: {  	_ =	shalt  }
0x7c: {  	_ =	shalt  }
0x7d: {  	_ =	shalt  }
0x7e: {  	_ =	shalt  }
0x7f: {  	_ =	shalt  }
0x80: {  	_ =	shalt  }
0x81: {  	_ =	shalt  }
0x82: {  	_ =	shalt  }
0x83: {  	_ =	shalt  }
0x84: {  	_ =	shalt  }
0x85: {  	_ =	shalt  }
0x86: {  	_ =	shalt  }
0x87: {  	_ =	shalt  }
.Lfunc_end0:
.L_simem_size_0:
called_computation.1_lowered:
.L_overlay_start_0:
0x88: {  	s2 =	sld [smem:$0x3FD9]  }
0x89: {  	s3 =	sld [smem:$0x3FFE];
	_ =	sdelay $0x1  }
0x8a: {  	s1 =	srdreg.scid  }
0x8b: {  	s0 =	sand.u32 $0x1, s1  }
0x8c: {  	s17 =	sshll.u32 s0, $0xA;
	s2 =	sadd.s32 s3, s2  }
0x8d: {  	s2 =	sadd.s32 s2, s17  }
0x8e: {  	[smem:$0x3FB9] =	sst s2  }
0x8f: {  	_ = 	snop  }
0x90: {  	s2 =	sld [smem:$0x3FD0];
	(tm) =	ssettm $0x1  }
0x91: {  	s18 =	sld [smem:$0x3FFB];
	_ =	sdelay $0x3  }
0x92: {  	_ =	strace s18  }
0x93: {  	s3 =	sld [smem:$0x3FFC];
	_ =	sdelay $0x3  }
0x94: {  	_ =	strace s3  }
0x95: {  	s3 =	sld [smem:$0x3FFD];
	_ =	sdelay $0x3  }
0x96: {  	_ =	strace s3  }
0x97: {  	_ =	strace $0x8FFFFFFF  }
0x98: {  	s19 =	sld [smem:$0x3FDB];
	_ =	sdelay $0x1  }
0x99: {  	s4 =	simm.s32 $_scs_section_size  }
0x9a: {  	s5 =	simm.s32 $_size__tile_overlayer_lowered;
	s6 =	simm.s32 $_tile_overlayer_lowered  }
0x9b: {  	s22 =	simm.s32 $0x1BFF;
	s21 =	sshll.u32 s6, $0x1;
	s3 =	sadd.s32 s4, s19  }
0x9c: {  	s7 =	simm.s32 $0x0;
	s20 =	sshll.u32 s5, $0x1;
	s5 =	sadd.s32 s21, s3  }
0x9d: {  	[timem:s7], [sflag:s22] =	dma.local [hbm:s5], s20  }
0x9e: {  	_ =	swait.ge [sflag:s22], s20  }
0x9f: {  	s4 =	ssub.s32 $0x0, s20;
	[sflag:s22] =	ssyncset.done $0x0  }
0xa0: {  	[sflag:s22] =	ssyncadd.s32 s4;
	_ =	sdelay $0x1  }
0xa1: {  	s23 =	simm.s32 $0x1B8B  }
0xa2: {  	_ =	swait.ge [sflag:s23], $0x1  }
0xa3: {  	[sflag:s23] =	ssyncset.done $0x0  }
0xa4: {  	s25 =	simm.s32 $0x1B8E;
	s24 =	sld [smem:$0x3FFE];
	[sflag:s23] =	ssyncadd.s32 $0xFFFFFFFF  }
0xa5: {  	s26 =	simm.s32 $execute0_lowered;
	[smem:$0x3FD2] =	sst s25  }
0xa6: {  	s5 =	sshll.u32 s26, $0x1;
	_ =	strace $0x80000049;
	[dreg:$0x1] =	wrdreg $0xFFFFFFFF  }
0xa7: {  	s28 =	simm.s32 $_size_execute0_lowered;
	s3 =	sadd.s32 s3, s5;
	[dreg:$0x0] =	wrdreg $0x0  }
0xa8: {  	s5 =	sshll.u32 s28, $0x1;
	[dreg:$0x2] =	wrdreg s3  }
0xa9: {  	[dreg:$0x3] =	wrdreg s5  }
0xaa: {  	[dreg:$0x4] =	wrdreg $0xC0  }
0xab: {  	_ =	task [dreg:s7], $0x5FFFF  }
0xac: {  	[dreg:$0x1] =	wrdreg $0xFFFFFFFF  }
0xad: {  	[dreg:$0x0] =	wrdreg $0x60  }
0xae: {  	[dreg:$0x2] =	wrdreg s2  }
0xaf: {  	[dreg:$0x3] =	wrdreg s24  }
0xb0: {  	[dreg:$0x4] =	wrdreg $0xA8000  }
0xb1: {  	[dreg:$0x5] =	wrdreg $0x9  }
0xb2: {  	_ =	task.clear_ibuf [dreg:s7], $0x6FFFF;
	_ =	strace $0x90000049  }
0xb3: {  	s29 =	simm.s32 $0x9;
	_ =	strace $0x8000004B  }
0xb4: {  	_ =	swait.ge [sflag:s29], $0x1  }
0xb5: {  	[sflag:s29] =	ssyncadd.s32 $0xFFFFFFFF  }
0xb6: {  	_ =	strace $0x9000004B  }
0xb7: {  	_ =	sfence  }
0xb8: {  	s30 =	sld [smem:$0x0];
	_ =	sdelay $0x2  }
0xb9: {  	s31 =	sshll.u32 s1, $0xD;
	s1 =	sshrl.u32 s1, $0x2  }
0xba: {  	s3 =	sand.u32 $0x4000, s31;
	s1 =	sadd.s32 s1, s30  }
0xbb: {  	s0 =	sor.u32 s3, s0;
	s1 =	sshll.u32 s1, $0x11  }
0xbc: {  	s0 =	sor.u32 s1, s0  }
0xbd: {  	s0 =	sadd.s32 $0x8F2B, s0  }
0xbe: {  	[sflag:s0] =	ssyncadd.remote.s32 $0x1  }
0xbf: {  	_ =	sfence.sel $0xFFFF  }
0xc0: {  	[dreg:$0x0] =	wrdreg $0xFFFFFFFF;
	(pc) =	sbr.abs _section_cstart, $3  }
0xc1: {  	[dreg:$0x1] =	wrdreg $0xFFFFFFFF  }
0xc2: {  	_ =	task.clear_ibuf [dreg:s7], $0x2FFFF;
	_ =	strace $0x9FFFFFFF  }
0xc3: {  	(tm) =	ssettm $0x7FFFFFFF  }
tec
execute0_lowered:
.L_overlay_start_1:
0x0: {  	(tag) =	ssettag $0x1  }
0x1: {  	s1 =	rddreg [dreg:$0x0]  }
0x2: {  	s0 =	rddreg [dreg:$0x1]  }
0x3: {  	s2 =	rddreg [dreg:$0x2];
	s3 =	simm.s32 $0x0  }
0x4: {  	s4 =	srdreg.scid;
	s19 =	stileid.u32;
	s31 =	simm.s32 $0x8000  }
0x5: {  	s30 =	simm.s32 $0x12;
	[smem:$0x7FF] =	sst s3;
	s4 =	sand.u32 $0x1, s4  }
0x6: {  	s7 =	sadd.s32 $0x2C00, s0;
	s8 =	sadd.s32 $0xBF000, s0;
	s28 =	sshll.u32 s19, $0x3  }
0x7: {  	s9 =	sshll.u32 s19, $0xF;
	s11 =	smul.u32 $0x2800, s19;
	_ =	strace $0x8000004A  }
0x8: {  	s5 =	smul.u32 $0x27100, s4;
	s6 =	ssub.s32 $0x2, s4;
	[dreg:$0x4] =	wrdreg s8  }
0x9: {  	s4 =	sshll.u32 s4, $0x13;
	s8 =	smul.u32 $0x50000, s19;
	s10 =	sor.u32 $0x1, s28  }
0xa: {  	s13 =	sor.u32 $0x3, s28;
	s15 =	sor.u32 $0x4, s28;
	s12 =	smul.u32 $0x500, s10  }
0xb: {  	s16 =	sor.u32 $0x5, s28;
	s19 =	sshllo.u32 s19, $0x3;
	s17 =	smul.u32 $0x500, s13  }
0xc: {  	s4 =	sor.u32 s9, s4;
	s9 =	sor.u32 $0x2, s28;
	s18 =	smul.u32 $0x500, s15  }
0xd: {  	s26 =	sshrl.u32 s6, $0x1;
	s16 =	smin.u32 s16, $0x7C;
	s14 =	smul.u32 $0x500, s9  }
0xe: {  	s21 =	smin.u32 s19, $0x7C;
	s0 =	sadd.s32 s5, s0;
	s20 =	smul.u32 $0x500, s16  }
0xf: {  	s5 =	ssub.s32 s6, s26;
	s6 =	sor.u32 $0x6, s28;
	s22 =	smul.u32 $0x500, s21  }
0x10: {  	s26 =	sor.u32 $0x600, s4;
	s4 =	sshrl.u32 s4, $0x3;
	s28 =	smul.u32 $0xA000, s10  }
0x11: {  	s8 =	sshrl.u32 s8, $0x2;
	s21 =	smul.u32 $0xA000, s21;
	s5 =	smax.u32 s5, $0x1  }
0x12: {  	s0 =	sadd.s32 $0xBF600, s0;
	s10 =	sadd.s32 s7, s4;
	[dreg:$0x10] =	wrdreg s5  }
0x13: {  	s6 =	smin.u32 s6, $0x7C;
	s11 =	sadd.s32 s0, s11;
	[dreg:$0xd] =	wrdreg s10  }
0x14: {  	s29 =	smul.u32 $0x500, s6;
	s12 =	sadd.s32 s0, s12;
	[dreg:$0x5] =	wrdreg s11  }
0x15: {  	s19 =	sadd.s32 s0, s14;
	s23 =	sadd.s32 s0, s17;
	[dreg:$0x6] =	wrdreg s12  }
0x16: {  	s24 =	sadd.s32 s0, s18;
	s25 =	sadd.s32 s0, s20;
	[dreg:$0x7] =	wrdreg s19  }
0x17: {  	s17 =	sshrl.u32 s28, $0x2;
	s18 =	smul.u32 $0xA000, s16;
	[dreg:$0x8] =	wrdreg s23  }
0x18: {  	s28 =	sadd.s32 $0x80, s10;
	s5 =	simm.s32 $0x11;
	[dreg:$0x9] =	wrdreg s24  }
0x19: {  	[dreg:$0xa] =	wrdreg s25;
	s12 =	sadd.s32 s8, s2;
	s14 =	sadd.s32 s17, s2  }
0x1a: {  	s19 =	smul.u32 $0xA000, s6;
	s24 =	sshrl.u32 s21, $0x2;
	s25 =	sadd.s32 $0x40, s10  }
0x1b: {  	[dreg:$0x16] =	wrdreg s28;
	s8 =	simm.s32 $0x50;
	s6 =	simm.s32 $0x0  }
0x1c: {  	s11 =	sadd.s32 s0, s29;
	s29 =	smul.u32 $0xA000, s9;
	[dreg:$0x14] =	wrdreg s25  }
0x1d: {  	s0 =	sadd.s32 s0, s22;
	s9 =	smul.u32 $0xA000, s13;
	[dreg:$0xb] =	wrdreg s11  }
0x1e: {  	s13 =	smul.u32 $0xA000, s15;
	s22 =	sshrl.u32 s18, $0x2;
	[dreg:$0xc] =	wrdreg s0  }
0x1f: {  	s0 =	sshrl.u32 s26, $0x3;
	s17 =	sadd.s32 s22, s2;
	s26 =	sadd.s32 $0x60, s10  }
0x20: {  	s23 =	sshrl.u32 s19, $0x2;
	s19 =	sadd.s32 s24, s2;
	[dreg:$0x15] =	wrdreg s26  }
0x21: {  	s11 =	simm.s32 $0x3000;
	s0 =	sadd.s32 s0, s7;
	[dreg:$0x11] =	wrdreg s17  }
0x22: {  	s7 =	sadd.s32 $0x20, s10;
	s4 =	sshrl.u32 s29, $0x2;
	[dreg:$0x13] =	wrdreg s19  }
0x23: {  	s20 =	sshrl.u32 s9, $0x2;
	s18 =	sadd.s32 s23, s2;
	[dreg:$0xe] =	wrdreg s0  }
0x24: {  	s29 =	sadd.s32 $0xA0, s10;
	s9 =	simm.s32 $0x800;
	[dreg:$0xf] =	wrdreg s7  }
0x25: {  	s15 =	sadd.s32 s4, s2;
	s0 =	sshrl.u32 s13, $0x2;
	s7 =	sadd.s32 s20, s2  }
0x26: {  	[dreg:$0x17] =	wrdreg s29;
	s13 =	simm.s32 $0x13;
	s20 =	simm.s32 $0x6  }
0x27: {  	[dreg:$0x12] =	wrdreg s18;
	s16 =	sadd.s32 s0, s2;
	s0 =	simm.s32 $0x14  }
.LBB2_1:
0x28: {  	s4 =	rddreg [dreg:$0x4]  }
0x29: {  	[tilespmem:s31], [sflag:$0x14] =	stream.linear.gather [hbm4b:s4+s3], $0x2800, $0x38;
	[tilespmem:$0x1E080] =	vst v63  }
0x2a: {  	_ =	swait.ge [sflag:s0], $0x2800  }
0x2b: {  	[sflag:s0] =	ssyncset.done $0x0  }
0x2c: {  	[sflag:s0] =	ssyncadd.s32 $0xFFFFD800  }
0x2d: {  	[spmem:s12] =	stream.linear.scatter [tilespmem:s31], [sflag:$0x13], $0x2800, $0x38;
	[tilespmem:$0x1E080] =	vst v63  }
0x2e: {  	_ = 	snop  }
0x2f: {  	[spmem:s14] =	stream.linear.scatter [tilespmem:s31], [sflag:$0x13], $0x2800, $0x38;
	[tilespmem:$0x1E080] =	vst v63  }
0x30: {  	_ = 	snop  }
0x31: {  	[spmem:s15] =	stream.linear.scatter [tilespmem:s31], [sflag:$0x13], $0x2800, $0x38;
	[tilespmem:$0x1E080] =	vst v63  }
0x32: {  	_ = 	snop  }
0x33: {  	[spmem:s7] =	stream.linear.scatter [tilespmem:s31], [sflag:$0x13], $0x2800, $0x38;
	[tilespmem:$0x1E080] =	vst v63  }
0x34: {  	_ = 	snop  }
0x35: {  	[spmem:s16] =	stream.linear.scatter [tilespmem:s31], [sflag:$0x13], $0x2800, $0x38;
	[tilespmem:$0x1E080] =	vst v63  }
0x36: {  	_ = 	snop  }
0x37: {  	[spmem:s17] =	stream.linear.scatter [tilespmem:s31], [sflag:$0x13], $0x2800, $0x38;
	[tilespmem:$0x1E080] =	vst v63  }
0x38: {  	_ = 	snop  }
0x39: {  	[spmem:s18] =	stream.linear.scatter [tilespmem:s31], [sflag:$0x13], $0x2800, $0x38;
	[tilespmem:$0x1E080] =	vst v63  }
0x3a: {  	_ = 	snop  }
0x3b: {  	[spmem:s19] =	stream.linear.scatter [tilespmem:s31], [sflag:$0x13], $0x2800, $0x38;
	[tilespmem:$0x1E080] =	vst v63  }
0x3c: {  	s23 =	smov.u32 s14;
	s24 =	smov.u32 s15;
	s14 =	rddreg [dreg:$0xd]  }
0x3d: {  	[tilespmem:s3], [sflag:$0x9] =	stream.linear.gather [hbm4b:s14+s3], $0x100, $0x38;
	[tilespmem:$0x1E080] =	vst v63  }
0x3e: {  	s28 =	smov.u32 s16;
	s15 =	rddreg [dreg:$0xf];
	s16 =	simm.s32 $0x100  }
0x3f: {  	[tilespmem:s16], [sflag:$0xA] =	stream.linear.gather [hbm4b:s15+s3], $0x100, $0x38;
	[tilespmem:$0x1E080] =	vst v63  }
0x40: {  	s10 =	simm.s32 $0x200;
	s17 =	rddreg [dreg:$0x14]  }
0x41: {  	[tilespmem:s10], [sflag:$0xB] =	stream.linear.gather [hbm4b:s17+s3], $0x100, $0x38;
	[tilespmem:$0x1E080] =	vst v63  }
0x42: {  	s18 =	rddreg [dreg:$0x15];
	s19 =	simm.s32 $0x300  }
0x43: {  	[tilespmem:s19], [sflag:$0xC] =	stream.linear.gather [hbm4b:s18+s3], $0x100, $0x38;
	[tilespmem:$0x1E080] =	vst v63  }
0x44: {  	s26 =	simm.s32 $0x9;
	s21 =	rddreg [dreg:$0x16];
	s14 =	simm.s32 $0x400  }
0x45: {  	[tilespmem:s14], [sflag:$0xD] =	stream.linear.gather [hbm4b:s21+s3], $0x100, $0x38;
	[tilespmem:$0x1E080] =	vst v63  }
0x46: {  	_ =	swait.ge [sflag:s26], $0x100  }
0x47: {  	[sflag:s26] =	ssyncset.done $0x0  }
0x48: {  	s29 =	simm.s32 $0xA;
	[sflag:s26] =	ssyncadd.s32 $0xFFFFFF00  }
0x49: {  	[tilespmem:s9], [sflag:$0x1] =	stream.indirect.gather [hbm4b:s1+s8], $0x80, s3, s8, $0xb8;
	[tilespmem:$0x1E080] =	vst v63  }
0x4a: {  	_ =	swait.ge [sflag:s29], $0x100  }
0x4b: {  	[sflag:s29] =	ssyncset.done $0x0  }
0x4c: {  	s25 =	smov.u32 s7;
	s7 =	simm.s32 $0xB;
	[sflag:s29] =	ssyncadd.s32 $0xFFFFFF00  }
0x4d: {  	[tilespmem:s11], [sflag:$0x2] =	stream.indirect.gather [hbm4b:s1+s8], $0x80, s16, s8, $0xb8;
	[tilespmem:$0x1E080] =	vst v63  }
0x4e: {  	_ =	swait.ge [sflag:s7], $0x100  }
0x4f: {  	[sflag:s7] =	ssyncset.done $0x0  }
0x50: {  	s15 =	simm.s32 $0x5800;
	[sflag:s7] =	ssyncadd.s32 $0xFFFFFF00  }
0x51: {  	[tilespmem:s15], [sflag:$0x3] =	stream.indirect.gather [hbm4b:s1+s8], $0x80, s10, s8, $0xb8;
	[tilespmem:$0x1E080] =	vst v63  }
0x52: {  	_ =	swait.ge [sflag:s13], $0x2800  }
0x53: {  	[sflag:s13] =	ssyncset.done $0x0  }
0x54: {  	[sflag:s13] =	ssyncadd.s32 $0xFFFFD800  }
0x55: {  	_ =	swait.ge [sflag:s13], $0x2800  }
0x56: {  	[sflag:s13] =	ssyncset.done $0x0  }
0x57: {  	[sflag:s13] =	ssyncadd.s32 $0xFFFFD800  }
0x58: {  	_ =	swait.ge [sflag:s13], $0x2800  }
0x59: {  	[sflag:s13] =	ssyncset.done $0x0  }
0x5a: {  	[sflag:s13] =	ssyncadd.s32 $0xFFFFD800  }
0x5b: {  	_ =	swait.ge [sflag:s13], $0x2800  }
0x5c: {  	[sflag:s13] =	ssyncset.done $0x0  }
0x5d: {  	[sflag:s13] =	ssyncadd.s32 $0xFFFFD800  }
0x5e: {  	_ =	swait.ge [sflag:s13], $0x2800  }
0x5f: {  	[sflag:s13] =	ssyncset.done $0x0  }
0x60: {  	[sflag:s13] =	ssyncadd.s32 $0xFFFFD800  }
0x61: {  	_ =	swait.ge [sflag:s13], $0x2800  }
0x62: {  	[sflag:s13] =	ssyncset.done $0x0  }
0x63: {  	[sflag:s13] =	ssyncadd.s32 $0xFFFFD800  }
0x64: {  	_ =	swait.ge [sflag:s13], $0x2800  }
0x65: {  	[sflag:s13] =	ssyncset.done $0x0  }
0x66: {  	[sflag:s13] =	ssyncadd.s32 $0xFFFFD800  }
0x67: {  	_ =	swait.ge [sflag:s13], $0x2800  }
0x68: {  	[sflag:s13] =	ssyncset.done $0x0  }
0x69: {  	[sflag:s13] =	ssyncadd.s32 $0xFFFFD800  }
0x6a: {  	s16 =	simm.s32 $0x1;
	[bflag:$0x0] =	sbarrier.arrive $0xFFFF  }
0x6b: {  	_ =	swait.ge [sflag:s16], $0x2800  }
0x6c: {  	[sflag:s16] =	ssyncset.done $0x0  }
0x6d: {  	s17 =	simm.s32 $0xC;
	[sflag:s16] =	ssyncadd.s32 $0xFFFFD800  }
0x6e: {  	_ =	swait.ge [sflag:s17], $0x100  }
0x6f: {  	[sflag:s17] =	ssyncset.done $0x0  }
0x70: {  	s26 =	simm.s32 $0x1;
	[sflag:s17] =	ssyncadd.s32 $0xFFFFFF00  }
0x71: {  	[tilespmem:s31], [sflag:$0x4] =	stream.indirect.gather [hbm4b:s1+s8], $0x80, s19, s8, $0xb8;
	[tilespmem:$0x1E080] =	vst v63  }
0x72: {  	p0 =	por $0x1, $0x1;
	s18 =	simm.s32 $0x80;
	s15 =	sand.u32 $0x3, s26  }
0x73: {  	[spmem:s2] =	stream.indirect.scatter.add.f32 [tilespmem:s9], [sflag:$0x5], $0x80, s18, s8, $0xb8;
	[tilespmem:$0x1E080] =	vst v63  }
0x74: {  	s21 =	simm.s32 $0x500;
	s7 =	sadd.s32 $0x1, s15;
	s19 =	rddreg [dreg:$0x17]  }
0x75: {  	[tilespmem:s21], [sflag:$0xE] =	stream.linear.gather [hbm4b:s19+s3], $0x100, $0x38;
	[tilespmem:$0x1E080] =	vst v63  }
0x76: {  	s22 =	smov.u32 s12;
	s12 =	simm.s32 @p0 $0x4;
	_ =	swait.ge [sflag:s7], $0x2800  }
0x77: {  	s16 =	sand.u32 @p0 $0x3, s12;
	[sflag:s7] =	ssyncset.done $0x0  }
0x78: {  	s17 =	sadd.s32 @p0 $0x5, s16;
	[sflag:s7] =	ssyncadd.s32 $0xFFFFD800  }
0x79: {  	_ =	swait.ge @p0 [sflag:s17], $0x2800  }
0x7a: {  	p1 =	por @p0 $0x0, $0x0;
	s7 =	sand.u32 @p0 $0x7, s12;
	[sflag:s17] =	ssyncset.done @p0 $0x0  }
0x7b: {  	s12 =	smul.u32 @p0 $0xA000, s16;
	[sflag:s17] =	ssyncadd.s32 @p0 $0xFFFFD800;
	s17 =	sadd.s32 @p0 $0x9, s7  }
0x7c: {  	s29 =	smul.u32 $0xA000, s15;
	s16 =	sadd.s32 @p0 $0x1, s16;
	_ =	swait.ge @p0 [sflag:s17], $0x100  }
0x7d: {  	s12 =	sshrl.u32 @p0 s12, $0x2;
	s7 =	sshll.u32 @p0 s7, $0x8;
	[sflag:s17] =	ssyncset.done @p0 $0x0  }
0x7e: {  	s12 =	sadd.s32 @p0 $0x800, s12;
	[sflag:s17] =	ssyncadd.s32 @p0 $0xFFFFFF00;
	s17 =	simm.s32 @p0 $0x50  }
0x7f: {  	[tilespmem:s12], [sflag:s16] =	stream.indirect.gather @p0 [hbm4b:s1+s17], $0x80, s7, s17, $0xb8;
	[tilespmem:$0x1E080] =	vst v63  }
0x80: {  	p1 =	por p1, !p0;
	s12 =	sand.u32 @p0 $0x1C00, s14  }
0x81: {  	s26 =	sadd.s32 @p0 $0x5, s15;
	s7 =	sshrl.u32 s29, $0x2;
	s12 =	sshrl.u32 @p0 s12, $0x2  }
0x82: {  	s4 =	rddreg [dreg:$0xe];
	s16 =	sor.u32 @p0 $0x80, s12;
	s12 =	sadd.s32 $0x800, s7  }
0x83: {  	[spmem:s2] =	stream.indirect.scatter.add.f32 @p0 [tilespmem:s12], [sflag:s26], $0x80, s16, s17, $0xb8;
	[tilespmem:$0x1E080] =	vst v63  }
0x84: {  	s7 =	sand.u32 @!p1 $0x7, s20;
	s16 =	sand.u32 @!p0 $0x1C00, s14;
	s17 =	simm.s32 @!p1 $0x0  }
0x85: {  	s26 =	sshll.u32 @!p1 s7, $0x8;
	s7 =	sadd.s32 @!p1 $0x9, s7;
	s16 =	sshrl.u32 @!p0 s16, $0x2  }
0x86: {  	[tilespmem:s26], [sflag:s7] =	stream.linear.gather @!p1 [hbm4b:s4+s17], $0x100, $0x38;
	[tilespmem:$0x1E080] =	vst v63  }
0x87: {  	s7 =	simm.s32 $0x7;
	s16 =	sor.u32 @!p0 $0x80, s16  }
0x88: {  	s17 =	sadd.s32 @!p0 $0x5, s15;
	s26 =	simm.s32 @!p0 $0x50;
	s15 =	smov.u32 s4  }
.LBB2_2:
0x89: {  	s15 =	sadd.s32 $0x20, s15  }
0x8a: {  	s14 =	sadd.s32 $0x400, s14;
	s4 =	smov.u32 s7;
	s7 =	sadd.s32 $0x1, s7  }
0x8b: {  	[spmem:s2] =	stream.indirect.scatter.add.f32 @!p0 [tilespmem:s12], [sflag:s17], $0x80, s16, s26, $0xb8;
	[tilespmem:$0x1E080] =	vst v63  }
0x8c: {  	p1 =	sne.s32 s7, $0x82;
	s12 =	sadd.s32 $0xFFFFFFFB, s4  }
0x8d: {  	s17 =	sand.u32 $0x3, s12  }
0x8e: {  	p0 =	slt.u32 s12, $0x7A;
	s16 =	sadd.s32 $0x1, s17  }
0x8f: {  	s26 =	smul.u32 $0xA000, s17;
	s29 =	sadd.s32 @p0 $0xFFFFFFFE, s4;
	s20 =	sand.u32 @p0 $0x1C00, s14  }
0x90: {  	s10 =	sand.u32 @p0 $0x3, s29;
	s29 =	sand.u32 @p0 $0x7, s29;
	_ =	swait.ge [sflag:s16], $0x2800  }
0x91: {  	s18 =	sadd.s32 @p0 $0x5, s10;
	s19 =	smul.u32 @p0 $0xA000, s10;
	[sflag:s16] =	ssyncset.done $0x0  }
0x92: {  	s10 =	sadd.s32 @p0 $0x1, s10;
	[sflag:s16] =	ssyncadd.s32 $0xFFFFD800;
	s16 =	sshll.u32 @p0 s29, $0x8  }
0x93: {  	p2 =	sgt.u32 @p0 s12, $0x77;
	s19 =	sshrl.u32 @p0 s19, $0x2;
	_ =	swait.ge @p0 [sflag:s18], $0x2800  }
0x94: {  	s20 =	sshrl.u32 @p0 s20, $0x2;
	s19 =	sadd.s32 @p0 $0x800, s19;
	[sflag:s18] =	ssyncset.done @p0 $0x0  }
0x95: {  	s26 =	sshrl.u32 s26, $0x2;
	[sflag:s18] =	ssyncadd.s32 @p0 $0xFFFFD800;
	s18 =	sadd.s32 @p0 $0x9, s29  }
0x96: {  	s12 =	sand.u32 @!p0 $0x1C00, s14;
	s20 =	sor.u32 @p0 $0x80, s20;
	_ =	swait.ge @p0 [sflag:s18], $0x100  }
0x97: {  	s21 =	sshrl.u32 @!p0 s12, $0x2;
	s29 =	sadd.s32 @p0 $0x5, s17;
	[sflag:s18] =	ssyncset.done @p0 $0x0  }
0x98: {  	p2 =	por p2, !p0;
	[sflag:s18] =	ssyncadd.s32 @p0 $0xFFFFFF00;
	s18 =	simm.s32 @p0 $0x50  }
0x99: {  	[tilespmem:s19], [sflag:s10] =	stream.indirect.gather @p0 [hbm4b:s1+s18], $0x80, s16, s18, $0xb8;
	[tilespmem:$0x1E080] =	vst v63  }
.Ltmp0:
0x9a: {  	s12 =	sadd.s32 $0x800, s26;
	s16 =	sor.u32 @!p0 $0x80, s21;
	(pc) =	sbr.rel @p1 .LBB2_2-.Ltmp0, $4  }
0x9b: {  	[spmem:s2] =	stream.indirect.scatter.add.f32 @p0 [tilespmem:s12], [sflag:s29], $0x80, s20, s18, $0xb8;
	[tilespmem:$0x1E080] =	vst v63  }
0x9c: {  	s4 =	sand.u32 @!p2 $0x7, s4;
	s17 =	sadd.s32 @!p0 $0x5, s17;
	s10 =	simm.s32 @!p2 $0x0  }
0x9d: {  	s26 =	simm.s32 @!p0 $0x50;
	s18 =	sshll.u32 @!p2 s4, $0x8;
	s4 =	sadd.s32 @!p2 $0x9, s4  }
0x9e: {  	[tilespmem:s18], [sflag:s4] =	stream.linear.gather @!p2 [hbm4b:s15+s10], $0x100, $0x38;
	[tilespmem:$0x1E080] =	vst v63  }
0x9f: {  	[spmem:s2] =	stream.indirect.scatter.add.f32 @!p0 [tilespmem:s12], [sflag:s17], $0x80, s16, s26, $0xb8;
	[tilespmem:$0x1E080] =	vst v63  }
0xa0: {  	s4 =	simm.s32 $0x5  }
0xa1: {  	_ =	swait.ge [sflag:s4], $0x2800  }
0xa2: {  	[sflag:s4] =	ssyncset.done $0x0  }
0xa3: {  	s20 =	simm.s32 $0x6;
	[sflag:s4] =	ssyncadd.s32 $0xFFFFD800  }
0xa4: {  	_ =	swait.ge [sflag:s20], $0x2800  }
0xa5: {  	[sflag:s20] =	ssyncset.done $0x0  }
0xa6: {  	s17 =	simm.s32 $0x7;
	[sflag:s20] =	ssyncadd.s32 $0xFFFFD800  }
0xa7: {  	_ =	swait.ge [sflag:s17], $0x2800  }
0xa8: {  	[sflag:s17] =	ssyncset.done $0x0  }
0xa9: {  	s18 =	simm.s32 $0x8;
	[sflag:s17] =	ssyncadd.s32 $0xFFFFD800  }
0xaa: {  	_ =	swait.ge [sflag:s18], $0x2800  }
0xab: {  	[sflag:s18] =	ssyncset.done $0x0  }
0xac: {  	[sflag:s18] =	ssyncadd.s32 $0xFFFFD800  }
0xad: {  	[bflag:$0x0] =	sbarrier.arrive $0xFFFF  }
0xae: {  	[tilespmem:s9], [sflag:$0x14] =	stream.linear.gather [spmem:s22], $0x2800, $0x38;
	[tilespmem:$0x1E080] =	vst v63  }
0xaf: {  	_ =	swait.ge [sflag:s0], $0x2800  }
0xb0: {  	[sflag:s0] =	ssyncset.done $0x0  }
0xb1: {  	s19 =	rddreg [dreg:$0x5];
	[sflag:s0] =	ssyncadd.s32 $0xFFFFD800  }
0xb2: {  	[hbm4b:s19+s3] =	stream.linear.scatter [tilespmem:s9], [sflag:$0x11], $0x2800, $0x38;
	[tilespmem:$0x1E080] =	vst v63  }
0xb3: {  	_ = 	snop  }
0xb4: {  	[tilespmem:s11], [sflag:$0x14] =	stream.linear.gather [spmem:s23], $0x2800, $0x38;
	[tilespmem:$0x1E080] =	vst v63  }
0xb5: {  	_ =	swait.ge [sflag:s0], $0x2800  }
0xb6: {  	[sflag:s0] =	ssyncset.done $0x0  }
0xb7: {  	s21 =	rddreg [dreg:$0x6];
	[sflag:s0] =	ssyncadd.s32 $0xFFFFD800  }
0xb8: {  	[hbm4b:s21+s3] =	stream.linear.scatter [tilespmem:s11], [sflag:$0x12], $0x2800, $0x38;
	[tilespmem:$0x1E080] =	vst v63  }
0xb9: {  	_ =	swait.ge [sflag:s5], $0x2800  }
0xba: {  	[sflag:s5] =	ssyncset.done $0x0  }
0xbb: {  	[sflag:s5] =	ssyncadd.s32 $0xFFFFD800  }
0xbc: {  	[tilespmem:s9], [sflag:$0x14] =	stream.linear.gather [spmem:s24], $0x2800, $0x38;
	[tilespmem:$0x1E080] =	vst v63  }
0xbd: {  	_ =	swait.ge [sflag:s0], $0x2800  }
0xbe: {  	[sflag:s0] =	ssyncset.done $0x0  }
0xbf: {  	s12 =	smov.u32 s22;
	s22 =	rddreg [dreg:$0x7];
	[sflag:s0] =	ssyncadd.s32 $0xFFFFD800  }
0xc0: {  	[hbm4b:s22+s3] =	stream.linear.scatter [tilespmem:s9], [sflag:$0x11], $0x2800, $0x38;
	[tilespmem:$0x1E080] =	vst v63  }
0xc1: {  	_ =	swait.ge [sflag:s30], $0x2800  }
0xc2: {  	[sflag:s30] =	ssyncset.done $0x0  }
0xc3: {  	[sflag:s30] =	ssyncadd.s32 $0xFFFFD800  }
0xc4: {  	[tilespmem:s11], [sflag:$0x14] =	stream.linear.gather [spmem:s25], $0x2800, $0x38;
	[tilespmem:$0x1E080] =	vst v63  }
0xc5: {  	_ =	swait.ge [sflag:s0], $0x2800  }
0xc6: {  	[sflag:s0] =	ssyncset.done $0x0  }
0xc7: {  	s14 =	smov.u32 s23;
	s23 =	rddreg [dreg:$0x8];
	[sflag:s0] =	ssyncadd.s32 $0xFFFFD800  }
0xc8: {  	[hbm4b:s23+s3] =	stream.linear.scatter [tilespmem:s11], [sflag:$0x12], $0x2800, $0x38;
	[tilespmem:$0x1E080] =	vst v63  }
0xc9: {  	_ =	swait.ge [sflag:s5], $0x2800  }
0xca: {  	[sflag:s5] =	ssyncset.done $0x0  }
0xcb: {  	[sflag:s5] =	ssyncadd.s32 $0xFFFFD800  }
0xcc: {  	[tilespmem:s9], [sflag:$0x14] =	stream.linear.gather [spmem:s28], $0x2800, $0x38;
	[tilespmem:$0x1E080] =	vst v63  }
0xcd: {  	_ =	swait.ge [sflag:s0], $0x2800  }
0xce: {  	[sflag:s0] =	ssyncset.done $0x0  }
0xcf: {  	s15 =	smov.u32 s24;
	s24 =	rddreg [dreg:$0x9];
	[sflag:s0] =	ssyncadd.s32 $0xFFFFD800  }
0xd0: {  	[hbm4b:s24+s3] =	stream.linear.scatter [tilespmem:s9], [sflag:$0x11], $0x2800, $0x38;
	[tilespmem:$0x1E080] =	vst v63  }
0xd1: {  	_ =	swait.ge [sflag:s30], $0x2800  }
0xd2: {  	[sflag:s30] =	ssyncset.done $0x0  }
0xd3: {  	s17 =	rddreg [dreg:$0x11];
	[sflag:s30] =	ssyncadd.s32 $0xFFFFD800  }
0xd4: {  	[tilespmem:s11], [sflag:$0x14] =	stream.linear.gather [spmem:s17], $0x2800, $0x38;
	[tilespmem:$0x1E080] =	vst v63  }
0xd5: {  	_ =	swait.ge [sflag:s0], $0x2800  }
0xd6: {  	[sflag:s0] =	ssyncset.done $0x0  }
0xd7: {  	s7 =	smov.u32 s25;
	s25 =	rddreg [dreg:$0xa];
	[sflag:s0] =	ssyncadd.s32 $0xFFFFD800  }
0xd8: {  	[hbm4b:s25+s3] =	stream.linear.scatter [tilespmem:s11], [sflag:$0x12], $0x2800, $0x38;
	[tilespmem:$0x1E080] =	vst v63  }
0xd9: {  	_ =	swait.ge [sflag:s5], $0x2800  }
0xda: {  	[sflag:s5] =	ssyncset.done $0x0  }
0xdb: {  	s18 =	rddreg [dreg:$0x12];
	[sflag:s5] =	ssyncadd.s32 $0xFFFFD800  }
0xdc: {  	[tilespmem:s9], [sflag:$0x14] =	stream.linear.gather [spmem:s18], $0x2800, $0x38;
	[tilespmem:$0x1E080] =	vst v63  }
0xdd: {  	_ =	swait.ge [sflag:s0], $0x2800  }
0xde: {  	[sflag:s0] =	ssyncset.done $0x0  }
0xdf: {  	s26 =	rddreg [dreg:$0xb];
	[sflag:s0] =	ssyncadd.s32 $0xFFFFD800  }
0xe0: {  	[hbm4b:s26+s3] =	stream.linear.scatter [tilespmem:s9], [sflag:$0x11], $0x2800, $0x38;
	[tilespmem:$0x1E080] =	vst v63  }
0xe1: {  	_ =	swait.ge [sflag:s30], $0x2800  }
0xe2: {  	[sflag:s30] =	ssyncset.done $0x0  }
0xe3: {  	s19 =	rddreg [dreg:$0x13];
	[sflag:s30] =	ssyncadd.s32 $0xFFFFD800  }
0xe4: {  	[tilespmem:s11], [sflag:$0x14] =	stream.linear.gather [spmem:s19], $0x2800, $0x38;
	[tilespmem:$0x1E080] =	vst v63  }
0xe5: {  	_ =	swait.ge [sflag:s0], $0x2800  }
0xe6: {  	[sflag:s0] =	ssyncset.done $0x0  }
0xe7: {  	s16 =	smov.u32 s28;
	s28 =	rddreg [dreg:$0xc];
	[sflag:s0] =	ssyncadd.s32 $0xFFFFD800  }
0xe8: {  	[hbm4b:s28+s3] =	stream.linear.scatter [tilespmem:s11], [sflag:$0x12], $0x2800, $0x38;
	[tilespmem:$0x1E080] =	vst v63  }
0xe9: {  	_ =	swait.ge [sflag:s5], $0x2800  }
0xea: {  	[sflag:s5] =	ssyncset.done $0x0  }
0xeb: {  	[sflag:s5] =	ssyncadd.s32 $0xFFFFD800  }
0xec: {  	_ =	swait.ge [sflag:s30], $0x2800  }
0xed: {  	s6 =	sadd.s32 $0x1, s6;
	s29 =	rddreg [dreg:$0x10]  }
0xee: {  	p0 =	sne.s32 s6, s29  }
.Ltmp1:
0xef: {  	_ = 	snop;
	(pc) =	sbr.rel @p0 .LBB2_1-.Ltmp1, $3  }
0xf0: {  	_ =	sdelay $0x1  }
0xf1: {  	[sflag:s30] =	ssyncset.done $0x0  }
0xf2: {  	[sflag:s30] =	ssyncadd.s32 $0xFFFFD800  }
0xf3: {  	_ =	sfence.sel $0x180000  }
0xf4: {  	[bflag:$0x0] =	sbarrier.arrive $0xFFFF  }
0xf5: {  	_ =	strace $0x9000004A  }
0xf6: {  	s0 =	stileid.u32;
	[bflag:$0x2] =	sbarrier.arrive $0xFFFF  }
0xf7: {  	p0 =	sne.s32 s0, $0x0;
	s0 =	rddreg [dreg:$0x3]  }
0xf8: {  	s0 =	sadd.s32 @!p0 $0x100000, s0  }
0xf9: {  	[sflag:s0] =	ssyncadd.tile.s32 @!p0 $0x1;
	_ =	shalt  }
.Lfunc_end2:
_tile_overlayer_lowered:
.L_overlay_start_2:
0xfa: {  	(tag) =	ssettag $0x2  }
0xfb: {  	s0 =	rddreg [dreg:$0x0];
	s2 =	stileid.u32  }
0xfc: {  	s1 =	rddreg [dreg:$0x1];
	p0 =	sne.s32 s2, $0x0  }
0xfd: {  	s3 =	rddreg [dreg:$0x2];
	[bflag:$0x3] =	sbarrier.arrive $0xFFFF;
	s2 =	simm.s32 @!p0 $0x1C14  }
0xfe: {  	[timem:s3], [sflag:s2] =	dma.local @!p0 [hbm:s0], s1  }
0xff: {  	s0 =	simm.s32 @!p0 $0x14  }
0x100: {  	_ =	swait.ge @!p0 [sflag:s0], s1  }
0x101: {  	s1 =	ssub.s32 @!p0 $0x0, s1;
	[sflag:s0] =	ssyncset.done @!p0 $0x0  }
0x102: {  	[sflag:s0] =	ssyncadd.s32 @!p0 s1  }
0x103: {  	[bflag:$0x3] =	sbarrier.arrive $0xFFFF  }
0x104: {  	_ =	shalt  }

// kernel: kernel.15.cloned.1.call-start
scs
__scs_entry_jumppad:
0x0: {  	(pc) =	sbr.rel $0x88, $3  }
0x1: {  	(tag) =	ssettag $0x0;
	lr =	simm.s32 $0x1  }
0x2: {  	[smem:$0x3F92] =	sst lr;
	_ =	strace $0xD0000000  }
0x3: {  	_ = 	snop  }
0x4: {  	_ = 	snop  }
0x5: {  	_ = 	snop  }
0x6: {  	_ = 	snop  }
0x7: {  	_ = 	snop  }
__scs_overlays_trampoline_lowered:
0x8: {  	[smem:$0x3FA1] =	sst s0  }
0x9: {  	[smem:$0x3FA2] =	sst s1  }
0xa: {  	[smem:$0x3FA3] =	sst s2  }
0xb: {  	[smem:$0x3FA4] =	sst s3  }
0xc: {  	[smem:$0x3FA5] =	sst s4  }
0xd: {  	[smem:$0x3FA6] =	sst s5  }
0xe: {  	[smem:$0x3FA7] =	sst s6  }
0xf: {  	[smem:$0x3FA8] =	sst s7  }
0x10: {  	[smem:$0x3FA9] =	sst s8  }
0x11: {  	[smem:$0x3FAA] =	sst s9;
	s0 =	simm.s32 @!p0 $0x0  }
0x12: {  	s1 =	sld [smem:$0x3F90];
	s0 =	simm.s32 @p0 $0x1  }
0x13: {  	[smem:$0x3FAB] =	sst s0;
	s0 =	simm.s32 @!p1 $0x0  }
0x14: {  	s2 =	sld [smem:$0x3F8F];
	s0 =	simm.s32 @p1 $0x1  }
0x15: {  	[smem:$0x3FAC] =	sst s0;
	s0 =	simm.s32 @!p2 $0x0  }
0x16: {  	s3 =	sld [smem:$0x3FDB];
	s0 =	simm.s32 @p2 $0x1  }
0x17: {  	s4 =	simm.s32 $0x1BF5;
	[smem:$0x3FAE] =	sst s0  }
0x18: {  	s0 =	sld [smem:$0x3F91];
	_ =	swait.ge [sflag:s4], $0x0  }
0x19: {  	s7 =	sld [smem:$0x3F92]  }
0x1a: {  	s8 =	sadd.s32 $0xFFFFE003, lr  }
0x1b: {  	s9 =	sadd.s32 $0xFFFFFEF7, lr;
	s5 =	simm.s32 $0xFFFFFFFF;
	p2 =	slt.u32 s8, $0xFFFFF086  }
0x1c: {  	p1 =	slt.u32 s9, $0xF7A;
	s5 =	simm.s32 @!p2 $0x0  }
0x1d: {  	s5 =	simm.s32 @p1 $0x1;
	p0 =	seq.s32 s7, s2  }
0x1e: {  	s7 =	smul.u32 @!p0 $0xF7A, s2;
	p2 =	seq.s32 @!p0 s5, $0x0  }
0x1f: {  	s9 =	smul.u32 $0xF7A, s1;
	s8 =	simm.s32 @!p0 $0x1BF5;
	p2 =	por !p2, p0  }
0x20: {  	[sflag:s8] =	ssyncset.s32 @!p0 $0xFFFFF086;
	s6 =	sadd.s32 @!p0 s3, s7;
	s7 =	simm.s32 @!p0 $0x108  }
0x21: {  	s3 =	sadd.s32 s3, s9;
	s6 =	sadd.s32 @!p0 $0x88, s6;
	s7 =	simm.s32 @p2 $0x1082  }
0x22: {  	[simem:s7], [sflag:s8] =	dma.local @!p0 [hbm:s6], $0xF7A  }
0x23: {  	s9 =	sor.u32 $0xD0000000, s2;
	s6 =	simm.s32 $0x108;
	_ =	swait.ge @!p0 [sflag:s8], $0x0  }
0x24: {  	s3 =	sadd.s32 $0x88, s3;
	s6 =	simm.s32 @!p1 $0x1082;
	[sflag:s4] =	ssyncset.s32 $0xFFFFF086  }
0x25: {  	[simem:s6], [sflag:s4] =	dma.local [hbm:s3], $0xF7A  }
0x26: {  	[smem:$0x3F92] =	sst s1;
	(tag) =	ssettag s2;
	_ =	strace s9  }
0x27: {  	s1 =	sld [smem:$0x3FA2]  }
0x28: {  	s2 =	sld [smem:$0x3FA3]  }
0x29: {  	s4 =	sld [smem:$0x3FA5]  }
0x2a: {  	p0 =	seq.s32 s5, $0x0;
	s5 =	sld [smem:$0x3FA6]  }
0x2b: {  	s6 =	sld [smem:$0x3FA7]  }
0x2c: {  	s7 =	sld [smem:$0x3FA8]  }
0x2d: {  	s3 =	simm.s32 $0x108;
	s8 =	sld [smem:$0x3FA9]  }
0x2e: {  	s3 =	simm.s32 @!p0 $0x1082;
	s9 =	sld [smem:$0x3FAA]  }
0x2f: {  	lr =	sadd.s32 s0, s3;
	s0 =	sld [smem:$0x3FA1]  }
0x30: {  	s3 =	sld [smem:$0x3FA4]  }
0x31: {  	[smem:$0x3FAD] =	sst s10  }
0x32: {  	s10 =	sld [smem:$0x3FAB];
	_ =	sdelay $0x3  }
0x33: {  	p0 =	seq.s32 s10, $0x1;
	s10 =	sld [smem:$0x3FAD];
	_ =	sdelay $0x3  }
0x34: {  	[smem:$0x3FAD] =	sst s10  }
0x35: {  	s10 =	sld [smem:$0x3FAC];
	_ =	sdelay $0x3  }
0x36: {  	p1 =	seq.s32 s10, $0x1;
	s10 =	sld [smem:$0x3FAD];
	_ =	sdelay $0x3  }
0x37: {  	[smem:$0x3FAD] =	sst s10  }
0x38: {  	s10 =	sld [smem:$0x3FAE]  }
0x39: {  	_ = 	snop;
	(pc) =	sbr.ind lr, $3  }
0x3a: {  	_ = 	snop  }
0x3b: {  	_ = 	snop  }
0x3c: {  	p2 =	seq.s32 s10, $0x1;
	s10 =	sld [smem:$0x3FAD]  }
0x3d: {  	_ =	shalt  }
0x3e: {  	_ =	shalt  }
0x3f: {  	_ =	shalt  }
0x40: {  	_ =	shalt  }
0x41: {  	_ =	shalt  }
0x42: {  	_ =	shalt  }
0x43: {  	_ =	shalt  }
0x44: {  	_ =	shalt  }
0x45: {  	_ =	shalt  }
0x46: {  	_ =	shalt  }
0x47: {  	_ =	shalt  }
0x48: {  	_ =	shalt  }
0x49: {  	_ =	shalt  }
0x4a: {  	_ =	shalt  }
0x4b: {  	_ =	shalt  }
0x4c: {  	_ =	shalt  }
0x4d: {  	_ =	shalt  }
0x4e: {  	_ =	shalt  }
0x4f: {  	_ =	shalt  }
0x50: {  	_ =	shalt  }
0x51: {  	_ =	shalt  }
0x52: {  	_ =	shalt  }
0x53: {  	_ =	shalt  }
0x54: {  	_ =	shalt  }
0x55: {  	_ =	shalt  }
0x56: {  	_ =	shalt  }
0x57: {  	_ =	shalt  }
0x58: {  	_ =	shalt  }
0x59: {  	_ =	shalt  }
0x5a: {  	_ =	shalt  }
0x5b: {  	_ =	shalt  }
0x5c: {  	_ =	shalt  }
0x5d: {  	_ =	shalt  }
0x5e: {  	_ =	shalt  }
0x5f: {  	_ =	shalt  }
0x60: {  	_ =	shalt  }
0x61: {  	_ =	shalt  }
0x62: {  	_ =	shalt  }
0x63: {  	_ =	shalt  }
0x64: {  	_ =	shalt  }
0x65: {  	_ =	shalt  }
0x66: {  	_ =	shalt  }
0x67: {  	_ =	shalt  }
0x68: {  	_ =	shalt  }
0x69: {  	_ =	shalt  }
0x6a: {  	_ =	shalt  }
0x6b: {  	_ =	shalt  }
0x6c: {  	_ =	shalt  }
0x6d: {  	_ =	shalt  }
0x6e: {  	_ =	shalt  }
0x6f: {  	_ =	shalt  }
0x70: {  	_ =	shalt  }
0x71: {  	_ =	shalt  }
0x72: {  	_ =	shalt  }
0x73: {  	_ =	shalt  }
0x74: {  	_ =	shalt  }
0x75: {  	_ =	shalt  }
0x76: {  	_ =	shalt  }
0x77: {  	_ =	shalt  }
0x78: {  	_ =	shalt  }
0x79: {  	_ =	shalt  }
0x7a: {  	_ =	shalt  }
0x7b: {  	_ =	shalt  }
0x7c: {  	_ =	shalt  }
0x7d: {  	_ =	shalt  }
0x7e: {  	_ =	shalt  }
0x7f: {  	_ =	shalt  }
0x80: {  	_ =	shalt  }
0x81: {  	_ =	shalt  }
0x82: {  	_ =	shalt  }
0x83: {  	_ =	shalt  }
0x84: {  	_ =	shalt  }
0x85: {  	_ =	shalt  }
0x86: {  	_ =	shalt  }
0x87: {  	_ =	shalt  }
.Lfunc_end0:
.L_simem_size_0:
called_computation.2_lowered:
.L_overlay_start_0:
0x88: {  	s2 =	sld [smem:$0x3FD9]  }
0x89: {  	s3 =	sld [smem:$0x3FFE];
	_ =	sdelay $0x1  }
0x8a: {  	s1 =	srdreg.scid  }
0x8b: {  	s0 =	sand.u32 $0x1, s1  }
0x8c: {  	s17 =	sshll.u32 s0, $0xA;
	s2 =	sadd.s32 s3, s2  }
0x8d: {  	s2 =	sadd.s32 s2, s17  }
0x8e: {  	[smem:$0x3FB9] =	sst s2  }
0x8f: {  	_ = 	snop  }
0x90: {  	s2 =	sld [smem:$0x3FD0];
	(tm) =	ssettm $0x1  }
0x91: {  	s18 =	sld [smem:$0x3FFB];
	_ =	sdelay $0x3  }
0x92: {  	_ =	strace s18  }
0x93: {  	s3 =	sld [smem:$0x3FFC];
	_ =	sdelay $0x3  }
0x94: {  	_ =	strace s3  }
0x95: {  	s3 =	sld [smem:$0x3FFD];
	_ =	sdelay $0x3  }
0x96: {  	_ =	strace s3  }
0x97: {  	_ =	strace $0x8FFFFFFF  }
0x98: {  	s19 =	sld [smem:$0x3FDB];
	_ =	sdelay $0x1  }
0x99: {  	s4 =	simm.s32 $_scs_section_size  }
0x9a: {  	s5 =	simm.s32 $_size__tile_overlayer_lowered;
	s6 =	simm.s32 $_tile_overlayer_lowered  }
0x9b: {  	s22 =	simm.s32 $0x1BFF;
	s21 =	sshll.u32 s6, $0x1;
	s3 =	sadd.s32 s4, s19  }
0x9c: {  	s7 =	simm.s32 $0x0;
	s20 =	sshll.u32 s5, $0x1;
	s5 =	sadd.s32 s21, s3  }
0x9d: {  	[timem:s7], [sflag:s22] =	dma.local [hbm:s5], s20  }
0x9e: {  	_ =	swait.ge [sflag:s22], s20  }
0x9f: {  	s4 =	ssub.s32 $0x0, s20;
	[sflag:s22] =	ssyncset.done $0x0  }
0xa0: {  	[sflag:s22] =	ssyncadd.s32 s4;
	_ =	sdelay $0x1  }
0xa1: {  	s23 =	simm.s32 $0x1B8B  }
0xa2: {  	_ =	swait.ge [sflag:s23], $0x1  }
0xa3: {  	[sflag:s23] =	ssyncset.done $0x0  }
0xa4: {  	s25 =	simm.s32 $0x1B8E;
	s24 =	sld [smem:$0x3FFE];
	[sflag:s23] =	ssyncadd.s32 $0xFFFFFFFF  }
0xa5: {  	s26 =	simm.s32 $execute0_lowered;
	[smem:$0x3FD2] =	sst s25  }
0xa6: {  	s5 =	sshll.u32 s26, $0x1;
	_ =	strace $0x8000004C;
	[dreg:$0x1] =	wrdreg $0xFFFFFFFF  }
0xa7: {  	s28 =	simm.s32 $_size_execute0_lowered;
	s3 =	sadd.s32 s3, s5;
	[dreg:$0x0] =	wrdreg $0x0  }
0xa8: {  	s5 =	sshll.u32 s28, $0x1;
	[dreg:$0x2] =	wrdreg s3  }
0xa9: {  	[dreg:$0x3] =	wrdreg s5  }
0xaa: {  	[dreg:$0x4] =	wrdreg $0xC0  }
0xab: {  	_ =	task [dreg:s7], $0x5FFFF  }
0xac: {  	[dreg:$0x1] =	wrdreg $0xFFFFFFFF  }
0xad: {  	[dreg:$0x0] =	wrdreg $0x60  }
0xae: {  	[dreg:$0x2] =	wrdreg s24  }
0xaf: {  	[dreg:$0x3] =	wrdreg s2  }
0xb0: {  	[dreg:$0x4] =	wrdreg $0xA8000  }
0xb1: {  	[dreg:$0x5] =	wrdreg $0x9  }
0xb2: {  	_ =	task.clear_ibuf [dreg:s7], $0x6FFFF;
	_ =	strace $0x9000004C  }
0xb3: {  	s29 =	simm.s32 $0x9;
	_ =	strace $0x8000004E  }
0xb4: {  	_ =	swait.ge [sflag:s29], $0x1  }
0xb5: {  	[sflag:s29] =	ssyncadd.s32 $0xFFFFFFFF  }
0xb6: {  	_ =	strace $0x9000004E  }
0xb7: {  	_ =	sfence  }
0xb8: {  	s30 =	sld [smem:$0x0];
	_ =	sdelay $0x2  }
0xb9: {  	s31 =	sshll.u32 s1, $0xD;
	s1 =	sshrl.u32 s1, $0x2  }
0xba: {  	s3 =	sand.u32 $0x4000, s31;
	s1 =	sadd.s32 s1, s30  }
0xbb: {  	s0 =	sor.u32 s3, s0;
	s1 =	sshll.u32 s1, $0x11  }
0xbc: {  	s0 =	sor.u32 s1, s0  }
0xbd: {  	s0 =	sadd.s32 $0x8F2B, s0  }
0xbe: {  	[sflag:s0] =	ssyncadd.remote.s32 $0x1  }
0xbf: {  	_ =	sfence.sel $0xFFFF  }
0xc0: {  	[dreg:$0x0] =	wrdreg $0xFFFFFFFF;
	(pc) =	sbr.abs _section_cstart, $3  }
0xc1: {  	[dreg:$0x1] =	wrdreg $0xFFFFFFFF  }
0xc2: {  	_ =	task.clear_ibuf [dreg:s7], $0x2FFFF;
	_ =	strace $0x9FFFFFFF  }
0xc3: {  	(tm) =	ssettm $0x7FFFFFFF  }
tec
execute0_lowered:
.L_overlay_start_1:
0x0: {  	(tag) =	ssettag $0x1  }
0x1: {  	s0 =	rddreg [dreg:$0x0]  }
0x2: {  	s4 =	rddreg [dreg:$0x1]  }
0x3: {  	s1 =	rddreg [dreg:$0x2];
	s2 =	simm.s32 $0x0  }
0x4: {  	s3 =	srdreg.scid;
	s19 =	stileid.u32;
	s31 =	simm.s32 $0x8000  }
0x5: {  	s30 =	simm.s32 $0x12;
	[smem:$0x7FF] =	sst s2;
	s5 =	sand.u32 $0x1, s3  }
0x6: {  	s3 =	sadd.s32 $0x10D800, s0;
	s7 =	sadd.s32 $0x2C00, s0;
	s9 =	smul.u32 $0x50000, s19  }
0x7: {  	s0 =	sadd.s32 $0xBF000, s0;
	s8 =	sshll.u32 s19, $0x3;
	s12 =	smul.u32 $0x2800, s19  }
0x8: {  	s10 =	sshll.u32 s19, $0xF;
	s28 =	smul.u32 $0x27100, s5;
	s11 =	sor.u32 $0x1, s8  }
0x9: {  	s19 =	sshllo.u32 s19, $0x3;
	s29 =	sor.u32 $0x2, s8;
	s13 =	smul.u32 $0x500, s11  }
0xa: {  	_ =	strace $0x8000004D;
	s15 =	sor.u32 $0x4, s8;
	s14 =	smul.u32 $0x500, s29  }
0xb: {  	s6 =	ssub.s32 $0x2, s5;
	s21 =	smin.u32 s19, $0x7C;
	s18 =	smul.u32 $0x500, s15  }
0xc: {  	[dreg:$0x4] =	wrdreg s0;
	s5 =	sshll.u32 s5, $0x13;
	s23 =	smul.u32 $0x500, s21  }
0xd: {  	s16 =	sor.u32 $0x5, s8;
	s26 =	sshrl.u32 s6, $0x1;
	s11 =	smul.u32 $0xA000, s11  }
0xe: {  	s5 =	sor.u32 s10, s5;
	s16 =	smin.u32 s16, $0x7C;
	s29 =	smul.u32 $0xA000, s29  }
0xf: {  	s10 =	sshrl.u32 s9, $0x2;
	s21 =	smul.u32 $0xA000, s21;
	s9 =	simm.s32 $0x800  }
0x10: {  	s0 =	ssub.s32 s6, s26;
	s4 =	sadd.s32 s4, s28;
	s6 =	sor.u32 $0x3, s8  }
0x11: {  	s8 =	sor.u32 $0x6, s8;
	s20 =	smul.u32 $0x500, s16;
	s28 =	sor.u32 $0x600, s5  }
0x12: {  	s5 =	sshrl.u32 s5, $0x3;
	s10 =	sadd.s32 s10, s1;
	s12 =	sadd.s32 s4, s12  }
0x13: {  	s17 =	smul.u32 $0x500, s6;
	s13 =	sadd.s32 s4, s13;
	[dreg:$0x5] =	wrdreg s12  }
0x14: {  	s8 =	smin.u32 s8, $0x7C;
	s22 =	sadd.s32 s4, s14;
	[dreg:$0x6] =	wrdreg s13  }
0x15: {  	s25 =	sadd.s32 s4, s18;
	s6 =	smul.u32 $0xA000, s6;
	[dreg:$0x7] =	wrdreg s22  }
0x16: {  	s0 =	smax.u32 s0, $0x1;
	s18 =	smul.u32 $0xA000, s16;
	[dreg:$0x9] =	wrdreg s25  }
0x17: {  	s19 =	smul.u32 $0x500, s8;
	s26 =	sadd.s32 s4, s20;
	[dreg:$0x10] =	wrdreg s0  }
0x18: {  	s13 =	smul.u32 $0xA000, s15;
	s24 =	sadd.s32 s4, s17;
	[dreg:$0xa] =	wrdreg s26  }
0x19: {  	s17 =	sshrl.u32 s11, $0x2;
	s20 =	sshrl.u32 s6, $0x2;
	s22 =	sshrl.u32 s18, $0x2  }
0x1a: {  	s11 =	simm.s32 $0x3000;
	s6 =	simm.s32 $0x0;
	[dreg:$0x8] =	wrdreg s24  }
0x1b: {  	s12 =	sadd.s32 s4, s19;
	s4 =	sadd.s32 s4, s23;
	s14 =	sadd.s32 s17, s1  }
0x1c: {  	s19 =	smul.u32 $0xA000, s8;
	s0 =	sshrl.u32 s13, $0x2;
	[dreg:$0xb] =	wrdreg s12  }
0x1d: {  	[dreg:$0xc] =	wrdreg s4;
	s4 =	sshrl.u32 s28, $0x3;
	s12 =	sadd.s32 s7, s5  }
0x1e: {  	s16 =	sadd.s32 s20, s1;
	s4 =	sadd.s32 s4, s7;
	[dreg:$0xd] =	wrdreg s12  }
0x1f: {  	s24 =	sshrl.u32 s21, $0x2;
	s7 =	sadd.s32 $0x20, s12;
	[dreg:$0xe] =	wrdreg s4  }
0x20: {  	s8 =	simm.s32 $0x50;
	s25 =	sadd.s32 $0x40, s12;
	[dreg:$0xf] =	wrdreg s7  }
0x21: {  	s13 =	simm.s32 $0x13;
	s26 =	sadd.s32 $0x60, s12;
	[dreg:$0x14] =	wrdreg s25  }
0x22: {  	s20 =	simm.s32 $0x6;
	s28 =	sadd.s32 $0x80, s12;
	[dreg:$0x15] =	wrdreg s26  }
0x23: {  	s5 =	sshrl.u32 s29, $0x2;
	s29 =	sadd.s32 $0xA0, s12;
	[dreg:$0x16] =	wrdreg s28  }
0x24: {  	s23 =	sshrl.u32 s19, $0x2;
	s19 =	sadd.s32 s24, s1;
	[dreg:$0x17] =	wrdreg s29  }
0x25: {  	s17 =	sadd.s32 s0, s1;
	s7 =	sadd.s32 s22, s1;
	[dreg:$0x13] =	wrdreg s19  }
0x26: {  	s0 =	simm.s32 $0x14;
	s18 =	sadd.s32 s23, s1;
	[dreg:$0x11] =	wrdreg s7  }
0x27: {  	s15 =	sadd.s32 s5, s1;
	s5 =	simm.s32 $0x11;
	[dreg:$0x12] =	wrdreg s18  }
.LBB2_1:
0x28: {  	s4 =	rddreg [dreg:$0x4]  }
0x29: {  	[tilespmem:s31], [sflag:$0x14] =	stream.linear.gather [hbm4b:s4+s2], $0x2800, $0x38;
	[tilespmem:$0x1E080] =	vst v63  }
0x2a: {  	_ =	swait.ge [sflag:s0], $0x2800  }
0x2b: {  	[sflag:s0] =	ssyncset.done $0x0  }
0x2c: {  	[sflag:s0] =	ssyncadd.s32 $0xFFFFD800  }
0x2d: {  	[spmem:s10] =	stream.linear.scatter [tilespmem:s31], [sflag:$0x13], $0x2800, $0x38;
	[tilespmem:$0x1E080] =	vst v63  }
0x2e: {  	_ = 	snop  }
0x2f: {  	[spmem:s14] =	stream.linear.scatter [tilespmem:s31], [sflag:$0x13], $0x2800, $0x38;
	[tilespmem:$0x1E080] =	vst v63  }
0x30: {  	_ = 	snop  }
0x31: {  	[spmem:s15] =	stream.linear.scatter [tilespmem:s31], [sflag:$0x13], $0x2800, $0x38;
	[tilespmem:$0x1E080] =	vst v63  }
0x32: {  	_ = 	snop  }
0x33: {  	[spmem:s16] =	stream.linear.scatter [tilespmem:s31], [sflag:$0x13], $0x2800, $0x38;
	[tilespmem:$0x1E080] =	vst v63  }
0x34: {  	_ = 	snop  }
0x35: {  	[spmem:s17] =	stream.linear.scatter [tilespmem:s31], [sflag:$0x13], $0x2800, $0x38;
	[tilespmem:$0x1E080] =	vst v63  }
0x36: {  	_ = 	snop  }
0x37: {  	[spmem:s7] =	stream.linear.scatter [tilespmem:s31], [sflag:$0x13], $0x2800, $0x38;
	[tilespmem:$0x1E080] =	vst v63  }
0x38: {  	_ = 	snop  }
0x39: {  	[spmem:s18] =	stream.linear.scatter [tilespmem:s31], [sflag:$0x13], $0x2800, $0x38;
	[tilespmem:$0x1E080] =	vst v63  }
0x3a: {  	_ = 	snop  }
0x3b: {  	[spmem:s19] =	stream.linear.scatter [tilespmem:s31], [sflag:$0x13], $0x2800, $0x38;
	[tilespmem:$0x1E080] =	vst v63  }
0x3c: {  	s23 =	smov.u32 s14;
	s24 =	smov.u32 s15;
	s14 =	rddreg [dreg:$0xd]  }
0x3d: {  	[tilespmem:s2], [sflag:$0x9] =	stream.linear.gather [hbm4b:s14+s2], $0x100, $0x38;
	[tilespmem:$0x1E080] =	vst v63  }
0x3e: {  	s25 =	smov.u32 s16;
	s15 =	rddreg [dreg:$0xf];
	s16 =	simm.s32 $0x100  }
0x3f: {  	[tilespmem:s16], [sflag:$0xA] =	stream.linear.gather [hbm4b:s15+s2], $0x100, $0x38;
	[tilespmem:$0x1E080] =	vst v63  }
0x40: {  	s28 =	smov.u32 s17;
	s17 =	rddreg [dreg:$0x14];
	s18 =	simm.s32 $0x200  }
0x41: {  	[tilespmem:s18], [sflag:$0xB] =	stream.linear.gather [hbm4b:s17+s2], $0x100, $0x38;
	[tilespmem:$0x1E080] =	vst v63  }
0x42: {  	s12 =	simm.s32 $0x300;
	s19 =	rddreg [dreg:$0x15]  }
0x43: {  	[tilespmem:s12], [sflag:$0xC] =	stream.linear.gather [hbm4b:s19+s2], $0x100, $0x38;
	[tilespmem:$0x1E080] =	vst v63  }
0x44: {  	s26 =	simm.s32 $0x9;
	s21 =	rddreg [dreg:$0x16];
	s14 =	simm.s32 $0x400  }
0x45: {  	[tilespmem:s14], [sflag:$0xD] =	stream.linear.gather [hbm4b:s21+s2], $0x100, $0x38;
	[tilespmem:$0x1E080] =	vst v63  }
0x46: {  	_ =	swait.ge [sflag:s26], $0x100  }
0x47: {  	[sflag:s26] =	ssyncset.done $0x0  }
0x48: {  	s29 =	simm.s32 $0xA;
	[sflag:s26] =	ssyncadd.s32 $0xFFFFFF00  }
0x49: {  	[tilespmem:s9], [sflag:$0x1] =	stream.indirect.gather [hbm4b:s3+s8], $0x80, s2, s8, $0xb8;
	[tilespmem:$0x1E080] =	vst v63  }
0x4a: {  	_ =	swait.ge [sflag:s29], $0x100  }
0x4b: {  	[sflag:s29] =	ssyncset.done $0x0  }
0x4c: {  	s7 =	simm.s32 $0xB;
	[sflag:s29] =	ssyncadd.s32 $0xFFFFFF00  }
0x4d: {  	[tilespmem:s11], [sflag:$0x2] =	stream.indirect.gather [hbm4b:s3+s8], $0x80, s16, s8, $0xb8;
	[tilespmem:$0x1E080] =	vst v63  }
0x4e: {  	_ =	swait.ge [sflag:s7], $0x100  }
0x4f: {  	[sflag:s7] =	ssyncset.done $0x0  }
0x50: {  	s15 =	simm.s32 $0x5800;
	[sflag:s7] =	ssyncadd.s32 $0xFFFFFF00  }
0x51: {  	[tilespmem:s15], [sflag:$0x3] =	stream.indirect.gather [hbm4b:s3+s8], $0x80, s18, s8, $0xb8;
	[tilespmem:$0x1E080] =	vst v63  }
0x52: {  	_ =	swait.ge [sflag:s13], $0x2800  }
0x53: {  	[sflag:s13] =	ssyncset.done $0x0  }
0x54: {  	[sflag:s13] =	ssyncadd.s32 $0xFFFFD800  }
0x55: {  	_ =	swait.ge [sflag:s13], $0x2800  }
0x56: {  	[sflag:s13] =	ssyncset.done $0x0  }
0x57: {  	[sflag:s13] =	ssyncadd.s32 $0xFFFFD800  }
0x58: {  	_ =	swait.ge [sflag:s13], $0x2800  }
0x59: {  	[sflag:s13] =	ssyncset.done $0x0  }
0x5a: {  	[sflag:s13] =	ssyncadd.s32 $0xFFFFD800  }
0x5b: {  	_ =	swait.ge [sflag:s13], $0x2800  }
0x5c: {  	[sflag:s13] =	ssyncset.done $0x0  }
0x5d: {  	[sflag:s13] =	ssyncadd.s32 $0xFFFFD800  }
0x5e: {  	_ =	swait.ge [sflag:s13], $0x2800  }
0x5f: {  	[sflag:s13] =	ssyncset.done $0x0  }
0x60: {  	[sflag:s13] =	ssyncadd.s32 $0xFFFFD800  }
0x61: {  	_ =	swait.ge [sflag:s13], $0x2800  }
0x62: {  	[sflag:s13] =	ssyncset.done $0x0  }
0x63: {  	[sflag:s13] =	ssyncadd.s32 $0xFFFFD800  }
0x64: {  	_ =	swait.ge [sflag:s13], $0x2800  }
0x65: {  	[sflag:s13] =	ssyncset.done $0x0  }
0x66: {  	[sflag:s13] =	ssyncadd.s32 $0xFFFFD800  }
0x67: {  	_ =	swait.ge [sflag:s13], $0x2800  }
0x68: {  	[sflag:s13] =	ssyncset.done $0x0  }
0x69: {  	[sflag:s13] =	ssyncadd.s32 $0xFFFFD800  }
0x6a: {  	s16 =	simm.s32 $0x1;
	[bflag:$0x0] =	sbarrier.arrive $0xFFFF  }
0x6b: {  	_ =	swait.ge [sflag:s16], $0x2800  }
0x6c: {  	[sflag:s16] =	ssyncset.done $0x0  }
0x6d: {  	s17 =	simm.s32 $0xC;
	[sflag:s16] =	ssyncadd.s32 $0xFFFFD800  }
0x6e: {  	_ =	swait.ge [sflag:s17], $0x100  }
0x6f: {  	[sflag:s17] =	ssyncset.done $0x0  }
0x70: {  	s26 =	simm.s32 $0x1;
	[sflag:s17] =	ssyncadd.s32 $0xFFFFFF00  }
0x71: {  	[tilespmem:s31], [sflag:$0x4] =	stream.indirect.gather [hbm4b:s3+s8], $0x80, s12, s8, $0xb8;
	[tilespmem:$0x1E080] =	vst v63  }
0x72: {  	p0 =	por $0x1, $0x1;
	s18 =	simm.s32 $0x80;
	s15 =	sand.u32 $0x3, s26  }
0x73: {  	[spmem:s1] =	stream.indirect.scatter.add.f32 [tilespmem:s9], [sflag:$0x5], $0x80, s18, s8, $0xb8;
	[tilespmem:$0x1E080] =	vst v63  }
0x74: {  	s21 =	simm.s32 $0x500;
	s7 =	sadd.s32 $0x1, s15;
	s19 =	rddreg [dreg:$0x17]  }
0x75: {  	[tilespmem:s21], [sflag:$0xE] =	stream.linear.gather [hbm4b:s19+s2], $0x100, $0x38;
	[tilespmem:$0x1E080] =	vst v63  }
0x76: {  	s12 =	simm.s32 @p0 $0x4;
	_ =	swait.ge [sflag:s7], $0x2800  }
0x77: {  	s16 =	sand.u32 @p0 $0x3, s12;
	[sflag:s7] =	ssyncset.done $0x0  }
0x78: {  	s17 =	sadd.s32 @p0 $0x5, s16;
	[sflag:s7] =	ssyncadd.s32 $0xFFFFD800  }
0x79: {  	_ =	swait.ge @p0 [sflag:s17], $0x2800  }
0x7a: {  	p1 =	por @p0 $0x0, $0x0;
	s7 =	sand.u32 @p0 $0x7, s12;
	[sflag:s17] =	ssyncset.done @p0 $0x0  }
0x7b: {  	s12 =	smul.u32 @p0 $0xA000, s16;
	[sflag:s17] =	ssyncadd.s32 @p0 $0xFFFFD800;
	s17 =	sadd.s32 @p0 $0x9, s7  }
0x7c: {  	s29 =	smul.u32 $0xA000, s15;
	s16 =	sadd.s32 @p0 $0x1, s16;
	_ =	swait.ge @p0 [sflag:s17], $0x100  }
0x7d: {  	s12 =	sshrl.u32 @p0 s12, $0x2;
	s7 =	sshll.u32 @p0 s7, $0x8;
	[sflag:s17] =	ssyncset.done @p0 $0x0  }
0x7e: {  	s12 =	sadd.s32 @p0 $0x800, s12;
	[sflag:s17] =	ssyncadd.s32 @p0 $0xFFFFFF00;
	s17 =	simm.s32 @p0 $0x50  }
0x7f: {  	[tilespmem:s12], [sflag:s16] =	stream.indirect.gather @p0 [hbm4b:s3+s17], $0x80, s7, s17, $0xb8;
	[tilespmem:$0x1E080] =	vst v63  }
0x80: {  	p1 =	por p1, !p0;
	s12 =	sand.u32 @p0 $0x1C00, s14  }
0x81: {  	s26 =	sadd.s32 @p0 $0x5, s15;
	s7 =	sshrl.u32 s29, $0x2;
	s12 =	sshrl.u32 @p0 s12, $0x2  }
0x82: {  	s4 =	rddreg [dreg:$0xe];
	s16 =	sor.u32 @p0 $0x80, s12;
	s12 =	sadd.s32 $0x800, s7  }
0x83: {  	[spmem:s1] =	stream.indirect.scatter.add.f32 @p0 [tilespmem:s12], [sflag:s26], $0x80, s16, s17, $0xb8;
	[tilespmem:$0x1E080] =	vst v63  }
0x84: {  	s7 =	sand.u32 @!p1 $0x7, s20;
	s16 =	sand.u32 @!p0 $0x1C00, s14;
	s17 =	simm.s32 @!p1 $0x0  }
0x85: {  	s26 =	sshll.u32 @!p1 s7, $0x8;
	s7 =	sadd.s32 @!p1 $0x9, s7;
	s16 =	sshrl.u32 @!p0 s16, $0x2  }
0x86: {  	[tilespmem:s26], [sflag:s7] =	stream.linear.gather @!p1 [hbm4b:s4+s17], $0x100, $0x38;
	[tilespmem:$0x1E080] =	vst v63  }
0x87: {  	s22 =	smov.u32 s10;
	s7 =	simm.s32 $0x7;
	s16 =	sor.u32 @!p0 $0x80, s16  }
0x88: {  	s17 =	sadd.s32 @!p0 $0x5, s15;
	s26 =	simm.s32 @!p0 $0x50;
	s15 =	smov.u32 s4  }
.LBB2_2:
0x89: {  	s15 =	sadd.s32 $0x20, s15  }
0x8a: {  	s14 =	sadd.s32 $0x400, s14;
	s4 =	smov.u32 s7;
	s7 =	sadd.s32 $0x1, s7  }
0x8b: {  	[spmem:s1] =	stream.indirect.scatter.add.f32 @!p0 [tilespmem:s12], [sflag:s17], $0x80, s16, s26, $0xb8;
	[tilespmem:$0x1E080] =	vst v63  }
0x8c: {  	p1 =	sne.s32 s7, $0x82;
	s12 =	sadd.s32 $0xFFFFFFFB, s4  }
0x8d: {  	s17 =	sand.u32 $0x3, s12  }
0x8e: {  	p0 =	slt.u32 s12, $0x7A;
	s16 =	sadd.s32 $0x1, s17  }
0x8f: {  	s26 =	smul.u32 $0xA000, s17;
	s29 =	sadd.s32 @p0 $0xFFFFFFFE, s4;
	s20 =	sand.u32 @p0 $0x1C00, s14  }
0x90: {  	s10 =	sand.u32 @p0 $0x3, s29;
	s29 =	sand.u32 @p0 $0x7, s29;
	_ =	swait.ge [sflag:s16], $0x2800  }
0x91: {  	s18 =	sadd.s32 @p0 $0x5, s10;
	s19 =	smul.u32 @p0 $0xA000, s10;
	[sflag:s16] =	ssyncset.done $0x0  }
0x92: {  	s10 =	sadd.s32 @p0 $0x1, s10;
	[sflag:s16] =	ssyncadd.s32 $0xFFFFD800;
	s16 =	sshll.u32 @p0 s29, $0x8  }
0x93: {  	p2 =	sgt.u32 @p0 s12, $0x77;
	s19 =	sshrl.u32 @p0 s19, $0x2;
	_ =	swait.ge @p0 [sflag:s18], $0x2800  }
0x94: {  	s20 =	sshrl.u32 @p0 s20, $0x2;
	s19 =	sadd.s32 @p0 $0x800, s19;
	[sflag:s18] =	ssyncset.done @p0 $0x0  }
0x95: {  	s26 =	sshrl.u32 s26, $0x2;
	[sflag:s18] =	ssyncadd.s32 @p0 $0xFFFFD800;
	s18 =	sadd.s32 @p0 $0x9, s29  }
0x96: {  	s12 =	sand.u32 @!p0 $0x1C00, s14;
	s20 =	sor.u32 @p0 $0x80, s20;
	_ =	swait.ge @p0 [sflag:s18], $0x100  }
0x97: {  	s21 =	sshrl.u32 @!p0 s12, $0x2;
	s29 =	sadd.s32 @p0 $0x5, s17;
	[sflag:s18] =	ssyncset.done @p0 $0x0  }
0x98: {  	p2 =	por p2, !p0;
	[sflag:s18] =	ssyncadd.s32 @p0 $0xFFFFFF00;
	s18 =	simm.s32 @p0 $0x50  }
0x99: {  	[tilespmem:s19], [sflag:s10] =	stream.indirect.gather @p0 [hbm4b:s3+s18], $0x80, s16, s18, $0xb8;
	[tilespmem:$0x1E080] =	vst v63  }
.Ltmp0:
0x9a: {  	s12 =	sadd.s32 $0x800, s26;
	s16 =	sor.u32 @!p0 $0x80, s21;
	(pc) =	sbr.rel @p1 .LBB2_2-.Ltmp0, $4  }
0x9b: {  	[spmem:s1] =	stream.indirect.scatter.add.f32 @p0 [tilespmem:s12], [sflag:s29], $0x80, s20, s18, $0xb8;
	[tilespmem:$0x1E080] =	vst v63  }
0x9c: {  	s4 =	sand.u32 @!p2 $0x7, s4;
	s17 =	sadd.s32 @!p0 $0x5, s17;
	s10 =	simm.s32 @!p2 $0x0  }
0x9d: {  	s26 =	simm.s32 @!p0 $0x50;
	s18 =	sshll.u32 @!p2 s4, $0x8;
	s4 =	sadd.s32 @!p2 $0x9, s4  }
0x9e: {  	[tilespmem:s18], [sflag:s4] =	stream.linear.gather @!p2 [hbm4b:s15+s10], $0x100, $0x38;
	[tilespmem:$0x1E080] =	vst v63  }
0x9f: {  	[spmem:s1] =	stream.indirect.scatter.add.f32 @!p0 [tilespmem:s12], [sflag:s17], $0x80, s16, s26, $0xb8;
	[tilespmem:$0x1E080] =	vst v63  }
0xa0: {  	s4 =	simm.s32 $0x5  }
0xa1: {  	_ =	swait.ge [sflag:s4], $0x2800  }
0xa2: {  	[sflag:s4] =	ssyncset.done $0x0  }
0xa3: {  	s20 =	simm.s32 $0x6;
	[sflag:s4] =	ssyncadd.s32 $0xFFFFD800  }
0xa4: {  	_ =	swait.ge [sflag:s20], $0x2800  }
0xa5: {  	[sflag:s20] =	ssyncset.done $0x0  }
0xa6: {  	s17 =	simm.s32 $0x7;
	[sflag:s20] =	ssyncadd.s32 $0xFFFFD800  }
0xa7: {  	_ =	swait.ge [sflag:s17], $0x2800  }
0xa8: {  	[sflag:s17] =	ssyncset.done $0x0  }
0xa9: {  	s18 =	simm.s32 $0x8;
	[sflag:s17] =	ssyncadd.s32 $0xFFFFD800  }
0xaa: {  	_ =	swait.ge [sflag:s18], $0x2800  }
0xab: {  	[sflag:s18] =	ssyncset.done $0x0  }
0xac: {  	[sflag:s18] =	ssyncadd.s32 $0xFFFFD800  }
0xad: {  	[bflag:$0x0] =	sbarrier.arrive $0xFFFF  }
0xae: {  	[tilespmem:s9], [sflag:$0x14] =	stream.linear.gather [spmem:s22], $0x2800, $0x38;
	[tilespmem:$0x1E080] =	vst v63  }
0xaf: {  	_ =	swait.ge [sflag:s0], $0x2800  }
0xb0: {  	[sflag:s0] =	ssyncset.done $0x0  }
0xb1: {  	s19 =	rddreg [dreg:$0x5];
	[sflag:s0] =	ssyncadd.s32 $0xFFFFD800  }
0xb2: {  	[hbm4b:s19+s2] =	stream.linear.scatter [tilespmem:s9], [sflag:$0x11], $0x2800, $0x38;
	[tilespmem:$0x1E080] =	vst v63  }
0xb3: {  	_ = 	snop  }
0xb4: {  	[tilespmem:s11], [sflag:$0x14] =	stream.linear.gather [spmem:s23], $0x2800, $0x38;
	[tilespmem:$0x1E080] =	vst v63  }
0xb5: {  	_ =	swait.ge [sflag:s0], $0x2800  }
0xb6: {  	[sflag:s0] =	ssyncset.done $0x0  }
0xb7: {  	s21 =	rddreg [dreg:$0x6];
	[sflag:s0] =	ssyncadd.s32 $0xFFFFD800  }
0xb8: {  	[hbm4b:s21+s2] =	stream.linear.scatter [tilespmem:s11], [sflag:$0x12], $0x2800, $0x38;
	[tilespmem:$0x1E080] =	vst v63  }
0xb9: {  	_ =	swait.ge [sflag:s5], $0x2800  }
0xba: {  	[sflag:s5] =	ssyncset.done $0x0  }
0xbb: {  	[sflag:s5] =	ssyncadd.s32 $0xFFFFD800  }
0xbc: {  	[tilespmem:s9], [sflag:$0x14] =	stream.linear.gather [spmem:s24], $0x2800, $0x38;
	[tilespmem:$0x1E080] =	vst v63  }
0xbd: {  	_ =	swait.ge [sflag:s0], $0x2800  }
0xbe: {  	[sflag:s0] =	ssyncset.done $0x0  }
0xbf: {  	s10 =	smov.u32 s22;
	s22 =	rddreg [dreg:$0x7];
	[sflag:s0] =	ssyncadd.s32 $0xFFFFD800  }
0xc0: {  	[hbm4b:s22+s2] =	stream.linear.scatter [tilespmem:s9], [sflag:$0x11], $0x2800, $0x38;
	[tilespmem:$0x1E080] =	vst v63  }
0xc1: {  	_ =	swait.ge [sflag:s30], $0x2800  }
0xc2: {  	[sflag:s30] =	ssyncset.done $0x0  }
0xc3: {  	[sflag:s30] =	ssyncadd.s32 $0xFFFFD800  }
0xc4: {  	[tilespmem:s11], [sflag:$0x14] =	stream.linear.gather [spmem:s25], $0x2800, $0x38;
	[tilespmem:$0x1E080] =	vst v63  }
0xc5: {  	_ =	swait.ge [sflag:s0], $0x2800  }
0xc6: {  	[sflag:s0] =	ssyncset.done $0x0  }
0xc7: {  	s14 =	smov.u32 s23;
	s23 =	rddreg [dreg:$0x8];
	[sflag:s0] =	ssyncadd.s32 $0xFFFFD800  }
0xc8: {  	[hbm4b:s23+s2] =	stream.linear.scatter [tilespmem:s11], [sflag:$0x12], $0x2800, $0x38;
	[tilespmem:$0x1E080] =	vst v63  }
0xc9: {  	_ =	swait.ge [sflag:s5], $0x2800  }
0xca: {  	[sflag:s5] =	ssyncset.done $0x0  }
0xcb: {  	[sflag:s5] =	ssyncadd.s32 $0xFFFFD800  }
0xcc: {  	[tilespmem:s9], [sflag:$0x14] =	stream.linear.gather [spmem:s28], $0x2800, $0x38;
	[tilespmem:$0x1E080] =	vst v63  }
0xcd: {  	_ =	swait.ge [sflag:s0], $0x2800  }
0xce: {  	[sflag:s0] =	ssyncset.done $0x0  }
0xcf: {  	s15 =	smov.u32 s24;
	s24 =	rddreg [dreg:$0x9];
	[sflag:s0] =	ssyncadd.s32 $0xFFFFD800  }
0xd0: {  	[hbm4b:s24+s2] =	stream.linear.scatter [tilespmem:s9], [sflag:$0x11], $0x2800, $0x38;
	[tilespmem:$0x1E080] =	vst v63  }
0xd1: {  	_ =	swait.ge [sflag:s30], $0x2800  }
0xd2: {  	[sflag:s30] =	ssyncset.done $0x0  }
0xd3: {  	s7 =	rddreg [dreg:$0x11];
	[sflag:s30] =	ssyncadd.s32 $0xFFFFD800  }
0xd4: {  	[tilespmem:s11], [sflag:$0x14] =	stream.linear.gather [spmem:s7], $0x2800, $0x38;
	[tilespmem:$0x1E080] =	vst v63  }
0xd5: {  	_ =	swait.ge [sflag:s0], $0x2800  }
0xd6: {  	[sflag:s0] =	ssyncset.done $0x0  }
0xd7: {  	s16 =	smov.u32 s25;
	s25 =	rddreg [dreg:$0xa];
	[sflag:s0] =	ssyncadd.s32 $0xFFFFD800  }
0xd8: {  	[hbm4b:s25+s2] =	stream.linear.scatter [tilespmem:s11], [sflag:$0x12], $0x2800, $0x38;
	[tilespmem:$0x1E080] =	vst v63  }
0xd9: {  	_ =	swait.ge [sflag:s5], $0x2800  }
0xda: {  	[sflag:s5] =	ssyncset.done $0x0  }
0xdb: {  	s18 =	rddreg [dreg:$0x12];
	[sflag:s5] =	ssyncadd.s32 $0xFFFFD800  }
0xdc: {  	[tilespmem:s9], [sflag:$0x14] =	stream.linear.gather [spmem:s18], $0x2800, $0x38;
	[tilespmem:$0x1E080] =	vst v63  }
0xdd: {  	_ =	swait.ge [sflag:s0], $0x2800  }
0xde: {  	[sflag:s0] =	ssyncset.done $0x0  }
0xdf: {  	s26 =	rddreg [dreg:$0xb];
	[sflag:s0] =	ssyncadd.s32 $0xFFFFD800  }
0xe0: {  	[hbm4b:s26+s2] =	stream.linear.scatter [tilespmem:s9], [sflag:$0x11], $0x2800, $0x38;
	[tilespmem:$0x1E080] =	vst v63  }
0xe1: {  	_ =	swait.ge [sflag:s30], $0x2800  }
0xe2: {  	[sflag:s30] =	ssyncset.done $0x0  }
0xe3: {  	s19 =	rddreg [dreg:$0x13];
	[sflag:s30] =	ssyncadd.s32 $0xFFFFD800  }
0xe4: {  	[tilespmem:s11], [sflag:$0x14] =	stream.linear.gather [spmem:s19], $0x2800, $0x38;
	[tilespmem:$0x1E080] =	vst v63  }
0xe5: {  	_ =	swait.ge [sflag:s0], $0x2800  }
0xe6: {  	[sflag:s0] =	ssyncset.done $0x0  }
0xe7: {  	s17 =	smov.u32 s28;
	s28 =	rddreg [dreg:$0xc];
	[sflag:s0] =	ssyncadd.s32 $0xFFFFD800  }
0xe8: {  	[hbm4b:s28+s2] =	stream.linear.scatter [tilespmem:s11], [sflag:$0x12], $0x2800, $0x38;
	[tilespmem:$0x1E080] =	vst v63  }
0xe9: {  	_ =	swait.ge [sflag:s5], $0x2800  }
0xea: {  	[sflag:s5] =	ssyncset.done $0x0  }
0xeb: {  	[sflag:s5] =	ssyncadd.s32 $0xFFFFD800  }
0xec: {  	_ =	swait.ge [sflag:s30], $0x2800  }
0xed: {  	s6 =	sadd.s32 $0x1, s6;
	s29 =	rddreg [dreg:$0x10]  }
0xee: {  	p0 =	sne.s32 s6, s29  }
.Ltmp1:
0xef: {  	_ = 	snop;
	(pc) =	sbr.rel @p0 .LBB2_1-.Ltmp1, $3  }
0xf0: {  	_ =	sdelay $0x1  }
0xf1: {  	[sflag:s30] =	ssyncset.done $0x0  }
0xf2: {  	[sflag:s30] =	ssyncadd.s32 $0xFFFFD800  }
0xf3: {  	_ =	sfence.sel $0x180000  }
0xf4: {  	[bflag:$0x0] =	sbarrier.arrive $0xFFFF  }
0xf5: {  	_ =	strace $0x9000004D  }
0xf6: {  	s0 =	stileid.u32;
	[bflag:$0x2] =	sbarrier.arrive $0xFFFF  }
0xf7: {  	p0 =	sne.s32 s0, $0x0;
	s0 =	rddreg [dreg:$0x3]  }
0xf8: {  	s0 =	sadd.s32 @!p0 $0x100000, s0  }
0xf9: {  	[sflag:s0] =	ssyncadd.tile.s32 @!p0 $0x1;
	_ =	shalt  }
.Lfunc_end2:
_tile_overlayer_lowered:
.L_overlay_start_2:
0xfa: {  	(tag) =	ssettag $0x2  }
0xfb: {  	s0 =	rddreg [dreg:$0x0];
	s2 =	stileid.u32  }
0xfc: {  	s1 =	rddreg [dreg:$0x1];
	p0 =	sne.s32 s2, $0x0  }
0xfd: {  	s3 =	rddreg [dreg:$0x2];
	[bflag:$0x3] =	sbarrier.arrive $0xFFFF;
	s2 =	simm.s32 @!p0 $0x1C14  }
0xfe: {  	[timem:s3], [sflag:s2] =	dma.local @!p0 [hbm:s0], s1  }
0xff: {  	s0 =	simm.s32 @!p0 $0x14  }
0x100: {  	_ =	swait.ge @!p0 [sflag:s0], s1  }
0x101: {  	s1 =	ssub.s32 @!p0 $0x0, s1;
	[sflag:s0] =	ssyncset.done @!p0 $0x0  }
0x102: {  	[sflag:s0] =	ssyncadd.s32 @!p0 s1  }
0x103: {  	[bflag:$0x3] =	sbarrier.arrive $0xFFFF  }
0x104: {  	_ =	shalt  }

// kernel: kernel.9.cloned.1.call-start
scs
__scs_entry_jumppad:
0x0: {  	(pc) =	sbr.rel $0x88, $3  }
0x1: {  	(tag) =	ssettag $0x0;
	lr =	simm.s32 $0x1  }
0x2: {  	[smem:$0x3F92] =	sst lr;
	_ =	strace $0xD0000000  }
0x3: {  	_ = 	snop  }
0x4: {  	_ = 	snop  }
0x5: {  	_ = 	snop  }
0x6: {  	_ = 	snop  }
0x7: {  	_ = 	snop  }
__scs_overlays_trampoline_lowered:
0x8: {  	[smem:$0x3FA1] =	sst s0  }
0x9: {  	[smem:$0x3FA2] =	sst s1  }
0xa: {  	[smem:$0x3FA3] =	sst s2  }
0xb: {  	[smem:$0x3FA4] =	sst s3  }
0xc: {  	[smem:$0x3FA5] =	sst s4  }
0xd: {  	[smem:$0x3FA6] =	sst s5  }
0xe: {  	[smem:$0x3FA7] =	sst s6  }
0xf: {  	[smem:$0x3FA8] =	sst s7  }
0x10: {  	[smem:$0x3FA9] =	sst s8  }
0x11: {  	[smem:$0x3FAA] =	sst s9;
	s0 =	simm.s32 @!p0 $0x0  }
0x12: {  	s1 =	sld [smem:$0x3F90];
	s0 =	simm.s32 @p0 $0x1  }
0x13: {  	[smem:$0x3FAB] =	sst s0;
	s0 =	simm.s32 @!p1 $0x0  }
0x14: {  	s2 =	sld [smem:$0x3F8F];
	s0 =	simm.s32 @p1 $0x1  }
0x15: {  	[smem:$0x3FAC] =	sst s0;
	s0 =	simm.s32 @!p2 $0x0  }
0x16: {  	s3 =	sld [smem:$0x3FDB];
	s0 =	simm.s32 @p2 $0x1  }
0x17: {  	s4 =	simm.s32 $0x1BF5;
	[smem:$0x3FAE] =	sst s0  }
0x18: {  	s0 =	sld [smem:$0x3F91];
	_ =	swait.ge [sflag:s4], $0x0  }
0x19: {  	s7 =	sld [smem:$0x3F92]  }
0x1a: {  	s8 =	sadd.s32 $0xFFFFE003, lr  }
0x1b: {  	s9 =	sadd.s32 $0xFFFFFEF7, lr;
	s5 =	simm.s32 $0xFFFFFFFF;
	p2 =	slt.u32 s8, $0xFFFFF086  }
0x1c: {  	p1 =	slt.u32 s9, $0xF7A;
	s5 =	simm.s32 @!p2 $0x0  }
0x1d: {  	s5 =	simm.s32 @p1 $0x1;
	p0 =	seq.s32 s7, s2  }
0x1e: {  	s7 =	smul.u32 @!p0 $0xF7A, s2;
	p2 =	seq.s32 @!p0 s5, $0x0  }
0x1f: {  	s9 =	smul.u32 $0xF7A, s1;
	s8 =	simm.s32 @!p0 $0x1BF5;
	p2 =	por !p2, p0  }
0x20: {  	[sflag:s8] =	ssyncset.s32 @!p0 $0xFFFFF086;
	s6 =	sadd.s32 @!p0 s3, s7;
	s7 =	simm.s32 @!p0 $0x108  }
0x21: {  	s3 =	sadd.s32 s3, s9;
	s6 =	sadd.s32 @!p0 $0x88, s6;
	s7 =	simm.s32 @p2 $0x1082  }
0x22: {  	[simem:s7], [sflag:s8] =	dma.local @!p0 [hbm:s6], $0xF7A  }
0x23: {  	s9 =	sor.u32 $0xD0000000, s2;
	s6 =	simm.s32 $0x108;
	_ =	swait.ge @!p0 [sflag:s8], $0x0  }
0x24: {  	s3 =	sadd.s32 $0x88, s3;
	s6 =	simm.s32 @!p1 $0x1082;
	[sflag:s4] =	ssyncset.s32 $0xFFFFF086  }
0x25: {  	[simem:s6], [sflag:s4] =	dma.local [hbm:s3], $0xF7A  }
0x26: {  	[smem:$0x3F92] =	sst s1;
	(tag) =	ssettag s2;
	_ =	strace s9  }
0x27: {  	s1 =	sld [smem:$0x3FA2]  }
0x28: {  	s2 =	sld [smem:$0x3FA3]  }
0x29: {  	s4 =	sld [smem:$0x3FA5]  }
0x2a: {  	p0 =	seq.s32 s5, $0x0;
	s5 =	sld [smem:$0x3FA6]  }
0x2b: {  	s6 =	sld [smem:$0x3FA7]  }
0x2c: {  	s7 =	sld [smem:$0x3FA8]  }
0x2d: {  	s3 =	simm.s32 $0x108;
	s8 =	sld [smem:$0x3FA9]  }
0x2e: {  	s3 =	simm.s32 @!p0 $0x1082;
	s9 =	sld [smem:$0x3FAA]  }
0x2f: {  	lr =	sadd.s32 s0, s3;
	s0 =	sld [smem:$0x3FA1]  }
0x30: {  	s3 =	sld [smem:$0x3FA4]  }
0x31: {  	[smem:$0x3FAD] =	sst s10  }
0x32: {  	s10 =	sld [smem:$0x3FAB];
	_ =	sdelay $0x3  }
0x33: {  	p0 =	seq.s32 s10, $0x1;
	s10 =	sld [smem:$0x3FAD];
	_ =	sdelay $0x3  }
0x34: {  	[smem:$0x3FAD] =	sst s10  }
0x35: {  	s10 =	sld [smem:$0x3FAC];
	_ =	sdelay $0x3  }
0x36: {  	p1 =	seq.s32 s10, $0x1;
	s10 =	sld [smem:$0x3FAD];
	_ =	sdelay $0x3  }
0x37: {  	[smem:$0x3FAD] =	sst s10  }
0x38: {  	s10 =	sld [smem:$0x3FAE]  }
0x39: {  	_ = 	snop;
	(pc) =	sbr.ind lr, $3  }
0x3a: {  	_ = 	snop  }
0x3b: {  	_ = 	snop  }
0x3c: {  	p2 =	seq.s32 s10, $0x1;
	s10 =	sld [smem:$0x3FAD]  }
0x3d: {  	_ =	shalt  }
0x3e: {  	_ =	shalt  }
0x3f: {  	_ =	shalt  }
0x40: {  	_ =	shalt  }
0x41: {  	_ =	shalt  }
0x42: {  	_ =	shalt  }
0x43: {  	_ =	shalt  }
0x44: {  	_ =	shalt  }
0x45: {  	_ =	shalt  }
0x46: {  	_ =	shalt  }
0x47: {  	_ =	shalt  }
0x48: {  	_ =	shalt  }
0x49: {  	_ =	shalt  }
0x4a: {  	_ =	shalt  }
0x4b: {  	_ =	shalt  }
0x4c: {  	_ =	shalt  }
0x4d: {  	_ =	shalt  }
0x4e: {  	_ =	shalt  }
0x4f: {  	_ =	shalt  }
0x50: {  	_ =	shalt  }
0x51: {  	_ =	shalt  }
0x52: {  	_ =	shalt  }
0x53: {  	_ =	shalt  }
0x54: {  	_ =	shalt  }
0x55: {  	_ =	shalt  }
0x56: {  	_ =	shalt  }
0x57: {  	_ =	shalt  }
0x58: {  	_ =	shalt  }
0x59: {  	_ =	shalt  }
0x5a: {  	_ =	shalt  }
0x5b: {  	_ =	shalt  }
0x5c: {  	_ =	shalt  }
0x5d: {  	_ =	shalt  }
0x5e: {  	_ =	shalt  }
0x5f: {  	_ =	shalt  }
0x60: {  	_ =	shalt  }
0x61: {  	_ =	shalt  }
0x62: {  	_ =	shalt  }
0x63: {  	_ =	shalt  }
0x64: {  	_ =	shalt  }
0x65: {  	_ =	shalt  }
0x66: {  	_ =	shalt  }
0x67: {  	_ =	shalt  }
0x68: {  	_ =	shalt  }
0x69: {  	_ =	shalt  }
0x6a: {  	_ =	shalt  }
0x6b: {  	_ =	shalt  }
0x6c: {  	_ =	shalt  }
0x6d: {  	_ =	shalt  }
0x6e: {  	_ =	shalt  }
0x6f: {  	_ =	shalt  }
0x70: {  	_ =	shalt  }
0x71: {  	_ =	shalt  }
0x72: {  	_ =	shalt  }
0x73: {  	_ =	shalt  }
0x74: {  	_ =	shalt  }
0x75: {  	_ =	shalt  }
0x76: {  	_ =	shalt  }
0x77: {  	_ =	shalt  }
0x78: {  	_ =	shalt  }
0x79: {  	_ =	shalt  }
0x7a: {  	_ =	shalt  }
0x7b: {  	_ =	shalt  }
0x7c: {  	_ =	shalt  }
0x7d: {  	_ =	shalt  }
0x7e: {  	_ =	shalt  }
0x7f: {  	_ =	shalt  }
0x80: {  	_ =	shalt  }
0x81: {  	_ =	shalt  }
0x82: {  	_ =	shalt  }
0x83: {  	_ =	shalt  }
0x84: {  	_ =	shalt  }
0x85: {  	_ =	shalt  }
0x86: {  	_ =	shalt  }
0x87: {  	_ =	shalt  }
.Lfunc_end0:
.L_simem_size_0:
called_computation_lowered:
.L_overlay_start_0:
0x88: {  	s2 =	sld [smem:$0x3FD9]  }
0x89: {  	s3 =	sld [smem:$0x3FFE];
	_ =	sdelay $0x1  }
0x8a: {  	s1 =	srdreg.scid  }
0x8b: {  	s0 =	sand.u32 $0x1, s1  }
0x8c: {  	s17 =	sshll.u32 s0, $0xA;
	s2 =	sadd.s32 s3, s2  }
0x8d: {  	s2 =	sadd.s32 s2, s17  }
0x8e: {  	[smem:$0x3FB9] =	sst s2  }
0x8f: {  	_ = 	snop  }
0x90: {  	s2 =	sld [smem:$0x3FD0];
	(tm) =	ssettm $0x1  }
0x91: {  	s18 =	sld [smem:$0x3FFB];
	_ =	sdelay $0x3  }
0x92: {  	_ =	strace s18  }
0x93: {  	s3 =	sld [smem:$0x3FFC];
	_ =	sdelay $0x3  }
0x94: {  	_ =	strace s3  }
0x95: {  	s3 =	sld [smem:$0x3FFD];
	_ =	sdelay $0x3  }
0x96: {  	_ =	strace s3  }
0x97: {  	_ =	strace $0x8FFFFFFF  }
0x98: {  	s19 =	sld [smem:$0x3FDB];
	_ =	sdelay $0x1  }
0x99: {  	s4 =	simm.s32 $_scs_section_size  }
0x9a: {  	s5 =	simm.s32 $_size__tile_overlayer_lowered;
	s6 =	simm.s32 $_tile_overlayer_lowered  }
0x9b: {  	s22 =	simm.s32 $0x1BFF;
	s21 =	sshll.u32 s6, $0x1;
	s3 =	sadd.s32 s4, s19  }
0x9c: {  	s7 =	simm.s32 $0x0;
	s20 =	sshll.u32 s5, $0x1;
	s5 =	sadd.s32 s21, s3  }
0x9d: {  	[timem:s7], [sflag:s22] =	dma.local [hbm:s5], s20  }
0x9e: {  	_ =	swait.ge [sflag:s22], s20  }
0x9f: {  	s4 =	ssub.s32 $0x0, s20;
	[sflag:s22] =	ssyncset.done $0x0  }
0xa0: {  	[sflag:s22] =	ssyncadd.s32 s4;
	_ =	sdelay $0x1  }
0xa1: {  	s23 =	simm.s32 $0x1B8B  }
0xa2: {  	_ =	swait.ge [sflag:s23], $0x1  }
0xa3: {  	[sflag:s23] =	ssyncset.done $0x0  }
0xa4: {  	s25 =	simm.s32 $0x1B8E;
	s24 =	sld [smem:$0x3FFE];
	[sflag:s23] =	ssyncadd.s32 $0xFFFFFFFF  }
0xa5: {  	s26 =	simm.s32 $execute0_lowered;
	[smem:$0x3FD2] =	sst s25  }
0xa6: {  	s5 =	sshll.u32 s26, $0x1;
	_ =	strace $0x80000046;
	[dreg:$0x1] =	wrdreg $0xFFFFFFFF  }
0xa7: {  	s28 =	simm.s32 $_size_execute0_lowered;
	s3 =	sadd.s32 s3, s5;
	[dreg:$0x0] =	wrdreg $0x0  }
0xa8: {  	s5 =	sshll.u32 s28, $0x1;
	[dreg:$0x2] =	wrdreg s3  }
0xa9: {  	[dreg:$0x3] =	wrdreg s5  }
0xaa: {  	[dreg:$0x4] =	wrdreg $0xC0  }
0xab: {  	_ =	task [dreg:s7], $0x5FFFF  }
0xac: {  	[dreg:$0x1] =	wrdreg $0xFFFFFFFF  }
0xad: {  	[dreg:$0x0] =	wrdreg $0x60  }
0xae: {  	[dreg:$0x2] =	wrdreg s2  }
0xaf: {  	[dreg:$0x3] =	wrdreg s24  }
0xb0: {  	[dreg:$0x4] =	wrdreg $0xA8000  }
0xb1: {  	[dreg:$0x5] =	wrdreg $0x9  }
0xb2: {  	_ =	task.clear_ibuf [dreg:s7], $0x6FFFF;
	_ =	strace $0x90000046  }
0xb3: {  	s29 =	simm.s32 $0x9;
	_ =	strace $0x80000048  }
0xb4: {  	_ =	swait.ge [sflag:s29], $0x1  }
0xb5: {  	[sflag:s29] =	ssyncadd.s32 $0xFFFFFFFF  }
0xb6: {  	_ =	strace $0x90000048  }
0xb7: {  	_ =	sfence  }
0xb8: {  	s30 =	sld [smem:$0x0];
	_ =	sdelay $0x2  }
0xb9: {  	s31 =	sshll.u32 s1, $0xD;
	s1 =	sshrl.u32 s1, $0x2  }
0xba: {  	s3 =	sand.u32 $0x4000, s31;
	s1 =	sadd.s32 s1, s30  }
0xbb: {  	s0 =	sor.u32 s3, s0;
	s1 =	sshll.u32 s1, $0x11  }
0xbc: {  	s0 =	sor.u32 s1, s0  }
0xbd: {  	s0 =	sadd.s32 $0x8F2B, s0  }
0xbe: {  	[sflag:s0] =	ssyncadd.remote.s32 $0x1  }
0xbf: {  	_ =	sfence.sel $0xFFFF  }
0xc0: {  	[dreg:$0x0] =	wrdreg $0xFFFFFFFF;
	(pc) =	sbr.abs _section_cstart, $3  }
0xc1: {  	[dreg:$0x1] =	wrdreg $0xFFFFFFFF  }
0xc2: {  	_ =	task.clear_ibuf [dreg:s7], $0x2FFFF;
	_ =	strace $0x9FFFFFFF  }
0xc3: {  	(tm) =	ssettm $0x7FFFFFFF  }
tec
execute0_lowered:
.L_overlay_start_1:
0x0: {  	(tag) =	ssettag $0x1  }
0x1: {  	s1 =	rddreg [dreg:$0x0]  }
0x2: {  	s0 =	rddreg [dreg:$0x1]  }
0x3: {  	s2 =	rddreg [dreg:$0x2];
	s3 =	simm.s32 $0x0  }
0x4: {  	s4 =	srdreg.scid;
	s19 =	stileid.u32;
	s31 =	simm.s32 $0x8000  }
0x5: {  	s30 =	simm.s32 $0x12;
	[smem:$0x7FF] =	sst s3;
	s4 =	sand.u32 $0x1, s4  }
0x6: {  	s7 =	sadd.s32 $0x2C00, s0;
	s8 =	sadd.s32 $0xBF000, s0;
	s28 =	sshll.u32 s19, $0x3  }
0x7: {  	s9 =	sshll.u32 s19, $0xF;
	s11 =	smul.u32 $0x2800, s19;
	_ =	strace $0x80000047  }
0x8: {  	s5 =	smul.u32 $0x27100, s4;
	s6 =	ssub.s32 $0x2, s4;
	[dreg:$0x4] =	wrdreg s8  }
0x9: {  	s4 =	sshll.u32 s4, $0x13;
	s8 =	smul.u32 $0x50000, s19;
	s10 =	sor.u32 $0x1, s28  }
0xa: {  	s13 =	sor.u32 $0x3, s28;
	s15 =	sor.u32 $0x4, s28;
	s12 =	smul.u32 $0x500, s10  }
0xb: {  	s16 =	sor.u32 $0x5, s28;
	s19 =	sshllo.u32 s19, $0x3;
	s17 =	smul.u32 $0x500, s13  }
0xc: {  	s4 =	sor.u32 s9, s4;
	s9 =	sor.u32 $0x2, s28;
	s18 =	smul.u32 $0x500, s15  }
0xd: {  	s26 =	sshrl.u32 s6, $0x1;
	s16 =	smin.u32 s16, $0x7C;
	s14 =	smul.u32 $0x500, s9  }
0xe: {  	s21 =	smin.u32 s19, $0x7C;
	s0 =	sadd.s32 s5, s0;
	s20 =	smul.u32 $0x500, s16  }
0xf: {  	s5 =	ssub.s32 s6, s26;
	s6 =	sor.u32 $0x6, s28;
	s22 =	smul.u32 $0x500, s21  }
0x10: {  	s26 =	sor.u32 $0x600, s4;
	s4 =	sshrl.u32 s4, $0x3;
	s28 =	smul.u32 $0xA000, s10  }
0x11: {  	s8 =	sshrl.u32 s8, $0x2;
	s21 =	smul.u32 $0xA000, s21;
	s5 =	smax.u32 s5, $0x1  }
0x12: {  	s0 =	sadd.s32 $0xBF600, s0;
	s10 =	sadd.s32 s7, s4;
	[dreg:$0x10] =	wrdreg s5  }
0x13: {  	s6 =	smin.u32 s6, $0x7C;
	s11 =	sadd.s32 s0, s11;
	[dreg:$0xd] =	wrdreg s10  }
0x14: {  	s29 =	smul.u32 $0x500, s6;
	s12 =	sadd.s32 s0, s12;
	[dreg:$0x5] =	wrdreg s11  }
0x15: {  	s19 =	sadd.s32 s0, s14;
	s23 =	sadd.s32 s0, s17;
	[dreg:$0x6] =	wrdreg s12  }
0x16: {  	s24 =	sadd.s32 s0, s18;
	s25 =	sadd.s32 s0, s20;
	[dreg:$0x7] =	wrdreg s19  }
0x17: {  	s17 =	sshrl.u32 s28, $0x2;
	s18 =	smul.u32 $0xA000, s16;
	[dreg:$0x8] =	wrdreg s23  }
0x18: {  	s28 =	sadd.s32 $0x80, s10;
	s5 =	simm.s32 $0x11;
	[dreg:$0x9] =	wrdreg s24  }
0x19: {  	[dreg:$0xa] =	wrdreg s25;
	s12 =	sadd.s32 s8, s2;
	s14 =	sadd.s32 s17, s2  }
0x1a: {  	s19 =	smul.u32 $0xA000, s6;
	s24 =	sshrl.u32 s21, $0x2;
	s25 =	sadd.s32 $0x40, s10  }
0x1b: {  	[dreg:$0x16] =	wrdreg s28;
	s8 =	simm.s32 $0x50;
	s6 =	simm.s32 $0x0  }
0x1c: {  	s11 =	sadd.s32 s0, s29;
	s29 =	smul.u32 $0xA000, s9;
	[dreg:$0x14] =	wrdreg s25  }
0x1d: {  	s0 =	sadd.s32 s0, s22;
	s9 =	smul.u32 $0xA000, s13;
	[dreg:$0xb] =	wrdreg s11  }
0x1e: {  	s13 =	smul.u32 $0xA000, s15;
	s22 =	sshrl.u32 s18, $0x2;
	[dreg:$0xc] =	wrdreg s0  }
0x1f: {  	s0 =	sshrl.u32 s26, $0x3;
	s17 =	sadd.s32 s22, s2;
	s26 =	sadd.s32 $0x60, s10  }
0x20: {  	s23 =	sshrl.u32 s19, $0x2;
	s19 =	sadd.s32 s24, s2;
	[dreg:$0x15] =	wrdreg s26  }
0x21: {  	s11 =	simm.s32 $0x3000;
	s0 =	sadd.s32 s0, s7;
	[dreg:$0x11] =	wrdreg s17  }
0x22: {  	s7 =	sadd.s32 $0x20, s10;
	s4 =	sshrl.u32 s29, $0x2;
	[dreg:$0x13] =	wrdreg s19  }
0x23: {  	s20 =	sshrl.u32 s9, $0x2;
	s18 =	sadd.s32 s23, s2;
	[dreg:$0xe] =	wrdreg s0  }
0x24: {  	s29 =	sadd.s32 $0xA0, s10;
	s9 =	simm.s32 $0x800;
	[dreg:$0xf] =	wrdreg s7  }
0x25: {  	s15 =	sadd.s32 s4, s2;
	s0 =	sshrl.u32 s13, $0x2;
	s7 =	sadd.s32 s20, s2  }
0x26: {  	[dreg:$0x17] =	wrdreg s29;
	s13 =	simm.s32 $0x13;
	s20 =	simm.s32 $0x6  }
0x27: {  	[dreg:$0x12] =	wrdreg s18;
	s16 =	sadd.s32 s0, s2;
	s0 =	simm.s32 $0x14  }
.LBB2_1:
0x28: {  	s4 =	rddreg [dreg:$0x4]  }
0x29: {  	[tilespmem:s31], [sflag:$0x14] =	stream.linear.gather [hbm4b:s4+s3], $0x2800, $0x38;
	[tilespmem:$0x1E080] =	vst v63  }
0x2a: {  	_ =	swait.ge [sflag:s0], $0x2800  }
0x2b: {  	[sflag:s0] =	ssyncset.done $0x0  }
0x2c: {  	[sflag:s0] =	ssyncadd.s32 $0xFFFFD800  }
0x2d: {  	[spmem:s12] =	stream.linear.scatter [tilespmem:s31], [sflag:$0x13], $0x2800, $0x38;
	[tilespmem:$0x1E080] =	vst v63  }
0x2e: {  	_ = 	snop  }
0x2f: {  	[spmem:s14] =	stream.linear.scatter [tilespmem:s31], [sflag:$0x13], $0x2800, $0x38;
	[tilespmem:$0x1E080] =	vst v63  }
0x30: {  	_ = 	snop  }
0x31: {  	[spmem:s15] =	stream.linear.scatter [tilespmem:s31], [sflag:$0x13], $0x2800, $0x38;
	[tilespmem:$0x1E080] =	vst v63  }
0x32: {  	_ = 	snop  }
0x33: {  	[spmem:s7] =	stream.linear.scatter [tilespmem:s31], [sflag:$0x13], $0x2800, $0x38;
	[tilespmem:$0x1E080] =	vst v63  }
0x34: {  	_ = 	snop  }
0x35: {  	[spmem:s16] =	stream.linear.scatter [tilespmem:s31], [sflag:$0x13], $0x2800, $0x38;
	[tilespmem:$0x1E080] =	vst v63  }
0x36: {  	_ = 	snop  }
0x37: {  	[spmem:s17] =	stream.linear.scatter [tilespmem:s31], [sflag:$0x13], $0x2800, $0x38;
	[tilespmem:$0x1E080] =	vst v63  }
0x38: {  	_ = 	snop  }
0x39: {  	[spmem:s18] =	stream.linear.scatter [tilespmem:s31], [sflag:$0x13], $0x2800, $0x38;
	[tilespmem:$0x1E080] =	vst v63  }
0x3a: {  	_ = 	snop  }
0x3b: {  	[spmem:s19] =	stream.linear.scatter [tilespmem:s31], [sflag:$0x13], $0x2800, $0x38;
	[tilespmem:$0x1E080] =	vst v63  }
0x3c: {  	s23 =	smov.u32 s14;
	s24 =	smov.u32 s15;
	s14 =	rddreg [dreg:$0xd]  }
0x3d: {  	[tilespmem:s3], [sflag:$0x9] =	stream.linear.gather [hbm4b:s14+s3], $0x100, $0x38;
	[tilespmem:$0x1E080] =	vst v63  }
0x3e: {  	s28 =	smov.u32 s16;
	s15 =	rddreg [dreg:$0xf];
	s16 =	simm.s32 $0x100  }
0x3f: {  	[tilespmem:s16], [sflag:$0xA] =	stream.linear.gather [hbm4b:s15+s3], $0x100, $0x38;
	[tilespmem:$0x1E080] =	vst v63  }
0x40: {  	s10 =	simm.s32 $0x200;
	s17 =	rddreg [dreg:$0x14]  }
0x41: {  	[tilespmem:s10], [sflag:$0xB] =	stream.linear.gather [hbm4b:s17+s3], $0x100, $0x38;
	[tilespmem:$0x1E080] =	vst v63  }
0x42: {  	s18 =	rddreg [dreg:$0x15];
	s19 =	simm.s32 $0x300  }
0x43: {  	[tilespmem:s19], [sflag:$0xC] =	stream.linear.gather [hbm4b:s18+s3], $0x100, $0x38;
	[tilespmem:$0x1E080] =	vst v63  }
0x44: {  	s26 =	simm.s32 $0x9;
	s21 =	rddreg [dreg:$0x16];
	s14 =	simm.s32 $0x400  }
0x45: {  	[tilespmem:s14], [sflag:$0xD] =	stream.linear.gather [hbm4b:s21+s3], $0x100, $0x38;
	[tilespmem:$0x1E080] =	vst v63  }
0x46: {  	_ =	swait.ge [sflag:s26], $0x100  }
0x47: {  	[sflag:s26] =	ssyncset.done $0x0  }
0x48: {  	s29 =	simm.s32 $0xA;
	[sflag:s26] =	ssyncadd.s32 $0xFFFFFF00  }
0x49: {  	[tilespmem:s9], [sflag:$0x1] =	stream.indirect.gather [hbm4b:s1+s8], $0x80, s3, s8, $0xb8;
	[tilespmem:$0x1E080] =	vst v63  }
0x4a: {  	_ =	swait.ge [sflag:s29], $0x100  }
0x4b: {  	[sflag:s29] =	ssyncset.done $0x0  }
0x4c: {  	s25 =	smov.u32 s7;
	s7 =	simm.s32 $0xB;
	[sflag:s29] =	ssyncadd.s32 $0xFFFFFF00  }
0x4d: {  	[tilespmem:s11], [sflag:$0x2] =	stream.indirect.gather [hbm4b:s1+s8], $0x80, s16, s8, $0xb8;
	[tilespmem:$0x1E080] =	vst v63  }
0x4e: {  	_ =	swait.ge [sflag:s7], $0x100  }
0x4f: {  	[sflag:s7] =	ssyncset.done $0x0  }
0x50: {  	s15 =	simm.s32 $0x5800;
	[sflag:s7] =	ssyncadd.s32 $0xFFFFFF00  }
0x51: {  	[tilespmem:s15], [sflag:$0x3] =	stream.indirect.gather [hbm4b:s1+s8], $0x80, s10, s8, $0xb8;
	[tilespmem:$0x1E080] =	vst v63  }
0x52: {  	_ =	swait.ge [sflag:s13], $0x2800  }
0x53: {  	[sflag:s13] =	ssyncset.done $0x0  }
0x54: {  	[sflag:s13] =	ssyncadd.s32 $0xFFFFD800  }
0x55: {  	_ =	swait.ge [sflag:s13], $0x2800  }
0x56: {  	[sflag:s13] =	ssyncset.done $0x0  }
0x57: {  	[sflag:s13] =	ssyncadd.s32 $0xFFFFD800  }
0x58: {  	_ =	swait.ge [sflag:s13], $0x2800  }
0x59: {  	[sflag:s13] =	ssyncset.done $0x0  }
0x5a: {  	[sflag:s13] =	ssyncadd.s32 $0xFFFFD800  }
0x5b: {  	_ =	swait.ge [sflag:s13], $0x2800  }
0x5c: {  	[sflag:s13] =	ssyncset.done $0x0  }
0x5d: {  	[sflag:s13] =	ssyncadd.s32 $0xFFFFD800  }
0x5e: {  	_ =	swait.ge [sflag:s13], $0x2800  }
0x5f: {  	[sflag:s13] =	ssyncset.done $0x0  }
0x60: {  	[sflag:s13] =	ssyncadd.s32 $0xFFFFD800  }
0x61: {  	_ =	swait.ge [sflag:s13], $0x2800  }
0x62: {  	[sflag:s13] =	ssyncset.done $0x0  }
0x63: {  	[sflag:s13] =	ssyncadd.s32 $0xFFFFD800  }
0x64: {  	_ =	swait.ge [sflag:s13], $0x2800  }
0x65: {  	[sflag:s13] =	ssyncset.done $0x0  }
0x66: {  	[sflag:s13] =	ssyncadd.s32 $0xFFFFD800  }
0x67: {  	_ =	swait.ge [sflag:s13], $0x2800  }
0x68: {  	[sflag:s13] =	ssyncset.done $0x0  }
0x69: {  	[sflag:s13] =	ssyncadd.s32 $0xFFFFD800  }
0x6a: {  	s16 =	simm.s32 $0x1;
	[bflag:$0x0] =	sbarrier.arrive $0xFFFF  }
0x6b: {  	_ =	swait.ge [sflag:s16], $0x2800  }
0x6c: {  	[sflag:s16] =	ssyncset.done $0x0  }
0x6d: {  	s17 =	simm.s32 $0xC;
	[sflag:s16] =	ssyncadd.s32 $0xFFFFD800  }
0x6e: {  	_ =	swait.ge [sflag:s17], $0x100  }
0x6f: {  	[sflag:s17] =	ssyncset.done $0x0  }
0x70: {  	s26 =	simm.s32 $0x1;
	[sflag:s17] =	ssyncadd.s32 $0xFFFFFF00  }
0x71: {  	[tilespmem:s31], [sflag:$0x4] =	stream.indirect.gather [hbm4b:s1+s8], $0x80, s19, s8, $0xb8;
	[tilespmem:$0x1E080] =	vst v63  }
0x72: {  	p0 =	por $0x1, $0x1;
	s18 =	simm.s32 $0x80;
	s15 =	sand.u32 $0x3, s26  }
0x73: {  	[spmem:s2] =	stream.indirect.scatter.add.f32 [tilespmem:s9], [sflag:$0x5], $0x80, s18, s8, $0xb8;
	[tilespmem:$0x1E080] =	vst v63  }
0x74: {  	s21 =	simm.s32 $0x500;
	s7 =	sadd.s32 $0x1, s15;
	s19 =	rddreg [dreg:$0x17]  }
0x75: {  	[tilespmem:s21], [sflag:$0xE] =	stream.linear.gather [hbm4b:s19+s3], $0x100, $0x38;
	[tilespmem:$0x1E080] =	vst v63  }
0x76: {  	s22 =	smov.u32 s12;
	s12 =	simm.s32 @p0 $0x4;
	_ =	swait.ge [sflag:s7], $0x2800  }
0x77: {  	s16 =	sand.u32 @p0 $0x3, s12;
	[sflag:s7] =	ssyncset.done $0x0  }
0x78: {  	s17 =	sadd.s32 @p0 $0x5, s16;
	[sflag:s7] =	ssyncadd.s32 $0xFFFFD800  }
0x79: {  	_ =	swait.ge @p0 [sflag:s17], $0x2800  }
0x7a: {  	p1 =	por @p0 $0x0, $0x0;
	s7 =	sand.u32 @p0 $0x7, s12;
	[sflag:s17] =	ssyncset.done @p0 $0x0  }
0x7b: {  	s12 =	smul.u32 @p0 $0xA000, s16;
	[sflag:s17] =	ssyncadd.s32 @p0 $0xFFFFD800;
	s17 =	sadd.s32 @p0 $0x9, s7  }
0x7c: {  	s29 =	smul.u32 $0xA000, s15;
	s16 =	sadd.s32 @p0 $0x1, s16;
	_ =	swait.ge @p0 [sflag:s17], $0x100  }
0x7d: {  	s12 =	sshrl.u32 @p0 s12, $0x2;
	s7 =	sshll.u32 @p0 s7, $0x8;
	[sflag:s17] =	ssyncset.done @p0 $0x0  }
0x7e: {  	s12 =	sadd.s32 @p0 $0x800, s12;
	[sflag:s17] =	ssyncadd.s32 @p0 $0xFFFFFF00;
	s17 =	simm.s32 @p0 $0x50  }
0x7f: {  	[tilespmem:s12], [sflag:s16] =	stream.indirect.gather @p0 [hbm4b:s1+s17], $0x80, s7, s17, $0xb8;
	[tilespmem:$0x1E080] =	vst v63  }
0x80: {  	p1 =	por p1, !p0;
	s12 =	sand.u32 @p0 $0x1C00, s14  }
0x81: {  	s26 =	sadd.s32 @p0 $0x5, s15;
	s7 =	sshrl.u32 s29, $0x2;
	s12 =	sshrl.u32 @p0 s12, $0x2  }
0x82: {  	s4 =	rddreg [dreg:$0xe];
	s16 =	sor.u32 @p0 $0x80, s12;
	s12 =	sadd.s32 $0x800, s7  }
0x83: {  	[spmem:s2] =	stream.indirect.scatter.add.f32 @p0 [tilespmem:s12], [sflag:s26], $0x80, s16, s17, $0xb8;
	[tilespmem:$0x1E080] =	vst v63  }
0x84: {  	s7 =	sand.u32 @!p1 $0x7, s20;
	s16 =	sand.u32 @!p0 $0x1C00, s14;
	s17 =	simm.s32 @!p1 $0x0  }
0x85: {  	s26 =	sshll.u32 @!p1 s7, $0x8;
	s7 =	sadd.s32 @!p1 $0x9, s7;
	s16 =	sshrl.u32 @!p0 s16, $0x2  }
0x86: {  	[tilespmem:s26], [sflag:s7] =	stream.linear.gather @!p1 [hbm4b:s4+s17], $0x100, $0x38;
	[tilespmem:$0x1E080] =	vst v63  }
0x87: {  	s7 =	simm.s32 $0x7;
	s16 =	sor.u32 @!p0 $0x80, s16  }
0x88: {  	s17 =	sadd.s32 @!p0 $0x5, s15;
	s26 =	simm.s32 @!p0 $0x50;
	s15 =	smov.u32 s4  }
.LBB2_2:
0x89: {  	s15 =	sadd.s32 $0x20, s15  }
0x8a: {  	s14 =	sadd.s32 $0x400, s14;
	s4 =	smov.u32 s7;
	s7 =	sadd.s32 $0x1, s7  }
0x8b: {  	[spmem:s2] =	stream.indirect.scatter.add.f32 @!p0 [tilespmem:s12], [sflag:s17], $0x80, s16, s26, $0xb8;
	[tilespmem:$0x1E080] =	vst v63  }
0x8c: {  	p1 =	sne.s32 s7, $0x82;
	s12 =	sadd.s32 $0xFFFFFFFB, s4  }
0x8d: {  	s17 =	sand.u32 $0x3, s12  }
0x8e: {  	p0 =	slt.u32 s12, $0x7A;
	s16 =	sadd.s32 $0x1, s17  }
0x8f: {  	s26 =	smul.u32 $0xA000, s17;
	s29 =	sadd.s32 @p0 $0xFFFFFFFE, s4;
	s20 =	sand.u32 @p0 $0x1C00, s14  }
0x90: {  	s10 =	sand.u32 @p0 $0x3, s29;
	s29 =	sand.u32 @p0 $0x7, s29;
	_ =	swait.ge [sflag:s16], $0x2800  }
0x91: {  	s18 =	sadd.s32 @p0 $0x5, s10;
	s19 =	smul.u32 @p0 $0xA000, s10;
	[sflag:s16] =	ssyncset.done $0x0  }
0x92: {  	s10 =	sadd.s32 @p0 $0x1, s10;
	[sflag:s16] =	ssyncadd.s32 $0xFFFFD800;
	s16 =	sshll.u32 @p0 s29, $0x8  }
0x93: {  	p2 =	sgt.u32 @p0 s12, $0x77;
	s19 =	sshrl.u32 @p0 s19, $0x2;
	_ =	swait.ge @p0 [sflag:s18], $0x2800  }
0x94: {  	s20 =	sshrl.u32 @p0 s20, $0x2;
	s19 =	sadd.s32 @p0 $0x800, s19;
	[sflag:s18] =	ssyncset.done @p0 $0x0  }
0x95: {  	s26 =	sshrl.u32 s26, $0x2;
	[sflag:s18] =	ssyncadd.s32 @p0 $0xFFFFD800;
	s18 =	sadd.s32 @p0 $0x9, s29  }
0x96: {  	s12 =	sand.u32 @!p0 $0x1C00, s14;
	s20 =	sor.u32 @p0 $0x80, s20;
	_ =	swait.ge @p0 [sflag:s18], $0x100  }
0x97: {  	s21 =	sshrl.u32 @!p0 s12, $0x2;
	s29 =	sadd.s32 @p0 $0x5, s17;
	[sflag:s18] =	ssyncset.done @p0 $0x0  }
0x98: {  	p2 =	por p2, !p0;
	[sflag:s18] =	ssyncadd.s32 @p0 $0xFFFFFF00;
	s18 =	simm.s32 @p0 $0x50  }
0x99: {  	[tilespmem:s19], [sflag:s10] =	stream.indirect.gather @p0 [hbm4b:s1+s18], $0x80, s16, s18, $0xb8;
	[tilespmem:$0x1E080] =	vst v63  }
.Ltmp0:
0x9a: {  	s12 =	sadd.s32 $0x800, s26;
	s16 =	sor.u32 @!p0 $0x80, s21;
	(pc) =	sbr.rel @p1 .LBB2_2-.Ltmp0, $4  }
0x9b: {  	[spmem:s2] =	stream.indirect.scatter.add.f32 @p0 [tilespmem:s12], [sflag:s29], $0x80, s20, s18, $0xb8;
	[tilespmem:$0x1E080] =	vst v63  }
0x9c: {  	s4 =	sand.u32 @!p2 $0x7, s4;
	s17 =	sadd.s32 @!p0 $0x5, s17;
	s10 =	simm.s32 @!p2 $0x0  }
0x9d: {  	s26 =	simm.s32 @!p0 $0x50;
	s18 =	sshll.u32 @!p2 s4, $0x8;
	s4 =	sadd.s32 @!p2 $0x9, s4  }
0x9e: {  	[tilespmem:s18], [sflag:s4] =	stream.linear.gather @!p2 [hbm4b:s15+s10], $0x100, $0x38;
	[tilespmem:$0x1E080] =	vst v63  }
0x9f: {  	[spmem:s2] =	stream.indirect.scatter.add.f32 @!p0 [tilespmem:s12], [sflag:s17], $0x80, s16, s26, $0xb8;
	[tilespmem:$0x1E080] =	vst v63  }
0xa0: {  	s4 =	simm.s32 $0x5  }
0xa1: {  	_ =	swait.ge [sflag:s4], $0x2800  }
0xa2: {  	[sflag:s4] =	ssyncset.done $0x0  }
0xa3: {  	s20 =	simm.s32 $0x6;
	[sflag:s4] =	ssyncadd.s32 $0xFFFFD800  }
0xa4: {  	_ =	swait.ge [sflag:s20], $0x2800  }
0xa5: {  	[sflag:s20] =	ssyncset.done $0x0  }
0xa6: {  	s17 =	simm.s32 $0x7;
	[sflag:s20] =	ssyncadd.s32 $0xFFFFD800  }
0xa7: {  	_ =	swait.ge [sflag:s17], $0x2800  }
0xa8: {  	[sflag:s17] =	ssyncset.done $0x0  }
0xa9: {  	s18 =	simm.s32 $0x8;
	[sflag:s17] =	ssyncadd.s32 $0xFFFFD800  }
0xaa: {  	_ =	swait.ge [sflag:s18], $0x2800  }
0xab: {  	[sflag:s18] =	ssyncset.done $0x0  }
0xac: {  	[sflag:s18] =	ssyncadd.s32 $0xFFFFD800  }
0xad: {  	[bflag:$0x0] =	sbarrier.arrive $0xFFFF  }
0xae: {  	[tilespmem:s9], [sflag:$0x14] =	stream.linear.gather [spmem:s22], $0x2800, $0x38;
	[tilespmem:$0x1E080] =	vst v63  }
0xaf: {  	_ =	swait.ge [sflag:s0], $0x2800  }
0xb0: {  	[sflag:s0] =	ssyncset.done $0x0  }
0xb1: {  	s19 =	rddreg [dreg:$0x5];
	[sflag:s0] =	ssyncadd.s32 $0xFFFFD800  }
0xb2: {  	[hbm4b:s19+s3] =	stream.linear.scatter [tilespmem:s9], [sflag:$0x11], $0x2800, $0x38;
	[tilespmem:$0x1E080] =	vst v63  }
0xb3: {  	_ = 	snop  }
0xb4: {  	[tilespmem:s11], [sflag:$0x14] =	stream.linear.gather [spmem:s23], $0x2800, $0x38;
	[tilespmem:$0x1E080] =	vst v63  }
0xb5: {  	_ =	swait.ge [sflag:s0], $0x2800  }
0xb6: {  	[sflag:s0] =	ssyncset.done $0x0  }
0xb7: {  	s21 =	rddreg [dreg:$0x6];
	[sflag:s0] =	ssyncadd.s32 $0xFFFFD800  }
0xb8: {  	[hbm4b:s21+s3] =	stream.linear.scatter [tilespmem:s11], [sflag:$0x12], $0x2800, $0x38;
	[tilespmem:$0x1E080] =	vst v63  }
0xb9: {  	_ =	swait.ge [sflag:s5], $0x2800  }
0xba: {  	[sflag:s5] =	ssyncset.done $0x0  }
0xbb: {  	[sflag:s5] =	ssyncadd.s32 $0xFFFFD800  }
0xbc: {  	[tilespmem:s9], [sflag:$0x14] =	stream.linear.gather [spmem:s24], $0x2800, $0x38;
	[tilespmem:$0x1E080] =	vst v63  }
0xbd: {  	_ =	swait.ge [sflag:s0], $0x2800  }
0xbe: {  	[sflag:s0] =	ssyncset.done $0x0  }
0xbf: {  	s12 =	smov.u32 s22;
	s22 =	rddreg [dreg:$0x7];
	[sflag:s0] =	ssyncadd.s32 $0xFFFFD800  }
0xc0: {  	[hbm4b:s22+s3] =	stream.linear.scatter [tilespmem:s9], [sflag:$0x11], $0x2800, $0x38;
	[tilespmem:$0x1E080] =	vst v63  }
0xc1: {  	_ =	swait.ge [sflag:s30], $0x2800  }
0xc2: {  	[sflag:s30] =	ssyncset.done $0x0  }
0xc3: {  	[sflag:s30] =	ssyncadd.s32 $0xFFFFD800  }
0xc4: {  	[tilespmem:s11], [sflag:$0x14] =	stream.linear.gather [spmem:s25], $0x2800, $0x38;
	[tilespmem:$0x1E080] =	vst v63  }
0xc5: {  	_ =	swait.ge [sflag:s0], $0x2800  }
0xc6: {  	[sflag:s0] =	ssyncset.done $0x0  }
0xc7: {  	s14 =	smov.u32 s23;
	s23 =	rddreg [dreg:$0x8];
	[sflag:s0] =	ssyncadd.s32 $0xFFFFD800  }
0xc8: {  	[hbm4b:s23+s3] =	stream.linear.scatter [tilespmem:s11], [sflag:$0x12], $0x2800, $0x38;
	[tilespmem:$0x1E080] =	vst v63  }
0xc9: {  	_ =	swait.ge [sflag:s5], $0x2800  }
0xca: {  	[sflag:s5] =	ssyncset.done $0x0  }
0xcb: {  	[sflag:s5] =	ssyncadd.s32 $0xFFFFD800  }
0xcc: {  	[tilespmem:s9], [sflag:$0x14] =	stream.linear.gather [spmem:s28], $0x2800, $0x38;
	[tilespmem:$0x1E080] =	vst v63  }
0xcd: {  	_ =	swait.ge [sflag:s0], $0x2800  }
0xce: {  	[sflag:s0] =	ssyncset.done $0x0  }
0xcf: {  	s15 =	smov.u32 s24;
	s24 =	rddreg [dreg:$0x9];
	[sflag:s0] =	ssyncadd.s32 $0xFFFFD800  }
0xd0: {  	[hbm4b:s24+s3] =	stream.linear.scatter [tilespmem:s9], [sflag:$0x11], $0x2800, $0x38;
	[tilespmem:$0x1E080] =	vst v63  }
0xd1: {  	_ =	swait.ge [sflag:s30], $0x2800  }
0xd2: {  	[sflag:s30] =	ssyncset.done $0x0  }
0xd3: {  	s17 =	rddreg [dreg:$0x11];
	[sflag:s30] =	ssyncadd.s32 $0xFFFFD800  }
0xd4: {  	[tilespmem:s11], [sflag:$0x14] =	stream.linear.gather [spmem:s17], $0x2800, $0x38;
	[tilespmem:$0x1E080] =	vst v63  }
0xd5: {  	_ =	swait.ge [sflag:s0], $0x2800  }
0xd6: {  	[sflag:s0] =	ssyncset.done $0x0  }
0xd7: {  	s7 =	smov.u32 s25;
	s25 =	rddreg [dreg:$0xa];
	[sflag:s0] =	ssyncadd.s32 $0xFFFFD800  }
0xd8: {  	[hbm4b:s25+s3] =	stream.linear.scatter [tilespmem:s11], [sflag:$0x12], $0x2800, $0x38;
	[tilespmem:$0x1E080] =	vst v63  }
0xd9: {  	_ =	swait.ge [sflag:s5], $0x2800  }
0xda: {  	[sflag:s5] =	ssyncset.done $0x0  }
0xdb: {  	s18 =	rddreg [dreg:$0x12];
	[sflag:s5] =	ssyncadd.s32 $0xFFFFD800  }
0xdc: {  	[tilespmem:s9], [sflag:$0x14] =	stream.linear.gather [spmem:s18], $0x2800, $0x38;
	[tilespmem:$0x1E080] =	vst v63  }
0xdd: {  	_ =	swait.ge [sflag:s0], $0x2800  }
0xde: {  	[sflag:s0] =	ssyncset.done $0x0  }
0xdf: {  	s26 =	rddreg [dreg:$0xb];
	[sflag:s0] =	ssyncadd.s32 $0xFFFFD800  }
0xe0: {  	[hbm4b:s26+s3] =	stream.linear.scatter [tilespmem:s9], [sflag:$0x11], $0x2800, $0x38;
	[tilespmem:$0x1E080] =	vst v63  }
0xe1: {  	_ =	swait.ge [sflag:s30], $0x2800  }
0xe2: {  	[sflag:s30] =	ssyncset.done $0x0  }
0xe3: {  	s19 =	rddreg [dreg:$0x13];
	[sflag:s30] =	ssyncadd.s32 $0xFFFFD800  }
0xe4: {  	[tilespmem:s11], [sflag:$0x14] =	stream.linear.gather [spmem:s19], $0x2800, $0x38;
	[tilespmem:$0x1E080] =	vst v63  }
0xe5: {  	_ =	swait.ge [sflag:s0], $0x2800  }
0xe6: {  	[sflag:s0] =	ssyncset.done $0x0  }
0xe7: {  	s16 =	smov.u32 s28;
	s28 =	rddreg [dreg:$0xc];
	[sflag:s0] =	ssyncadd.s32 $0xFFFFD800  }
0xe8: {  	[hbm4b:s28+s3] =	stream.linear.scatter [tilespmem:s11], [sflag:$0x12], $0x2800, $0x38;
	[tilespmem:$0x1E080] =	vst v63  }
0xe9: {  	_ =	swait.ge [sflag:s5], $0x2800  }
0xea: {  	[sflag:s5] =	ssyncset.done $0x0  }
0xeb: {  	[sflag:s5] =	ssyncadd.s32 $0xFFFFD800  }
0xec: {  	_ =	swait.ge [sflag:s30], $0x2800  }
0xed: {  	s6 =	sadd.s32 $0x1, s6;
	s29 =	rddreg [dreg:$0x10]  }
0xee: {  	p0 =	sne.s32 s6, s29  }
.Ltmp1:
0xef: {  	_ = 	snop;
	(pc) =	sbr.rel @p0 .LBB2_1-.Ltmp1, $3  }
0xf0: {  	_ =	sdelay $0x1  }
0xf1: {  	[sflag:s30] =	ssyncset.done $0x0  }
0xf2: {  	[sflag:s30] =	ssyncadd.s32 $0xFFFFD800  }
0xf3: {  	_ =	sfence.sel $0x180000  }
0xf4: {  	[bflag:$0x0] =	sbarrier.arrive $0xFFFF  }
0xf5: {  	_ =	strace $0x90000047  }
0xf6: {  	s0 =	stileid.u32;
	[bflag:$0x2] =	sbarrier.arrive $0xFFFF  }
0xf7: {  	p0 =	sne.s32 s0, $0x0;
	s0 =	rddreg [dreg:$0x3]  }
0xf8: {  	s0 =	sadd.s32 @!p0 $0x100000, s0  }
0xf9: {  	[sflag:s0] =	ssyncadd.tile.s32 @!p0 $0x1;
	_ =	shalt  }
.Lfunc_end2:
_tile_overlayer_lowered:
.L_overlay_start_2:
0xfa: {  	(tag) =	ssettag $0x2  }
0xfb: {  	s0 =	rddreg [dreg:$0x0];
	s2 =	stileid.u32  }
0xfc: {  	s1 =	rddreg [dreg:$0x1];
	p0 =	sne.s32 s2, $0x0  }
0xfd: {  	s3 =	rddreg [dreg:$0x2];
	[bflag:$0x3] =	sbarrier.arrive $0xFFFF;
	s2 =	simm.s32 @!p0 $0x1C14  }
0xfe: {  	[timem:s3], [sflag:s2] =	dma.local @!p0 [hbm:s0], s1  }
0xff: {  	s0 =	simm.s32 @!p0 $0x14  }
0x100: {  	_ =	swait.ge @!p0 [sflag:s0], s1  }
0x101: {  	s1 =	ssub.s32 @!p0 $0x0, s1;
	[sflag:s0] =	ssyncset.done @!p0 $0x0  }
0x102: {  	[sflag:s0] =	ssyncadd.s32 @!p0 s1  }
0x103: {  	[bflag:$0x3] =	sbarrier.arrive $0xFFFF  }
0x104: {  	_ =	shalt  }

</sc_bundles>
